<compile_context>
chip_gen: v7x
topology: tpu7x:2x2x1
jax: 0.10.2.dev20260603
libtpu: 0.0.44.dev20260713+nightly
codegen_flags: <defaults>
</compile_context>

<pallas_src>
import functools

import jax
import jax.numpy as jnp
from jax import lax
from jax.experimental import pallas as pl
from jax.experimental.pallas import tpu as pltpu
from jax.experimental.pallas import tpu_sc as plsc

B = 16384
K = 32
FEAT = 128
EMB = 128
NC, NS = 2, 16
NW = NC * NS
SEEDS_PER_W = B // NW
CHUNK = 128
NCH = SEEDS_PER_W // CHUNK


def _sc_gather_sum(idx, features, nb):
    mesh = plsc.VectorSubcoreMesh(core_axis_name="c", subcore_axis_name="s")

    spw = nb // NW
    nch = spw // CHUNK

    @functools.partial(
        pl.kernel,
        out_type=jax.ShapeDtypeStruct((nb, FEAT), jnp.float32),
        mesh=mesh,
        scratch_types=[
            pltpu.VMEM((K, spw), jnp.int32),
            pltpu.VMEM((spw, FEAT), jnp.float32),
            pltpu.SemaphoreType.DMA,
            pltpu.SemaphoreType.DMA,
        ],
    )
    def body(idx_hbm, feat_hbm, out_hbm, idx_v, buf, ow, ad):
        wid = lax.axis_index("s") * NC + lax.axis_index("c")
        pltpu.sync_copy(idx_hbm.at[wid], idx_v)

        def seg(j):
            return buf.at[pl.ds(j * CHUNK, CHUNK)]

        def gather(j, k, sem, add):
            return pltpu.async_copy(
                feat_hbm.at[idx_v.at[k, pl.ds(j * CHUNK, CHUNK)]],
                seg(j), sem, add=add)

        for j in range(nch):
            gather(j, 0, ow, False)
        for j in range(nch):
            pltpu.make_async_copy(
                feat_hbm.at[idx_v.at[0, pl.ds(j * CHUNK, CHUNK)]], seg(j), ow).wait()
        for j in range(nch):
            for k in range(1, K):
                gather(j, k, ad, True)
        for j in range(nch):
            for k in range(1, K):
                pltpu.make_async_copy(
                    feat_hbm.at[idx_v.at[k, pl.ds(j * CHUNK, CHUNK)]],
                    seg(j), ad).wait()

        pltpu.sync_copy(buf, out_hbm.at[pl.ds(wid * spw, spw)])

    return body(idx, features)


def _project(combined, W):
    def mm(x_ref, w_ref, o_ref):
        o_ref[...] = lax.dot_general(
            x_ref[...], w_ref[...], (((1,), (1,)), ((), ())),
            preferred_element_type=jnp.float32,
        ) * (1.0 / K)

    nb = combined.shape[0]
    return pl.pallas_call(
        mm,
        grid=(nb // 8192,),
        in_specs=[
            pl.BlockSpec((8192, FEAT), lambda i: (i, 0)),
            pl.BlockSpec((FEAT, EMB), lambda i: (0, 0)),
        ],
        out_specs=pl.BlockSpec((8192, EMB), lambda i: (i, 0)),
        out_shape=jax.ShapeDtypeStruct((nb, EMB), jnp.float32),
    )(combined, W)


def kernel(nodes, neigh_idx, features, W):
    del nodes
    idx = (neigh_idx.astype(jnp.int32)
           .reshape(NW, SEEDS_PER_W, K)
           .transpose(0, 2, 1))
    sums = _sc_gather_sum(idx, features, B)
    return _project(sums, W)

# --- scband reference (transcript-rebuilt; emitter-appended) ---
"""Pipeline reference for scband-encoder-72980084293974 (READ-ONLY COPY).

The authoritative reference and input builder live on the scoring server;
editing this copy changes nothing except your own understanding.
"""

import jax, jax.numpy as jnp
import numpy as np

B = 16384
K = 32
N_NODES = 100000
FEAT_DIM = 128
EMBED_DIM = 128


def setup_inputs(seed: int = 0) -> dict:
    key = jax.random.key(seed)
    k1, k2, k3, k4 = jax.random.split(key, 4)
    nodes = jax.random.randint(k1, (B,), 0, N_NODES, dtype=jnp.int64)
    # adj_lists materialized as K sampled neighbor ids per seed node
    neigh_idx = jax.random.randint(k2, (B, K), 0, N_NODES, dtype=jnp.int64)
    features = jax.random.normal(k3, (N_NODES, FEAT_DIM), dtype=jnp.float32)
    # xavier-uniform init of weight [embed_dim, feat_dim]
    limit = float(np.sqrt(6.0 / (EMBED_DIM + FEAT_DIM)))
    W = jax.random.uniform(k4, (EMBED_DIM, FEAT_DIM), dtype=jnp.float32, minval=-limit, maxval=limit)
    return {"nodes": nodes, "neigh_idx": neigh_idx, "features": features, "W": W}


def reference(nodes, neigh_idx, features, W):
    # MeanAggregator: gather neighbor features for each seed node and average.
    # neigh_idx[b] corresponds to adj_lists[int(nodes[b])] (pre-sampled to K).
    neigh_feats = jnp.take(features, neigh_idx, axis=0)  # [B, K, feat_dim]
    combined = jnp.mean(neigh_feats, axis=1)             # [B, feat_dim]
    # combined = self.weight.mm(combined.t()); return combined.t()
    out = (W @ combined.T).T                             # [B, embed_dim]
    return out

if __name__ == "__main__":
    import jax
    _d = setup_inputs()
    print(jax.jit(kernel)(*tuple(_d.values())))

</pallas_src>

<mosaic_0001>
#map = affine_map<(d0, d1) -> (0, 0, 0)>
#map1 = affine_map<(d0, d1) -> (0, 0)>
module attributes {stable_mosaic.version = 14 : i64} {
  func.func @body(%arg0: i32, %arg1: i32, %arg2: memref<32x32x512xi32, #tpu.memory_space<hbm>>, %arg3: memref<100000x128xf32, #tpu.memory_space<hbm>>, %arg4: memref<16384x128xf32, #tpu.memory_space<hbm>>, %arg5: memref<32x512xi32, #tpu.memory_space<vmem>>, %arg6: memref<512x128xf32, #tpu.memory_space<vmem>>, %arg7: memref<!tpu.dma_semaphore, #tpu.memory_space<semaphore_mem>>, %arg8: memref<!tpu.dma_semaphore, #tpu.memory_space<semaphore_mem>>) attributes {dimension_semantics = [#tpu.dimension_semantics<core_parallel>, #tpu.dimension_semantics<subcore_parallel>], iteration_bounds = array<i64: 2, 16>, scalar_prefetch = 0 : i64, scratch_operands = 4 : i64, tpu.core_type = #tpu.core_type<sc_vector_subcore>, window_params = [{transform_indices = #map}, {transform_indices = #map1}, {transform_indices = #map1}]} {
    %mul3A = arith.constant 2 : i32
    %mul3A_0 = arith.muli %arg1, %mul3A : i32
    %add3A = arith.addi %mul3A_0, %arg0 : i32
    "tpu.region"() ({
      %run_scoped3A = tpu.sem_alloc : memref<!tpu.dma_semaphore, #tpu.memory_space<semaphore_mem>>
      %dma_start3A_2561 = arith.constant 0 : i32
      %dma_start3A_2562 = arith.constant 0 : i32
      %dma_start3A_2563 = tpu.memref_slice %arg2[%add3A, %dma_start3A_2561, %dma_start3A_2562] : memref<32x32x512xi32, #tpu.memory_space<hbm>> -> memref<1x32x512xi32, #tpu.memory_space<hbm>>
      %dma_start3A_2564 = tpu.memref_squeeze %dma_start3A_2563 : memref<1x32x512xi32, #tpu.memory_space<hbm>> -> memref<32x512xi32, #tpu.memory_space<hbm>>
      %dma_start3A_2565 = arith.constant 0 : i32
      %dma_start3A_2566 = arith.constant 0 : i32
      %dma_start3A_2567 = tpu.memref_slice %arg2[%add3A, %dma_start3A_2565, %dma_start3A_2566] : memref<32x32x512xi32, #tpu.memory_space<hbm>> -> memref<1x32x512xi32, #tpu.memory_space<hbm>>
      %dma_start3A_2568 = tpu.memref_squeeze %dma_start3A_2567 : memref<1x32x512xi32, #tpu.memory_space<hbm>> -> memref<32x512xi32, #tpu.memory_space<hbm>>
      tpu.enqueue_dma source(%dma_start3A_2568 : memref<32x512xi32, #tpu.memory_space<hbm>>) target(%arg5 : memref<32x512xi32, #tpu.memory_space<vmem>>) target_semaphore(%run_scoped3A : memref<!tpu.dma_semaphore, #tpu.memory_space<semaphore_mem>>)
      %dma_wait3A_2569 = arith.constant 0 : i32
      %dma_wait3A_2570 = arith.constant 0 : i32
      %dma_wait3A_2571 = tpu.memref_slice %arg2[%add3A, %dma_wait3A_2569, %dma_wait3A_2570] : memref<32x32x512xi32, #tpu.memory_space<hbm>> -> memref<1x32x512xi32, #tpu.memory_space<hbm>>
      %dma_wait3A_2572 = tpu.memref_squeeze %dma_wait3A_2571 : memref<1x32x512xi32, #tpu.memory_space<hbm>> -> memref<32x512xi32, #tpu.memory_space<hbm>>
      %dma_wait3A_2573 = arith.constant 0 : i32
      %dma_wait3A_2574 = arith.constant 0 : i32
      %dma_wait3A_2575 = tpu.memref_slice %arg2[%add3A, %dma_wait3A_2573, %dma_wait3A_2574] : memref<32x32x512xi32, #tpu.memory_space<hbm>> -> memref<1x32x512xi32, #tpu.memory_space<hbm>>
      %dma_wait3A_2576 = tpu.memref_squeeze %dma_wait3A_2575 : memref<1x32x512xi32, #tpu.memory_space<hbm>> -> memref<32x512xi32, #tpu.memory_space<hbm>>
      tpu.wait_dma2 semaphore(%run_scoped3A : memref<!tpu.dma_semaphore, #tpu.memory_space<semaphore_mem>>) src(%dma_wait3A_2576 : memref<32x512xi32, #tpu.memory_space<hbm>>) dst(%arg5 : memref<32x512xi32, #tpu.memory_space<vmem>>)
      tpu.yield
    }) : () -> ()
    %dma_start3A = arith.constant 0 : i32
    %dma_start3A_1 = arith.constant 0 : i32
    %dma_start3A_2 = arith.constant 0 : i32
    %dma_start3A_3 = tpu.memref_slice %arg6[%dma_start3A_1, %dma_start3A_2] : memref<512x128xf32, #tpu.memory_space<vmem>> -> memref<128x128xf32, #tpu.memory_space<vmem>>
    %dma_start3A_4 = arith.constant 0 : i32
    %dma_start3A_5 = tpu.memref_slice %arg5[%dma_start3A, %dma_start3A_4] : memref<32x512xi32, #tpu.memory_space<vmem>> -> memref<1x128xi32, #tpu.memory_space<vmem>>
    %dma_start3A_6 = tpu.memref_squeeze %dma_start3A_5 : memref<1x128xi32, #tpu.memory_space<vmem>> -> memref<128xi32, #tpu.memory_space<vmem>>
    %dma_start3A_7 = arith.constant 0 : i32
    %dma_start3A_8 = arith.constant 0 : i32
    %dma_start3A_9 = tpu.memref_slice %arg3[%dma_start3A_7, %dma_start3A_8] : memref<100000x128xf32, #tpu.memory_space<hbm>> -> memref<100000x128xf32, #tpu.memory_space<hbm>>
    tpu.enqueue_indirect_dma source(%dma_start3A_9 : memref<100000x128xf32, #tpu.memory_space<hbm>>) target(%dma_start3A_3 : memref<128x128xf32, #tpu.memory_space<vmem>>) offsets(%dma_start3A_6 : memref<128xi32, #tpu.memory_space<vmem>>) semaphore(%arg7 : memref<!tpu.dma_semaphore, #tpu.memory_space<semaphore_mem>>)
    %dma_start3A_10 = arith.constant 0 : i32
    %dma_start3A_11 = arith.constant 128 : i32
    %dma_start3A_12 = arith.constant 0 : i32
    %dma_start3A_13 = tpu.memref_slice %arg6[%dma_start3A_11, %dma_start3A_12] : memref<512x128xf32, #tpu.memory_space<vmem>> -> memref<128x128xf32, #tpu.memory_space<vmem>>
    %dma_start3A_14 = arith.constant 128 : i32
    %dma_start3A_15 = tpu.memref_slice %arg5[%dma_start3A_10, %dma_start3A_14] : memref<32x512xi32, #tpu.memory_space<vmem>> -> memref<1x128xi32, #tpu.memory_space<vmem>>
    %dma_start3A_16 = tpu.memref_squeeze %dma_start3A_15 : memref<1x128xi32, #tpu.memory_space<vmem>> -> memref<128xi32, #tpu.memory_space<vmem>>
    %dma_start3A_17 = arith.constant 0 : i32
    %dma_start3A_18 = arith.constant 0 : i32
    %dma_start3A_19 = tpu.memref_slice %arg3[%dma_start3A_17, %dma_start3A_18] : memref<100000x128xf32, #tpu.memory_space<hbm>> -> memref<100000x128xf32, #tpu.memory_space<hbm>>
    tpu.enqueue_indirect_dma source(%dma_start3A_19 : memref<100000x128xf32, #tpu.memory_space<hbm>>) target(%dma_start3A_13 : memref<128x128xf32, #tpu.memory_space<vmem>>) offsets(%dma_start3A_16 : memref<128xi32, #tpu.memory_space<vmem>>) semaphore(%arg7 : memref<!tpu.dma_semaphore, #tpu.memory_space<semaphore_mem>>)
    %dma_start3A_20 = arith.constant 0 : i32
    %dma_start3A_21 = arith.constant 256 : i32
    %dma_start3A_22 = arith.constant 0 : i32
    %dma_start3A_23 = tpu.memref_slice %arg6[%dma_start3A_21, %dma_start3A_22] : memref<512x128xf32, #tpu.memory_space<vmem>> -> memref<128x128xf32, #tpu.memory_space<vmem>>
    %dma_start3A_24 = arith.constant 256 : i32
    %dma_start3A_25 = tpu.memref_slice %arg5[%dma_start3A_20, %dma_start3A_24] : memref<32x512xi32, #tpu.memory_space<vmem>> -> memref<1x128xi32, #tpu.memory_space<vmem>>
    %dma_start3A_26 = tpu.memref_squeeze %dma_start3A_25 : memref<1x128xi32, #tpu.memory_space<vmem>> -> memref<128xi32, #tpu.memory_space<vmem>>
    %dma_start3A_27 = arith.constant 0 : i32
    %dma_start3A_28 = arith.constant 0 : i32
    %dma_start3A_29 = tpu.memref_slice %arg3[%dma_start3A_27, %dma_start3A_28] : memref<100000x128xf32, #tpu.memory_space<hbm>> -> memref<100000x128xf32, #tpu.memory_space<hbm>>
    tpu.enqueue_indirect_dma source(%dma_start3A_29 : memref<100000x128xf32, #tpu.memory_space<hbm>>) target(%dma_start3A_23 : memref<128x128xf32, #tpu.memory_space<vmem>>) offsets(%dma_start3A_26 : memref<128xi32, #tpu.memory_space<vmem>>) semaphore(%arg7 : memref<!tpu.dma_semaphore, #tpu.memory_space<semaphore_mem>>)
    %dma_start3A_30 = arith.constant 0 : i32
    %dma_start3A_31 = arith.constant 384 : i32
    %dma_start3A_32 = arith.constant 0 : i32
    %dma_start3A_33 = tpu.memref_slice %arg6[%dma_start3A_31, %dma_start3A_32] : memref<512x128xf32, #tpu.memory_space<vmem>> -> memref<128x128xf32, #tpu.memory_space<vmem>>
    %dma_start3A_34 = arith.constant 384 : i32
    %dma_start3A_35 = tpu.memref_slice %arg5[%dma_start3A_30, %dma_start3A_34] : memref<32x512xi32, #tpu.memory_space<vmem>> -> memref<1x128xi32, #tpu.memory_space<vmem>>
    %dma_start3A_36 = tpu.memref_squeeze %dma_start3A_35 : memref<1x128xi32, #tpu.memory_space<vmem>> -> memref<128xi32, #tpu.memory_space<vmem>>
    %dma_start3A_37 = arith.constant 0 : i32
    %dma_start3A_38 = arith.constant 0 : i32
    %dma_start3A_39 = tpu.memref_slice %arg3[%dma_start3A_37, %dma_start3A_38] : memref<100000x128xf32, #tpu.memory_space<hbm>> -> memref<100000x128xf32, #tpu.memory_space<hbm>>
    tpu.enqueue_indirect_dma source(%dma_start3A_39 : memref<100000x128xf32, #tpu.memory_space<hbm>>) target(%dma_start3A_33 : memref<128x128xf32, #tpu.memory_space<vmem>>) offsets(%dma_start3A_36 : memref<128xi32, #tpu.memory_space<vmem>>) semaphore(%arg7 : memref<!tpu.dma_semaphore, #tpu.memory_space<semaphore_mem>>)
    %dma_wait3A = arith.constant 0 : i32
    %dma_wait3A_40 = arith.constant 0 : i32
    %dma_wait3A_41 = arith.constant 0 : i32
    %dma_wait3A_42 = tpu.memref_slice %arg6[%dma_wait3A_40, %dma_wait3A_41] : memref<512x128xf32, #tpu.memory_space<vmem>> -> memref<128x128xf32, #tpu.memory_space<vmem>>
    %dma_wait3A_43 = arith.constant 0 : i32
    %dma_wait3A_44 = tpu.memref_slice %arg5[%dma_wait3A, %dma_wait3A_43] : memref<32x512xi32, #tpu.memory_space<vmem>> -> memref<1x128xi32, #tpu.memory_space<vmem>>
    %dma_wait3A_45 = tpu.memref_squeeze %dma_wait3A_44 : memref<1x128xi32, #tpu.memory_space<vmem>> -> memref<128xi32, #tpu.memory_space<vmem>>
    %dma_wait3A_46 = arith.constant 0 : i32
    %dma_wait3A_47 = arith.constant 0 : i32
    %dma_wait3A_48 = tpu.memref_slice %arg3[%dma_wait3A_46, %dma_wait3A_47] : memref<100000x128xf32, #tpu.memory_space<hbm>> -> memref<100000x128xf32, #tpu.memory_space<hbm>>
    tpu.wait_indirect_dma semaphore(%arg7 : memref<!tpu.dma_semaphore, #tpu.memory_space<semaphore_mem>>) src(%dma_wait3A_48 : memref<100000x128xf32, #tpu.memory_space<hbm>>) dst(%dma_wait3A_42 : memref<128x128xf32, #tpu.memory_space<vmem>>)
    %dma_wait3A_49 = arith.constant 0 : i32
    %dma_wait3A_50 = arith.constant 128 : i32
    %dma_wait3A_51 = arith.constant 0 : i32
    %dma_wait3A_52 = tpu.memref_slice %arg6[%dma_wait3A_50, %dma_wait3A_51] : memref<512x128xf32, #tpu.memory_space<vmem>> -> memref<128x128xf32, #tpu.memory_space<vmem>>
    %dma_wait3A_53 = arith.constant 128 : i32
    %dma_wait3A_54 = tpu.memref_slice %arg5[%dma_wait3A_49, %dma_wait3A_53] : memref<32x512xi32, #tpu.memory_space<vmem>> -> memref<1x128xi32, #tpu.memory_space<vmem>>
    %dma_wait3A_55 = tpu.memref_squeeze %dma_wait3A_54 : memref<1x128xi32, #tpu.memory_space<vmem>> -> memref<128xi32, #tpu.memory_space<vmem>>
    %dma_wait3A_56 = arith.constant 0 : i32
    %dma_wait3A_57 = arith.constant 0 : i32
    %dma_wait3A_58 = tpu.memref_slice %arg3[%dma_wait3A_56, %dma_wait3A_57] : memref<100000x128xf32, #tpu.memory_space<hbm>> -> memref<100000x128xf32, #tpu.memory_space<hbm>>
    tpu.wait_indirect_dma semaphore(%arg7 : memref<!tpu.dma_semaphore, #tpu.memory_space<semaphore_mem>>) src(%dma_wait3A_58 : memref<100000x128xf32, #tpu.memory_space<hbm>>) dst(%dma_wait3A_52 : memref<128x128xf32, #tpu.memory_space<vmem>>)
    %dma_wait3A_59 = arith.constant 0 : i32
    %dma_wait3A_60 = arith.constant 256 : i32
    %dma_wait3A_61 = arith.constant 0 : i32
    %dma_wait3A_62 = tpu.memref_slice %arg6[%dma_wait3A_60, %dma_wait3A_61] : memref<512x128xf32, #tpu.memory_space<vmem>> -> memref<128x128xf32, #tpu.memory_space<vmem>>
    %dma_wait3A_63 = arith.constant 256 : i32
    %dma_wait3A_64 = tpu.memref_slice %arg5[%dma_wait3A_59, %dma_wait3A_63] : memref<32x512xi32, #tpu.memory_space<vmem>> -> memref<1x128xi32, #tpu.memory_space<vmem>>
    %dma_wait3A_65 = tpu.memref_squeeze %dma_wait3A_64 : memref<1x128xi32, #tpu.memory_space<vmem>> -> memref<128xi32, #tpu.memory_space<vmem>>
    %dma_wait3A_66 = arith.constant 0 : i32
    %dma_wait3A_67 = arith.constant 0 : i32
    %dma_wait3A_68 = tpu.memref_slice %arg3[%dma_wait3A_66, %dma_wait3A_67] : memref<100000x128xf32, #tpu.memory_space<hbm>> -> memref<100000x128xf32, #tpu.memory_space<hbm>>
    tpu.wait_indirect_dma semaphore(%arg7 : memref<!tpu.dma_semaphore, #tpu.memory_space<semaphore_mem>>) src(%dma_wait3A_68 : memref<100000x128xf32, #tpu.memory_space<hbm>>) dst(%dma_wait3A_62 : memref<128x128xf32, #tpu.memory_space<vmem>>)
    %dma_wait3A_69 = arith.constant 0 : i32
    %dma_wait3A_70 = arith.constant 384 : i32
    %dma_wait3A_71 = arith.constant 0 : i32
    %dma_wait3A_72 = tpu.memref_slice %arg6[%dma_wait3A_70, %dma_wait3A_71] : memref<512x128xf32, #tpu.memory_space<vmem>> -> memref<128x128xf32, #tpu.memory_space<vmem>>
    %dma_wait3A_73 = arith.constant 384 : i32
    %dma_wait3A_74 = tpu.memref_slice %arg5[%dma_wait3A_69, %dma_wait3A_73] : memref<32x512xi32, #tpu.memory_space<vmem>> -> memref<1x128xi32, #tpu.memory_space<vmem>>
    %dma_wait3A_75 = tpu.memref_squeeze %dma_wait3A_74 : memref<1x128xi32, #tpu.memory_space<vmem>> -> memref<128xi32, #tpu.memory_space<vmem>>
    %dma_wait3A_76 = arith.constant 0 : i32
    %dma_wait3A_77 = arith.constant 0 : i32
    %dma_wait3A_78 = tpu.memref_slice %arg3[%dma_wait3A_76, %dma_wait3A_77] : memref<100000x128xf32, #tpu.memory_space<hbm>> -> memref<100000x128xf32, #tpu.memory_space<hbm>>
    tpu.wait_indirect_dma semaphore(%arg7 : memref<!tpu.dma_semaphore, #tpu.memory_space<semaphore_mem>>) src(%dma_wait3A_78 : memref<100000x128xf32, #tpu.memory_space<hbm>>) dst(%dma_wait3A_72 : memref<128x128xf32, #tpu.memory_space<vmem>>)
    %dma_start3A_79 = arith.constant 1 : i32
    %dma_start3A_80 = arith.constant 0 : i32
    %dma_start3A_81 = arith.constant 0 : i32
    %dma_start3A_82 = tpu.memref_slice %arg6[%dma_start3A_80, %dma_start3A_81] : memref<512x128xf32, #tpu.memory_space<vmem>> -> memref<128x128xf32, #tpu.memory_space<vmem>>
    %dma_start3A_83 = arith.constant 0 : i32
    %dma_start3A_84 = tpu.memref_slice %arg5[%dma_start3A_79, %dma_start3A_83] : memref<32x512xi32, #tpu.memory_space<vmem>> -> memref<1x128xi32, #tpu.memory_space<vmem>>
    %dma_start3A_85 = tpu.memref_squeeze %dma_start3A_84 : memref<1x128xi32, #tpu.memory_space<vmem>> -> memref<128xi32, #tpu.memory_space<vmem>>
    %dma_start3A_86 = arith.constant 0 : i32
    %dma_start3A_87 = arith.constant 0 : i32
    %dma_start3A_88 = tpu.memref_slice %arg3[%dma_start3A_86, %dma_start3A_87] : memref<100000x128xf32, #tpu.memory_space<hbm>> -> memref<100000x128xf32, #tpu.memory_space<hbm>>
    tpu.enqueue_indirect_dma source(%dma_start3A_88 : memref<100000x128xf32, #tpu.memory_space<hbm>>) target(%dma_start3A_82 : memref<128x128xf32, #tpu.memory_space<vmem>>) offsets(%dma_start3A_85 : memref<128xi32, #tpu.memory_space<vmem>>) semaphore(%arg8 : memref<!tpu.dma_semaphore, #tpu.memory_space<semaphore_mem>>) {add = true}
    %dma_start3A_89 = arith.constant 2 : i32
    %dma_start3A_90 = arith.constant 0 : i32
    %dma_start3A_91 = arith.constant 0 : i32
    %dma_start3A_92 = tpu.memref_slice %arg6[%dma_start3A_90, %dma_start3A_91] : memref<512x128xf32, #tpu.memory_space<vmem>> -> memref<128x128xf32, #tpu.memory_space<vmem>>
    %dma_start3A_93 = arith.constant 0 : i32
    %dma_start3A_94 = tpu.memref_slice %arg5[%dma_start3A_89, %dma_start3A_93] : memref<32x512xi32, #tpu.memory_space<vmem>> -> memref<1x128xi32, #tpu.memory_space<vmem>>
    %dma_start3A_95 = tpu.memref_squeeze %dma_start3A_94 : memref<1x128xi32, #tpu.memory_space<vmem>> -> memref<128xi32, #tpu.memory_space<vmem>>
    %dma_start3A_96 = arith.constant 0 : i32
    %dma_start3A_97 = arith.constant 0 : i32
    %dma_start3A_98 = tpu.memref_slice %arg3[%dma_start3A_96, %dma_start3A_97] : memref<100000x128xf32, #tpu.memory_space<hbm>> -> memref<100000x128xf32, #tpu.memory_space<hbm>>
    tpu.enqueue_indirect_dma source(%dma_start3A_98 : memref<100000x128xf32, #tpu.memory_space<hbm>>) target(%dma_start3A_92 : memref<128x128xf32, #tpu.memory_space<vmem>>) offsets(%dma_start3A_95 : memref<128xi32, #tpu.memory_space<vmem>>) semaphore(%arg8 : memref<!tpu.dma_semaphore, #tpu.memory_space<semaphore_mem>>) {add = true}
    %dma_start3A_99 = arith.constant 3 : i32
    %dma_start3A_100 = arith.constant 0 : i32
    %dma_start3A_101 = arith.constant 0 : i32
    %dma_start3A_102 = tpu.memref_slice %arg6[%dma_start3A_100, %dma_start3A_101] : memref<512x128xf32, #tpu.memory_space<vmem>> -> memref<128x128xf32, #tpu.memory_space<vmem>>
    %dma_start3A_103 = arith.constant 0 : i32
    %dma_start3A_104 = tpu.memref_slice %arg5[%dma_start3A_99, %dma_start3A_103] : memref<32x512xi32, #tpu.memory_space<vmem>> -> memref<1x128xi32, #tpu.memory_space<vmem>>
    %dma_start3A_105 = tpu.memref_squeeze %dma_start3A_104 : memref<1x128xi32, #tpu.memory_space<vmem>> -> memref<128xi32, #tpu.memory_space<vmem>>
    %dma_start3A_106 = arith.constant 0 : i32
    %dma_start3A_107 = arith.constant 0 : i32
    %dma_start3A_108 = tpu.memref_slice %arg3[%dma_start3A_106, %dma_start3A_107] : memref<100000x128xf32, #tpu.memory_space<hbm>> -> memref<100000x128xf32, #tpu.memory_space<hbm>>
    tpu.enqueue_indirect_dma source(%dma_start3A_108 : memref<100000x128xf32, #tpu.memory_space<hbm>>) target(%dma_start3A_102 : memref<128x128xf32, #tpu.memory_space<vmem>>) offsets(%dma_start3A_105 : memref<128xi32, #tpu.memory_space<vmem>>) semaphore(%arg8 : memref<!tpu.dma_semaphore, #tpu.memory_space<semaphore_mem>>) {add = true}
    %dma_start3A_109 = arith.constant 4 : i32
    %dma_start3A_110 = arith.constant 0 : i32
    %dma_start3A_111 = arith.constant 0 : i32
    %dma_start3A_112 = tpu.memref_slice %arg6[%dma_start3A_110, %dma_start3A_111] : memref<512x128xf32, #tpu.memory_space<vmem>> -> memref<128x128xf32, #tpu.memory_space<vmem>>
    %dma_start3A_113 = arith.constant 0 : i32
    %dma_start3A_114 = tpu.memref_slice %arg5[%dma_start3A_109, %dma_start3A_113] : memref<32x512xi32, #tpu.memory_space<vmem>> -> memref<1x128xi32, #tpu.memory_space<vmem>>
    %dma_start3A_115 = tpu.memref_squeeze %dma_start3A_114 : memref<1x128xi32, #tpu.memory_space<vmem>> -> memref<128xi32, #tpu.memory_space<vmem>>
    %dma_start3A_116 = arith.constant 0 : i32
    %dma_start3A_117 = arith.constant 0 : i32
    %dma_start3A_118 = tpu.memref_slice %arg3[%dma_start3A_116, %dma_start3A_117] : memref<100000x128xf32, #tpu.memory_space<hbm>> -> memref<100000x128xf32, #tpu.memory_space<hbm>>
    tpu.enqueue_indirect_dma source(%dma_start3A_118 : memref<100000x128xf32, #tpu.memory_space<hbm>>) target(%dma_start3A_112 : memref<128x128xf32, #tpu.memory_space<vmem>>) offsets(%dma_start3A_115 : memref<128xi32, #tpu.memory_space<vmem>>) semaphore(%arg8 : memref<!tpu.dma_semaphore, #tpu.memory_space<semaphore_mem>>) {add = true}
    %dma_start3A_119 = arith.constant 5 : i32
    %dma_start3A_120 = arith.constant 0 : i32
    %dma_start3A_121 = arith.constant 0 : i32
    %dma_start3A_122 = tpu.memref_slice %arg6[%dma_start3A_120, %dma_start3A_121] : memref<512x128xf32, #tpu.memory_space<vmem>> -> memref<128x128xf32, #tpu.memory_space<vmem>>
    %dma_start3A_123 = arith.constant 0 : i32
    %dma_start3A_124 = tpu.memref_slice %arg5[%dma_start3A_119, %dma_start3A_123] : memref<32x512xi32, #tpu.memory_space<vmem>> -> memref<1x128xi32, #tpu.memory_space<vmem>>
    %dma_start3A_125 = tpu.memref_squeeze %dma_start3A_124 : memref<1x128xi32, #tpu.memory_space<vmem>> -> memref<128xi32, #tpu.memory_space<vmem>>
    %dma_start3A_126 = arith.constant 0 : i32
    %dma_start3A_127 = arith.constant 0 : i32
    %dma_start3A_128 = tpu.memref_slice %arg3[%dma_start3A_126, %dma_start3A_127] : memref<100000x128xf32, #tpu.memory_space<hbm>> -> memref<100000x128xf32, #tpu.memory_space<hbm>>
    tpu.enqueue_indirect_dma source(%dma_start3A_128 : memref<100000x128xf32, #tpu.memory_space<hbm>>) target(%dma_start3A_122 : memref<128x128xf32, #tpu.memory_space<vmem>>) offsets(%dma_start3A_125 : memref<128xi32, #tpu.memory_space<vmem>>) semaphore(%arg8 : memref<!tpu.dma_semaphore, #tpu.memory_space<semaphore_mem>>) {add = true}
    %dma_start3A_129 = arith.constant 6 : i32
    %dma_start3A_130 = arith.constant 0 : i32
    %dma_start3A_131 = arith.constant 0 : i32
    %dma_start3A_132 = tpu.memref_slice %arg6[%dma_start3A_130, %dma_start3A_131] : memref<512x128xf32, #tpu.memory_space<vmem>> -> memref<128x128xf32, #tpu.memory_space<vmem>>
    %dma_start3A_133 = arith.constant 0 : i32
    %dma_start3A_134 = tpu.memref_slice %arg5[%dma_start3A_129, %dma_start3A_133] : memref<32x512xi32, #tpu.memory_space<vmem>> -> memref<1x128xi32, #tpu.memory_space<vmem>>
    %dma_start3A_135 = tpu.memref_squeeze %dma_start3A_134 : memref<1x128xi32, #tpu.memory_space<vmem>> -> memref<128xi32, #tpu.memory_space<vmem>>
    %dma_start3A_136 = arith.constant 0 : i32
    %dma_start3A_137 = arith.constant 0 : i32
    %dma_start3A_138 = tpu.memref_slice %arg3[%dma_start3A_136, %dma_start3A_137] : memref<100000x128xf32, #tpu.memory_space<hbm>> -> memref<100000x128xf32, #tpu.memory_space<hbm>>
    tpu.enqueue_indirect_dma source(%dma_start3A_138 : memref<100000x128xf32, #tpu.memory_space<hbm>>) target(%dma_start3A_132 : memref<128x128xf32, #tpu.memory_space<vmem>>) offsets(%dma_start3A_135 : memref<128xi32, #tpu.memory_space<vmem>>) semaphore(%arg8 : memref<!tpu.dma_semaphore, #tpu.memory_space<semaphore_mem>>) {add = true}
    %dma_start3A_139 = arith.constant 7 : i32
    %dma_start3A_140 = arith.constant 0 : i32
    %dma_start3A_141 = arith.constant 0 : i32
    %dma_start3A_142 = tpu.memref_slice %arg6[%dma_start3A_140, %dma_start3A_141] : memref<512x128xf32, #tpu.memory_space<vmem>> -> memref<128x128xf32, #tpu.memory_space<vmem>>
    %dma_start3A_143 = arith.constant 0 : i32
    %dma_start3A_144 = tpu.memref_slice %arg5[%dma_start3A_139, %dma_start3A_143] : memref<32x512xi32, #tpu.memory_space<vmem>> -> memref<1x128xi32, #tpu.memory_space<vmem>>
    %dma_start3A_145 = tpu.memref_squeeze %dma_start3A_144 : memref<1x128xi32, #tpu.memory_space<vmem>> -> memref<128xi32, #tpu.memory_space<vmem>>
    %dma_start3A_146 = arith.constant 0 : i32
    %dma_start3A_147 = arith.constant 0 : i32
    %dma_start3A_148 = tpu.memref_slice %arg3[%dma_start3A_146, %dma_start3A_147] : memref<100000x128xf32, #tpu.memory_space<hbm>> -> memref<100000x128xf32, #tpu.memory_space<hbm>>
    tpu.enqueue_indirect_dma source(%dma_start3A_148 : memref<100000x128xf32, #tpu.memory_space<hbm>>) target(%dma_start3A_142 : memref<128x128xf32, #tpu.memory_space<vmem>>) offsets(%dma_start3A_145 : memref<128xi32, #tpu.memory_space<vmem>>) semaphore(%arg8 : memref<!tpu.dma_semaphore, #tpu.memory_space<semaphore_mem>>) {add = true}
    %dma_start3A_149 = arith.constant 8 : i32
    %dma_start3A_150 = arith.constant 0 : i32
    %dma_start3A_151 = arith.constant 0 : i32
    %dma_start3A_152 = tpu.memref_slice %arg6[%dma_start3A_150, %dma_start3A_151] : memref<512x128xf32, #tpu.memory_space<vmem>> -> memref<128x128xf32, #tpu.memory_space<vmem>>
    %dma_start3A_153 = arith.constant 0 : i32
    %dma_start3A_154 = tpu.memref_slice %arg5[%dma_start3A_149, %dma_start3A_153] : memref<32x512xi32, #tpu.memory_space<vmem>> -> memref<1x128xi32, #tpu.memory_space<vmem>>
    %dma_start3A_155 = tpu.memref_squeeze %dma_start3A_154 : memref<1x128xi32, #tpu.memory_space<vmem>> -> memref<128xi32, #tpu.memory_space<vmem>>
    %dma_start3A_156 = arith.constant 0 : i32
    %dma_start3A_157 = arith.constant 0 : i32
    %dma_start3A_158 = tpu.memref_slice %arg3[%dma_start3A_156, %dma_start3A_157] : memref<100000x128xf32, #tpu.memory_space<hbm>> -> memref<100000x128xf32, #tpu.memory_space<hbm>>
    tpu.enqueue_indirect_dma source(%dma_start3A_158 : memref<100000x128xf32, #tpu.memory_space<hbm>>) target(%dma_start3A_152 : memref<128x128xf32, #tpu.memory_space<vmem>>) offsets(%dma_start3A_155 : memref<128xi32, #tpu.memory_space<vmem>>) semaphore(%arg8 : memref<!tpu.dma_semaphore, #tpu.memory_space<semaphore_mem>>) {add = true}
    %dma_start3A_159 = arith.constant 9 : i32
    %dma_start3A_160 = arith.constant 0 : i32
    %dma_start3A_161 = arith.constant 0 : i32
    %dma_start3A_162 = tpu.memref_slice %arg6[%dma_start3A_160, %dma_start3A_161] : memref<512x128xf32, #tpu.memory_space<vmem>> -> memref<128x128xf32, #tpu.memory_space<vmem>>
    %dma_start3A_163 = arith.constant 0 : i32
    %dma_start3A_164 = tpu.memref_slice %arg5[%dma_start3A_159, %dma_start3A_163] : memref<32x512xi32, #tpu.memory_space<vmem>> -> memref<1x128xi32, #tpu.memory_space<vmem>>
    %dma_start3A_165 = tpu.memref_squeeze %dma_start3A_164 : memref<1x128xi32, #tpu.memory_space<vmem>> -> memref<128xi32, #tpu.memory_space<vmem>>
    %dma_start3A_166 = arith.constant 0 : i32
    %dma_start3A_167 = arith.constant 0 : i32
    %dma_start3A_168 = tpu.memref_slice %arg3[%dma_start3A_166, %dma_start3A_167] : memref<100000x128xf32, #tpu.memory_space<hbm>> -> memref<100000x128xf32, #tpu.memory_space<hbm>>
    tpu.enqueue_indirect_dma source(%dma_start3A_168 : memref<100000x128xf32, #tpu.memory_space<hbm>>) target(%dma_start3A_162 : memref<128x128xf32, #tpu.memory_space<vmem>>) offsets(%dma_start3A_165 : memref<128xi32, #tpu.memory_space<vmem>>) semaphore(%arg8 : memref<!tpu.dma_semaphore, #tpu.memory_space<semaphore_mem>>) {add = true}
    %dma_start3A_169 = arith.constant 10 : i32
    %dma_start3A_170 = arith.constant 0 : i32
    %dma_start3A_171 = arith.constant 0 : i32
    %dma_start3A_172 = tpu.memref_slice %arg6[%dma_start3A_170, %dma_start3A_171] : memref<512x128xf32, #tpu.memory_space<vmem>> -> memref<128x128xf32, #tpu.memory_space<vmem>>
    %dma_start3A_173 = arith.constant 0 : i32
    %dma_start3A_174 = tpu.memref_slice %arg5[%dma_start3A_169, %dma_start3A_173] : memref<32x512xi32, #tpu.memory_space<vmem>> -> memref<1x128xi32, #tpu.memory_space<vmem>>
    %dma_start3A_175 = tpu.memref_squeeze %dma_start3A_174 : memref<1x128xi32, #tpu.memory_space<vmem>> -> memref<128xi32, #tpu.memory_space<vmem>>
    %dma_start3A_176 = arith.constant 0 : i32
    %dma_start3A_177 = arith.constant 0 : i32
    %dma_start3A_178 = tpu.memref_slice %arg3[%dma_start3A_176, %dma_start3A_177] : memref<100000x128xf32, #tpu.memory_space<hbm>> -> memref<100000x128xf32, #tpu.memory_space<hbm>>
    tpu.enqueue_indirect_dma source(%dma_start3A_178 : memref<100000x128xf32, #tpu.memory_space<hbm>>) target(%dma_start3A_172 : memref<128x128xf32, #tpu.memory_space<vmem>>) offsets(%dma_start3A_175 : memref<128xi32, #tpu.memory_space<vmem>>) semaphore(%arg8 : memref<!tpu.dma_semaphore, #tpu.memory_space<semaphore_mem>>) {add = true}
    %dma_start3A_179 = arith.constant 11 : i32
    %dma_start3A_180 = arith.constant 0 : i32
    %dma_start3A_181 = arith.constant 0 : i32
    %dma_start3A_182 = tpu.memref_slice %arg6[%dma_start3A_180, %dma_start3A_181] : memref<512x128xf32, #tpu.memory_space<vmem>> -> memref<128x128xf32, #tpu.memory_space<vmem>>
    %dma_start3A_183 = arith.constant 0 : i32
    %dma_start3A_184 = tpu.memref_slice %arg5[%dma_start3A_179, %dma_start3A_183] : memref<32x512xi32, #tpu.memory_space<vmem>> -> memref<1x128xi32, #tpu.memory_space<vmem>>
    %dma_start3A_185 = tpu.memref_squeeze %dma_start3A_184 : memref<1x128xi32, #tpu.memory_space<vmem>> -> memref<128xi32, #tpu.memory_space<vmem>>
    %dma_start3A_186 = arith.constant 0 : i32
    %dma_start3A_187 = arith.constant 0 : i32
    %dma_start3A_188 = tpu.memref_slice %arg3[%dma_start3A_186, %dma_start3A_187] : memref<100000x128xf32, #tpu.memory_space<hbm>> -> memref<100000x128xf32, #tpu.memory_space<hbm>>
    tpu.enqueue_indirect_dma source(%dma_start3A_188 : memref<100000x128xf32, #tpu.memory_space<hbm>>) target(%dma_start3A_182 : memref<128x128xf32, #tpu.memory_space<vmem>>) offsets(%dma_start3A_185 : memref<128xi32, #tpu.memory_space<vmem>>) semaphore(%arg8 : memref<!tpu.dma_semaphore, #tpu.memory_space<semaphore_mem>>) {add = true}
    %dma_start3A_189 = arith.constant 12 : i32
    %dma_start3A_190 = arith.constant 0 : i32
    %dma_start3A_191 = arith.constant 0 : i32
    %dma_start3A_192 = tpu.memref_slice %arg6[%dma_start3A_190, %dma_start3A_191] : memref<512x128xf32, #tpu.memory_space<vmem>> -> memref<128x128xf32, #tpu.memory_space<vmem>>
    %dma_start3A_193 = arith.constant 0 : i32
    %dma_start3A_194 = tpu.memref_slice %arg5[%dma_start3A_189, %dma_start3A_193] : memref<32x512xi32, #tpu.memory_space<vmem>> -> memref<1x128xi32, #tpu.memory_space<vmem>>
    %dma_start3A_195 = tpu.memref_squeeze %dma_start3A_194 : memref<1x128xi32, #tpu.memory_space<vmem>> -> memref<128xi32, #tpu.memory_space<vmem>>
    %dma_start3A_196 = arith.constant 0 : i32
    %dma_start3A_197 = arith.constant 0 : i32
    %dma_start3A_198 = tpu.memref_slice %arg3[%dma_start3A_196, %dma_start3A_197] : memref<100000x128xf32, #tpu.memory_space<hbm>> -> memref<100000x128xf32, #tpu.memory_space<hbm>>
    tpu.enqueue_indirect_dma source(%dma_start3A_198 : memref<100000x128xf32, #tpu.memory_space<hbm>>) target(%dma_start3A_192 : memref<128x128xf32, #tpu.memory_space<vmem>>) offsets(%dma_start3A_195 : memref<128xi32, #tpu.memory_space<vmem>>) semaphore(%arg8 : memref<!tpu.dma_semaphore, #tpu.memory_space<semaphore_mem>>) {add = true}
    %dma_start3A_199 = arith.constant 13 : i32
    %dma_start3A_200 = arith.constant 0 : i32
    %dma_start3A_201 = arith.constant 0 : i32
    %dma_start3A_202 = tpu.memref_slice %arg6[%dma_start3A_200, %dma_start3A_201] : memref<512x128xf32, #tpu.memory_space<vmem>> -> memref<128x128xf32, #tpu.memory_space<vmem>>
    %dma_start3A_203 = arith.constant 0 : i32
    %dma_start3A_204 = tpu.memref_slice %arg5[%dma_start3A_199, %dma_start3A_203] : memref<32x512xi32, #tpu.memory_space<vmem>> -> memref<1x128xi32, #tpu.memory_space<vmem>>
    %dma_start3A_205 = tpu.memref_squeeze %dma_start3A_204 : memref<1x128xi32, #tpu.memory_space<vmem>> -> memref<128xi32, #tpu.memory_space<vmem>>
    %dma_start3A_206 = arith.constant 0 : i32
    %dma_start3A_207 = arith.constant 0 : i32
    %dma_start3A_208 = tpu.memref_slice %arg3[%dma_start3A_206, %dma_start3A_207] : memref<100000x128xf32, #tpu.memory_space<hbm>> -> memref<100000x128xf32, #tpu.memory_space<hbm>>
    tpu.enqueue_indirect_dma source(%dma_start3A_208 : memref<100000x128xf32, #tpu.memory_space<hbm>>) target(%dma_start3A_202 : memref<128x128xf32, #tpu.memory_space<vmem>>) offsets(%dma_start3A_205 : memref<128xi32, #tpu.memory_space<vmem>>) semaphore(%arg8 : memref<!tpu.dma_semaphore, #tpu.memory_space<semaphore_mem>>) {add = true}
    %dma_start3A_209 = arith.constant 14 : i32
    %dma_start3A_210 = arith.constant 0 : i32
    %dma_start3A_211 = arith.constant 0 : i32
    %dma_start3A_212 = tpu.memref_slice %arg6[%dma_start3A_210, %dma_start3A_211] : memref<512x128xf32, #tpu.memory_space<vmem>> -> memref<128x128xf32, #tpu.memory_space<vmem>>
    %dma_start3A_213 = arith.constant 0 : i32
    %dma_start3A_214 = tpu.memref_slice %arg5[%dma_start3A_209, %dma_start3A_213] : memref<32x512xi32, #tpu.memory_space<vmem>> -> memref<1x128xi32, #tpu.memory_space<vmem>>
    %dma_start3A_215 = tpu.memref_squeeze %dma_start3A_214 : memref<1x128xi32, #tpu.memory_space<vmem>> -> memref<128xi32, #tpu.memory_space<vmem>>
    %dma_start3A_216 = arith.constant 0 : i32
    %dma_start3A_217 = arith.constant 0 : i32
    %dma_start3A_218 = tpu.memref_slice %arg3[%dma_start3A_216, %dma_start3A_217] : memref<100000x128xf32, #tpu.memory_space<hbm>> -> memref<100000x128xf32, #tpu.memory_space<hbm>>
    tpu.enqueue_indirect_dma source(%dma_start3A_218 : memref<100000x128xf32, #tpu.memory_space<hbm>>) target(%dma_start3A_212 : memref<128x128xf32, #tpu.memory_space<vmem>>) offsets(%dma_start3A_215 : memref<128xi32, #tpu.memory_space<vmem>>) semaphore(%arg8 : memref<!tpu.dma_semaphore, #tpu.memory_space<semaphore_mem>>) {add = true}
    %dma_start3A_219 = arith.constant 15 : i32
    %dma_start3A_220 = arith.constant 0 : i32
    %dma_start3A_221 = arith.constant 0 : i32
    %dma_start3A_222 = tpu.memref_slice %arg6[%dma_start3A_220, %dma_start3A_221] : memref<512x128xf32, #tpu.memory_space<vmem>> -> memref<128x128xf32, #tpu.memory_space<vmem>>
    %dma_start3A_223 = arith.constant 0 : i32
    %dma_start3A_224 = tpu.memref_slice %arg5[%dma_start3A_219, %dma_start3A_223] : memref<32x512xi32, #tpu.memory_space<vmem>> -> memref<1x128xi32, #tpu.memory_space<vmem>>
    %dma_start3A_225 = tpu.memref_squeeze %dma_start3A_224 : memref<1x128xi32, #tpu.memory_space<vmem>> -> memref<128xi32, #tpu.memory_space<vmem>>
    %dma_start3A_226 = arith.constant 0 : i32
    %dma_start3A_227 = arith.constant 0 : i32
    %dma_start3A_228 = tpu.memref_slice %arg3[%dma_start3A_226, %dma_start3A_227] : memref<100000x128xf32, #tpu.memory_space<hbm>> -> memref<100000x128xf32, #tpu.memory_space<hbm>>
    tpu.enqueue_indirect_dma source(%dma_start3A_228 : memref<100000x128xf32, #tpu.memory_space<hbm>>) target(%dma_start3A_222 : memref<128x128xf32, #tpu.memory_space<vmem>>) offsets(%dma_start3A_225 : memref<128xi32, #tpu.memory_space<vmem>>) semaphore(%arg8 : memref<!tpu.dma_semaphore, #tpu.memory_space<semaphore_mem>>) {add = true}
    %dma_start3A_229 = arith.constant 16 : i32
    %dma_start3A_230 = arith.constant 0 : i32
    %dma_start3A_231 = arith.constant 0 : i32
    %dma_start3A_232 = tpu.memref_slice %arg6[%dma_start3A_230, %dma_start3A_231] : memref<512x128xf32, #tpu.memory_space<vmem>> -> memref<128x128xf32, #tpu.memory_space<vmem>>
    %dma_start3A_233 = arith.constant 0 : i32
    %dma_start3A_234 = tpu.memref_slice %arg5[%dma_start3A_229, %dma_start3A_233] : memref<32x512xi32, #tpu.memory_space<vmem>> -> memref<1x128xi32, #tpu.memory_space<vmem>>
    %dma_start3A_235 = tpu.memref_squeeze %dma_start3A_234 : memref<1x128xi32, #tpu.memory_space<vmem>> -> memref<128xi32, #tpu.memory_space<vmem>>
    %dma_start3A_236 = arith.constant 0 : i32
    %dma_start3A_237 = arith.constant 0 : i32
    %dma_start3A_238 = tpu.memref_slice %arg3[%dma_start3A_236, %dma_start3A_237] : memref<100000x128xf32, #tpu.memory_space<hbm>> -> memref<100000x128xf32, #tpu.memory_space<hbm>>
    tpu.enqueue_indirect_dma source(%dma_start3A_238 : memref<100000x128xf32, #tpu.memory_space<hbm>>) target(%dma_start3A_232 : memref<128x128xf32, #tpu.memory_space<vmem>>) offsets(%dma_start3A_235 : memref<128xi32, #tpu.memory_space<vmem>>) semaphore(%arg8 : memref<!tpu.dma_semaphore, #tpu.memory_space<semaphore_mem>>) {add = true}
    %dma_start3A_239 = arith.constant 17 : i32
    %dma_start3A_240 = arith.constant 0 : i32
    %dma_start3A_241 = arith.constant 0 : i32
    %dma_start3A_242 = tpu.memref_slice %arg6[%dma_start3A_240, %dma_start3A_241] : memref<512x128xf32, #tpu.memory_space<vmem>> -> memref<128x128xf32, #tpu.memory_space<vmem>>
    %dma_start3A_243 = arith.constant 0 : i32
    %dma_start3A_244 = tpu.memref_slice %arg5[%dma_start3A_239, %dma_start3A_243] : memref<32x512xi32, #tpu.memory_space<vmem>> -> memref<1x128xi32, #tpu.memory_space<vmem>>
    %dma_start3A_245 = tpu.memref_squeeze %dma_start3A_244 : memref<1x128xi32, #tpu.memory_space<vmem>> -> memref<128xi32, #tpu.memory_space<vmem>>
    %dma_start3A_246 = arith.constant 0 : i32
    %dma_start3A_247 = arith.constant 0 : i32
    %dma_start3A_248 = tpu.memref_slice %arg3[%dma_start3A_246, %dma_start3A_247] : memref<100000x128xf32, #tpu.memory_space<hbm>> -> memref<100000x128xf32, #tpu.memory_space<hbm>>
    tpu.enqueue_indirect_dma source(%dma_start3A_248 : memref<100000x128xf32, #tpu.memory_space<hbm>>) target(%dma_start3A_242 : memref<128x128xf32, #tpu.memory_space<vmem>>) offsets(%dma_start3A_245 : memref<128xi32, #tpu.memory_space<vmem>>) semaphore(%arg8 : memref<!tpu.dma_semaphore, #tpu.memory_space<semaphore_mem>>) {add = true}
    %dma_start3A_249 = arith.constant 18 : i32
    %dma_start3A_250 = arith.constant 0 : i32
    %dma_start3A_251 = arith.constant 0 : i32
    %dma_start3A_252 = tpu.memref_slice %arg6[%dma_start3A_250, %dma_start3A_251] : memref<512x128xf32, #tpu.memory_space<vmem>> -> memref<128x128xf32, #tpu.memory_space<vmem>>
    %dma_start3A_253 = arith.constant 0 : i32
    %dma_start3A_254 = tpu.memref_slice %arg5[%dma_start3A_249, %dma_start3A_253] : memref<32x512xi32, #tpu.memory_space<vmem>> -> memref<1x128xi32, #tpu.memory_space<vmem>>
    %dma_start3A_255 = tpu.memref_squeeze %dma_start3A_254 : memref<1x128xi32, #tpu.memory_space<vmem>> -> memref<128xi32, #tpu.memory_space<vmem>>
    %dma_start3A_256 = arith.constant 0 : i32
    %dma_start3A_257 = arith.constant 0 : i32
    %dma_start3A_258 = tpu.memref_slice %arg3[%dma_start3A_256, %dma_start3A_257] : memref<100000x128xf32, #tpu.memory_space<hbm>> -> memref<100000x128xf32, #tpu.memory_space<hbm>>
    tpu.enqueue_indirect_dma source(%dma_start3A_258 : memref<100000x128xf32, #tpu.memory_space<hbm>>) target(%dma_start3A_252 : memref<128x128xf32, #tpu.memory_space<vmem>>) offsets(%dma_start3A_255 : memref<128xi32, #tpu.memory_space<vmem>>) semaphore(%arg8 : memref<!tpu.dma_semaphore, #tpu.memory_space<semaphore_mem>>) {add = true}
    %dma_start3A_259 = arith.constant 19 : i32
    %dma_start3A_260 = arith.constant 0 : i32
    %dma_start3A_261 = arith.constant 0 : i32
    %dma_start3A_262 = tpu.memref_slice %arg6[%dma_start3A_260, %dma_start3A_261] : memref<512x128xf32, #tpu.memory_space<vmem>> -> memref<128x128xf32, #tpu.memory_space<vmem>>
    %dma_start3A_263 = arith.constant 0 : i32
    %dma_start3A_264 = tpu.memref_slice %arg5[%dma_start3A_259, %dma_start3A_263] : memref<32x512xi32, #tpu.memory_space<vmem>> -> memref<1x128xi32, #tpu.memory_space<vmem>>
    %dma_start3A_265 = tpu.memref_squeeze %dma_start3A_264 : memref<1x128xi32, #tpu.memory_space<vmem>> -> memref<128xi32, #tpu.memory_space<vmem>>
    %dma_start3A_266 = arith.constant 0 : i32
    %dma_start3A_267 = arith.constant 0 : i32
    %dma_start3A_268 = tpu.memref_slice %arg3[%dma_start3A_266, %dma_start3A_267] : memref<100000x128xf32, #tpu.memory_space<hbm>> -> memref<100000x128xf32, #tpu.memory_space<hbm>>
    tpu.enqueue_indirect_dma source(%dma_start3A_268 : memref<100000x128xf32, #tpu.memory_space<hbm>>) target(%dma_start3A_262 : memref<128x128xf32, #tpu.memory_space<vmem>>) offsets(%dma_start3A_265 : memref<128xi32, #tpu.memory_space<vmem>>) semaphore(%arg8 : memref<!tpu.dma_semaphore, #tpu.memory_space<semaphore_mem>>) {add = true}
    %dma_start3A_269 = arith.constant 20 : i32
    %dma_start3A_270 = arith.constant 0 : i32
    %dma_start3A_271 = arith.constant 0 : i32
    %dma_start3A_272 = tpu.memref_slice %arg6[%dma_start3A_270, %dma_start3A_271] : memref<512x128xf32, #tpu.memory_space<vmem>> -> memref<128x128xf32, #tpu.memory_space<vmem>>
    %dma_start3A_273 = arith.constant 0 : i32
    %dma_start3A_274 = tpu.memref_slice %arg5[%dma_start3A_269, %dma_start3A_273] : memref<32x512xi32, #tpu.memory_space<vmem>> -> memref<1x128xi32, #tpu.memory_space<vmem>>
    %dma_start3A_275 = tpu.memref_squeeze %dma_start3A_274 : memref<1x128xi32, #tpu.memory_space<vmem>> -> memref<128xi32, #tpu.memory_space<vmem>>
    %dma_start3A_276 = arith.constant 0 : i32
    %dma_start3A_277 = arith.constant 0 : i32
    %dma_start3A_278 = tpu.memref_slice %arg3[%dma_start3A_276, %dma_start3A_277] : memref<100000x128xf32, #tpu.memory_space<hbm>> -> memref<100000x128xf32, #tpu.memory_space<hbm>>
    tpu.enqueue_indirect_dma source(%dma_start3A_278 : memref<100000x128xf32, #tpu.memory_space<hbm>>) target(%dma_start3A_272 : memref<128x128xf32, #tpu.memory_space<vmem>>) offsets(%dma_start3A_275 : memref<128xi32, #tpu.memory_space<vmem>>) semaphore(%arg8 : memref<!tpu.dma_semaphore, #tpu.memory_space<semaphore_mem>>) {add = true}
    %dma_start3A_279 = arith.constant 21 : i32
    %dma_start3A_280 = arith.constant 0 : i32
    %dma_start3A_281 = arith.constant 0 : i32
    %dma_start3A_282 = tpu.memref_slice %arg6[%dma_start3A_280, %dma_start3A_281] : memref<512x128xf32, #tpu.memory_space<vmem>> -> memref<128x128xf32, #tpu.memory_space<vmem>>
    %dma_start3A_283 = arith.constant 0 : i32
    %dma_start3A_284 = tpu.memref_slice %arg5[%dma_start3A_279, %dma_start3A_283] : memref<32x512xi32, #tpu.memory_space<vmem>> -> memref<1x128xi32, #tpu.memory_space<vmem>>
    %dma_start3A_285 = tpu.memref_squeeze %dma_start3A_284 : memref<1x128xi32, #tpu.memory_space<vmem>> -> memref<128xi32, #tpu.memory_space<vmem>>
    %dma_start3A_286 = arith.constant 0 : i32
    %dma_start3A_287 = arith.constant 0 : i32
    %dma_start3A_288 = tpu.memref_slice %arg3[%dma_start3A_286, %dma_start3A_287] : memref<100000x128xf32, #tpu.memory_space<hbm>> -> memref<100000x128xf32, #tpu.memory_space<hbm>>
    tpu.enqueue_indirect_dma source(%dma_start3A_288 : memref<100000x128xf32, #tpu.memory_space<hbm>>) target(%dma_start3A_282 : memref<128x128xf32, #tpu.memory_space<vmem>>) offsets(%dma_start3A_285 : memref<128xi32, #tpu.memory_space<vmem>>) semaphore(%arg8 : memref<!tpu.dma_semaphore, #tpu.memory_space<semaphore_mem>>) {add = true}
    %dma_start3A_289 = arith.constant 22 : i32
    %dma_start3A_290 = arith.constant 0 : i32
    %dma_start3A_291 = arith.constant 0 : i32
    %dma_start3A_292 = tpu.memref_slice %arg6[%dma_start3A_290, %dma_start3A_291] : memref<512x128xf32, #tpu.memory_space<vmem>> -> memref<128x128xf32, #tpu.memory_space<vmem>>
    %dma_start3A_293 = arith.constant 0 : i32
    %dma_start3A_294 = tpu.memref_slice %arg5[%dma_start3A_289, %dma_start3A_293] : memref<32x512xi32, #tpu.memory_space<vmem>> -> memref<1x128xi32, #tpu.memory_space<vmem>>
    %dma_start3A_295 = tpu.memref_squeeze %dma_start3A_294 : memref<1x128xi32, #tpu.memory_space<vmem>> -> memref<128xi32, #tpu.memory_space<vmem>>
    %dma_start3A_296 = arith.constant 0 : i32
    %dma_start3A_297 = arith.constant 0 : i32
    %dma_start3A_298 = tpu.memref_slice %arg3[%dma_start3A_296, %dma_start3A_297] : memref<100000x128xf32, #tpu.memory_space<hbm>> -> memref<100000x128xf32, #tpu.memory_space<hbm>>
    tpu.enqueue_indirect_dma source(%dma_start3A_298 : memref<100000x128xf32, #tpu.memory_space<hbm>>) target(%dma_start3A_292 : memref<128x128xf32, #tpu.memory_space<vmem>>) offsets(%dma_start3A_295 : memref<128xi32, #tpu.memory_space<vmem>>) semaphore(%arg8 : memref<!tpu.dma_semaphore, #tpu.memory_space<semaphore_mem>>) {add = true}
    %dma_start3A_299 = arith.constant 23 : i32
    %dma_start3A_300 = arith.constant 0 : i32
    %dma_start3A_301 = arith.constant 0 : i32
    %dma_start3A_302 = tpu.memref_slice %arg6[%dma_start3A_300, %dma_start3A_301] : memref<512x128xf32, #tpu.memory_space<vmem>> -> memref<128x128xf32, #tpu.memory_space<vmem>>
    %dma_start3A_303 = arith.constant 0 : i32
    %dma_start3A_304 = tpu.memref_slice %arg5[%dma_start3A_299, %dma_start3A_303] : memref<32x512xi32, #tpu.memory_space<vmem>> -> memref<1x128xi32, #tpu.memory_space<vmem>>
    %dma_start3A_305 = tpu.memref_squeeze %dma_start3A_304 : memref<1x128xi32, #tpu.memory_space<vmem>> -> memref<128xi32, #tpu.memory_space<vmem>>
    %dma_start3A_306 = arith.constant 0 : i32
    %dma_start3A_307 = arith.constant 0 : i32
    %dma_start3A_308 = tpu.memref_slice %arg3[%dma_start3A_306, %dma_start3A_307] : memref<100000x128xf32, #tpu.memory_space<hbm>> -> memref<100000x128xf32, #tpu.memory_space<hbm>>
    tpu.enqueue_indirect_dma source(%dma_start3A_308 : memref<100000x128xf32, #tpu.memory_space<hbm>>) target(%dma_start3A_302 : memref<128x128xf32, #tpu.memory_space<vmem>>) offsets(%dma_start3A_305 : memref<128xi32, #tpu.memory_space<vmem>>) semaphore(%arg8 : memref<!tpu.dma_semaphore, #tpu.memory_space<semaphore_mem>>) {add = true}
    %dma_start3A_309 = arith.constant 24 : i32
    %dma_start3A_310 = arith.constant 0 : i32
    %dma_start3A_311 = arith.constant 0 : i32
    %dma_start3A_312 = tpu.memref_slice %arg6[%dma_start3A_310, %dma_start3A_311] : memref<512x128xf32, #tpu.memory_space<vmem>> -> memref<128x128xf32, #tpu.memory_space<vmem>>
    %dma_start3A_313 = arith.constant 0 : i32
    %dma_start3A_314 = tpu.memref_slice %arg5[%dma_start3A_309, %dma_start3A_313] : memref<32x512xi32, #tpu.memory_space<vmem>> -> memref<1x128xi32, #tpu.memory_space<vmem>>
    %dma_start3A_315 = tpu.memref_squeeze %dma_start3A_314 : memref<1x128xi32, #tpu.memory_space<vmem>> -> memref<128xi32, #tpu.memory_space<vmem>>
    %dma_start3A_316 = arith.constant 0 : i32
    %dma_start3A_317 = arith.constant 0 : i32
    %dma_start3A_318 = tpu.memref_slice %arg3[%dma_start3A_316, %dma_start3A_317] : memref<100000x128xf32, #tpu.memory_space<hbm>> -> memref<100000x128xf32, #tpu.memory_space<hbm>>
    tpu.enqueue_indirect_dma source(%dma_start3A_318 : memref<100000x128xf32, #tpu.memory_space<hbm>>) target(%dma_start3A_312 : memref<128x128xf32, #tpu.memory_space<vmem>>) offsets(%dma_start3A_315 : memref<128xi32, #tpu.memory_space<vmem>>) semaphore(%arg8 : memref<!tpu.dma_semaphore, #tpu.memory_space<semaphore_mem>>) {add = true}
    %dma_start3A_319 = arith.constant 25 : i32
    %dma_start3A_320 = arith.constant 0 : i32
    %dma_start3A_321 = arith.constant 0 : i32
    %dma_start3A_322 = tpu.memref_slice %arg6[%dma_start3A_320, %dma_start3A_321] : memref<512x128xf32, #tpu.memory_space<vmem>> -> memref<128x128xf32, #tpu.memory_space<vmem>>
    %dma_start3A_323 = arith.constant 0 : i32
    %dma_start3A_324 = tpu.memref_slice %arg5[%dma_start3A_319, %dma_start3A_323] : memref<32x512xi32, #tpu.memory_space<vmem>> -> memref<1x128xi32, #tpu.memory_space<vmem>>
    %dma_start3A_325 = tpu.memref_squeeze %dma_start3A_324 : memref<1x128xi32, #tpu.memory_space<vmem>> -> memref<128xi32, #tpu.memory_space<vmem>>
    %dma_start3A_326 = arith.constant 0 : i32
    %dma_start3A_327 = arith.constant 0 : i32
    %dma_start3A_328 = tpu.memref_slice %arg3[%dma_start3A_326, %dma_start3A_327] : memref<100000x128xf32, #tpu.memory_space<hbm>> -> memref<100000x128xf32, #tpu.memory_space<hbm>>
    tpu.enqueue_indirect_dma source(%dma_start3A_328 : memref<100000x128xf32, #tpu.memory_space<hbm>>) target(%dma_start3A_322 : memref<128x128xf32, #tpu.memory_space<vmem>>) offsets(%dma_start3A_325 : memref<128xi32, #tpu.memory_space<vmem>>) semaphore(%arg8 : memref<!tpu.dma_semaphore, #tpu.memory_space<semaphore_mem>>) {add = true}
    %dma_start3A_329 = arith.constant 26 : i32
    %dma_start3A_330 = arith.constant 0 : i32
    %dma_start3A_331 = arith.constant 0 : i32
    %dma_start3A_332 = tpu.memref_slice %arg6[%dma_start3A_330, %dma_start3A_331] : memref<512x128xf32, #tpu.memory_space<vmem>> -> memref<128x128xf32, #tpu.memory_space<vmem>>
    %dma_start3A_333 = arith.constant 0 : i32
    %dma_start3A_334 = tpu.memref_slice %arg5[%dma_start3A_329, %dma_start3A_333] : memref<32x512xi32, #tpu.memory_space<vmem>> -> memref<1x128xi32, #tpu.memory_space<vmem>>
    %dma_start3A_335 = tpu.memref_squeeze %dma_start3A_334 : memref<1x128xi32, #tpu.memory_space<vmem>> -> memref<128xi32, #tpu.memory_space<vmem>>
    %dma_start3A_336 = arith.constant 0 : i32
    %dma_start3A_337 = arith.constant 0 : i32
    %dma_start3A_338 = tpu.memref_slice %arg3[%dma_start3A_336, %dma_start3A_337] : memref<100000x128xf32, #tpu.memory_space<hbm>> -> memref<100000x128xf32, #tpu.memory_space<hbm>>
    tpu.enqueue_indirect_dma source(%dma_start3A_338 : memref<100000x128xf32, #tpu.memory_space<hbm>>) target(%dma_start3A_332 : memref<128x128xf32, #tpu.memory_space<vmem>>) offsets(%dma_start3A_335 : memref<128xi32, #tpu.memory_space<vmem>>) semaphore(%arg8 : memref<!tpu.dma_semaphore, #tpu.memory_space<semaphore_mem>>) {add = true}
    %dma_start3A_339 = arith.constant 27 : i32
    %dma_start3A_340 = arith.constant 0 : i32
    %dma_start3A_341 = arith.constant 0 : i32
    %dma_start3A_342 = tpu.memref_slice %arg6[%dma_start3A_340, %dma_start3A_341] : memref<512x128xf32, #tpu.memory_space<vmem>> -> memref<128x128xf32, #tpu.memory_space<vmem>>
    %dma_start3A_343 = arith.constant 0 : i32
    %dma_start3A_344 = tpu.memref_slice %arg5[%dma_start3A_339, %dma_start3A_343] : memref<32x512xi32, #tpu.memory_space<vmem>> -> memref<1x128xi32, #tpu.memory_space<vmem>>
    %dma_start3A_345 = tpu.memref_squeeze %dma_start3A_344 : memref<1x128xi32, #tpu.memory_space<vmem>> -> memref<128xi32, #tpu.memory_space<vmem>>
    %dma_start3A_346 = arith.constant 0 : i32
    %dma_start3A_347 = arith.constant 0 : i32
    %dma_start3A_348 = tpu.memref_slice %arg3[%dma_start3A_346, %dma_start3A_347] : memref<100000x128xf32, #tpu.memory_space<hbm>> -> memref<100000x128xf32, #tpu.memory_space<hbm>>
    tpu.enqueue_indirect_dma source(%dma_start3A_348 : memref<100000x128xf32, #tpu.memory_space<hbm>>) target(%dma_start3A_342 : memref<128x128xf32, #tpu.memory_space<vmem>>) offsets(%dma_start3A_345 : memref<128xi32, #tpu.memory_space<vmem>>) semaphore(%arg8 : memref<!tpu.dma_semaphore, #tpu.memory_space<semaphore_mem>>) {add = true}
    %dma_start3A_349 = arith.constant 28 : i32
    %dma_start3A_350 = arith.constant 0 : i32
    %dma_start3A_351 = arith.constant 0 : i32
    %dma_start3A_352 = tpu.memref_slice %arg6[%dma_start3A_350, %dma_start3A_351] : memref<512x128xf32, #tpu.memory_space<vmem>> -> memref<128x128xf32, #tpu.memory_space<vmem>>
    %dma_start3A_353 = arith.constant 0 : i32
    %dma_start3A_354 = tpu.memref_slice %arg5[%dma_start3A_349, %dma_start3A_353] : memref<32x512xi32, #tpu.memory_space<vmem>> -> memref<1x128xi32, #tpu.memory_space<vmem>>
    %dma_start3A_355 = tpu.memref_squeeze %dma_start3A_354 : memref<1x128xi32, #tpu.memory_space<vmem>> -> memref<128xi32, #tpu.memory_space<vmem>>
    %dma_start3A_356 = arith.constant 0 : i32
    %dma_start3A_357 = arith.constant 0 : i32
    %dma_start3A_358 = tpu.memref_slice %arg3[%dma_start3A_356, %dma_start3A_357] : memref<100000x128xf32, #tpu.memory_space<hbm>> -> memref<100000x128xf32, #tpu.memory_space<hbm>>
    tpu.enqueue_indirect_dma source(%dma_start3A_358 : memref<100000x128xf32, #tpu.memory_space<hbm>>) target(%dma_start3A_352 : memref<128x128xf32, #tpu.memory_space<vmem>>) offsets(%dma_start3A_355 : memref<128xi32, #tpu.memory_space<vmem>>) semaphore(%arg8 : memref<!tpu.dma_semaphore, #tpu.memory_space<semaphore_mem>>) {add = true}
    %dma_start3A_359 = arith.constant 29 : i32
    %dma_start3A_360 = arith.constant 0 : i32
    %dma_start3A_361 = arith.constant 0 : i32
    %dma_start3A_362 = tpu.memref_slice %arg6[%dma_start3A_360, %dma_start3A_361] : memref<512x128xf32, #tpu.memory_space<vmem>> -> memref<128x128xf32, #tpu.memory_space<vmem>>
    %dma_start3A_363 = arith.constant 0 : i32
    %dma_start3A_364 = tpu.memref_slice %arg5[%dma_start3A_359, %dma_start3A_363] : memref<32x512xi32, #tpu.memory_space<vmem>> -> memref<1x128xi32, #tpu.memory_space<vmem>>
    %dma_start3A_365 = tpu.memref_squeeze %dma_start3A_364 : memref<1x128xi32, #tpu.memory_space<vmem>> -> memref<128xi32, #tpu.memory_space<vmem>>
    %dma_start3A_366 = arith.constant 0 : i32
    %dma_start3A_367 = arith.constant 0 : i32
    %dma_start3A_368 = tpu.memref_slice %arg3[%dma_start3A_366, %dma_start3A_367] : memref<100000x128xf32, #tpu.memory_space<hbm>> -> memref<100000x128xf32, #tpu.memory_space<hbm>>
    tpu.enqueue_indirect_dma source(%dma_start3A_368 : memref<100000x128xf32, #tpu.memory_space<hbm>>) target(%dma_start3A_362 : memref<128x128xf32, #tpu.memory_space<vmem>>) offsets(%dma_start3A_365 : memref<128xi32, #tpu.memory_space<vmem>>) semaphore(%arg8 : memref<!tpu.dma_semaphore, #tpu.memory_space<semaphore_mem>>) {add = true}
    %dma_start3A_369 = arith.constant 30 : i32
    %dma_start3A_370 = arith.constant 0 : i32
    %dma_start3A_371 = arith.constant 0 : i32
    %dma_start3A_372 = tpu.memref_slice %arg6[%dma_start3A_370, %dma_start3A_371] : memref<512x128xf32, #tpu.memory_space<vmem>> -> memref<128x128xf32, #tpu.memory_space<vmem>>
    %dma_start3A_373 = arith.constant 0 : i32
    %dma_start3A_374 = tpu.memref_slice %arg5[%dma_start3A_369, %dma_start3A_373] : memref<32x512xi32, #tpu.memory_space<vmem>> -> memref<1x128xi32, #tpu.memory_space<vmem>>
    %dma_start3A_375 = tpu.memref_squeeze %dma_start3A_374 : memref<1x128xi32, #tpu.memory_space<vmem>> -> memref<128xi32, #tpu.memory_space<vmem>>
    %dma_start3A_376 = arith.constant 0 : i32
    %dma_start3A_377 = arith.constant 0 : i32
    %dma_start3A_378 = tpu.memref_slice %arg3[%dma_start3A_376, %dma_start3A_377] : memref<100000x128xf32, #tpu.memory_space<hbm>> -> memref<100000x128xf32, #tpu.memory_space<hbm>>
    tpu.enqueue_indirect_dma source(%dma_start3A_378 : memref<100000x128xf32, #tpu.memory_space<hbm>>) target(%dma_start3A_372 : memref<128x128xf32, #tpu.memory_space<vmem>>) offsets(%dma_start3A_375 : memref<128xi32, #tpu.memory_space<vmem>>) semaphore(%arg8 : memref<!tpu.dma_semaphore, #tpu.memory_space<semaphore_mem>>) {add = true}
    %dma_start3A_379 = arith.constant 31 : i32
    %dma_start3A_380 = arith.constant 0 : i32
    %dma_start3A_381 = arith.constant 0 : i32
    %dma_start3A_382 = tpu.memref_slice %arg6[%dma_start3A_380, %dma_start3A_381] : memref<512x128xf32, #tpu.memory_space<vmem>> -> memref<128x128xf32, #tpu.memory_space<vmem>>
    %dma_start3A_383 = arith.constant 0 : i32
    %dma_start3A_384 = tpu.memref_slice %arg5[%dma_start3A_379, %dma_start3A_383] : memref<32x512xi32, #tpu.memory_space<vmem>> -> memref<1x128xi32, #tpu.memory_space<vmem>>
    %dma_start3A_385 = tpu.memref_squeeze %dma_start3A_384 : memref<1x128xi32, #tpu.memory_space<vmem>> -> memref<128xi32, #tpu.memory_space<vmem>>
    %dma_start3A_386 = arith.constant 0 : i32
    %dma_start3A_387 = arith.constant 0 : i32
    %dma_start3A_388 = tpu.memref_slice %arg3[%dma_start3A_386, %dma_start3A_387] : memref<100000x128xf32, #tpu.memory_space<hbm>> -> memref<100000x128xf32, #tpu.memory_space<hbm>>
    tpu.enqueue_indirect_dma source(%dma_start3A_388 : memref<100000x128xf32, #tpu.memory_space<hbm>>) target(%dma_start3A_382 : memref<128x128xf32, #tpu.memory_space<vmem>>) offsets(%dma_start3A_385 : memref<128xi32, #tpu.memory_space<vmem>>) semaphore(%arg8 : memref<!tpu.dma_semaphore, #tpu.memory_space<semaphore_mem>>) {add = true}
    %dma_start3A_389 = arith.constant 1 : i32
    %dma_start3A_390 = arith.constant 128 : i32
    %dma_start3A_391 = arith.constant 0 : i32
    %dma_start3A_392 = tpu.memref_slice %arg6[%dma_start3A_390, %dma_start3A_391] : memref<512x128xf32, #tpu.memory_space<vmem>> -> memref<128x128xf32, #tpu.memory_space<vmem>>
    %dma_start3A_393 = arith.constant 128 : i32
    %dma_start3A_394 = tpu.memref_slice %arg5[%dma_start3A_389, %dma_start3A_393] : memref<32x512xi32, #tpu.memory_space<vmem>> -> memref<1x128xi32, #tpu.memory_space<vmem>>
    %dma_start3A_395 = tpu.memref_squeeze %dma_start3A_394 : memref<1x128xi32, #tpu.memory_space<vmem>> -> memref<128xi32, #tpu.memory_space<vmem>>
    %dma_start3A_396 = arith.constant 0 : i32
    %dma_start3A_397 = arith.constant 0 : i32
    %dma_start3A_398 = tpu.memref_slice %arg3[%dma_start3A_396, %dma_start3A_397] : memref<100000x128xf32, #tpu.memory_space<hbm>> -> memref<100000x128xf32, #tpu.memory_space<hbm>>
    tpu.enqueue_indirect_dma source(%dma_start3A_398 : memref<100000x128xf32, #tpu.memory_space<hbm>>) target(%dma_start3A_392 : memref<128x128xf32, #tpu.memory_space<vmem>>) offsets(%dma_start3A_395 : memref<128xi32, #tpu.memory_space<vmem>>) semaphore(%arg8 : memref<!tpu.dma_semaphore, #tpu.memory_space<semaphore_mem>>) {add = true}
    %dma_start3A_399 = arith.constant 2 : i32
    %dma_start3A_400 = arith.constant 128 : i32
    %dma_start3A_401 = arith.constant 0 : i32
    %dma_start3A_402 = tpu.memref_slice %arg6[%dma_start3A_400, %dma_start3A_401] : memref<512x128xf32, #tpu.memory_space<vmem>> -> memref<128x128xf32, #tpu.memory_space<vmem>>
    %dma_start3A_403 = arith.constant 128 : i32
    %dma_start3A_404 = tpu.memref_slice %arg5[%dma_start3A_399, %dma_start3A_403] : memref<32x512xi32, #tpu.memory_space<vmem>> -> memref<1x128xi32, #tpu.memory_space<vmem>>
    %dma_start3A_405 = tpu.memref_squeeze %dma_start3A_404 : memref<1x128xi32, #tpu.memory_space<vmem>> -> memref<128xi32, #tpu.memory_space<vmem>>
    %dma_start3A_406 = arith.constant 0 : i32
    %dma_start3A_407 = arith.constant 0 : i32
    %dma_start3A_408 = tpu.memref_slice %arg3[%dma_start3A_406, %dma_start3A_407] : memref<100000x128xf32, #tpu.memory_space<hbm>> -> memref<100000x128xf32, #tpu.memory_space<hbm>>
    tpu.enqueue_indirect_dma source(%dma_start3A_408 : memref<100000x128xf32, #tpu.memory_space<hbm>>) target(%dma_start3A_402 : memref<128x128xf32, #tpu.memory_space<vmem>>) offsets(%dma_start3A_405 : memref<128xi32, #tpu.memory_space<vmem>>) semaphore(%arg8 : memref<!tpu.dma_semaphore, #tpu.memory_space<semaphore_mem>>) {add = true}
    %dma_start3A_409 = arith.constant 3 : i32
    %dma_start3A_410 = arith.constant 128 : i32
    %dma_start3A_411 = arith.constant 0 : i32
    %dma_start3A_412 = tpu.memref_slice %arg6[%dma_start3A_410, %dma_start3A_411] : memref<512x128xf32, #tpu.memory_space<vmem>> -> memref<128x128xf32, #tpu.memory_space<vmem>>
    %dma_start3A_413 = arith.constant 128 : i32
    %dma_start3A_414 = tpu.memref_slice %arg5[%dma_start3A_409, %dma_start3A_413] : memref<32x512xi32, #tpu.memory_space<vmem>> -> memref<1x128xi32, #tpu.memory_space<vmem>>
    %dma_start3A_415 = tpu.memref_squeeze %dma_start3A_414 : memref<1x128xi32, #tpu.memory_space<vmem>> -> memref<128xi32, #tpu.memory_space<vmem>>
    %dma_start3A_416 = arith.constant 0 : i32
    %dma_start3A_417 = arith.constant 0 : i32
    %dma_start3A_418 = tpu.memref_slice %arg3[%dma_start3A_416, %dma_start3A_417] : memref<100000x128xf32, #tpu.memory_space<hbm>> -> memref<100000x128xf32, #tpu.memory_space<hbm>>
    tpu.enqueue_indirect_dma source(%dma_start3A_418 : memref<100000x128xf32, #tpu.memory_space<hbm>>) target(%dma_start3A_412 : memref<128x128xf32, #tpu.memory_space<vmem>>) offsets(%dma_start3A_415 : memref<128xi32, #tpu.memory_space<vmem>>) semaphore(%arg8 : memref<!tpu.dma_semaphore, #tpu.memory_space<semaphore_mem>>) {add = true}
    %dma_start3A_419 = arith.constant 4 : i32
    %dma_start3A_420 = arith.constant 128 : i32
    %dma_start3A_421 = arith.constant 0 : i32
    %dma_start3A_422 = tpu.memref_slice %arg6[%dma_start3A_420, %dma_start3A_421] : memref<512x128xf32, #tpu.memory_space<vmem>> -> memref<128x128xf32, #tpu.memory_space<vmem>>
    %dma_start3A_423 = arith.constant 128 : i32
    %dma_start3A_424 = tpu.memref_slice %arg5[%dma_start3A_419, %dma_start3A_423] : memref<32x512xi32, #tpu.memory_space<vmem>> -> memref<1x128xi32, #tpu.memory_space<vmem>>
    %dma_start3A_425 = tpu.memref_squeeze %dma_start3A_424 : memref<1x128xi32, #tpu.memory_space<vmem>> -> memref<128xi32, #tpu.memory_space<vmem>>
    %dma_start3A_426 = arith.constant 0 : i32
    %dma_start3A_427 = arith.constant 0 : i32
    %dma_start3A_428 = tpu.memref_slice %arg3[%dma_start3A_426, %dma_start3A_427] : memref<100000x128xf32, #tpu.memory_space<hbm>> -> memref<100000x128xf32, #tpu.memory_space<hbm>>
    tpu.enqueue_indirect_dma source(%dma_start3A_428 : memref<100000x128xf32, #tpu.memory_space<hbm>>) target(%dma_start3A_422 : memref<128x128xf32, #tpu.memory_space<vmem>>) offsets(%dma_start3A_425 : memref<128xi32, #tpu.memory_space<vmem>>) semaphore(%arg8 : memref<!tpu.dma_semaphore, #tpu.memory_space<semaphore_mem>>) {add = true}
    %dma_start3A_429 = arith.constant 5 : i32
    %dma_start3A_430 = arith.constant 128 : i32
    %dma_start3A_431 = arith.constant 0 : i32
    %dma_start3A_432 = tpu.memref_slice %arg6[%dma_start3A_430, %dma_start3A_431] : memref<512x128xf32, #tpu.memory_space<vmem>> -> memref<128x128xf32, #tpu.memory_space<vmem>>
    %dma_start3A_433 = arith.constant 128 : i32
    %dma_start3A_434 = tpu.memref_slice %arg5[%dma_start3A_429, %dma_start3A_433] : memref<32x512xi32, #tpu.memory_space<vmem>> -> memref<1x128xi32, #tpu.memory_space<vmem>>
    %dma_start3A_435 = tpu.memref_squeeze %dma_start3A_434 : memref<1x128xi32, #tpu.memory_space<vmem>> -> memref<128xi32, #tpu.memory_space<vmem>>
    %dma_start3A_436 = arith.constant 0 : i32
    %dma_start3A_437 = arith.constant 0 : i32
    %dma_start3A_438 = tpu.memref_slice %arg3[%dma_start3A_436, %dma_start3A_437] : memref<100000x128xf32, #tpu.memory_space<hbm>> -> memref<100000x128xf32, #tpu.memory_space<hbm>>
    tpu.enqueue_indirect_dma source(%dma_start3A_438 : memref<100000x128xf32, #tpu.memory_space<hbm>>) target(%dma_start3A_432 : memref<128x128xf32, #tpu.memory_space<vmem>>) offsets(%dma_start3A_435 : memref<128xi32, #tpu.memory_space<vmem>>) semaphore(%arg8 : memref<!tpu.dma_semaphore, #tpu.memory_space<semaphore_mem>>) {add = true}
    %dma_start3A_439 = arith.constant 6 : i32
    %dma_start3A_440 = arith.constant 128 : i32
    %dma_start3A_441 = arith.constant 0 : i32
    %dma_start3A_442 = tpu.memref_slice %arg6[%dma_start3A_440, %dma_start3A_441] : memref<512x128xf32, #tpu.memory_space<vmem>> -> memref<128x128xf32, #tpu.memory_space<vmem>>
    %dma_start3A_443 = arith.constant 128 : i32
    %dma_start3A_444 = tpu.memref_slice %arg5[%dma_start3A_439, %dma_start3A_443] : memref<32x512xi32, #tpu.memory_space<vmem>> -> memref<1x128xi32, #tpu.memory_space<vmem>>
    %dma_start3A_445 = tpu.memref_squeeze %dma_start3A_444 : memref<1x128xi32, #tpu.memory_space<vmem>> -> memref<128xi32, #tpu.memory_space<vmem>>
    %dma_start3A_446 = arith.constant 0 : i32
    %dma_start3A_447 = arith.constant 0 : i32
    %dma_start3A_448 = tpu.memref_slice %arg3[%dma_start3A_446, %dma_start3A_447] : memref<100000x128xf32, #tpu.memory_space<hbm>> -> memref<100000x128xf32, #tpu.memory_space<hbm>>
    tpu.enqueue_indirect_dma source(%dma_start3A_448 : memref<100000x128xf32, #tpu.memory_space<hbm>>) target(%dma_start3A_442 : memref<128x128xf32, #tpu.memory_space<vmem>>) offsets(%dma_start3A_445 : memref<128xi32, #tpu.memory_space<vmem>>) semaphore(%arg8 : memref<!tpu.dma_semaphore, #tpu.memory_space<semaphore_mem>>) {add = true}
    %dma_start3A_449 = arith.constant 7 : i32
    %dma_start3A_450 = arith.constant 128 : i32
    %dma_start3A_451 = arith.constant 0 : i32
    %dma_start3A_452 = tpu.memref_slice %arg6[%dma_start3A_450, %dma_start3A_451] : memref<512x128xf32, #tpu.memory_space<vmem>> -> memref<128x128xf32, #tpu.memory_space<vmem>>
    %dma_start3A_453 = arith.constant 128 : i32
    %dma_start3A_454 = tpu.memref_slice %arg5[%dma_start3A_449, %dma_start3A_453] : memref<32x512xi32, #tpu.memory_space<vmem>> -> memref<1x128xi32, #tpu.memory_space<vmem>>
    %dma_start3A_455 = tpu.memref_squeeze %dma_start3A_454 : memref<1x128xi32, #tpu.memory_space<vmem>> -> memref<128xi32, #tpu.memory_space<vmem>>
    %dma_start3A_456 = arith.constant 0 : i32
    %dma_start3A_457 = arith.constant 0 : i32
    %dma_start3A_458 = tpu.memref_slice %arg3[%dma_start3A_456, %dma_start3A_457] : memref<100000x128xf32, #tpu.memory_space<hbm>> -> memref<100000x128xf32, #tpu.memory_space<hbm>>
    tpu.enqueue_indirect_dma source(%dma_start3A_458 : memref<100000x128xf32, #tpu.memory_space<hbm>>) target(%dma_start3A_452 : memref<128x128xf32, #tpu.memory_space<vmem>>) offsets(%dma_start3A_455 : memref<128xi32, #tpu.memory_space<vmem>>) semaphore(%arg8 : memref<!tpu.dma_semaphore, #tpu.memory_space<semaphore_mem>>) {add = true}
    %dma_start3A_459 = arith.constant 8 : i32
    %dma_start3A_460 = arith.constant 128 : i32
    %dma_start3A_461 = arith.constant 0 : i32
    %dma_start3A_462 = tpu.memref_slice %arg6[%dma_start3A_460, %dma_start3A_461] : memref<512x128xf32, #tpu.memory_space<vmem>> -> memref<128x128xf32, #tpu.memory_space<vmem>>
    %dma_start3A_463 = arith.constant 128 : i32
    %dma_start3A_464 = tpu.memref_slice %arg5[%dma_start3A_459, %dma_start3A_463] : memref<32x512xi32, #tpu.memory_space<vmem>> -> memref<1x128xi32, #tpu.memory_space<vmem>>
    %dma_start3A_465 = tpu.memref_squeeze %dma_start3A_464 : memref<1x128xi32, #tpu.memory_space<vmem>> -> memref<128xi32, #tpu.memory_space<vmem>>
    %dma_start3A_466 = arith.constant 0 : i32
    %dma_start3A_467 = arith.constant 0 : i32
    %dma_start3A_468 = tpu.memref_slice %arg3[%dma_start3A_466, %dma_start3A_467] : memref<100000x128xf32, #tpu.memory_space<hbm>> -> memref<100000x128xf32, #tpu.memory_space<hbm>>
    tpu.enqueue_indirect_dma source(%dma_start3A_468 : memref<100000x128xf32, #tpu.memory_space<hbm>>) target(%dma_start3A_462 : memref<128x128xf32, #tpu.memory_space<vmem>>) offsets(%dma_start3A_465 : memref<128xi32, #tpu.memory_space<vmem>>) semaphore(%arg8 : memref<!tpu.dma_semaphore, #tpu.memory_space<semaphore_mem>>) {add = true}
    %dma_start3A_469 = arith.constant 9 : i32
    %dma_start3A_470 = arith.constant 128 : i32
    %dma_start3A_471 = arith.constant 0 : i32
    %dma_start3A_472 = tpu.memref_slice %arg6[%dma_start3A_470, %dma_start3A_471] : memref<512x128xf32, #tpu.memory_space<vmem>> -> memref<128x128xf32, #tpu.memory_space<vmem>>
    %dma_start3A_473 = arith.constant 128 : i32
    %dma_start3A_474 = tpu.memref_slice %arg5[%dma_start3A_469, %dma_start3A_473] : memref<32x512xi32, #tpu.memory_space<vmem>> -> memref<1x128xi32, #tpu.memory_space<vmem>>
    %dma_start3A_475 = tpu.memref_squeeze %dma_start3A_474 : memref<1x128xi32, #tpu.memory_space<vmem>> -> memref<128xi32, #tpu.memory_space<vmem>>
    %dma_start3A_476 = arith.constant 0 : i32
    %dma_start3A_477 = arith.constant 0 : i32
    %dma_start3A_478 = tpu.memref_slice %arg3[%dma_start3A_476, %dma_start3A_477] : memref<100000x128xf32, #tpu.memory_space<hbm>> -> memref<100000x128xf32, #tpu.memory_space<hbm>>
    tpu.enqueue_indirect_dma source(%dma_start3A_478 : memref<100000x128xf32, #tpu.memory_space<hbm>>) target(%dma_start3A_472 : memref<128x128xf32, #tpu.memory_space<vmem>>) offsets(%dma_start3A_475 : memref<128xi32, #tpu.memory_space<vmem>>) semaphore(%arg8 : memref<!tpu.dma_semaphore, #tpu.memory_space<semaphore_mem>>) {add = true}
    %dma_start3A_479 = arith.constant 10 : i32
    %dma_start3A_480 = arith.constant 128 : i32
    %dma_start3A_481 = arith.constant 0 : i32
    %dma_start3A_482 = tpu.memref_slice %arg6[%dma_start3A_480, %dma_start3A_481] : memref<512x128xf32, #tpu.memory_space<vmem>> -> memref<128x128xf32, #tpu.memory_space<vmem>>
    %dma_start3A_483 = arith.constant 128 : i32
    %dma_start3A_484 = tpu.memref_slice %arg5[%dma_start3A_479, %dma_start3A_483] : memref<32x512xi32, #tpu.memory_space<vmem>> -> memref<1x128xi32, #tpu.memory_space<vmem>>
    %dma_start3A_485 = tpu.memref_squeeze %dma_start3A_484 : memref<1x128xi32, #tpu.memory_space<vmem>> -> memref<128xi32, #tpu.memory_space<vmem>>
    %dma_start3A_486 = arith.constant 0 : i32
    %dma_start3A_487 = arith.constant 0 : i32
    %dma_start3A_488 = tpu.memref_slice %arg3[%dma_start3A_486, %dma_start3A_487] : memref<100000x128xf32, #tpu.memory_space<hbm>> -> memref<100000x128xf32, #tpu.memory_space<hbm>>
    tpu.enqueue_indirect_dma source(%dma_start3A_488 : memref<100000x128xf32, #tpu.memory_space<hbm>>) target(%dma_start3A_482 : memref<128x128xf32, #tpu.memory_space<vmem>>) offsets(%dma_start3A_485 : memref<128xi32, #tpu.memory_space<vmem>>) semaphore(%arg8 : memref<!tpu.dma_semaphore, #tpu.memory_space<semaphore_mem>>) {add = true}
    %dma_start3A_489 = arith.constant 11 : i32
    %dma_start3A_490 = arith.constant 128 : i32
    %dma_start3A_491 = arith.constant 0 : i32
    %dma_start3A_492 = tpu.memref_slice %arg6[%dma_start3A_490, %dma_start3A_491] : memref<512x128xf32, #tpu.memory_space<vmem>> -> memref<128x128xf32, #tpu.memory_space<vmem>>
    %dma_start3A_493 = arith.constant 128 : i32
    %dma_start3A_494 = tpu.memref_slice %arg5[%dma_start3A_489, %dma_start3A_493] : memref<32x512xi32, #tpu.memory_space<vmem>> -> memref<1x128xi32, #tpu.memory_space<vmem>>
    %dma_start3A_495 = tpu.memref_squeeze %dma_start3A_494 : memref<1x128xi32, #tpu.memory_space<vmem>> -> memref<128xi32, #tpu.memory_space<vmem>>
    %dma_start3A_496 = arith.constant 0 : i32
    %dma_start3A_497 = arith.constant 0 : i32
    %dma_start3A_498 = tpu.memref_slice %arg3[%dma_start3A_496, %dma_start3A_497] : memref<100000x128xf32, #tpu.memory_space<hbm>> -> memref<100000x128xf32, #tpu.memory_space<hbm>>
    tpu.enqueue_indirect_dma source(%dma_start3A_498 : memref<100000x128xf32, #tpu.memory_space<hbm>>) target(%dma_start3A_492 : memref<128x128xf32, #tpu.memory_space<vmem>>) offsets(%dma_start3A_495 : memref<128xi32, #tpu.memory_space<vmem>>) semaphore(%arg8 : memref<!tpu.dma_semaphore, #tpu.memory_space<semaphore_mem>>) {add = true}
    %dma_start3A_499 = arith.constant 12 : i32
    %dma_start3A_500 = arith.constant 128 : i32
    %dma_start3A_501 = arith.constant 0 : i32
    %dma_start3A_502 = tpu.memref_slice %arg6[%dma_start3A_500, %dma_start3A_501] : memref<512x128xf32, #tpu.memory_space<vmem>> -> memref<128x128xf32, #tpu.memory_space<vmem>>
    %dma_start3A_503 = arith.constant 128 : i32
    %dma_start3A_504 = tpu.memref_slice %arg5[%dma_start3A_499, %dma_start3A_503] : memref<32x512xi32, #tpu.memory_space<vmem>> -> memref<1x128xi32, #tpu.memory_space<vmem>>
    %dma_start3A_505 = tpu.memref_squeeze %dma_start3A_504 : memref<1x128xi32, #tpu.memory_space<vmem>> -> memref<128xi32, #tpu.memory_space<vmem>>
    %dma_start3A_506 = arith.constant 0 : i32
    %dma_start3A_507 = arith.constant 0 : i32
    %dma_start3A_508 = tpu.memref_slice %arg3[%dma_start3A_506, %dma_start3A_507] : memref<100000x128xf32, #tpu.memory_space<hbm>> -> memref<100000x128xf32, #tpu.memory_space<hbm>>
    tpu.enqueue_indirect_dma source(%dma_start3A_508 : memref<100000x128xf32, #tpu.memory_space<hbm>>) target(%dma_start3A_502 : memref<128x128xf32, #tpu.memory_space<vmem>>) offsets(%dma_start3A_505 : memref<128xi32, #tpu.memory_space<vmem>>) semaphore(%arg8 : memref<!tpu.dma_semaphore, #tpu.memory_space<semaphore_mem>>) {add = true}
    %dma_start3A_509 = arith.constant 13 : i32
    %dma_start3A_510 = arith.constant 128 : i32
    %dma_start3A_511 = arith.constant 0 : i32
    %dma_start3A_512 = tpu.memref_slice %arg6[%dma_start3A_510, %dma_start3A_511] : memref<512x128xf32, #tpu.memory_space<vmem>> -> memref<128x128xf32, #tpu.memory_space<vmem>>
    %dma_start3A_513 = arith.constant 128 : i32
    %dma_start3A_514 = tpu.memref_slice %arg5[%dma_start3A_509, %dma_start3A_513] : memref<32x512xi32, #tpu.memory_space<vmem>> -> memref<1x128xi32, #tpu.memory_space<vmem>>
    %dma_start3A_515 = tpu.memref_squeeze %dma_start3A_514 : memref<1x128xi32, #tpu.memory_space<vmem>> -> memref<128xi32, #tpu.memory_space<vmem>>
    %dma_start3A_516 = arith.constant 0 : i32
    %dma_start3A_517 = arith.constant 0 : i32
    %dma_start3A_518 = tpu.memref_slice %arg3[%dma_start3A_516, %dma_start3A_517] : memref<100000x128xf32, #tpu.memory_space<hbm>> -> memref<100000x128xf32, #tpu.memory_space<hbm>>
    tpu.enqueue_indirect_dma source(%dma_start3A_518 : memref<100000x128xf32, #tpu.memory_space<hbm>>) target(%dma_start3A_512 : memref<128x128xf32, #tpu.memory_space<vmem>>) offsets(%dma_start3A_515 : memref<128xi32, #tpu.memory_space<vmem>>) semaphore(%arg8 : memref<!tpu.dma_semaphore, #tpu.memory_space<semaphore_mem>>) {add = true}
    %dma_start3A_519 = arith.constant 14 : i32
    %dma_start3A_520 = arith.constant 128 : i32
    %dma_start3A_521 = arith.constant 0 : i32
    %dma_start3A_522 = tpu.memref_slice %arg6[%dma_start3A_520, %dma_start3A_521] : memref<512x128xf32, #tpu.memory_space<vmem>> -> memref<128x128xf32, #tpu.memory_space<vmem>>
    %dma_start3A_523 = arith.constant 128 : i32
    %dma_start3A_524 = tpu.memref_slice %arg5[%dma_start3A_519, %dma_start3A_523] : memref<32x512xi32, #tpu.memory_space<vmem>> -> memref<1x128xi32, #tpu.memory_space<vmem>>
    %dma_start3A_525 = tpu.memref_squeeze %dma_start3A_524 : memref<1x128xi32, #tpu.memory_space<vmem>> -> memref<128xi32, #tpu.memory_space<vmem>>
    %dma_start3A_526 = arith.constant 0 : i32
    %dma_start3A_527 = arith.constant 0 : i32
    %dma_start3A_528 = tpu.memref_slice %arg3[%dma_start3A_526, %dma_start3A_527] : memref<100000x128xf32, #tpu.memory_space<hbm>> -> memref<100000x128xf32, #tpu.memory_space<hbm>>
    tpu.enqueue_indirect_dma source(%dma_start3A_528 : memref<100000x128xf32, #tpu.memory_space<hbm>>) target(%dma_start3A_522 : memref<128x128xf32, #tpu.memory_space<vmem>>) offsets(%dma_start3A_525 : memref<128xi32, #tpu.memory_space<vmem>>) semaphore(%arg8 : memref<!tpu.dma_semaphore, #tpu.memory_space<semaphore_mem>>) {add = true}
    %dma_start3A_529 = arith.constant 15 : i32
    %dma_start3A_530 = arith.constant 128 : i32
    %dma_start3A_531 = arith.constant 0 : i32
    %dma_start3A_532 = tpu.memref_slice %arg6[%dma_start3A_530, %dma_start3A_531] : memref<512x128xf32, #tpu.memory_space<vmem>> -> memref<128x128xf32, #tpu.memory_space<vmem>>
    %dma_start3A_533 = arith.constant 128 : i32
    %dma_start3A_534 = tpu.memref_slice %arg5[%dma_start3A_529, %dma_start3A_533] : memref<32x512xi32, #tpu.memory_space<vmem>> -> memref<1x128xi32, #tpu.memory_space<vmem>>
    %dma_start3A_535 = tpu.memref_squeeze %dma_start3A_534 : memref<1x128xi32, #tpu.memory_space<vmem>> -> memref<128xi32, #tpu.memory_space<vmem>>
    %dma_start3A_536 = arith.constant 0 : i32
    %dma_start3A_537 = arith.constant 0 : i32
    %dma_start3A_538 = tpu.memref_slice %arg3[%dma_start3A_536, %dma_start3A_537] : memref<100000x128xf32, #tpu.memory_space<hbm>> -> memref<100000x128xf32, #tpu.memory_space<hbm>>
    tpu.enqueue_indirect_dma source(%dma_start3A_538 : memref<100000x128xf32, #tpu.memory_space<hbm>>) target(%dma_start3A_532 : memref<128x128xf32, #tpu.memory_space<vmem>>) offsets(%dma_start3A_535 : memref<128xi32, #tpu.memory_space<vmem>>) semaphore(%arg8 : memref<!tpu.dma_semaphore, #tpu.memory_space<semaphore_mem>>) {add = true}
    %dma_start3A_539 = arith.constant 16 : i32
    %dma_start3A_540 = arith.constant 128 : i32
    %dma_start3A_541 = arith.constant 0 : i32
    %dma_start3A_542 = tpu.memref_slice %arg6[%dma_start3A_540, %dma_start3A_541] : memref<512x128xf32, #tpu.memory_space<vmem>> -> memref<128x128xf32, #tpu.memory_space<vmem>>
    %dma_start3A_543 = arith.constant 128 : i32
    %dma_start3A_544 = tpu.memref_slice %arg5[%dma_start3A_539, %dma_start3A_543] : memref<32x512xi32, #tpu.memory_space<vmem>> -> memref<1x128xi32, #tpu.memory_space<vmem>>
    %dma_start3A_545 = tpu.memref_squeeze %dma_start3A_544 : memref<1x128xi32, #tpu.memory_space<vmem>> -> memref<128xi32, #tpu.memory_space<vmem>>
    %dma_start3A_546 = arith.constant 0 : i32
    %dma_start3A_547 = arith.constant 0 : i32
    %dma_start3A_548 = tpu.memref_slice %arg3[%dma_start3A_546, %dma_start3A_547] : memref<100000x128xf32, #tpu.memory_space<hbm>> -> memref<100000x128xf32, #tpu.memory_space<hbm>>
    tpu.enqueue_indirect_dma source(%dma_start3A_548 : memref<100000x128xf32, #tpu.memory_space<hbm>>) target(%dma_start3A_542 : memref<128x128xf32, #tpu.memory_space<vmem>>) offsets(%dma_start3A_545 : memref<128xi32, #tpu.memory_space<vmem>>) semaphore(%arg8 : memref<!tpu.dma_semaphore, #tpu.memory_space<semaphore_mem>>) {add = true}
    %dma_start3A_549 = arith.constant 17 : i32
    %dma_start3A_550 = arith.constant 128 : i32
    %dma_start3A_551 = arith.constant 0 : i32
    %dma_start3A_552 = tpu.memref_slice %arg6[%dma_start3A_550, %dma_start3A_551] : memref<512x128xf32, #tpu.memory_space<vmem>> -> memref<128x128xf32, #tpu.memory_space<vmem>>
    %dma_start3A_553 = arith.constant 128 : i32
    %dma_start3A_554 = tpu.memref_slice %arg5[%dma_start3A_549, %dma_start3A_553] : memref<32x512xi32, #tpu.memory_space<vmem>> -> memref<1x128xi32, #tpu.memory_space<vmem>>
    %dma_start3A_555 = tpu.memref_squeeze %dma_start3A_554 : memref<1x128xi32, #tpu.memory_space<vmem>> -> memref<128xi32, #tpu.memory_space<vmem>>
    %dma_start3A_556 = arith.constant 0 : i32
    %dma_start3A_557 = arith.constant 0 : i32
    %dma_start3A_558 = tpu.memref_slice %arg3[%dma_start3A_556, %dma_start3A_557] : memref<100000x128xf32, #tpu.memory_space<hbm>> -> memref<100000x128xf32, #tpu.memory_space<hbm>>
    tpu.enqueue_indirect_dma source(%dma_start3A_558 : memref<100000x128xf32, #tpu.memory_space<hbm>>) target(%dma_start3A_552 : memref<128x128xf32, #tpu.memory_space<vmem>>) offsets(%dma_start3A_555 : memref<128xi32, #tpu.memory_space<vmem>>) semaphore(%arg8 : memref<!tpu.dma_semaphore, #tpu.memory_space<semaphore_mem>>) {add = true}
    %dma_start3A_559 = arith.constant 18 : i32
    %dma_start3A_560 = arith.constant 128 : i32
    %dma_start3A_561 = arith.constant 0 : i32
    %dma_start3A_562 = tpu.memref_slice %arg6[%dma_start3A_560, %dma_start3A_561] : memref<512x128xf32, #tpu.memory_space<vmem>> -> memref<128x128xf32, #tpu.memory_space<vmem>>
    %dma_start3A_563 = arith.constant 128 : i32
    %dma_start3A_564 = tpu.memref_slice %arg5[%dma_start3A_559, %dma_start3A_563] : memref<32x512xi32, #tpu.memory_space<vmem>> -> memref<1x128xi32, #tpu.memory_space<vmem>>
    %dma_start3A_565 = tpu.memref_squeeze %dma_start3A_564 : memref<1x128xi32, #tpu.memory_space<vmem>> -> memref<128xi32, #tpu.memory_space<vmem>>
    %dma_start3A_566 = arith.constant 0 : i32
    %dma_start3A_567 = arith.constant 0 : i32
    %dma_start3A_568 = tpu.memref_slice %arg3[%dma_start3A_566, %dma_start3A_567] : memref<100000x128xf32, #tpu.memory_space<hbm>> -> memref<100000x128xf32, #tpu.memory_space<hbm>>
    tpu.enqueue_indirect_dma source(%dma_start3A_568 : memref<100000x128xf32, #tpu.memory_space<hbm>>) target(%dma_start3A_562 : memref<128x128xf32, #tpu.memory_space<vmem>>) offsets(%dma_start3A_565 : memref<128xi32, #tpu.memory_space<vmem>>) semaphore(%arg8 : memref<!tpu.dma_semaphore, #tpu.memory_space<semaphore_mem>>) {add = true}
    %dma_start3A_569 = arith.constant 19 : i32
    %dma_start3A_570 = arith.constant 128 : i32
    %dma_start3A_571 = arith.constant 0 : i32
    %dma_start3A_572 = tpu.memref_slice %arg6[%dma_start3A_570, %dma_start3A_571] : memref<512x128xf32, #tpu.memory_space<vmem>> -> memref<128x128xf32, #tpu.memory_space<vmem>>
    %dma_start3A_573 = arith.constant 128 : i32
    %dma_start3A_574 = tpu.memref_slice %arg5[%dma_start3A_569, %dma_start3A_573] : memref<32x512xi32, #tpu.memory_space<vmem>> -> memref<1x128xi32, #tpu.memory_space<vmem>>
    %dma_start3A_575 = tpu.memref_squeeze %dma_start3A_574 : memref<1x128xi32, #tpu.memory_space<vmem>> -> memref<128xi32, #tpu.memory_space<vmem>>
    %dma_start3A_576 = arith.constant 0 : i32
    %dma_start3A_577 = arith.constant 0 : i32
    %dma_start3A_578 = tpu.memref_slice %arg3[%dma_start3A_576, %dma_start3A_577] : memref<100000x128xf32, #tpu.memory_space<hbm>> -> memref<100000x128xf32, #tpu.memory_space<hbm>>
    tpu.enqueue_indirect_dma source(%dma_start3A_578 : memref<100000x128xf32, #tpu.memory_space<hbm>>) target(%dma_start3A_572 : memref<128x128xf32, #tpu.memory_space<vmem>>) offsets(%dma_start3A_575 : memref<128xi32, #tpu.memory_space<vmem>>) semaphore(%arg8 : memref<!tpu.dma_semaphore, #tpu.memory_space<semaphore_mem>>) {add = true}
    %dma_start3A_579 = arith.constant 20 : i32
    %dma_start3A_580 = arith.constant 128 : i32
    %dma_start3A_581 = arith.constant 0 : i32
    %dma_start3A_582 = tpu.memref_slice %arg6[%dma_start3A_580, %dma_start3A_581] : memref<512x128xf32, #tpu.memory_space<vmem>> -> memref<128x128xf32, #tpu.memory_space<vmem>>
    %dma_start3A_583 = arith.constant 128 : i32
    %dma_start3A_584 = tpu.memref_slice %arg5[%dma_start3A_579, %dma_start3A_583] : memref<32x512xi32, #tpu.memory_space<vmem>> -> memref<1x128xi32, #tpu.memory_space<vmem>>
    %dma_start3A_585 = tpu.memref_squeeze %dma_start3A_584 : memref<1x128xi32, #tpu.memory_space<vmem>> -> memref<128xi32, #tpu.memory_space<vmem>>
    %dma_start3A_586 = arith.constant 0 : i32
    %dma_start3A_587 = arith.constant 0 : i32
    %dma_start3A_588 = tpu.memref_slice %arg3[%dma_start3A_586, %dma_start3A_587] : memref<100000x128xf32, #tpu.memory_space<hbm>> -> memref<100000x128xf32, #tpu.memory_space<hbm>>
    tpu.enqueue_indirect_dma source(%dma_start3A_588 : memref<100000x128xf32, #tpu.memory_space<hbm>>) target(%dma_start3A_582 : memref<128x128xf32, #tpu.memory_space<vmem>>) offsets(%dma_start3A_585 : memref<128xi32, #tpu.memory_space<vmem>>) semaphore(%arg8 : memref<!tpu.dma_semaphore, #tpu.memory_space<semaphore_mem>>) {add = true}
    %dma_start3A_589 = arith.constant 21 : i32
    %dma_start3A_590 = arith.constant 128 : i32
    %dma_start3A_591 = arith.constant 0 : i32
    %dma_start3A_592 = tpu.memref_slice %arg6[%dma_start3A_590, %dma_start3A_591] : memref<512x128xf32, #tpu.memory_space<vmem>> -> memref<128x128xf32, #tpu.memory_space<vmem>>
    %dma_start3A_593 = arith.constant 128 : i32
    %dma_start3A_594 = tpu.memref_slice %arg5[%dma_start3A_589, %dma_start3A_593] : memref<32x512xi32, #tpu.memory_space<vmem>> -> memref<1x128xi32, #tpu.memory_space<vmem>>
    %dma_start3A_595 = tpu.memref_squeeze %dma_start3A_594 : memref<1x128xi32, #tpu.memory_space<vmem>> -> memref<128xi32, #tpu.memory_space<vmem>>
    %dma_start3A_596 = arith.constant 0 : i32
    %dma_start3A_597 = arith.constant 0 : i32
    %dma_start3A_598 = tpu.memref_slice %arg3[%dma_start3A_596, %dma_start3A_597] : memref<100000x128xf32, #tpu.memory_space<hbm>> -> memref<100000x128xf32, #tpu.memory_space<hbm>>
    tpu.enqueue_indirect_dma source(%dma_start3A_598 : memref<100000x128xf32, #tpu.memory_space<hbm>>) target(%dma_start3A_592 : memref<128x128xf32, #tpu.memory_space<vmem>>) offsets(%dma_start3A_595 : memref<128xi32, #tpu.memory_space<vmem>>) semaphore(%arg8 : memref<!tpu.dma_semaphore, #tpu.memory_space<semaphore_mem>>) {add = true}
    %dma_start3A_599 = arith.constant 22 : i32
    %dma_start3A_600 = arith.constant 128 : i32
    %dma_start3A_601 = arith.constant 0 : i32
    %dma_start3A_602 = tpu.memref_slice %arg6[%dma_start3A_600, %dma_start3A_601] : memref<512x128xf32, #tpu.memory_space<vmem>> -> memref<128x128xf32, #tpu.memory_space<vmem>>
    %dma_start3A_603 = arith.constant 128 : i32
    %dma_start3A_604 = tpu.memref_slice %arg5[%dma_start3A_599, %dma_start3A_603] : memref<32x512xi32, #tpu.memory_space<vmem>> -> memref<1x128xi32, #tpu.memory_space<vmem>>
    %dma_start3A_605 = tpu.memref_squeeze %dma_start3A_604 : memref<1x128xi32, #tpu.memory_space<vmem>> -> memref<128xi32, #tpu.memory_space<vmem>>
    %dma_start3A_606 = arith.constant 0 : i32
    %dma_start3A_607 = arith.constant 0 : i32
    %dma_start3A_608 = tpu.memref_slice %arg3[%dma_start3A_606, %dma_start3A_607] : memref<100000x128xf32, #tpu.memory_space<hbm>> -> memref<100000x128xf32, #tpu.memory_space<hbm>>
    tpu.enqueue_indirect_dma source(%dma_start3A_608 : memref<100000x128xf32, #tpu.memory_space<hbm>>) target(%dma_start3A_602 : memref<128x128xf32, #tpu.memory_space<vmem>>) offsets(%dma_start3A_605 : memref<128xi32, #tpu.memory_space<vmem>>) semaphore(%arg8 : memref<!tpu.dma_semaphore, #tpu.memory_space<semaphore_mem>>) {add = true}
    %dma_start3A_609 = arith.constant 23 : i32
    %dma_start3A_610 = arith.constant 128 : i32
    %dma_start3A_611 = arith.constant 0 : i32
    %dma_start3A_612 = tpu.memref_slice %arg6[%dma_start3A_610, %dma_start3A_611] : memref<512x128xf32, #tpu.memory_space<vmem>> -> memref<128x128xf32, #tpu.memory_space<vmem>>
    %dma_start3A_613 = arith.constant 128 : i32
    %dma_start3A_614 = tpu.memref_slice %arg5[%dma_start3A_609, %dma_start3A_613] : memref<32x512xi32, #tpu.memory_space<vmem>> -> memref<1x128xi32, #tpu.memory_space<vmem>>
    %dma_start3A_615 = tpu.memref_squeeze %dma_start3A_614 : memref<1x128xi32, #tpu.memory_space<vmem>> -> memref<128xi32, #tpu.memory_space<vmem>>
    %dma_start3A_616 = arith.constant 0 : i32
    %dma_start3A_617 = arith.constant 0 : i32
    %dma_start3A_618 = tpu.memref_slice %arg3[%dma_start3A_616, %dma_start3A_617] : memref<100000x128xf32, #tpu.memory_space<hbm>> -> memref<100000x128xf32, #tpu.memory_space<hbm>>
    tpu.enqueue_indirect_dma source(%dma_start3A_618 : memref<100000x128xf32, #tpu.memory_space<hbm>>) target(%dma_start3A_612 : memref<128x128xf32, #tpu.memory_space<vmem>>) offsets(%dma_start3A_615 : memref<128xi32, #tpu.memory_space<vmem>>) semaphore(%arg8 : memref<!tpu.dma_semaphore, #tpu.memory_space<semaphore_mem>>) {add = true}
    %dma_start3A_619 = arith.constant 24 : i32
    %dma_start3A_620 = arith.constant 128 : i32
    %dma_start3A_621 = arith.constant 0 : i32
    %dma_start3A_622 = tpu.memref_slice %arg6[%dma_start3A_620, %dma_start3A_621] : memref<512x128xf32, #tpu.memory_space<vmem>> -> memref<128x128xf32, #tpu.memory_space<vmem>>
    %dma_start3A_623 = arith.constant 128 : i32
    %dma_start3A_624 = tpu.memref_slice %arg5[%dma_start3A_619, %dma_start3A_623] : memref<32x512xi32, #tpu.memory_space<vmem>> -> memref<1x128xi32, #tpu.memory_space<vmem>>
    %dma_start3A_625 = tpu.memref_squeeze %dma_start3A_624 : memref<1x128xi32, #tpu.memory_space<vmem>> -> memref<128xi32, #tpu.memory_space<vmem>>
    %dma_start3A_626 = arith.constant 0 : i32
    %dma_start3A_627 = arith.constant 0 : i32
    %dma_start3A_628 = tpu.memref_slice %arg3[%dma_start3A_626, %dma_start3A_627] : memref<100000x128xf32, #tpu.memory_space<hbm>> -> memref<100000x128xf32, #tpu.memory_space<hbm>>
    tpu.enqueue_indirect_dma source(%dma_start3A_628 : memref<100000x128xf32, #tpu.memory_space<hbm>>) target(%dma_start3A_622 : memref<128x128xf32, #tpu.memory_space<vmem>>) offsets(%dma_start3A_625 : memref<128xi32, #tpu.memory_space<vmem>>) semaphore(%arg8 : memref<!tpu.dma_semaphore, #tpu.memory_space<semaphore_mem>>) {add = true}
    %dma_start3A_629 = arith.constant 25 : i32
    %dma_start3A_630 = arith.constant 128 : i32
    %dma_start3A_631 = arith.constant 0 : i32
    %dma_start3A_632 = tpu.memref_slice %arg6[%dma_start3A_630, %dma_start3A_631] : memref<512x128xf32, #tpu.memory_space<vmem>> -> memref<128x128xf32, #tpu.memory_space<vmem>>
    %dma_start3A_633 = arith.constant 128 : i32
    %dma_start3A_634 = tpu.memref_slice %arg5[%dma_start3A_629, %dma_start3A_633] : memref<32x512xi32, #tpu.memory_space<vmem>> -> memref<1x128xi32, #tpu.memory_space<vmem>>
    %dma_start3A_635 = tpu.memref_squeeze %dma_start3A_634 : memref<1x128xi32, #tpu.memory_space<vmem>> -> memref<128xi32, #tpu.memory_space<vmem>>
    %dma_start3A_636 = arith.constant 0 : i32
    %dma_start3A_637 = arith.constant 0 : i32
    %dma_start3A_638 = tpu.memref_slice %arg3[%dma_start3A_636, %dma_start3A_637] : memref<100000x128xf32, #tpu.memory_space<hbm>> -> memref<100000x128xf32, #tpu.memory_space<hbm>>
    tpu.enqueue_indirect_dma source(%dma_start3A_638 : memref<100000x128xf32, #tpu.memory_space<hbm>>) target(%dma_start3A_632 : memref<128x128xf32, #tpu.memory_space<vmem>>) offsets(%dma_start3A_635 : memref<128xi32, #tpu.memory_space<vmem>>) semaphore(%arg8 : memref<!tpu.dma_semaphore, #tpu.memory_space<semaphore_mem>>) {add = true}
    %dma_start3A_639 = arith.constant 26 : i32
    %dma_start3A_640 = arith.constant 128 : i32
    %dma_start3A_641 = arith.constant 0 : i32
    %dma_start3A_642 = tpu.memref_slice %arg6[%dma_start3A_640, %dma_start3A_641] : memref<512x128xf32, #tpu.memory_space<vmem>> -> memref<128x128xf32, #tpu.memory_space<vmem>>
    %dma_start3A_643 = arith.constant 128 : i32
    %dma_start3A_644 = tpu.memref_slice %arg5[%dma_start3A_639, %dma_start3A_643] : memref<32x512xi32, #tpu.memory_space<vmem>> -> memref<1x128xi32, #tpu.memory_space<vmem>>
    %dma_start3A_645 = tpu.memref_squeeze %dma_start3A_644 : memref<1x128xi32, #tpu.memory_space<vmem>> -> memref<128xi32, #tpu.memory_space<vmem>>
    %dma_start3A_646 = arith.constant 0 : i32
    %dma_start3A_647 = arith.constant 0 : i32
    %dma_start3A_648 = tpu.memref_slice %arg3[%dma_start3A_646, %dma_start3A_647] : memref<100000x128xf32, #tpu.memory_space<hbm>> -> memref<100000x128xf32, #tpu.memory_space<hbm>>
    tpu.enqueue_indirect_dma source(%dma_start3A_648 : memref<100000x128xf32, #tpu.memory_space<hbm>>) target(%dma_start3A_642 : memref<128x128xf32, #tpu.memory_space<vmem>>) offsets(%dma_start3A_645 : memref<128xi32, #tpu.memory_space<vmem>>) semaphore(%arg8 : memref<!tpu.dma_semaphore, #tpu.memory_space<semaphore_mem>>) {add = true}
    %dma_start3A_649 = arith.constant 27 : i32
    %dma_start3A_650 = arith.constant 128 : i32
    %dma_start3A_651 = arith.constant 0 : i32
    %dma_start3A_652 = tpu.memref_slice %arg6[%dma_start3A_650, %dma_start3A_651] : memref<512x128xf32, #tpu.memory_space<vmem>> -> memref<128x128xf32, #tpu.memory_space<vmem>>
    %dma_start3A_653 = arith.constant 128 : i32
    %dma_start3A_654 = tpu.memref_slice %arg5[%dma_start3A_649, %dma_start3A_653] : memref<32x512xi32, #tpu.memory_space<vmem>> -> memref<1x128xi32, #tpu.memory_space<vmem>>
    %dma_start3A_655 = tpu.memref_squeeze %dma_start3A_654 : memref<1x128xi32, #tpu.memory_space<vmem>> -> memref<128xi32, #tpu.memory_space<vmem>>
    %dma_start3A_656 = arith.constant 0 : i32
    %dma_start3A_657 = arith.constant 0 : i32
    %dma_start3A_658 = tpu.memref_slice %arg3[%dma_start3A_656, %dma_start3A_657] : memref<100000x128xf32, #tpu.memory_space<hbm>> -> memref<100000x128xf32, #tpu.memory_space<hbm>>
    tpu.enqueue_indirect_dma source(%dma_start3A_658 : memref<100000x128xf32, #tpu.memory_space<hbm>>) target(%dma_start3A_652 : memref<128x128xf32, #tpu.memory_space<vmem>>) offsets(%dma_start3A_655 : memref<128xi32, #tpu.memory_space<vmem>>) semaphore(%arg8 : memref<!tpu.dma_semaphore, #tpu.memory_space<semaphore_mem>>) {add = true}
    %dma_start3A_659 = arith.constant 28 : i32
    %dma_start3A_660 = arith.constant 128 : i32
    %dma_start3A_661 = arith.constant 0 : i32
    %dma_start3A_662 = tpu.memref_slice %arg6[%dma_start3A_660, %dma_start3A_661] : memref<512x128xf32, #tpu.memory_space<vmem>> -> memref<128x128xf32, #tpu.memory_space<vmem>>
    %dma_start3A_663 = arith.constant 128 : i32
    %dma_start3A_664 = tpu.memref_slice %arg5[%dma_start3A_659, %dma_start3A_663] : memref<32x512xi32, #tpu.memory_space<vmem>> -> memref<1x128xi32, #tpu.memory_space<vmem>>
    %dma_start3A_665 = tpu.memref_squeeze %dma_start3A_664 : memref<1x128xi32, #tpu.memory_space<vmem>> -> memref<128xi32, #tpu.memory_space<vmem>>
    %dma_start3A_666 = arith.constant 0 : i32
    %dma_start3A_667 = arith.constant 0 : i32
    %dma_start3A_668 = tpu.memref_slice %arg3[%dma_start3A_666, %dma_start3A_667] : memref<100000x128xf32, #tpu.memory_space<hbm>> -> memref<100000x128xf32, #tpu.memory_space<hbm>>
    tpu.enqueue_indirect_dma source(%dma_start3A_668 : memref<100000x128xf32, #tpu.memory_space<hbm>>) target(%dma_start3A_662 : memref<128x128xf32, #tpu.memory_space<vmem>>) offsets(%dma_start3A_665 : memref<128xi32, #tpu.memory_space<vmem>>) semaphore(%arg8 : memref<!tpu.dma_semaphore, #tpu.memory_space<semaphore_mem>>) {add = true}
    %dma_start3A_669 = arith.constant 29 : i32
    %dma_start3A_670 = arith.constant 128 : i32
    %dma_start3A_671 = arith.constant 0 : i32
    %dma_start3A_672 = tpu.memref_slice %arg6[%dma_start3A_670, %dma_start3A_671] : memref<512x128xf32, #tpu.memory_space<vmem>> -> memref<128x128xf32, #tpu.memory_space<vmem>>
    %dma_start3A_673 = arith.constant 128 : i32
    %dma_start3A_674 = tpu.memref_slice %arg5[%dma_start3A_669, %dma_start3A_673] : memref<32x512xi32, #tpu.memory_space<vmem>> -> memref<1x128xi32, #tpu.memory_space<vmem>>
    %dma_start3A_675 = tpu.memref_squeeze %dma_start3A_674 : memref<1x128xi32, #tpu.memory_space<vmem>> -> memref<128xi32, #tpu.memory_space<vmem>>
    %dma_start3A_676 = arith.constant 0 : i32
    %dma_start3A_677 = arith.constant 0 : i32
    %dma_start3A_678 = tpu.memref_slice %arg3[%dma_start3A_676, %dma_start3A_677] : memref<100000x128xf32, #tpu.memory_space<hbm>> -> memref<100000x128xf32, #tpu.memory_space<hbm>>
    tpu.enqueue_indirect_dma source(%dma_start3A_678 : memref<100000x128xf32, #tpu.memory_space<hbm>>) target(%dma_start3A_672 : memref<128x128xf32, #tpu.memory_space<vmem>>) offsets(%dma_start3A_675 : memref<128xi32, #tpu.memory_space<vmem>>) semaphore(%arg8 : memref<!tpu.dma_semaphore, #tpu.memory_space<semaphore_mem>>) {add = true}
    %dma_start3A_679 = arith.constant 30 : i32
    %dma_start3A_680 = arith.constant 128 : i32
    %dma_start3A_681 = arith.constant 0 : i32
    %dma_start3A_682 = tpu.memref_slice %arg6[%dma_start3A_680, %dma_start3A_681] : memref<512x128xf32, #tpu.memory_space<vmem>> -> memref<128x128xf32, #tpu.memory_space<vmem>>
    %dma_start3A_683 = arith.constant 128 : i32
    %dma_start3A_684 = tpu.memref_slice %arg5[%dma_start3A_679, %dma_start3A_683] : memref<32x512xi32, #tpu.memory_space<vmem>> -> memref<1x128xi32, #tpu.memory_space<vmem>>
    %dma_start3A_685 = tpu.memref_squeeze %dma_start3A_684 : memref<1x128xi32, #tpu.memory_space<vmem>> -> memref<128xi32, #tpu.memory_space<vmem>>
    %dma_start3A_686 = arith.constant 0 : i32
    %dma_start3A_687 = arith.constant 0 : i32
    %dma_start3A_688 = tpu.memref_slice %arg3[%dma_start3A_686, %dma_start3A_687] : memref<100000x128xf32, #tpu.memory_space<hbm>> -> memref<100000x128xf32, #tpu.memory_space<hbm>>
    tpu.enqueue_indirect_dma source(%dma_start3A_688 : memref<100000x128xf32, #tpu.memory_space<hbm>>) target(%dma_start3A_682 : memref<128x128xf32, #tpu.memory_space<vmem>>) offsets(%dma_start3A_685 : memref<128xi32, #tpu.memory_space<vmem>>) semaphore(%arg8 : memref<!tpu.dma_semaphore, #tpu.memory_space<semaphore_mem>>) {add = true}
    %dma_start3A_689 = arith.constant 31 : i32
    %dma_start3A_690 = arith.constant 128 : i32
    %dma_start3A_691 = arith.constant 0 : i32
    %dma_start3A_692 = tpu.memref_slice %arg6[%dma_start3A_690, %dma_start3A_691] : memref<512x128xf32, #tpu.memory_space<vmem>> -> memref<128x128xf32, #tpu.memory_space<vmem>>
    %dma_start3A_693 = arith.constant 128 : i32
    %dma_start3A_694 = tpu.memref_slice %arg5[%dma_start3A_689, %dma_start3A_693] : memref<32x512xi32, #tpu.memory_space<vmem>> -> memref<1x128xi32, #tpu.memory_space<vmem>>
    %dma_start3A_695 = tpu.memref_squeeze %dma_start3A_694 : memref<1x128xi32, #tpu.memory_space<vmem>> -> memref<128xi32, #tpu.memory_space<vmem>>
    %dma_start3A_696 = arith.constant 0 : i32
    %dma_start3A_697 = arith.constant 0 : i32
    %dma_start3A_698 = tpu.memref_slice %arg3[%dma_start3A_696, %dma_start3A_697] : memref<100000x128xf32, #tpu.memory_space<hbm>> -> memref<100000x128xf32, #tpu.memory_space<hbm>>
    tpu.enqueue_indirect_dma source(%dma_start3A_698 : memref<100000x128xf32, #tpu.memory_space<hbm>>) target(%dma_start3A_692 : memref<128x128xf32, #tpu.memory_space<vmem>>) offsets(%dma_start3A_695 : memref<128xi32, #tpu.memory_space<vmem>>) semaphore(%arg8 : memref<!tpu.dma_semaphore, #tpu.memory_space<semaphore_mem>>) {add = true}
    %dma_start3A_699 = arith.constant 1 : i32
    %dma_start3A_700 = arith.constant 256 : i32
    %dma_start3A_701 = arith.constant 0 : i32
    %dma_start3A_702 = tpu.memref_slice %arg6[%dma_start3A_700, %dma_start3A_701] : memref<512x128xf32, #tpu.memory_space<vmem>> -> memref<128x128xf32, #tpu.memory_space<vmem>>
    %dma_start3A_703 = arith.constant 256 : i32
    %dma_start3A_704 = tpu.memref_slice %arg5[%dma_start3A_699, %dma_start3A_703] : memref<32x512xi32, #tpu.memory_space<vmem>> -> memref<1x128xi32, #tpu.memory_space<vmem>>
    %dma_start3A_705 = tpu.memref_squeeze %dma_start3A_704 : memref<1x128xi32, #tpu.memory_space<vmem>> -> memref<128xi32, #tpu.memory_space<vmem>>
    %dma_start3A_706 = arith.constant 0 : i32
    %dma_start3A_707 = arith.constant 0 : i32
    %dma_start3A_708 = tpu.memref_slice %arg3[%dma_start3A_706, %dma_start3A_707] : memref<100000x128xf32, #tpu.memory_space<hbm>> -> memref<100000x128xf32, #tpu.memory_space<hbm>>
    tpu.enqueue_indirect_dma source(%dma_start3A_708 : memref<100000x128xf32, #tpu.memory_space<hbm>>) target(%dma_start3A_702 : memref<128x128xf32, #tpu.memory_space<vmem>>) offsets(%dma_start3A_705 : memref<128xi32, #tpu.memory_space<vmem>>) semaphore(%arg8 : memref<!tpu.dma_semaphore, #tpu.memory_space<semaphore_mem>>) {add = true}
    %dma_start3A_709 = arith.constant 2 : i32
    %dma_start3A_710 = arith.constant 256 : i32
    %dma_start3A_711 = arith.constant 0 : i32
    %dma_start3A_712 = tpu.memref_slice %arg6[%dma_start3A_710, %dma_start3A_711] : memref<512x128xf32, #tpu.memory_space<vmem>> -> memref<128x128xf32, #tpu.memory_space<vmem>>
    %dma_start3A_713 = arith.constant 256 : i32
    %dma_start3A_714 = tpu.memref_slice %arg5[%dma_start3A_709, %dma_start3A_713] : memref<32x512xi32, #tpu.memory_space<vmem>> -> memref<1x128xi32, #tpu.memory_space<vmem>>
    %dma_start3A_715 = tpu.memref_squeeze %dma_start3A_714 : memref<1x128xi32, #tpu.memory_space<vmem>> -> memref<128xi32, #tpu.memory_space<vmem>>
    %dma_start3A_716 = arith.constant 0 : i32
    %dma_start3A_717 = arith.constant 0 : i32
    %dma_start3A_718 = tpu.memref_slice %arg3[%dma_start3A_716, %dma_start3A_717] : memref<100000x128xf32, #tpu.memory_space<hbm>> -> memref<100000x128xf32, #tpu.memory_space<hbm>>
    tpu.enqueue_indirect_dma source(%dma_start3A_718 : memref<100000x128xf32, #tpu.memory_space<hbm>>) target(%dma_start3A_712 : memref<128x128xf32, #tpu.memory_space<vmem>>) offsets(%dma_start3A_715 : memref<128xi32, #tpu.memory_space<vmem>>) semaphore(%arg8 : memref<!tpu.dma_semaphore, #tpu.memory_space<semaphore_mem>>) {add = true}
    %dma_start3A_719 = arith.constant 3 : i32
    %dma_start3A_720 = arith.constant 256 : i32
    %dma_start3A_721 = arith.constant 0 : i32
    %dma_start3A_722 = tpu.memref_slice %arg6[%dma_start3A_720, %dma_start3A_721] : memref<512x128xf32, #tpu.memory_space<vmem>> -> memref<128x128xf32, #tpu.memory_space<vmem>>
    %dma_start3A_723 = arith.constant 256 : i32
    %dma_start3A_724 = tpu.memref_slice %arg5[%dma_start3A_719, %dma_start3A_723] : memref<32x512xi32, #tpu.memory_space<vmem>> -> memref<1x128xi32, #tpu.memory_space<vmem>>
    %dma_start3A_725 = tpu.memref_squeeze %dma_start3A_724 : memref<1x128xi32, #tpu.memory_space<vmem>> -> memref<128xi32, #tpu.memory_space<vmem>>
    %dma_start3A_726 = arith.constant 0 : i32
    %dma_start3A_727 = arith.constant 0 : i32
    %dma_start3A_728 = tpu.memref_slice %arg3[%dma_start3A_726, %dma_start3A_727] : memref<100000x128xf32, #tpu.memory_space<hbm>> -> memref<100000x128xf32, #tpu.memory_space<hbm>>
    tpu.enqueue_indirect_dma source(%dma_start3A_728 : memref<100000x128xf32, #tpu.memory_space<hbm>>) target(%dma_start3A_722 : memref<128x128xf32, #tpu.memory_space<vmem>>) offsets(%dma_start3A_725 : memref<128xi32, #tpu.memory_space<vmem>>) semaphore(%arg8 : memref<!tpu.dma_semaphore, #tpu.memory_space<semaphore_mem>>) {add = true}
    %dma_start3A_729 = arith.constant 4 : i32
    %dma_start3A_730 = arith.constant 256 : i32
    %dma_start3A_731 = arith.constant 0 : i32
    %dma_start3A_732 = tpu.memref_slice %arg6[%dma_start3A_730, %dma_start3A_731] : memref<512x128xf32, #tpu.memory_space<vmem>> -> memref<128x128xf32, #tpu.memory_space<vmem>>
    %dma_start3A_733 = arith.constant 256 : i32
    %dma_start3A_734 = tpu.memref_slice %arg5[%dma_start3A_729, %dma_start3A_733] : memref<32x512xi32, #tpu.memory_space<vmem>> -> memref<1x128xi32, #tpu.memory_space<vmem>>
    %dma_start3A_735 = tpu.memref_squeeze %dma_start3A_734 : memref<1x128xi32, #tpu.memory_space<vmem>> -> memref<128xi32, #tpu.memory_space<vmem>>
    %dma_start3A_736 = arith.constant 0 : i32
    %dma_start3A_737 = arith.constant 0 : i32
    %dma_start3A_738 = tpu.memref_slice %arg3[%dma_start3A_736, %dma_start3A_737] : memref<100000x128xf32, #tpu.memory_space<hbm>> -> memref<100000x128xf32, #tpu.memory_space<hbm>>
    tpu.enqueue_indirect_dma source(%dma_start3A_738 : memref<100000x128xf32, #tpu.memory_space<hbm>>) target(%dma_start3A_732 : memref<128x128xf32, #tpu.memory_space<vmem>>) offsets(%dma_start3A_735 : memref<128xi32, #tpu.memory_space<vmem>>) semaphore(%arg8 : memref<!tpu.dma_semaphore, #tpu.memory_space<semaphore_mem>>) {add = true}
    %dma_start3A_739 = arith.constant 5 : i32
    %dma_start3A_740 = arith.constant 256 : i32
    %dma_start3A_741 = arith.constant 0 : i32
    %dma_start3A_742 = tpu.memref_slice %arg6[%dma_start3A_740, %dma_start3A_741] : memref<512x128xf32, #tpu.memory_space<vmem>> -> memref<128x128xf32, #tpu.memory_space<vmem>>
    %dma_start3A_743 = arith.constant 256 : i32
    %dma_start3A_744 = tpu.memref_slice %arg5[%dma_start3A_739, %dma_start3A_743] : memref<32x512xi32, #tpu.memory_space<vmem>> -> memref<1x128xi32, #tpu.memory_space<vmem>>
    %dma_start3A_745 = tpu.memref_squeeze %dma_start3A_744 : memref<1x128xi32, #tpu.memory_space<vmem>> -> memref<128xi32, #tpu.memory_space<vmem>>
    %dma_start3A_746 = arith.constant 0 : i32
    %dma_start3A_747 = arith.constant 0 : i32
    %dma_start3A_748 = tpu.memref_slice %arg3[%dma_start3A_746, %dma_start3A_747] : memref<100000x128xf32, #tpu.memory_space<hbm>> -> memref<100000x128xf32, #tpu.memory_space<hbm>>
    tpu.enqueue_indirect_dma source(%dma_start3A_748 : memref<100000x128xf32, #tpu.memory_space<hbm>>) target(%dma_start3A_742 : memref<128x128xf32, #tpu.memory_space<vmem>>) offsets(%dma_start3A_745 : memref<128xi32, #tpu.memory_space<vmem>>) semaphore(%arg8 : memref<!tpu.dma_semaphore, #tpu.memory_space<semaphore_mem>>) {add = true}
    %dma_start3A_749 = arith.constant 6 : i32
    %dma_start3A_750 = arith.constant 256 : i32
    %dma_start3A_751 = arith.constant 0 : i32
    %dma_start3A_752 = tpu.memref_slice %arg6[%dma_start3A_750, %dma_start3A_751] : memref<512x128xf32, #tpu.memory_space<vmem>> -> memref<128x128xf32, #tpu.memory_space<vmem>>
    %dma_start3A_753 = arith.constant 256 : i32
    %dma_start3A_754 = tpu.memref_slice %arg5[%dma_start3A_749, %dma_start3A_753] : memref<32x512xi32, #tpu.memory_space<vmem>> -> memref<1x128xi32, #tpu.memory_space<vmem>>
    %dma_start3A_755 = tpu.memref_squeeze %dma_start3A_754 : memref<1x128xi32, #tpu.memory_space<vmem>> -> memref<128xi32, #tpu.memory_space<vmem>>
    %dma_start3A_756 = arith.constant 0 : i32
    %dma_start3A_757 = arith.constant 0 : i32
    %dma_start3A_758 = tpu.memref_slice %arg3[%dma_start3A_756, %dma_start3A_757] : memref<100000x128xf32, #tpu.memory_space<hbm>> -> memref<100000x128xf32, #tpu.memory_space<hbm>>
    tpu.enqueue_indirect_dma source(%dma_start3A_758 : memref<100000x128xf32, #tpu.memory_space<hbm>>) target(%dma_start3A_752 : memref<128x128xf32, #tpu.memory_space<vmem>>) offsets(%dma_start3A_755 : memref<128xi32, #tpu.memory_space<vmem>>) semaphore(%arg8 : memref<!tpu.dma_semaphore, #tpu.memory_space<semaphore_mem>>) {add = true}
    %dma_start3A_759 = arith.constant 7 : i32
    %dma_start3A_760 = arith.constant 256 : i32
    %dma_start3A_761 = arith.constant 0 : i32
    %dma_start3A_762 = tpu.memref_slice %arg6[%dma_start3A_760, %dma_start3A_761] : memref<512x128xf32, #tpu.memory_space<vmem>> -> memref<128x128xf32, #tpu.memory_space<vmem>>
    %dma_start3A_763 = arith.constant 256 : i32
    %dma_start3A_764 = tpu.memref_slice %arg5[%dma_start3A_759, %dma_start3A_763] : memref<32x512xi32, #tpu.memory_space<vmem>> -> memref<1x128xi32, #tpu.memory_space<vmem>>
    %dma_start3A_765 = tpu.memref_squeeze %dma_start3A_764 : memref<1x128xi32, #tpu.memory_space<vmem>> -> memref<128xi32, #tpu.memory_space<vmem>>
    %dma_start3A_766 = arith.constant 0 : i32
    %dma_start3A_767 = arith.constant 0 : i32
    %dma_start3A_768 = tpu.memref_slice %arg3[%dma_start3A_766, %dma_start3A_767] : memref<100000x128xf32, #tpu.memory_space<hbm>> -> memref<100000x128xf32, #tpu.memory_space<hbm>>
    tpu.enqueue_indirect_dma source(%dma_start3A_768 : memref<100000x128xf32, #tpu.memory_space<hbm>>) target(%dma_start3A_762 : memref<128x128xf32, #tpu.memory_space<vmem>>) offsets(%dma_start3A_765 : memref<128xi32, #tpu.memory_space<vmem>>) semaphore(%arg8 : memref<!tpu.dma_semaphore, #tpu.memory_space<semaphore_mem>>) {add = true}
    %dma_start3A_769 = arith.constant 8 : i32
    %dma_start3A_770 = arith.constant 256 : i32
    %dma_start3A_771 = arith.constant 0 : i32
    %dma_start3A_772 = tpu.memref_slice %arg6[%dma_start3A_770, %dma_start3A_771] : memref<512x128xf32, #tpu.memory_space<vmem>> -> memref<128x128xf32, #tpu.memory_space<vmem>>
    %dma_start3A_773 = arith.constant 256 : i32
    %dma_start3A_774 = tpu.memref_slice %arg5[%dma_start3A_769, %dma_start3A_773] : memref<32x512xi32, #tpu.memory_space<vmem>> -> memref<1x128xi32, #tpu.memory_space<vmem>>
    %dma_start3A_775 = tpu.memref_squeeze %dma_start3A_774 : memref<1x128xi32, #tpu.memory_space<vmem>> -> memref<128xi32, #tpu.memory_space<vmem>>
    %dma_start3A_776 = arith.constant 0 : i32
    %dma_start3A_777 = arith.constant 0 : i32
    %dma_start3A_778 = tpu.memref_slice %arg3[%dma_start3A_776, %dma_start3A_777] : memref<100000x128xf32, #tpu.memory_space<hbm>> -> memref<100000x128xf32, #tpu.memory_space<hbm>>
    tpu.enqueue_indirect_dma source(%dma_start3A_778 : memref<100000x128xf32, #tpu.memory_space<hbm>>) target(%dma_start3A_772 : memref<128x128xf32, #tpu.memory_space<vmem>>) offsets(%dma_start3A_775 : memref<128xi32, #tpu.memory_space<vmem>>) semaphore(%arg8 : memref<!tpu.dma_semaphore, #tpu.memory_space<semaphore_mem>>) {add = true}
    %dma_start3A_779 = arith.constant 9 : i32
    %dma_start3A_780 = arith.constant 256 : i32
    %dma_start3A_781 = arith.constant 0 : i32
    %dma_start3A_782 = tpu.memref_slice %arg6[%dma_start3A_780, %dma_start3A_781] : memref<512x128xf32, #tpu.memory_space<vmem>> -> memref<128x128xf32, #tpu.memory_space<vmem>>
    %dma_start3A_783 = arith.constant 256 : i32
    %dma_start3A_784 = tpu.memref_slice %arg5[%dma_start3A_779, %dma_start3A_783] : memref<32x512xi32, #tpu.memory_space<vmem>> -> memref<1x128xi32, #tpu.memory_space<vmem>>
    %dma_start3A_785 = tpu.memref_squeeze %dma_start3A_784 : memref<1x128xi32, #tpu.memory_space<vmem>> -> memref<128xi32, #tpu.memory_space<vmem>>
    %dma_start3A_786 = arith.constant 0 : i32
    %dma_start3A_787 = arith.constant 0 : i32
    %dma_start3A_788 = tpu.memref_slice %arg3[%dma_start3A_786, %dma_start3A_787] : memref<100000x128xf32, #tpu.memory_space<hbm>> -> memref<100000x128xf32, #tpu.memory_space<hbm>>
    tpu.enqueue_indirect_dma source(%dma_start3A_788 : memref<100000x128xf32, #tpu.memory_space<hbm>>) target(%dma_start3A_782 : memref<128x128xf32, #tpu.memory_space<vmem>>) offsets(%dma_start3A_785 : memref<128xi32, #tpu.memory_space<vmem>>) semaphore(%arg8 : memref<!tpu.dma_semaphore, #tpu.memory_space<semaphore_mem>>) {add = true}
    %dma_start3A_789 = arith.constant 10 : i32
    %dma_start3A_790 = arith.constant 256 : i32
    %dma_start3A_791 = arith.constant 0 : i32
    %dma_start3A_792 = tpu.memref_slice %arg6[%dma_start3A_790, %dma_start3A_791] : memref<512x128xf32, #tpu.memory_space<vmem>> -> memref<128x128xf32, #tpu.memory_space<vmem>>
    %dma_start3A_793 = arith.constant 256 : i32
    %dma_start3A_794 = tpu.memref_slice %arg5[%dma_start3A_789, %dma_start3A_793] : memref<32x512xi32, #tpu.memory_space<vmem>> -> memref<1x128xi32, #tpu.memory_space<vmem>>
    %dma_start3A_795 = tpu.memref_squeeze %dma_start3A_794 : memref<1x128xi32, #tpu.memory_space<vmem>> -> memref<128xi32, #tpu.memory_space<vmem>>
    %dma_start3A_796 = arith.constant 0 : i32
    %dma_start3A_797 = arith.constant 0 : i32
    %dma_start3A_798 = tpu.memref_slice %arg3[%dma_start3A_796, %dma_start3A_797] : memref<100000x128xf32, #tpu.memory_space<hbm>> -> memref<100000x128xf32, #tpu.memory_space<hbm>>
    tpu.enqueue_indirect_dma source(%dma_start3A_798 : memref<100000x128xf32, #tpu.memory_space<hbm>>) target(%dma_start3A_792 : memref<128x128xf32, #tpu.memory_space<vmem>>) offsets(%dma_start3A_795 : memref<128xi32, #tpu.memory_space<vmem>>) semaphore(%arg8 : memref<!tpu.dma_semaphore, #tpu.memory_space<semaphore_mem>>) {add = true}
    %dma_start3A_799 = arith.constant 11 : i32
    %dma_start3A_800 = arith.constant 256 : i32
    %dma_start3A_801 = arith.constant 0 : i32
    %dma_start3A_802 = tpu.memref_slice %arg6[%dma_start3A_800, %dma_start3A_801] : memref<512x128xf32, #tpu.memory_space<vmem>> -> memref<128x128xf32, #tpu.memory_space<vmem>>
    %dma_start3A_803 = arith.constant 256 : i32
    %dma_start3A_804 = tpu.memref_slice %arg5[%dma_start3A_799, %dma_start3A_803] : memref<32x512xi32, #tpu.memory_space<vmem>> -> memref<1x128xi32, #tpu.memory_space<vmem>>
    %dma_start3A_805 = tpu.memref_squeeze %dma_start3A_804 : memref<1x128xi32, #tpu.memory_space<vmem>> -> memref<128xi32, #tpu.memory_space<vmem>>
    %dma_start3A_806 = arith.constant 0 : i32
    %dma_start3A_807 = arith.constant 0 : i32
    %dma_start3A_808 = tpu.memref_slice %arg3[%dma_start3A_806, %dma_start3A_807] : memref<100000x128xf32, #tpu.memory_space<hbm>> -> memref<100000x128xf32, #tpu.memory_space<hbm>>
    tpu.enqueue_indirect_dma source(%dma_start3A_808 : memref<100000x128xf32, #tpu.memory_space<hbm>>) target(%dma_start3A_802 : memref<128x128xf32, #tpu.memory_space<vmem>>) offsets(%dma_start3A_805 : memref<128xi32, #tpu.memory_space<vmem>>) semaphore(%arg8 : memref<!tpu.dma_semaphore, #tpu.memory_space<semaphore_mem>>) {add = true}
    %dma_start3A_809 = arith.constant 12 : i32
    %dma_start3A_810 = arith.constant 256 : i32
    %dma_start3A_811 = arith.constant 0 : i32
    %dma_start3A_812 = tpu.memref_slice %arg6[%dma_start3A_810, %dma_start3A_811] : memref<512x128xf32, #tpu.memory_space<vmem>> -> memref<128x128xf32, #tpu.memory_space<vmem>>
    %dma_start3A_813 = arith.constant 256 : i32
    %dma_start3A_814 = tpu.memref_slice %arg5[%dma_start3A_809, %dma_start3A_813] : memref<32x512xi32, #tpu.memory_space<vmem>> -> memref<1x128xi32, #tpu.memory_space<vmem>>
    %dma_start3A_815 = tpu.memref_squeeze %dma_start3A_814 : memref<1x128xi32, #tpu.memory_space<vmem>> -> memref<128xi32, #tpu.memory_space<vmem>>
    %dma_start3A_816 = arith.constant 0 : i32
    %dma_start3A_817 = arith.constant 0 : i32
    %dma_start3A_818 = tpu.memref_slice %arg3[%dma_start3A_816, %dma_start3A_817] : memref<100000x128xf32, #tpu.memory_space<hbm>> -> memref<100000x128xf32, #tpu.memory_space<hbm>>
    tpu.enqueue_indirect_dma source(%dma_start3A_818 : memref<100000x128xf32, #tpu.memory_space<hbm>>) target(%dma_start3A_812 : memref<128x128xf32, #tpu.memory_space<vmem>>) offsets(%dma_start3A_815 : memref<128xi32, #tpu.memory_space<vmem>>) semaphore(%arg8 : memref<!tpu.dma_semaphore, #tpu.memory_space<semaphore_mem>>) {add = true}
    %dma_start3A_819 = arith.constant 13 : i32
    %dma_start3A_820 = arith.constant 256 : i32
    %dma_start3A_821 = arith.constant 0 : i32
    %dma_start3A_822 = tpu.memref_slice %arg6[%dma_start3A_820, %dma_start3A_821] : memref<512x128xf32, #tpu.memory_space<vmem>> -> memref<128x128xf32, #tpu.memory_space<vmem>>
    %dma_start3A_823 = arith.constant 256 : i32
    %dma_start3A_824 = tpu.memref_slice %arg5[%dma_start3A_819, %dma_start3A_823] : memref<32x512xi32, #tpu.memory_space<vmem>> -> memref<1x128xi32, #tpu.memory_space<vmem>>
    %dma_start3A_825 = tpu.memref_squeeze %dma_start3A_824 : memref<1x128xi32, #tpu.memory_space<vmem>> -> memref<128xi32, #tpu.memory_space<vmem>>
    %dma_start3A_826 = arith.constant 0 : i32
    %dma_start3A_827 = arith.constant 0 : i32
    %dma_start3A_828 = tpu.memref_slice %arg3[%dma_start3A_826, %dma_start3A_827] : memref<100000x128xf32, #tpu.memory_space<hbm>> -> memref<100000x128xf32, #tpu.memory_space<hbm>>
    tpu.enqueue_indirect_dma source(%dma_start3A_828 : memref<100000x128xf32, #tpu.memory_space<hbm>>) target(%dma_start3A_822 : memref<128x128xf32, #tpu.memory_space<vmem>>) offsets(%dma_start3A_825 : memref<128xi32, #tpu.memory_space<vmem>>) semaphore(%arg8 : memref<!tpu.dma_semaphore, #tpu.memory_space<semaphore_mem>>) {add = true}
    %dma_start3A_829 = arith.constant 14 : i32
    %dma_start3A_830 = arith.constant 256 : i32
    %dma_start3A_831 = arith.constant 0 : i32
    %dma_start3A_832 = tpu.memref_slice %arg6[%dma_start3A_830, %dma_start3A_831] : memref<512x128xf32, #tpu.memory_space<vmem>> -> memref<128x128xf32, #tpu.memory_space<vmem>>
    %dma_start3A_833 = arith.constant 256 : i32
    %dma_start3A_834 = tpu.memref_slice %arg5[%dma_start3A_829, %dma_start3A_833] : memref<32x512xi32, #tpu.memory_space<vmem>> -> memref<1x128xi32, #tpu.memory_space<vmem>>
    %dma_start3A_835 = tpu.memref_squeeze %dma_start3A_834 : memref<1x128xi32, #tpu.memory_space<vmem>> -> memref<128xi32, #tpu.memory_space<vmem>>
    %dma_start3A_836 = arith.constant 0 : i32
    %dma_start3A_837 = arith.constant 0 : i32
    %dma_start3A_838 = tpu.memref_slice %arg3[%dma_start3A_836, %dma_start3A_837] : memref<100000x128xf32, #tpu.memory_space<hbm>> -> memref<100000x128xf32, #tpu.memory_space<hbm>>
    tpu.enqueue_indirect_dma source(%dma_start3A_838 : memref<100000x128xf32, #tpu.memory_space<hbm>>) target(%dma_start3A_832 : memref<128x128xf32, #tpu.memory_space<vmem>>) offsets(%dma_start3A_835 : memref<128xi32, #tpu.memory_space<vmem>>) semaphore(%arg8 : memref<!tpu.dma_semaphore, #tpu.memory_space<semaphore_mem>>) {add = true}
    %dma_start3A_839 = arith.constant 15 : i32
    %dma_start3A_840 = arith.constant 256 : i32
    %dma_start3A_841 = arith.constant 0 : i32
    %dma_start3A_842 = tpu.memref_slice %arg6[%dma_start3A_840, %dma_start3A_841] : memref<512x128xf32, #tpu.memory_space<vmem>> -> memref<128x128xf32, #tpu.memory_space<vmem>>
    %dma_start3A_843 = arith.constant 256 : i32
    %dma_start3A_844 = tpu.memref_slice %arg5[%dma_start3A_839, %dma_start3A_843] : memref<32x512xi32, #tpu.memory_space<vmem>> -> memref<1x128xi32, #tpu.memory_space<vmem>>
    %dma_start3A_845 = tpu.memref_squeeze %dma_start3A_844 : memref<1x128xi32, #tpu.memory_space<vmem>> -> memref<128xi32, #tpu.memory_space<vmem>>
    %dma_start3A_846 = arith.constant 0 : i32
    %dma_start3A_847 = arith.constant 0 : i32
    %dma_start3A_848 = tpu.memref_slice %arg3[%dma_start3A_846, %dma_start3A_847] : memref<100000x128xf32, #tpu.memory_space<hbm>> -> memref<100000x128xf32, #tpu.memory_space<hbm>>
    tpu.enqueue_indirect_dma source(%dma_start3A_848 : memref<100000x128xf32, #tpu.memory_space<hbm>>) target(%dma_start3A_842 : memref<128x128xf32, #tpu.memory_space<vmem>>) offsets(%dma_start3A_845 : memref<128xi32, #tpu.memory_space<vmem>>) semaphore(%arg8 : memref<!tpu.dma_semaphore, #tpu.memory_space<semaphore_mem>>) {add = true}
    %dma_start3A_849 = arith.constant 16 : i32
    %dma_start3A_850 = arith.constant 256 : i32
    %dma_start3A_851 = arith.constant 0 : i32
    %dma_start3A_852 = tpu.memref_slice %arg6[%dma_start3A_850, %dma_start3A_851] : memref<512x128xf32, #tpu.memory_space<vmem>> -> memref<128x128xf32, #tpu.memory_space<vmem>>
    %dma_start3A_853 = arith.constant 256 : i32
    %dma_start3A_854 = tpu.memref_slice %arg5[%dma_start3A_849, %dma_start3A_853] : memref<32x512xi32, #tpu.memory_space<vmem>> -> memref<1x128xi32, #tpu.memory_space<vmem>>
    %dma_start3A_855 = tpu.memref_squeeze %dma_start3A_854 : memref<1x128xi32, #tpu.memory_space<vmem>> -> memref<128xi32, #tpu.memory_space<vmem>>
    %dma_start3A_856 = arith.constant 0 : i32
    %dma_start3A_857 = arith.constant 0 : i32
    %dma_start3A_858 = tpu.memref_slice %arg3[%dma_start3A_856, %dma_start3A_857] : memref<100000x128xf32, #tpu.memory_space<hbm>> -> memref<100000x128xf32, #tpu.memory_space<hbm>>
    tpu.enqueue_indirect_dma source(%dma_start3A_858 : memref<100000x128xf32, #tpu.memory_space<hbm>>) target(%dma_start3A_852 : memref<128x128xf32, #tpu.memory_space<vmem>>) offsets(%dma_start3A_855 : memref<128xi32, #tpu.memory_space<vmem>>) semaphore(%arg8 : memref<!tpu.dma_semaphore, #tpu.memory_space<semaphore_mem>>) {add = true}
    %dma_start3A_859 = arith.constant 17 : i32
    %dma_start3A_860 = arith.constant 256 : i32
    %dma_start3A_861 = arith.constant 0 : i32
    %dma_start3A_862 = tpu.memref_slice %arg6[%dma_start3A_860, %dma_start3A_861] : memref<512x128xf32, #tpu.memory_space<vmem>> -> memref<128x128xf32, #tpu.memory_space<vmem>>
    %dma_start3A_863 = arith.constant 256 : i32
    %dma_start3A_864 = tpu.memref_slice %arg5[%dma_start3A_859, %dma_start3A_863] : memref<32x512xi32, #tpu.memory_space<vmem>> -> memref<1x128xi32, #tpu.memory_space<vmem>>
    %dma_start3A_865 = tpu.memref_squeeze %dma_start3A_864 : memref<1x128xi32, #tpu.memory_space<vmem>> -> memref<128xi32, #tpu.memory_space<vmem>>
    %dma_start3A_866 = arith.constant 0 : i32
    %dma_start3A_867 = arith.constant 0 : i32
    %dma_start3A_868 = tpu.memref_slice %arg3[%dma_start3A_866, %dma_start3A_867] : memref<100000x128xf32, #tpu.memory_space<hbm>> -> memref<100000x128xf32, #tpu.memory_space<hbm>>
    tpu.enqueue_indirect_dma source(%dma_start3A_868 : memref<100000x128xf32, #tpu.memory_space<hbm>>) target(%dma_start3A_862 : memref<128x128xf32, #tpu.memory_space<vmem>>) offsets(%dma_start3A_865 : memref<128xi32, #tpu.memory_space<vmem>>) semaphore(%arg8 : memref<!tpu.dma_semaphore, #tpu.memory_space<semaphore_mem>>) {add = true}
    %dma_start3A_869 = arith.constant 18 : i32
    %dma_start3A_870 = arith.constant 256 : i32
    %dma_start3A_871 = arith.constant 0 : i32
    %dma_start3A_872 = tpu.memref_slice %arg6[%dma_start3A_870, %dma_start3A_871] : memref<512x128xf32, #tpu.memory_space<vmem>> -> memref<128x128xf32, #tpu.memory_space<vmem>>
    %dma_start3A_873 = arith.constant 256 : i32
    %dma_start3A_874 = tpu.memref_slice %arg5[%dma_start3A_869, %dma_start3A_873] : memref<32x512xi32, #tpu.memory_space<vmem>> -> memref<1x128xi32, #tpu.memory_space<vmem>>
    %dma_start3A_875 = tpu.memref_squeeze %dma_start3A_874 : memref<1x128xi32, #tpu.memory_space<vmem>> -> memref<128xi32, #tpu.memory_space<vmem>>
    %dma_start3A_876 = arith.constant 0 : i32
    %dma_start3A_877 = arith.constant 0 : i32
    %dma_start3A_878 = tpu.memref_slice %arg3[%dma_start3A_876, %dma_start3A_877] : memref<100000x128xf32, #tpu.memory_space<hbm>> -> memref<100000x128xf32, #tpu.memory_space<hbm>>
    tpu.enqueue_indirect_dma source(%dma_start3A_878 : memref<100000x128xf32, #tpu.memory_space<hbm>>) target(%dma_start3A_872 : memref<128x128xf32, #tpu.memory_space<vmem>>) offsets(%dma_start3A_875 : memref<128xi32, #tpu.memory_space<vmem>>) semaphore(%arg8 : memref<!tpu.dma_semaphore, #tpu.memory_space<semaphore_mem>>) {add = true}
    %dma_start3A_879 = arith.constant 19 : i32
    %dma_start3A_880 = arith.constant 256 : i32
    %dma_start3A_881 = arith.constant 0 : i32
    %dma_start3A_882 = tpu.memref_slice %arg6[%dma_start3A_880, %dma_start3A_881] : memref<512x128xf32, #tpu.memory_space<vmem>> -> memref<128x128xf32, #tpu.memory_space<vmem>>
    %dma_start3A_883 = arith.constant 256 : i32
    %dma_start3A_884 = tpu.memref_slice %arg5[%dma_start3A_879, %dma_start3A_883] : memref<32x512xi32, #tpu.memory_space<vmem>> -> memref<1x128xi32, #tpu.memory_space<vmem>>
    %dma_start3A_885 = tpu.memref_squeeze %dma_start3A_884 : memref<1x128xi32, #tpu.memory_space<vmem>> -> memref<128xi32, #tpu.memory_space<vmem>>
    %dma_start3A_886 = arith.constant 0 : i32
    %dma_start3A_887 = arith.constant 0 : i32
    %dma_start3A_888 = tpu.memref_slice %arg3[%dma_start3A_886, %dma_start3A_887] : memref<100000x128xf32, #tpu.memory_space<hbm>> -> memref<100000x128xf32, #tpu.memory_space<hbm>>
    tpu.enqueue_indirect_dma source(%dma_start3A_888 : memref<100000x128xf32, #tpu.memory_space<hbm>>) target(%dma_start3A_882 : memref<128x128xf32, #tpu.memory_space<vmem>>) offsets(%dma_start3A_885 : memref<128xi32, #tpu.memory_space<vmem>>) semaphore(%arg8 : memref<!tpu.dma_semaphore, #tpu.memory_space<semaphore_mem>>) {add = true}
    %dma_start3A_889 = arith.constant 20 : i32
    %dma_start3A_890 = arith.constant 256 : i32
    %dma_start3A_891 = arith.constant 0 : i32
    %dma_start3A_892 = tpu.memref_slice %arg6[%dma_start3A_890, %dma_start3A_891] : memref<512x128xf32, #tpu.memory_space<vmem>> -> memref<128x128xf32, #tpu.memory_space<vmem>>
    %dma_start3A_893 = arith.constant 256 : i32
    %dma_start3A_894 = tpu.memref_slice %arg5[%dma_start3A_889, %dma_start3A_893] : memref<32x512xi32, #tpu.memory_space<vmem>> -> memref<1x128xi32, #tpu.memory_space<vmem>>
    %dma_start3A_895 = tpu.memref_squeeze %dma_start3A_894 : memref<1x128xi32, #tpu.memory_space<vmem>> -> memref<128xi32, #tpu.memory_space<vmem>>
    %dma_start3A_896 = arith.constant 0 : i32
    %dma_start3A_897 = arith.constant 0 : i32
    %dma_start3A_898 = tpu.memref_slice %arg3[%dma_start3A_896, %dma_start3A_897] : memref<100000x128xf32, #tpu.memory_space<hbm>> -> memref<100000x128xf32, #tpu.memory_space<hbm>>
    tpu.enqueue_indirect_dma source(%dma_start3A_898 : memref<100000x128xf32, #tpu.memory_space<hbm>>) target(%dma_start3A_892 : memref<128x128xf32, #tpu.memory_space<vmem>>) offsets(%dma_start3A_895 : memref<128xi32, #tpu.memory_space<vmem>>) semaphore(%arg8 : memref<!tpu.dma_semaphore, #tpu.memory_space<semaphore_mem>>) {add = true}
    %dma_start3A_899 = arith.constant 21 : i32
    %dma_start3A_900 = arith.constant 256 : i32
    %dma_start3A_901 = arith.constant 0 : i32
    %dma_start3A_902 = tpu.memref_slice %arg6[%dma_start3A_900, %dma_start3A_901] : memref<512x128xf32, #tpu.memory_space<vmem>> -> memref<128x128xf32, #tpu.memory_space<vmem>>
    %dma_start3A_903 = arith.constant 256 : i32
    %dma_start3A_904 = tpu.memref_slice %arg5[%dma_start3A_899, %dma_start3A_903] : memref<32x512xi32, #tpu.memory_space<vmem>> -> memref<1x128xi32, #tpu.memory_space<vmem>>
    %dma_start3A_905 = tpu.memref_squeeze %dma_start3A_904 : memref<1x128xi32, #tpu.memory_space<vmem>> -> memref<128xi32, #tpu.memory_space<vmem>>
    %dma_start3A_906 = arith.constant 0 : i32
    %dma_start3A_907 = arith.constant 0 : i32
    %dma_start3A_908 = tpu.memref_slice %arg3[%dma_start3A_906, %dma_start3A_907] : memref<100000x128xf32, #tpu.memory_space<hbm>> -> memref<100000x128xf32, #tpu.memory_space<hbm>>
    tpu.enqueue_indirect_dma source(%dma_start3A_908 : memref<100000x128xf32, #tpu.memory_space<hbm>>) target(%dma_start3A_902 : memref<128x128xf32, #tpu.memory_space<vmem>>) offsets(%dma_start3A_905 : memref<128xi32, #tpu.memory_space<vmem>>) semaphore(%arg8 : memref<!tpu.dma_semaphore, #tpu.memory_space<semaphore_mem>>) {add = true}
    %dma_start3A_909 = arith.constant 22 : i32
    %dma_start3A_910 = arith.constant 256 : i32
    %dma_start3A_911 = arith.constant 0 : i32
    %dma_start3A_912 = tpu.memref_slice %arg6[%dma_start3A_910, %dma_start3A_911] : memref<512x128xf32, #tpu.memory_space<vmem>> -> memref<128x128xf32, #tpu.memory_space<vmem>>
    %dma_start3A_913 = arith.constant 256 : i32
    %dma_start3A_914 = tpu.memref_slice %arg5[%dma_start3A_909, %dma_start3A_913] : memref<32x512xi32, #tpu.memory_space<vmem>> -> memref<1x128xi32, #tpu.memory_space<vmem>>
    %dma_start3A_915 = tpu.memref_squeeze %dma_start3A_914 : memref<1x128xi32, #tpu.memory_space<vmem>> -> memref<128xi32, #tpu.memory_space<vmem>>
    %dma_start3A_916 = arith.constant 0 : i32
    %dma_start3A_917 = arith.constant 0 : i32
    %dma_start3A_918 = tpu.memref_slice %arg3[%dma_start3A_916, %dma_start3A_917] : memref<100000x128xf32, #tpu.memory_space<hbm>> -> memref<100000x128xf32, #tpu.memory_space<hbm>>
    tpu.enqueue_indirect_dma source(%dma_start3A_918 : memref<100000x128xf32, #tpu.memory_space<hbm>>) target(%dma_start3A_912 : memref<128x128xf32, #tpu.memory_space<vmem>>) offsets(%dma_start3A_915 : memref<128xi32, #tpu.memory_space<vmem>>) semaphore(%arg8 : memref<!tpu.dma_semaphore, #tpu.memory_space<semaphore_mem>>) {add = true}
    %dma_start3A_919 = arith.constant 23 : i32
    %dma_start3A_920 = arith.constant 256 : i32
    %dma_start3A_921 = arith.constant 0 : i32
    %dma_start3A_922 = tpu.memref_slice %arg6[%dma_start3A_920, %dma_start3A_921] : memref<512x128xf32, #tpu.memory_space<vmem>> -> memref<128x128xf32, #tpu.memory_space<vmem>>
    %dma_start3A_923 = arith.constant 256 : i32
    %dma_start3A_924 = tpu.memref_slice %arg5[%dma_start3A_919, %dma_start3A_923] : memref<32x512xi32, #tpu.memory_space<vmem>> -> memref<1x128xi32, #tpu.memory_space<vmem>>
    %dma_start3A_925 = tpu.memref_squeeze %dma_start3A_924 : memref<1x128xi32, #tpu.memory_space<vmem>> -> memref<128xi32, #tpu.memory_space<vmem>>
    %dma_start3A_926 = arith.constant 0 : i32
    %dma_start3A_927 = arith.constant 0 : i32
    %dma_start3A_928 = tpu.memref_slice %arg3[%dma_start3A_926, %dma_start3A_927] : memref<100000x128xf32, #tpu.memory_space<hbm>> -> memref<100000x128xf32, #tpu.memory_space<hbm>>
    tpu.enqueue_indirect_dma source(%dma_start3A_928 : memref<100000x128xf32, #tpu.memory_space<hbm>>) target(%dma_start3A_922 : memref<128x128xf32, #tpu.memory_space<vmem>>) offsets(%dma_start3A_925 : memref<128xi32, #tpu.memory_space<vmem>>) semaphore(%arg8 : memref<!tpu.dma_semaphore, #tpu.memory_space<semaphore_mem>>) {add = true}
    %dma_start3A_929 = arith.constant 24 : i32
    %dma_start3A_930 = arith.constant 256 : i32
    %dma_start3A_931 = arith.constant 0 : i32
    %dma_start3A_932 = tpu.memref_slice %arg6[%dma_start3A_930, %dma_start3A_931] : memref<512x128xf32, #tpu.memory_space<vmem>> -> memref<128x128xf32, #tpu.memory_space<vmem>>
    %dma_start3A_933 = arith.constant 256 : i32
    %dma_start3A_934 = tpu.memref_slice %arg5[%dma_start3A_929, %dma_start3A_933] : memref<32x512xi32, #tpu.memory_space<vmem>> -> memref<1x128xi32, #tpu.memory_space<vmem>>
    %dma_start3A_935 = tpu.memref_squeeze %dma_start3A_934 : memref<1x128xi32, #tpu.memory_space<vmem>> -> memref<128xi32, #tpu.memory_space<vmem>>
    %dma_start3A_936 = arith.constant 0 : i32
    %dma_start3A_937 = arith.constant 0 : i32
    %dma_start3A_938 = tpu.memref_slice %arg3[%dma_start3A_936, %dma_start3A_937] : memref<100000x128xf32, #tpu.memory_space<hbm>> -> memref<100000x128xf32, #tpu.memory_space<hbm>>
    tpu.enqueue_indirect_dma source(%dma_start3A_938 : memref<100000x128xf32, #tpu.memory_space<hbm>>) target(%dma_start3A_932 : memref<128x128xf32, #tpu.memory_space<vmem>>) offsets(%dma_start3A_935 : memref<128xi32, #tpu.memory_space<vmem>>) semaphore(%arg8 : memref<!tpu.dma_semaphore, #tpu.memory_space<semaphore_mem>>) {add = true}
    %dma_start3A_939 = arith.constant 25 : i32
    %dma_start3A_940 = arith.constant 256 : i32
    %dma_start3A_941 = arith.constant 0 : i32
    %dma_start3A_942 = tpu.memref_slice %arg6[%dma_start3A_940, %dma_start3A_941] : memref<512x128xf32, #tpu.memory_space<vmem>> -> memref<128x128xf32, #tpu.memory_space<vmem>>
    %dma_start3A_943 = arith.constant 256 : i32
    %dma_start3A_944 = tpu.memref_slice %arg5[%dma_start3A_939, %dma_start3A_943] : memref<32x512xi32, #tpu.memory_space<vmem>> -> memref<1x128xi32, #tpu.memory_space<vmem>>
    %dma_start3A_945 = tpu.memref_squeeze %dma_start3A_944 : memref<1x128xi32, #tpu.memory_space<vmem>> -> memref<128xi32, #tpu.memory_space<vmem>>
    %dma_start3A_946 = arith.constant 0 : i32
    %dma_start3A_947 = arith.constant 0 : i32
    %dma_start3A_948 = tpu.memref_slice %arg3[%dma_start3A_946, %dma_start3A_947] : memref<100000x128xf32, #tpu.memory_space<hbm>> -> memref<100000x128xf32, #tpu.memory_space<hbm>>
    tpu.enqueue_indirect_dma source(%dma_start3A_948 : memref<100000x128xf32, #tpu.memory_space<hbm>>) target(%dma_start3A_942 : memref<128x128xf32, #tpu.memory_space<vmem>>) offsets(%dma_start3A_945 : memref<128xi32, #tpu.memory_space<vmem>>) semaphore(%arg8 : memref<!tpu.dma_semaphore, #tpu.memory_space<semaphore_mem>>) {add = true}
    %dma_start3A_949 = arith.constant 26 : i32
    %dma_start3A_950 = arith.constant 256 : i32
    %dma_start3A_951 = arith.constant 0 : i32
    %dma_start3A_952 = tpu.memref_slice %arg6[%dma_start3A_950, %dma_start3A_951] : memref<512x128xf32, #tpu.memory_space<vmem>> -> memref<128x128xf32, #tpu.memory_space<vmem>>
    %dma_start3A_953 = arith.constant 256 : i32
    %dma_start3A_954 = tpu.memref_slice %arg5[%dma_start3A_949, %dma_start3A_953] : memref<32x512xi32, #tpu.memory_space<vmem>> -> memref<1x128xi32, #tpu.memory_space<vmem>>
    %dma_start3A_955 = tpu.memref_squeeze %dma_start3A_954 : memref<1x128xi32, #tpu.memory_space<vmem>> -> memref<128xi32, #tpu.memory_space<vmem>>
    %dma_start3A_956 = arith.constant 0 : i32
    %dma_start3A_957 = arith.constant 0 : i32
    %dma_start3A_958 = tpu.memref_slice %arg3[%dma_start3A_956, %dma_start3A_957] : memref<100000x128xf32, #tpu.memory_space<hbm>> -> memref<100000x128xf32, #tpu.memory_space<hbm>>
    tpu.enqueue_indirect_dma source(%dma_start3A_958 : memref<100000x128xf32, #tpu.memory_space<hbm>>) target(%dma_start3A_952 : memref<128x128xf32, #tpu.memory_space<vmem>>) offsets(%dma_start3A_955 : memref<128xi32, #tpu.memory_space<vmem>>) semaphore(%arg8 : memref<!tpu.dma_semaphore, #tpu.memory_space<semaphore_mem>>) {add = true}
    %dma_start3A_959 = arith.constant 27 : i32
    %dma_start3A_960 = arith.constant 256 : i32
    %dma_start3A_961 = arith.constant 0 : i32
    %dma_start3A_962 = tpu.memref_slice %arg6[%dma_start3A_960, %dma_start3A_961] : memref<512x128xf32, #tpu.memory_space<vmem>> -> memref<128x128xf32, #tpu.memory_space<vmem>>
    %dma_start3A_963 = arith.constant 256 : i32
    %dma_start3A_964 = tpu.memref_slice %arg5[%dma_start3A_959, %dma_start3A_963] : memref<32x512xi32, #tpu.memory_space<vmem>> -> memref<1x128xi32, #tpu.memory_space<vmem>>
    %dma_start3A_965 = tpu.memref_squeeze %dma_start3A_964 : memref<1x128xi32, #tpu.memory_space<vmem>> -> memref<128xi32, #tpu.memory_space<vmem>>
    %dma_start3A_966 = arith.constant 0 : i32
    %dma_start3A_967 = arith.constant 0 : i32
    %dma_start3A_968 = tpu.memref_slice %arg3[%dma_start3A_966, %dma_start3A_967] : memref<100000x128xf32, #tpu.memory_space<hbm>> -> memref<100000x128xf32, #tpu.memory_space<hbm>>
    tpu.enqueue_indirect_dma source(%dma_start3A_968 : memref<100000x128xf32, #tpu.memory_space<hbm>>) target(%dma_start3A_962 : memref<128x128xf32, #tpu.memory_space<vmem>>) offsets(%dma_start3A_965 : memref<128xi32, #tpu.memory_space<vmem>>) semaphore(%arg8 : memref<!tpu.dma_semaphore, #tpu.memory_space<semaphore_mem>>) {add = true}
    %dma_start3A_969 = arith.constant 28 : i32
    %dma_start3A_970 = arith.constant 256 : i32
    %dma_start3A_971 = arith.constant 0 : i32
    %dma_start3A_972 = tpu.memref_slice %arg6[%dma_start3A_970, %dma_start3A_971] : memref<512x128xf32, #tpu.memory_space<vmem>> -> memref<128x128xf32, #tpu.memory_space<vmem>>
    %dma_start3A_973 = arith.constant 256 : i32
    %dma_start3A_974 = tpu.memref_slice %arg5[%dma_start3A_969, %dma_start3A_973] : memref<32x512xi32, #tpu.memory_space<vmem>> -> memref<1x128xi32, #tpu.memory_space<vmem>>
    %dma_start3A_975 = tpu.memref_squeeze %dma_start3A_974 : memref<1x128xi32, #tpu.memory_space<vmem>> -> memref<128xi32, #tpu.memory_space<vmem>>
    %dma_start3A_976 = arith.constant 0 : i32
    %dma_start3A_977 = arith.constant 0 : i32
    %dma_start3A_978 = tpu.memref_slice %arg3[%dma_start3A_976, %dma_start3A_977] : memref<100000x128xf32, #tpu.memory_space<hbm>> -> memref<100000x128xf32, #tpu.memory_space<hbm>>
    tpu.enqueue_indirect_dma source(%dma_start3A_978 : memref<100000x128xf32, #tpu.memory_space<hbm>>) target(%dma_start3A_972 : memref<128x128xf32, #tpu.memory_space<vmem>>) offsets(%dma_start3A_975 : memref<128xi32, #tpu.memory_space<vmem>>) semaphore(%arg8 : memref<!tpu.dma_semaphore, #tpu.memory_space<semaphore_mem>>) {add = true}
    %dma_start3A_979 = arith.constant 29 : i32
    %dma_start3A_980 = arith.constant 256 : i32
    %dma_start3A_981 = arith.constant 0 : i32
    %dma_start3A_982 = tpu.memref_slice %arg6[%dma_start3A_980, %dma_start3A_981] : memref<512x128xf32, #tpu.memory_space<vmem>> -> memref<128x128xf32, #tpu.memory_space<vmem>>
    %dma_start3A_983 = arith.constant 256 : i32
    %dma_start3A_984 = tpu.memref_slice %arg5[%dma_start3A_979, %dma_start3A_983] : memref<32x512xi32, #tpu.memory_space<vmem>> -> memref<1x128xi32, #tpu.memory_space<vmem>>
    %dma_start3A_985 = tpu.memref_squeeze %dma_start3A_984 : memref<1x128xi32, #tpu.memory_space<vmem>> -> memref<128xi32, #tpu.memory_space<vmem>>
    %dma_start3A_986 = arith.constant 0 : i32
    %dma_start3A_987 = arith.constant 0 : i32
    %dma_start3A_988 = tpu.memref_slice %arg3[%dma_start3A_986, %dma_start3A_987] : memref<100000x128xf32, #tpu.memory_space<hbm>> -> memref<100000x128xf32, #tpu.memory_space<hbm>>
    tpu.enqueue_indirect_dma source(%dma_start3A_988 : memref<100000x128xf32, #tpu.memory_space<hbm>>) target(%dma_start3A_982 : memref<128x128xf32, #tpu.memory_space<vmem>>) offsets(%dma_start3A_985 : memref<128xi32, #tpu.memory_space<vmem>>) semaphore(%arg8 : memref<!tpu.dma_semaphore, #tpu.memory_space<semaphore_mem>>) {add = true}
    %dma_start3A_989 = arith.constant 30 : i32
    %dma_start3A_990 = arith.constant 256 : i32
    %dma_start3A_991 = arith.constant 0 : i32
    %dma_start3A_992 = tpu.memref_slice %arg6[%dma_start3A_990, %dma_start3A_991] : memref<512x128xf32, #tpu.memory_space<vmem>> -> memref<128x128xf32, #tpu.memory_space<vmem>>
    %dma_start3A_993 = arith.constant 256 : i32
    %dma_start3A_994 = tpu.memref_slice %arg5[%dma_start3A_989, %dma_start3A_993] : memref<32x512xi32, #tpu.memory_space<vmem>> -> memref<1x128xi32, #tpu.memory_space<vmem>>
    %dma_start3A_995 = tpu.memref_squeeze %dma_start3A_994 : memref<1x128xi32, #tpu.memory_space<vmem>> -> memref<128xi32, #tpu.memory_space<vmem>>
    %dma_start3A_996 = arith.constant 0 : i32
    %dma_start3A_997 = arith.constant 0 : i32
    %dma_start3A_998 = tpu.memref_slice %arg3[%dma_start3A_996, %dma_start3A_997] : memref<100000x128xf32, #tpu.memory_space<hbm>> -> memref<100000x128xf32, #tpu.memory_space<hbm>>
    tpu.enqueue_indirect_dma source(%dma_start3A_998 : memref<100000x128xf32, #tpu.memory_space<hbm>>) target(%dma_start3A_992 : memref<128x128xf32, #tpu.memory_space<vmem>>) offsets(%dma_start3A_995 : memref<128xi32, #tpu.memory_space<vmem>>) semaphore(%arg8 : memref<!tpu.dma_semaphore, #tpu.memory_space<semaphore_mem>>) {add = true}
    %dma_start3A_999 = arith.constant 31 : i32
    %dma_start3A_1000 = arith.constant 256 : i32
    %dma_start3A_1001 = arith.constant 0 : i32
    %dma_start3A_1002 = tpu.memref_slice %arg6[%dma_start3A_1000, %dma_start3A_1001] : memref<512x128xf32, #tpu.memory_space<vmem>> -> memref<128x128xf32, #tpu.memory_space<vmem>>
    %dma_start3A_1003 = arith.constant 256 : i32
    %dma_start3A_1004 = tpu.memref_slice %arg5[%dma_start3A_999, %dma_start3A_1003] : memref<32x512xi32, #tpu.memory_space<vmem>> -> memref<1x128xi32, #tpu.memory_space<vmem>>
    %dma_start3A_1005 = tpu.memref_squeeze %dma_start3A_1004 : memref<1x128xi32, #tpu.memory_space<vmem>> -> memref<128xi32, #tpu.memory_space<vmem>>
    %dma_start3A_1006 = arith.constant 0 : i32
    %dma_start3A_1007 = arith.constant 0 : i32
    %dma_start3A_1008 = tpu.memref_slice %arg3[%dma_start3A_1006, %dma_start3A_1007] : memref<100000x128xf32, #tpu.memory_space<hbm>> -> memref<100000x128xf32, #tpu.memory_space<hbm>>
    tpu.enqueue_indirect_dma source(%dma_start3A_1008 : memref<100000x128xf32, #tpu.memory_space<hbm>>) target(%dma_start3A_1002 : memref<128x128xf32, #tpu.memory_space<vmem>>) offsets(%dma_start3A_1005 : memref<128xi32, #tpu.memory_space<vmem>>) semaphore(%arg8 : memref<!tpu.dma_semaphore, #tpu.memory_space<semaphore_mem>>) {add = true}
    %dma_start3A_1009 = arith.constant 1 : i32
    %dma_start3A_1010 = arith.constant 384 : i32
    %dma_start3A_1011 = arith.constant 0 : i32
    %dma_start3A_1012 = tpu.memref_slice %arg6[%dma_start3A_1010, %dma_start3A_1011] : memref<512x128xf32, #tpu.memory_space<vmem>> -> memref<128x128xf32, #tpu.memory_space<vmem>>
    %dma_start3A_1013 = arith.constant 384 : i32
    %dma_start3A_1014 = tpu.memref_slice %arg5[%dma_start3A_1009, %dma_start3A_1013] : memref<32x512xi32, #tpu.memory_space<vmem>> -> memref<1x128xi32, #tpu.memory_space<vmem>>
    %dma_start3A_1015 = tpu.memref_squeeze %dma_start3A_1014 : memref<1x128xi32, #tpu.memory_space<vmem>> -> memref<128xi32, #tpu.memory_space<vmem>>
    %dma_start3A_1016 = arith.constant 0 : i32
    %dma_start3A_1017 = arith.constant 0 : i32
    %dma_start3A_1018 = tpu.memref_slice %arg3[%dma_start3A_1016, %dma_start3A_1017] : memref<100000x128xf32, #tpu.memory_space<hbm>> -> memref<100000x128xf32, #tpu.memory_space<hbm>>
    tpu.enqueue_indirect_dma source(%dma_start3A_1018 : memref<100000x128xf32, #tpu.memory_space<hbm>>) target(%dma_start3A_1012 : memref<128x128xf32, #tpu.memory_space<vmem>>) offsets(%dma_start3A_1015 : memref<128xi32, #tpu.memory_space<vmem>>) semaphore(%arg8 : memref<!tpu.dma_semaphore, #tpu.memory_space<semaphore_mem>>) {add = true}
    %dma_start3A_1019 = arith.constant 2 : i32
    %dma_start3A_1020 = arith.constant 384 : i32
    %dma_start3A_1021 = arith.constant 0 : i32
    %dma_start3A_1022 = tpu.memref_slice %arg6[%dma_start3A_1020, %dma_start3A_1021] : memref<512x128xf32, #tpu.memory_space<vmem>> -> memref<128x128xf32, #tpu.memory_space<vmem>>
    %dma_start3A_1023 = arith.constant 384 : i32
    %dma_start3A_1024 = tpu.memref_slice %arg5[%dma_start3A_1019, %dma_start3A_1023] : memref<32x512xi32, #tpu.memory_space<vmem>> -> memref<1x128xi32, #tpu.memory_space<vmem>>
    %dma_start3A_1025 = tpu.memref_squeeze %dma_start3A_1024 : memref<1x128xi32, #tpu.memory_space<vmem>> -> memref<128xi32, #tpu.memory_space<vmem>>
    %dma_start3A_1026 = arith.constant 0 : i32
    %dma_start3A_1027 = arith.constant 0 : i32
    %dma_start3A_1028 = tpu.memref_slice %arg3[%dma_start3A_1026, %dma_start3A_1027] : memref<100000x128xf32, #tpu.memory_space<hbm>> -> memref<100000x128xf32, #tpu.memory_space<hbm>>
    tpu.enqueue_indirect_dma source(%dma_start3A_1028 : memref<100000x128xf32, #tpu.memory_space<hbm>>) target(%dma_start3A_1022 : memref<128x128xf32, #tpu.memory_space<vmem>>) offsets(%dma_start3A_1025 : memref<128xi32, #tpu.memory_space<vmem>>) semaphore(%arg8 : memref<!tpu.dma_semaphore, #tpu.memory_space<semaphore_mem>>) {add = true}
    %dma_start3A_1029 = arith.constant 3 : i32
    %dma_start3A_1030 = arith.constant 384 : i32
    %dma_start3A_1031 = arith.constant 0 : i32
    %dma_start3A_1032 = tpu.memref_slice %arg6[%dma_start3A_1030, %dma_start3A_1031] : memref<512x128xf32, #tpu.memory_space<vmem>> -> memref<128x128xf32, #tpu.memory_space<vmem>>
    %dma_start3A_1033 = arith.constant 384 : i32
    %dma_start3A_1034 = tpu.memref_slice %arg5[%dma_start3A_1029, %dma_start3A_1033] : memref<32x512xi32, #tpu.memory_space<vmem>> -> memref<1x128xi32, #tpu.memory_space<vmem>>
    %dma_start3A_1035 = tpu.memref_squeeze %dma_start3A_1034 : memref<1x128xi32, #tpu.memory_space<vmem>> -> memref<128xi32, #tpu.memory_space<vmem>>
    %dma_start3A_1036 = arith.constant 0 : i32
    %dma_start3A_1037 = arith.constant 0 : i32
    %dma_start3A_1038 = tpu.memref_slice %arg3[%dma_start3A_1036, %dma_start3A_1037] : memref<100000x128xf32, #tpu.memory_space<hbm>> -> memref<100000x128xf32, #tpu.memory_space<hbm>>
    tpu.enqueue_indirect_dma source(%dma_start3A_1038 : memref<100000x128xf32, #tpu.memory_space<hbm>>) target(%dma_start3A_1032 : memref<128x128xf32, #tpu.memory_space<vmem>>) offsets(%dma_start3A_1035 : memref<128xi32, #tpu.memory_space<vmem>>) semaphore(%arg8 : memref<!tpu.dma_semaphore, #tpu.memory_space<semaphore_mem>>) {add = true}
    %dma_start3A_1039 = arith.constant 4 : i32
    %dma_start3A_1040 = arith.constant 384 : i32
    %dma_start3A_1041 = arith.constant 0 : i32
    %dma_start3A_1042 = tpu.memref_slice %arg6[%dma_start3A_1040, %dma_start3A_1041] : memref<512x128xf32, #tpu.memory_space<vmem>> -> memref<128x128xf32, #tpu.memory_space<vmem>>
    %dma_start3A_1043 = arith.constant 384 : i32
    %dma_start3A_1044 = tpu.memref_slice %arg5[%dma_start3A_1039, %dma_start3A_1043] : memref<32x512xi32, #tpu.memory_space<vmem>> -> memref<1x128xi32, #tpu.memory_space<vmem>>
    %dma_start3A_1045 = tpu.memref_squeeze %dma_start3A_1044 : memref<1x128xi32, #tpu.memory_space<vmem>> -> memref<128xi32, #tpu.memory_space<vmem>>
    %dma_start3A_1046 = arith.constant 0 : i32
    %dma_start3A_1047 = arith.constant 0 : i32
    %dma_start3A_1048 = tpu.memref_slice %arg3[%dma_start3A_1046, %dma_start3A_1047] : memref<100000x128xf32, #tpu.memory_space<hbm>> -> memref<100000x128xf32, #tpu.memory_space<hbm>>
    tpu.enqueue_indirect_dma source(%dma_start3A_1048 : memref<100000x128xf32, #tpu.memory_space<hbm>>) target(%dma_start3A_1042 : memref<128x128xf32, #tpu.memory_space<vmem>>) offsets(%dma_start3A_1045 : memref<128xi32, #tpu.memory_space<vmem>>) semaphore(%arg8 : memref<!tpu.dma_semaphore, #tpu.memory_space<semaphore_mem>>) {add = true}
    %dma_start3A_1049 = arith.constant 5 : i32
    %dma_start3A_1050 = arith.constant 384 : i32
    %dma_start3A_1051 = arith.constant 0 : i32
    %dma_start3A_1052 = tpu.memref_slice %arg6[%dma_start3A_1050, %dma_start3A_1051] : memref<512x128xf32, #tpu.memory_space<vmem>> -> memref<128x128xf32, #tpu.memory_space<vmem>>
    %dma_start3A_1053 = arith.constant 384 : i32
    %dma_start3A_1054 = tpu.memref_slice %arg5[%dma_start3A_1049, %dma_start3A_1053] : memref<32x512xi32, #tpu.memory_space<vmem>> -> memref<1x128xi32, #tpu.memory_space<vmem>>
    %dma_start3A_1055 = tpu.memref_squeeze %dma_start3A_1054 : memref<1x128xi32, #tpu.memory_space<vmem>> -> memref<128xi32, #tpu.memory_space<vmem>>
    %dma_start3A_1056 = arith.constant 0 : i32
    %dma_start3A_1057 = arith.constant 0 : i32
    %dma_start3A_1058 = tpu.memref_slice %arg3[%dma_start3A_1056, %dma_start3A_1057] : memref<100000x128xf32, #tpu.memory_space<hbm>> -> memref<100000x128xf32, #tpu.memory_space<hbm>>
    tpu.enqueue_indirect_dma source(%dma_start3A_1058 : memref<100000x128xf32, #tpu.memory_space<hbm>>) target(%dma_start3A_1052 : memref<128x128xf32, #tpu.memory_space<vmem>>) offsets(%dma_start3A_1055 : memref<128xi32, #tpu.memory_space<vmem>>) semaphore(%arg8 : memref<!tpu.dma_semaphore, #tpu.memory_space<semaphore_mem>>) {add = true}
    %dma_start3A_1059 = arith.constant 6 : i32
    %dma_start3A_1060 = arith.constant 384 : i32
    %dma_start3A_1061 = arith.constant 0 : i32
    %dma_start3A_1062 = tpu.memref_slice %arg6[%dma_start3A_1060, %dma_start3A_1061] : memref<512x128xf32, #tpu.memory_space<vmem>> -> memref<128x128xf32, #tpu.memory_space<vmem>>
    %dma_start3A_1063 = arith.constant 384 : i32
    %dma_start3A_1064 = tpu.memref_slice %arg5[%dma_start3A_1059, %dma_start3A_1063] : memref<32x512xi32, #tpu.memory_space<vmem>> -> memref<1x128xi32, #tpu.memory_space<vmem>>
    %dma_start3A_1065 = tpu.memref_squeeze %dma_start3A_1064 : memref<1x128xi32, #tpu.memory_space<vmem>> -> memref<128xi32, #tpu.memory_space<vmem>>
    %dma_start3A_1066 = arith.constant 0 : i32
    %dma_start3A_1067 = arith.constant 0 : i32
    %dma_start3A_1068 = tpu.memref_slice %arg3[%dma_start3A_1066, %dma_start3A_1067] : memref<100000x128xf32, #tpu.memory_space<hbm>> -> memref<100000x128xf32, #tpu.memory_space<hbm>>
    tpu.enqueue_indirect_dma source(%dma_start3A_1068 : memref<100000x128xf32, #tpu.memory_space<hbm>>) target(%dma_start3A_1062 : memref<128x128xf32, #tpu.memory_space<vmem>>) offsets(%dma_start3A_1065 : memref<128xi32, #tpu.memory_space<vmem>>) semaphore(%arg8 : memref<!tpu.dma_semaphore, #tpu.memory_space<semaphore_mem>>) {add = true}
    %dma_start3A_1069 = arith.constant 7 : i32
    %dma_start3A_1070 = arith.constant 384 : i32
    %dma_start3A_1071 = arith.constant 0 : i32
    %dma_start3A_1072 = tpu.memref_slice %arg6[%dma_start3A_1070, %dma_start3A_1071] : memref<512x128xf32, #tpu.memory_space<vmem>> -> memref<128x128xf32, #tpu.memory_space<vmem>>
    %dma_start3A_1073 = arith.constant 384 : i32
    %dma_start3A_1074 = tpu.memref_slice %arg5[%dma_start3A_1069, %dma_start3A_1073] : memref<32x512xi32, #tpu.memory_space<vmem>> -> memref<1x128xi32, #tpu.memory_space<vmem>>
    %dma_start3A_1075 = tpu.memref_squeeze %dma_start3A_1074 : memref<1x128xi32, #tpu.memory_space<vmem>> -> memref<128xi32, #tpu.memory_space<vmem>>
    %dma_start3A_1076 = arith.constant 0 : i32
    %dma_start3A_1077 = arith.constant 0 : i32
    %dma_start3A_1078 = tpu.memref_slice %arg3[%dma_start3A_1076, %dma_start3A_1077] : memref<100000x128xf32, #tpu.memory_space<hbm>> -> memref<100000x128xf32, #tpu.memory_space<hbm>>
    tpu.enqueue_indirect_dma source(%dma_start3A_1078 : memref<100000x128xf32, #tpu.memory_space<hbm>>) target(%dma_start3A_1072 : memref<128x128xf32, #tpu.memory_space<vmem>>) offsets(%dma_start3A_1075 : memref<128xi32, #tpu.memory_space<vmem>>) semaphore(%arg8 : memref<!tpu.dma_semaphore, #tpu.memory_space<semaphore_mem>>) {add = true}
    %dma_start3A_1079 = arith.constant 8 : i32
    %dma_start3A_1080 = arith.constant 384 : i32
    %dma_start3A_1081 = arith.constant 0 : i32
    %dma_start3A_1082 = tpu.memref_slice %arg6[%dma_start3A_1080, %dma_start3A_1081] : memref<512x128xf32, #tpu.memory_space<vmem>> -> memref<128x128xf32, #tpu.memory_space<vmem>>
    %dma_start3A_1083 = arith.constant 384 : i32
    %dma_start3A_1084 = tpu.memref_slice %arg5[%dma_start3A_1079, %dma_start3A_1083] : memref<32x512xi32, #tpu.memory_space<vmem>> -> memref<1x128xi32, #tpu.memory_space<vmem>>
    %dma_start3A_1085 = tpu.memref_squeeze %dma_start3A_1084 : memref<1x128xi32, #tpu.memory_space<vmem>> -> memref<128xi32, #tpu.memory_space<vmem>>
    %dma_start3A_1086 = arith.constant 0 : i32
    %dma_start3A_1087 = arith.constant 0 : i32
    %dma_start3A_1088 = tpu.memref_slice %arg3[%dma_start3A_1086, %dma_start3A_1087] : memref<100000x128xf32, #tpu.memory_space<hbm>> -> memref<100000x128xf32, #tpu.memory_space<hbm>>
    tpu.enqueue_indirect_dma source(%dma_start3A_1088 : memref<100000x128xf32, #tpu.memory_space<hbm>>) target(%dma_start3A_1082 : memref<128x128xf32, #tpu.memory_space<vmem>>) offsets(%dma_start3A_1085 : memref<128xi32, #tpu.memory_space<vmem>>) semaphore(%arg8 : memref<!tpu.dma_semaphore, #tpu.memory_space<semaphore_mem>>) {add = true}
    %dma_start3A_1089 = arith.constant 9 : i32
    %dma_start3A_1090 = arith.constant 384 : i32
    %dma_start3A_1091 = arith.constant 0 : i32
    %dma_start3A_1092 = tpu.memref_slice %arg6[%dma_start3A_1090, %dma_start3A_1091] : memref<512x128xf32, #tpu.memory_space<vmem>> -> memref<128x128xf32, #tpu.memory_space<vmem>>
    %dma_start3A_1093 = arith.constant 384 : i32
    %dma_start3A_1094 = tpu.memref_slice %arg5[%dma_start3A_1089, %dma_start3A_1093] : memref<32x512xi32, #tpu.memory_space<vmem>> -> memref<1x128xi32, #tpu.memory_space<vmem>>
    %dma_start3A_1095 = tpu.memref_squeeze %dma_start3A_1094 : memref<1x128xi32, #tpu.memory_space<vmem>> -> memref<128xi32, #tpu.memory_space<vmem>>
    %dma_start3A_1096 = arith.constant 0 : i32
    %dma_start3A_1097 = arith.constant 0 : i32
    %dma_start3A_1098 = tpu.memref_slice %arg3[%dma_start3A_1096, %dma_start3A_1097] : memref<100000x128xf32, #tpu.memory_space<hbm>> -> memref<100000x128xf32, #tpu.memory_space<hbm>>
    tpu.enqueue_indirect_dma source(%dma_start3A_1098 : memref<100000x128xf32, #tpu.memory_space<hbm>>) target(%dma_start3A_1092 : memref<128x128xf32, #tpu.memory_space<vmem>>) offsets(%dma_start3A_1095 : memref<128xi32, #tpu.memory_space<vmem>>) semaphore(%arg8 : memref<!tpu.dma_semaphore, #tpu.memory_space<semaphore_mem>>) {add = true}
    %dma_start3A_1099 = arith.constant 10 : i32
    %dma_start3A_1100 = arith.constant 384 : i32
    %dma_start3A_1101 = arith.constant 0 : i32
    %dma_start3A_1102 = tpu.memref_slice %arg6[%dma_start3A_1100, %dma_start3A_1101] : memref<512x128xf32, #tpu.memory_space<vmem>> -> memref<128x128xf32, #tpu.memory_space<vmem>>
    %dma_start3A_1103 = arith.constant 384 : i32
    %dma_start3A_1104 = tpu.memref_slice %arg5[%dma_start3A_1099, %dma_start3A_1103] : memref<32x512xi32, #tpu.memory_space<vmem>> -> memref<1x128xi32, #tpu.memory_space<vmem>>
    %dma_start3A_1105 = tpu.memref_squeeze %dma_start3A_1104 : memref<1x128xi32, #tpu.memory_space<vmem>> -> memref<128xi32, #tpu.memory_space<vmem>>
    %dma_start3A_1106 = arith.constant 0 : i32
    %dma_start3A_1107 = arith.constant 0 : i32
    %dma_start3A_1108 = tpu.memref_slice %arg3[%dma_start3A_1106, %dma_start3A_1107] : memref<100000x128xf32, #tpu.memory_space<hbm>> -> memref<100000x128xf32, #tpu.memory_space<hbm>>
    tpu.enqueue_indirect_dma source(%dma_start3A_1108 : memref<100000x128xf32, #tpu.memory_space<hbm>>) target(%dma_start3A_1102 : memref<128x128xf32, #tpu.memory_space<vmem>>) offsets(%dma_start3A_1105 : memref<128xi32, #tpu.memory_space<vmem>>) semaphore(%arg8 : memref<!tpu.dma_semaphore, #tpu.memory_space<semaphore_mem>>) {add = true}
    %dma_start3A_1109 = arith.constant 11 : i32
    %dma_start3A_1110 = arith.constant 384 : i32
    %dma_start3A_1111 = arith.constant 0 : i32
    %dma_start3A_1112 = tpu.memref_slice %arg6[%dma_start3A_1110, %dma_start3A_1111] : memref<512x128xf32, #tpu.memory_space<vmem>> -> memref<128x128xf32, #tpu.memory_space<vmem>>
    %dma_start3A_1113 = arith.constant 384 : i32
    %dma_start3A_1114 = tpu.memref_slice %arg5[%dma_start3A_1109, %dma_start3A_1113] : memref<32x512xi32, #tpu.memory_space<vmem>> -> memref<1x128xi32, #tpu.memory_space<vmem>>
    %dma_start3A_1115 = tpu.memref_squeeze %dma_start3A_1114 : memref<1x128xi32, #tpu.memory_space<vmem>> -> memref<128xi32, #tpu.memory_space<vmem>>
    %dma_start3A_1116 = arith.constant 0 : i32
    %dma_start3A_1117 = arith.constant 0 : i32
    %dma_start3A_1118 = tpu.memref_slice %arg3[%dma_start3A_1116, %dma_start3A_1117] : memref<100000x128xf32, #tpu.memory_space<hbm>> -> memref<100000x128xf32, #tpu.memory_space<hbm>>
    tpu.enqueue_indirect_dma source(%dma_start3A_1118 : memref<100000x128xf32, #tpu.memory_space<hbm>>) target(%dma_start3A_1112 : memref<128x128xf32, #tpu.memory_space<vmem>>) offsets(%dma_start3A_1115 : memref<128xi32, #tpu.memory_space<vmem>>) semaphore(%arg8 : memref<!tpu.dma_semaphore, #tpu.memory_space<semaphore_mem>>) {add = true}
    %dma_start3A_1119 = arith.constant 12 : i32
    %dma_start3A_1120 = arith.constant 384 : i32
    %dma_start3A_1121 = arith.constant 0 : i32
    %dma_start3A_1122 = tpu.memref_slice %arg6[%dma_start3A_1120, %dma_start3A_1121] : memref<512x128xf32, #tpu.memory_space<vmem>> -> memref<128x128xf32, #tpu.memory_space<vmem>>
    %dma_start3A_1123 = arith.constant 384 : i32
    %dma_start3A_1124 = tpu.memref_slice %arg5[%dma_start3A_1119, %dma_start3A_1123] : memref<32x512xi32, #tpu.memory_space<vmem>> -> memref<1x128xi32, #tpu.memory_space<vmem>>
    %dma_start3A_1125 = tpu.memref_squeeze %dma_start3A_1124 : memref<1x128xi32, #tpu.memory_space<vmem>> -> memref<128xi32, #tpu.memory_space<vmem>>
    %dma_start3A_1126 = arith.constant 0 : i32
    %dma_start3A_1127 = arith.constant 0 : i32
    %dma_start3A_1128 = tpu.memref_slice %arg3[%dma_start3A_1126, %dma_start3A_1127] : memref<100000x128xf32, #tpu.memory_space<hbm>> -> memref<100000x128xf32, #tpu.memory_space<hbm>>
    tpu.enqueue_indirect_dma source(%dma_start3A_1128 : memref<100000x128xf32, #tpu.memory_space<hbm>>) target(%dma_start3A_1122 : memref<128x128xf32, #tpu.memory_space<vmem>>) offsets(%dma_start3A_1125 : memref<128xi32, #tpu.memory_space<vmem>>) semaphore(%arg8 : memref<!tpu.dma_semaphore, #tpu.memory_space<semaphore_mem>>) {add = true}
    %dma_start3A_1129 = arith.constant 13 : i32
    %dma_start3A_1130 = arith.constant 384 : i32
    %dma_start3A_1131 = arith.constant 0 : i32
    %dma_start3A_1132 = tpu.memref_slice %arg6[%dma_start3A_1130, %dma_start3A_1131] : memref<512x128xf32, #tpu.memory_space<vmem>> -> memref<128x128xf32, #tpu.memory_space<vmem>>
    %dma_start3A_1133 = arith.constant 384 : i32
    %dma_start3A_1134 = tpu.memref_slice %arg5[%dma_start3A_1129, %dma_start3A_1133] : memref<32x512xi32, #tpu.memory_space<vmem>> -> memref<1x128xi32, #tpu.memory_space<vmem>>
    %dma_start3A_1135 = tpu.memref_squeeze %dma_start3A_1134 : memref<1x128xi32, #tpu.memory_space<vmem>> -> memref<128xi32, #tpu.memory_space<vmem>>
    %dma_start3A_1136 = arith.constant 0 : i32
    %dma_start3A_1137 = arith.constant 0 : i32
    %dma_start3A_1138 = tpu.memref_slice %arg3[%dma_start3A_1136, %dma_start3A_1137] : memref<100000x128xf32, #tpu.memory_space<hbm>> -> memref<100000x128xf32, #tpu.memory_space<hbm>>
    tpu.enqueue_indirect_dma source(%dma_start3A_1138 : memref<100000x128xf32, #tpu.memory_space<hbm>>) target(%dma_start3A_1132 : memref<128x128xf32, #tpu.memory_space<vmem>>) offsets(%dma_start3A_1135 : memref<128xi32, #tpu.memory_space<vmem>>) semaphore(%arg8 : memref<!tpu.dma_semaphore, #tpu.memory_space<semaphore_mem>>) {add = true}
    %dma_start3A_1139 = arith.constant 14 : i32
    %dma_start3A_1140 = arith.constant 384 : i32
    %dma_start3A_1141 = arith.constant 0 : i32
    %dma_start3A_1142 = tpu.memref_slice %arg6[%dma_start3A_1140, %dma_start3A_1141] : memref<512x128xf32, #tpu.memory_space<vmem>> -> memref<128x128xf32, #tpu.memory_space<vmem>>
    %dma_start3A_1143 = arith.constant 384 : i32
    %dma_start3A_1144 = tpu.memref_slice %arg5[%dma_start3A_1139, %dma_start3A_1143] : memref<32x512xi32, #tpu.memory_space<vmem>> -> memref<1x128xi32, #tpu.memory_space<vmem>>
    %dma_start3A_1145 = tpu.memref_squeeze %dma_start3A_1144 : memref<1x128xi32, #tpu.memory_space<vmem>> -> memref<128xi32, #tpu.memory_space<vmem>>
    %dma_start3A_1146 = arith.constant 0 : i32
    %dma_start3A_1147 = arith.constant 0 : i32
    %dma_start3A_1148 = tpu.memref_slice %arg3[%dma_start3A_1146, %dma_start3A_1147] : memref<100000x128xf32, #tpu.memory_space<hbm>> -> memref<100000x128xf32, #tpu.memory_space<hbm>>
    tpu.enqueue_indirect_dma source(%dma_start3A_1148 : memref<100000x128xf32, #tpu.memory_space<hbm>>) target(%dma_start3A_1142 : memref<128x128xf32, #tpu.memory_space<vmem>>) offsets(%dma_start3A_1145 : memref<128xi32, #tpu.memory_space<vmem>>) semaphore(%arg8 : memref<!tpu.dma_semaphore, #tpu.memory_space<semaphore_mem>>) {add = true}
    %dma_start3A_1149 = arith.constant 15 : i32
    %dma_start3A_1150 = arith.constant 384 : i32
    %dma_start3A_1151 = arith.constant 0 : i32
    %dma_start3A_1152 = tpu.memref_slice %arg6[%dma_start3A_1150, %dma_start3A_1151] : memref<512x128xf32, #tpu.memory_space<vmem>> -> memref<128x128xf32, #tpu.memory_space<vmem>>
    %dma_start3A_1153 = arith.constant 384 : i32
    %dma_start3A_1154 = tpu.memref_slice %arg5[%dma_start3A_1149, %dma_start3A_1153] : memref<32x512xi32, #tpu.memory_space<vmem>> -> memref<1x128xi32, #tpu.memory_space<vmem>>
    %dma_start3A_1155 = tpu.memref_squeeze %dma_start3A_1154 : memref<1x128xi32, #tpu.memory_space<vmem>> -> memref<128xi32, #tpu.memory_space<vmem>>
    %dma_start3A_1156 = arith.constant 0 : i32
    %dma_start3A_1157 = arith.constant 0 : i32
    %dma_start3A_1158 = tpu.memref_slice %arg3[%dma_start3A_1156, %dma_start3A_1157] : memref<100000x128xf32, #tpu.memory_space<hbm>> -> memref<100000x128xf32, #tpu.memory_space<hbm>>
    tpu.enqueue_indirect_dma source(%dma_start3A_1158 : memref<100000x128xf32, #tpu.memory_space<hbm>>) target(%dma_start3A_1152 : memref<128x128xf32, #tpu.memory_space<vmem>>) offsets(%dma_start3A_1155 : memref<128xi32, #tpu.memory_space<vmem>>) semaphore(%arg8 : memref<!tpu.dma_semaphore, #tpu.memory_space<semaphore_mem>>) {add = true}
    %dma_start3A_1159 = arith.constant 16 : i32
    %dma_start3A_1160 = arith.constant 384 : i32
    %dma_start3A_1161 = arith.constant 0 : i32
    %dma_start3A_1162 = tpu.memref_slice %arg6[%dma_start3A_1160, %dma_start3A_1161] : memref<512x128xf32, #tpu.memory_space<vmem>> -> memref<128x128xf32, #tpu.memory_space<vmem>>
    %dma_start3A_1163 = arith.constant 384 : i32
    %dma_start3A_1164 = tpu.memref_slice %arg5[%dma_start3A_1159, %dma_start3A_1163] : memref<32x512xi32, #tpu.memory_space<vmem>> -> memref<1x128xi32, #tpu.memory_space<vmem>>
    %dma_start3A_1165 = tpu.memref_squeeze %dma_start3A_1164 : memref<1x128xi32, #tpu.memory_space<vmem>> -> memref<128xi32, #tpu.memory_space<vmem>>
    %dma_start3A_1166 = arith.constant 0 : i32
    %dma_start3A_1167 = arith.constant 0 : i32
    %dma_start3A_1168 = tpu.memref_slice %arg3[%dma_start3A_1166, %dma_start3A_1167] : memref<100000x128xf32, #tpu.memory_space<hbm>> -> memref<100000x128xf32, #tpu.memory_space<hbm>>
    tpu.enqueue_indirect_dma source(%dma_start3A_1168 : memref<100000x128xf32, #tpu.memory_space<hbm>>) target(%dma_start3A_1162 : memref<128x128xf32, #tpu.memory_space<vmem>>) offsets(%dma_start3A_1165 : memref<128xi32, #tpu.memory_space<vmem>>) semaphore(%arg8 : memref<!tpu.dma_semaphore, #tpu.memory_space<semaphore_mem>>) {add = true}
    %dma_start3A_1169 = arith.constant 17 : i32
    %dma_start3A_1170 = arith.constant 384 : i32
    %dma_start3A_1171 = arith.constant 0 : i32
    %dma_start3A_1172 = tpu.memref_slice %arg6[%dma_start3A_1170, %dma_start3A_1171] : memref<512x128xf32, #tpu.memory_space<vmem>> -> memref<128x128xf32, #tpu.memory_space<vmem>>
    %dma_start3A_1173 = arith.constant 384 : i32
    %dma_start3A_1174 = tpu.memref_slice %arg5[%dma_start3A_1169, %dma_start3A_1173] : memref<32x512xi32, #tpu.memory_space<vmem>> -> memref<1x128xi32, #tpu.memory_space<vmem>>
    %dma_start3A_1175 = tpu.memref_squeeze %dma_start3A_1174 : memref<1x128xi32, #tpu.memory_space<vmem>> -> memref<128xi32, #tpu.memory_space<vmem>>
    %dma_start3A_1176 = arith.constant 0 : i32
    %dma_start3A_1177 = arith.constant 0 : i32
    %dma_start3A_1178 = tpu.memref_slice %arg3[%dma_start3A_1176, %dma_start3A_1177] : memref<100000x128xf32, #tpu.memory_space<hbm>> -> memref<100000x128xf32, #tpu.memory_space<hbm>>
    tpu.enqueue_indirect_dma source(%dma_start3A_1178 : memref<100000x128xf32, #tpu.memory_space<hbm>>) target(%dma_start3A_1172 : memref<128x128xf32, #tpu.memory_space<vmem>>) offsets(%dma_start3A_1175 : memref<128xi32, #tpu.memory_space<vmem>>) semaphore(%arg8 : memref<!tpu.dma_semaphore, #tpu.memory_space<semaphore_mem>>) {add = true}
    %dma_start3A_1179 = arith.constant 18 : i32
    %dma_start3A_1180 = arith.constant 384 : i32
    %dma_start3A_1181 = arith.constant 0 : i32
    %dma_start3A_1182 = tpu.memref_slice %arg6[%dma_start3A_1180, %dma_start3A_1181] : memref<512x128xf32, #tpu.memory_space<vmem>> -> memref<128x128xf32, #tpu.memory_space<vmem>>
    %dma_start3A_1183 = arith.constant 384 : i32
    %dma_start3A_1184 = tpu.memref_slice %arg5[%dma_start3A_1179, %dma_start3A_1183] : memref<32x512xi32, #tpu.memory_space<vmem>> -> memref<1x128xi32, #tpu.memory_space<vmem>>
    %dma_start3A_1185 = tpu.memref_squeeze %dma_start3A_1184 : memref<1x128xi32, #tpu.memory_space<vmem>> -> memref<128xi32, #tpu.memory_space<vmem>>
    %dma_start3A_1186 = arith.constant 0 : i32
    %dma_start3A_1187 = arith.constant 0 : i32
    %dma_start3A_1188 = tpu.memref_slice %arg3[%dma_start3A_1186, %dma_start3A_1187] : memref<100000x128xf32, #tpu.memory_space<hbm>> -> memref<100000x128xf32, #tpu.memory_space<hbm>>
    tpu.enqueue_indirect_dma source(%dma_start3A_1188 : memref<100000x128xf32, #tpu.memory_space<hbm>>) target(%dma_start3A_1182 : memref<128x128xf32, #tpu.memory_space<vmem>>) offsets(%dma_start3A_1185 : memref<128xi32, #tpu.memory_space<vmem>>) semaphore(%arg8 : memref<!tpu.dma_semaphore, #tpu.memory_space<semaphore_mem>>) {add = true}
    %dma_start3A_1189 = arith.constant 19 : i32
    %dma_start3A_1190 = arith.constant 384 : i32
    %dma_start3A_1191 = arith.constant 0 : i32
    %dma_start3A_1192 = tpu.memref_slice %arg6[%dma_start3A_1190, %dma_start3A_1191] : memref<512x128xf32, #tpu.memory_space<vmem>> -> memref<128x128xf32, #tpu.memory_space<vmem>>
    %dma_start3A_1193 = arith.constant 384 : i32
    %dma_start3A_1194 = tpu.memref_slice %arg5[%dma_start3A_1189, %dma_start3A_1193] : memref<32x512xi32, #tpu.memory_space<vmem>> -> memref<1x128xi32, #tpu.memory_space<vmem>>
    %dma_start3A_1195 = tpu.memref_squeeze %dma_start3A_1194 : memref<1x128xi32, #tpu.memory_space<vmem>> -> memref<128xi32, #tpu.memory_space<vmem>>
    %dma_start3A_1196 = arith.constant 0 : i32
    %dma_start3A_1197 = arith.constant 0 : i32
    %dma_start3A_1198 = tpu.memref_slice %arg3[%dma_start3A_1196, %dma_start3A_1197] : memref<100000x128xf32, #tpu.memory_space<hbm>> -> memref<100000x128xf32, #tpu.memory_space<hbm>>
    tpu.enqueue_indirect_dma source(%dma_start3A_1198 : memref<100000x128xf32, #tpu.memory_space<hbm>>) target(%dma_start3A_1192 : memref<128x128xf32, #tpu.memory_space<vmem>>) offsets(%dma_start3A_1195 : memref<128xi32, #tpu.memory_space<vmem>>) semaphore(%arg8 : memref<!tpu.dma_semaphore, #tpu.memory_space<semaphore_mem>>) {add = true}
    %dma_start3A_1199 = arith.constant 20 : i32
    %dma_start3A_1200 = arith.constant 384 : i32
    %dma_start3A_1201 = arith.constant 0 : i32
    %dma_start3A_1202 = tpu.memref_slice %arg6[%dma_start3A_1200, %dma_start3A_1201] : memref<512x128xf32, #tpu.memory_space<vmem>> -> memref<128x128xf32, #tpu.memory_space<vmem>>
    %dma_start3A_1203 = arith.constant 384 : i32
    %dma_start3A_1204 = tpu.memref_slice %arg5[%dma_start3A_1199, %dma_start3A_1203] : memref<32x512xi32, #tpu.memory_space<vmem>> -> memref<1x128xi32, #tpu.memory_space<vmem>>
    %dma_start3A_1205 = tpu.memref_squeeze %dma_start3A_1204 : memref<1x128xi32, #tpu.memory_space<vmem>> -> memref<128xi32, #tpu.memory_space<vmem>>
    %dma_start3A_1206 = arith.constant 0 : i32
    %dma_start3A_1207 = arith.constant 0 : i32
    %dma_start3A_1208 = tpu.memref_slice %arg3[%dma_start3A_1206, %dma_start3A_1207] : memref<100000x128xf32, #tpu.memory_space<hbm>> -> memref<100000x128xf32, #tpu.memory_space<hbm>>
    tpu.enqueue_indirect_dma source(%dma_start3A_1208 : memref<100000x128xf32, #tpu.memory_space<hbm>>) target(%dma_start3A_1202 : memref<128x128xf32, #tpu.memory_space<vmem>>) offsets(%dma_start3A_1205 : memref<128xi32, #tpu.memory_space<vmem>>) semaphore(%arg8 : memref<!tpu.dma_semaphore, #tpu.memory_space<semaphore_mem>>) {add = true}
    %dma_start3A_1209 = arith.constant 21 : i32
    %dma_start3A_1210 = arith.constant 384 : i32
    %dma_start3A_1211 = arith.constant 0 : i32
    %dma_start3A_1212 = tpu.memref_slice %arg6[%dma_start3A_1210, %dma_start3A_1211] : memref<512x128xf32, #tpu.memory_space<vmem>> -> memref<128x128xf32, #tpu.memory_space<vmem>>
    %dma_start3A_1213 = arith.constant 384 : i32
    %dma_start3A_1214 = tpu.memref_slice %arg5[%dma_start3A_1209, %dma_start3A_1213] : memref<32x512xi32, #tpu.memory_space<vmem>> -> memref<1x128xi32, #tpu.memory_space<vmem>>
    %dma_start3A_1215 = tpu.memref_squeeze %dma_start3A_1214 : memref<1x128xi32, #tpu.memory_space<vmem>> -> memref<128xi32, #tpu.memory_space<vmem>>
    %dma_start3A_1216 = arith.constant 0 : i32
    %dma_start3A_1217 = arith.constant 0 : i32
    %dma_start3A_1218 = tpu.memref_slice %arg3[%dma_start3A_1216, %dma_start3A_1217] : memref<100000x128xf32, #tpu.memory_space<hbm>> -> memref<100000x128xf32, #tpu.memory_space<hbm>>
    tpu.enqueue_indirect_dma source(%dma_start3A_1218 : memref<100000x128xf32, #tpu.memory_space<hbm>>) target(%dma_start3A_1212 : memref<128x128xf32, #tpu.memory_space<vmem>>) offsets(%dma_start3A_1215 : memref<128xi32, #tpu.memory_space<vmem>>) semaphore(%arg8 : memref<!tpu.dma_semaphore, #tpu.memory_space<semaphore_mem>>) {add = true}
    %dma_start3A_1219 = arith.constant 22 : i32
    %dma_start3A_1220 = arith.constant 384 : i32
    %dma_start3A_1221 = arith.constant 0 : i32
    %dma_start3A_1222 = tpu.memref_slice %arg6[%dma_start3A_1220, %dma_start3A_1221] : memref<512x128xf32, #tpu.memory_space<vmem>> -> memref<128x128xf32, #tpu.memory_space<vmem>>
    %dma_start3A_1223 = arith.constant 384 : i32
    %dma_start3A_1224 = tpu.memref_slice %arg5[%dma_start3A_1219, %dma_start3A_1223] : memref<32x512xi32, #tpu.memory_space<vmem>> -> memref<1x128xi32, #tpu.memory_space<vmem>>
    %dma_start3A_1225 = tpu.memref_squeeze %dma_start3A_1224 : memref<1x128xi32, #tpu.memory_space<vmem>> -> memref<128xi32, #tpu.memory_space<vmem>>
    %dma_start3A_1226 = arith.constant 0 : i32
    %dma_start3A_1227 = arith.constant 0 : i32
    %dma_start3A_1228 = tpu.memref_slice %arg3[%dma_start3A_1226, %dma_start3A_1227] : memref<100000x128xf32, #tpu.memory_space<hbm>> -> memref<100000x128xf32, #tpu.memory_space<hbm>>
    tpu.enqueue_indirect_dma source(%dma_start3A_1228 : memref<100000x128xf32, #tpu.memory_space<hbm>>) target(%dma_start3A_1222 : memref<128x128xf32, #tpu.memory_space<vmem>>) offsets(%dma_start3A_1225 : memref<128xi32, #tpu.memory_space<vmem>>) semaphore(%arg8 : memref<!tpu.dma_semaphore, #tpu.memory_space<semaphore_mem>>) {add = true}
    %dma_start3A_1229 = arith.constant 23 : i32
    %dma_start3A_1230 = arith.constant 384 : i32
    %dma_start3A_1231 = arith.constant 0 : i32
    %dma_start3A_1232 = tpu.memref_slice %arg6[%dma_start3A_1230, %dma_start3A_1231] : memref<512x128xf32, #tpu.memory_space<vmem>> -> memref<128x128xf32, #tpu.memory_space<vmem>>
    %dma_start3A_1233 = arith.constant 384 : i32
    %dma_start3A_1234 = tpu.memref_slice %arg5[%dma_start3A_1229, %dma_start3A_1233] : memref<32x512xi32, #tpu.memory_space<vmem>> -> memref<1x128xi32, #tpu.memory_space<vmem>>
    %dma_start3A_1235 = tpu.memref_squeeze %dma_start3A_1234 : memref<1x128xi32, #tpu.memory_space<vmem>> -> memref<128xi32, #tpu.memory_space<vmem>>
    %dma_start3A_1236 = arith.constant 0 : i32
    %dma_start3A_1237 = arith.constant 0 : i32
    %dma_start3A_1238 = tpu.memref_slice %arg3[%dma_start3A_1236, %dma_start3A_1237] : memref<100000x128xf32, #tpu.memory_space<hbm>> -> memref<100000x128xf32, #tpu.memory_space<hbm>>
    tpu.enqueue_indirect_dma source(%dma_start3A_1238 : memref<100000x128xf32, #tpu.memory_space<hbm>>) target(%dma_start3A_1232 : memref<128x128xf32, #tpu.memory_space<vmem>>) offsets(%dma_start3A_1235 : memref<128xi32, #tpu.memory_space<vmem>>) semaphore(%arg8 : memref<!tpu.dma_semaphore, #tpu.memory_space<semaphore_mem>>) {add = true}
    %dma_start3A_1239 = arith.constant 24 : i32
    %dma_start3A_1240 = arith.constant 384 : i32
    %dma_start3A_1241 = arith.constant 0 : i32
    %dma_start3A_1242 = tpu.memref_slice %arg6[%dma_start3A_1240, %dma_start3A_1241] : memref<512x128xf32, #tpu.memory_space<vmem>> -> memref<128x128xf32, #tpu.memory_space<vmem>>
    %dma_start3A_1243 = arith.constant 384 : i32
    %dma_start3A_1244 = tpu.memref_slice %arg5[%dma_start3A_1239, %dma_start3A_1243] : memref<32x512xi32, #tpu.memory_space<vmem>> -> memref<1x128xi32, #tpu.memory_space<vmem>>
    %dma_start3A_1245 = tpu.memref_squeeze %dma_start3A_1244 : memref<1x128xi32, #tpu.memory_space<vmem>> -> memref<128xi32, #tpu.memory_space<vmem>>
    %dma_start3A_1246 = arith.constant 0 : i32
    %dma_start3A_1247 = arith.constant 0 : i32
    %dma_start3A_1248 = tpu.memref_slice %arg3[%dma_start3A_1246, %dma_start3A_1247] : memref<100000x128xf32, #tpu.memory_space<hbm>> -> memref<100000x128xf32, #tpu.memory_space<hbm>>
    tpu.enqueue_indirect_dma source(%dma_start3A_1248 : memref<100000x128xf32, #tpu.memory_space<hbm>>) target(%dma_start3A_1242 : memref<128x128xf32, #tpu.memory_space<vmem>>) offsets(%dma_start3A_1245 : memref<128xi32, #tpu.memory_space<vmem>>) semaphore(%arg8 : memref<!tpu.dma_semaphore, #tpu.memory_space<semaphore_mem>>) {add = true}
    %dma_start3A_1249 = arith.constant 25 : i32
    %dma_start3A_1250 = arith.constant 384 : i32
    %dma_start3A_1251 = arith.constant 0 : i32
    %dma_start3A_1252 = tpu.memref_slice %arg6[%dma_start3A_1250, %dma_start3A_1251] : memref<512x128xf32, #tpu.memory_space<vmem>> -> memref<128x128xf32, #tpu.memory_space<vmem>>
    %dma_start3A_1253 = arith.constant 384 : i32
    %dma_start3A_1254 = tpu.memref_slice %arg5[%dma_start3A_1249, %dma_start3A_1253] : memref<32x512xi32, #tpu.memory_space<vmem>> -> memref<1x128xi32, #tpu.memory_space<vmem>>
    %dma_start3A_1255 = tpu.memref_squeeze %dma_start3A_1254 : memref<1x128xi32, #tpu.memory_space<vmem>> -> memref<128xi32, #tpu.memory_space<vmem>>
    %dma_start3A_1256 = arith.constant 0 : i32
    %dma_start3A_1257 = arith.constant 0 : i32
    %dma_start3A_1258 = tpu.memref_slice %arg3[%dma_start3A_1256, %dma_start3A_1257] : memref<100000x128xf32, #tpu.memory_space<hbm>> -> memref<100000x128xf32, #tpu.memory_space<hbm>>
    tpu.enqueue_indirect_dma source(%dma_start3A_1258 : memref<100000x128xf32, #tpu.memory_space<hbm>>) target(%dma_start3A_1252 : memref<128x128xf32, #tpu.memory_space<vmem>>) offsets(%dma_start3A_1255 : memref<128xi32, #tpu.memory_space<vmem>>) semaphore(%arg8 : memref<!tpu.dma_semaphore, #tpu.memory_space<semaphore_mem>>) {add = true}
    %dma_start3A_1259 = arith.constant 26 : i32
    %dma_start3A_1260 = arith.constant 384 : i32
    %dma_start3A_1261 = arith.constant 0 : i32
    %dma_start3A_1262 = tpu.memref_slice %arg6[%dma_start3A_1260, %dma_start3A_1261] : memref<512x128xf32, #tpu.memory_space<vmem>> -> memref<128x128xf32, #tpu.memory_space<vmem>>
    %dma_start3A_1263 = arith.constant 384 : i32
    %dma_start3A_1264 = tpu.memref_slice %arg5[%dma_start3A_1259, %dma_start3A_1263] : memref<32x512xi32, #tpu.memory_space<vmem>> -> memref<1x128xi32, #tpu.memory_space<vmem>>
    %dma_start3A_1265 = tpu.memref_squeeze %dma_start3A_1264 : memref<1x128xi32, #tpu.memory_space<vmem>> -> memref<128xi32, #tpu.memory_space<vmem>>
    %dma_start3A_1266 = arith.constant 0 : i32
    %dma_start3A_1267 = arith.constant 0 : i32
    %dma_start3A_1268 = tpu.memref_slice %arg3[%dma_start3A_1266, %dma_start3A_1267] : memref<100000x128xf32, #tpu.memory_space<hbm>> -> memref<100000x128xf32, #tpu.memory_space<hbm>>
    tpu.enqueue_indirect_dma source(%dma_start3A_1268 : memref<100000x128xf32, #tpu.memory_space<hbm>>) target(%dma_start3A_1262 : memref<128x128xf32, #tpu.memory_space<vmem>>) offsets(%dma_start3A_1265 : memref<128xi32, #tpu.memory_space<vmem>>) semaphore(%arg8 : memref<!tpu.dma_semaphore, #tpu.memory_space<semaphore_mem>>) {add = true}
    %dma_start3A_1269 = arith.constant 27 : i32
    %dma_start3A_1270 = arith.constant 384 : i32
    %dma_start3A_1271 = arith.constant 0 : i32
    %dma_start3A_1272 = tpu.memref_slice %arg6[%dma_start3A_1270, %dma_start3A_1271] : memref<512x128xf32, #tpu.memory_space<vmem>> -> memref<128x128xf32, #tpu.memory_space<vmem>>
    %dma_start3A_1273 = arith.constant 384 : i32
    %dma_start3A_1274 = tpu.memref_slice %arg5[%dma_start3A_1269, %dma_start3A_1273] : memref<32x512xi32, #tpu.memory_space<vmem>> -> memref<1x128xi32, #tpu.memory_space<vmem>>
    %dma_start3A_1275 = tpu.memref_squeeze %dma_start3A_1274 : memref<1x128xi32, #tpu.memory_space<vmem>> -> memref<128xi32, #tpu.memory_space<vmem>>
    %dma_start3A_1276 = arith.constant 0 : i32
    %dma_start3A_1277 = arith.constant 0 : i32
    %dma_start3A_1278 = tpu.memref_slice %arg3[%dma_start3A_1276, %dma_start3A_1277] : memref<100000x128xf32, #tpu.memory_space<hbm>> -> memref<100000x128xf32, #tpu.memory_space<hbm>>
    tpu.enqueue_indirect_dma source(%dma_start3A_1278 : memref<100000x128xf32, #tpu.memory_space<hbm>>) target(%dma_start3A_1272 : memref<128x128xf32, #tpu.memory_space<vmem>>) offsets(%dma_start3A_1275 : memref<128xi32, #tpu.memory_space<vmem>>) semaphore(%arg8 : memref<!tpu.dma_semaphore, #tpu.memory_space<semaphore_mem>>) {add = true}
    %dma_start3A_1279 = arith.constant 28 : i32
    %dma_start3A_1280 = arith.constant 384 : i32
    %dma_start3A_1281 = arith.constant 0 : i32
    %dma_start3A_1282 = tpu.memref_slice %arg6[%dma_start3A_1280, %dma_start3A_1281] : memref<512x128xf32, #tpu.memory_space<vmem>> -> memref<128x128xf32, #tpu.memory_space<vmem>>
    %dma_start3A_1283 = arith.constant 384 : i32
    %dma_start3A_1284 = tpu.memref_slice %arg5[%dma_start3A_1279, %dma_start3A_1283] : memref<32x512xi32, #tpu.memory_space<vmem>> -> memref<1x128xi32, #tpu.memory_space<vmem>>
    %dma_start3A_1285 = tpu.memref_squeeze %dma_start3A_1284 : memref<1x128xi32, #tpu.memory_space<vmem>> -> memref<128xi32, #tpu.memory_space<vmem>>
    %dma_start3A_1286 = arith.constant 0 : i32
    %dma_start3A_1287 = arith.constant 0 : i32
    %dma_start3A_1288 = tpu.memref_slice %arg3[%dma_start3A_1286, %dma_start3A_1287] : memref<100000x128xf32, #tpu.memory_space<hbm>> -> memref<100000x128xf32, #tpu.memory_space<hbm>>
    tpu.enqueue_indirect_dma source(%dma_start3A_1288 : memref<100000x128xf32, #tpu.memory_space<hbm>>) target(%dma_start3A_1282 : memref<128x128xf32, #tpu.memory_space<vmem>>) offsets(%dma_start3A_1285 : memref<128xi32, #tpu.memory_space<vmem>>) semaphore(%arg8 : memref<!tpu.dma_semaphore, #tpu.memory_space<semaphore_mem>>) {add = true}
    %dma_start3A_1289 = arith.constant 29 : i32
    %dma_start3A_1290 = arith.constant 384 : i32
    %dma_start3A_1291 = arith.constant 0 : i32
    %dma_start3A_1292 = tpu.memref_slice %arg6[%dma_start3A_1290, %dma_start3A_1291] : memref<512x128xf32, #tpu.memory_space<vmem>> -> memref<128x128xf32, #tpu.memory_space<vmem>>
    %dma_start3A_1293 = arith.constant 384 : i32
    %dma_start3A_1294 = tpu.memref_slice %arg5[%dma_start3A_1289, %dma_start3A_1293] : memref<32x512xi32, #tpu.memory_space<vmem>> -> memref<1x128xi32, #tpu.memory_space<vmem>>
    %dma_start3A_1295 = tpu.memref_squeeze %dma_start3A_1294 : memref<1x128xi32, #tpu.memory_space<vmem>> -> memref<128xi32, #tpu.memory_space<vmem>>
    %dma_start3A_1296 = arith.constant 0 : i32
    %dma_start3A_1297 = arith.constant 0 : i32
    %dma_start3A_1298 = tpu.memref_slice %arg3[%dma_start3A_1296, %dma_start3A_1297] : memref<100000x128xf32, #tpu.memory_space<hbm>> -> memref<100000x128xf32, #tpu.memory_space<hbm>>
    tpu.enqueue_indirect_dma source(%dma_start3A_1298 : memref<100000x128xf32, #tpu.memory_space<hbm>>) target(%dma_start3A_1292 : memref<128x128xf32, #tpu.memory_space<vmem>>) offsets(%dma_start3A_1295 : memref<128xi32, #tpu.memory_space<vmem>>) semaphore(%arg8 : memref<!tpu.dma_semaphore, #tpu.memory_space<semaphore_mem>>) {add = true}
    %dma_start3A_1299 = arith.constant 30 : i32
    %dma_start3A_1300 = arith.constant 384 : i32
    %dma_start3A_1301 = arith.constant 0 : i32
    %dma_start3A_1302 = tpu.memref_slice %arg6[%dma_start3A_1300, %dma_start3A_1301] : memref<512x128xf32, #tpu.memory_space<vmem>> -> memref<128x128xf32, #tpu.memory_space<vmem>>
    %dma_start3A_1303 = arith.constant 384 : i32
    %dma_start3A_1304 = tpu.memref_slice %arg5[%dma_start3A_1299, %dma_start3A_1303] : memref<32x512xi32, #tpu.memory_space<vmem>> -> memref<1x128xi32, #tpu.memory_space<vmem>>
    %dma_start3A_1305 = tpu.memref_squeeze %dma_start3A_1304 : memref<1x128xi32, #tpu.memory_space<vmem>> -> memref<128xi32, #tpu.memory_space<vmem>>
    %dma_start3A_1306 = arith.constant 0 : i32
    %dma_start3A_1307 = arith.constant 0 : i32
    %dma_start3A_1308 = tpu.memref_slice %arg3[%dma_start3A_1306, %dma_start3A_1307] : memref<100000x128xf32, #tpu.memory_space<hbm>> -> memref<100000x128xf32, #tpu.memory_space<hbm>>
    tpu.enqueue_indirect_dma source(%dma_start3A_1308 : memref<100000x128xf32, #tpu.memory_space<hbm>>) target(%dma_start3A_1302 : memref<128x128xf32, #tpu.memory_space<vmem>>) offsets(%dma_start3A_1305 : memref<128xi32, #tpu.memory_space<vmem>>) semaphore(%arg8 : memref<!tpu.dma_semaphore, #tpu.memory_space<semaphore_mem>>) {add = true}
    %dma_start3A_1309 = arith.constant 31 : i32
    %dma_start3A_1310 = arith.constant 384 : i32
    %dma_start3A_1311 = arith.constant 0 : i32
    %dma_start3A_1312 = tpu.memref_slice %arg6[%dma_start3A_1310, %dma_start3A_1311] : memref<512x128xf32, #tpu.memory_space<vmem>> -> memref<128x128xf32, #tpu.memory_space<vmem>>
    %dma_start3A_1313 = arith.constant 384 : i32
    %dma_start3A_1314 = tpu.memref_slice %arg5[%dma_start3A_1309, %dma_start3A_1313] : memref<32x512xi32, #tpu.memory_space<vmem>> -> memref<1x128xi32, #tpu.memory_space<vmem>>
    %dma_start3A_1315 = tpu.memref_squeeze %dma_start3A_1314 : memref<1x128xi32, #tpu.memory_space<vmem>> -> memref<128xi32, #tpu.memory_space<vmem>>
    %dma_start3A_1316 = arith.constant 0 : i32
    %dma_start3A_1317 = arith.constant 0 : i32
    %dma_start3A_1318 = tpu.memref_slice %arg3[%dma_start3A_1316, %dma_start3A_1317] : memref<100000x128xf32, #tpu.memory_space<hbm>> -> memref<100000x128xf32, #tpu.memory_space<hbm>>
    tpu.enqueue_indirect_dma source(%dma_start3A_1318 : memref<100000x128xf32, #tpu.memory_space<hbm>>) target(%dma_start3A_1312 : memref<128x128xf32, #tpu.memory_space<vmem>>) offsets(%dma_start3A_1315 : memref<128xi32, #tpu.memory_space<vmem>>) semaphore(%arg8 : memref<!tpu.dma_semaphore, #tpu.memory_space<semaphore_mem>>) {add = true}
    %dma_wait3A_1319 = arith.constant 1 : i32
    %dma_wait3A_1320 = arith.constant 0 : i32
    %dma_wait3A_1321 = arith.constant 0 : i32
    %dma_wait3A_1322 = tpu.memref_slice %arg6[%dma_wait3A_1320, %dma_wait3A_1321] : memref<512x128xf32, #tpu.memory_space<vmem>> -> memref<128x128xf32, #tpu.memory_space<vmem>>
    %dma_wait3A_1323 = arith.constant 0 : i32
    %dma_wait3A_1324 = tpu.memref_slice %arg5[%dma_wait3A_1319, %dma_wait3A_1323] : memref<32x512xi32, #tpu.memory_space<vmem>> -> memref<1x128xi32, #tpu.memory_space<vmem>>
    %dma_wait3A_1325 = tpu.memref_squeeze %dma_wait3A_1324 : memref<1x128xi32, #tpu.memory_space<vmem>> -> memref<128xi32, #tpu.memory_space<vmem>>
    %dma_wait3A_1326 = arith.constant 0 : i32
    %dma_wait3A_1327 = arith.constant 0 : i32
    %dma_wait3A_1328 = tpu.memref_slice %arg3[%dma_wait3A_1326, %dma_wait3A_1327] : memref<100000x128xf32, #tpu.memory_space<hbm>> -> memref<100000x128xf32, #tpu.memory_space<hbm>>
    tpu.wait_indirect_dma semaphore(%arg8 : memref<!tpu.dma_semaphore, #tpu.memory_space<semaphore_mem>>) src(%dma_wait3A_1328 : memref<100000x128xf32, #tpu.memory_space<hbm>>) dst(%dma_wait3A_1322 : memref<128x128xf32, #tpu.memory_space<vmem>>)
    %dma_wait3A_1329 = arith.constant 2 : i32
    %dma_wait3A_1330 = arith.constant 0 : i32
    %dma_wait3A_1331 = arith.constant 0 : i32
    %dma_wait3A_1332 = tpu.memref_slice %arg6[%dma_wait3A_1330, %dma_wait3A_1331] : memref<512x128xf32, #tpu.memory_space<vmem>> -> memref<128x128xf32, #tpu.memory_space<vmem>>
    %dma_wait3A_1333 = arith.constant 0 : i32
    %dma_wait3A_1334 = tpu.memref_slice %arg5[%dma_wait3A_1329, %dma_wait3A_1333] : memref<32x512xi32, #tpu.memory_space<vmem>> -> memref<1x128xi32, #tpu.memory_space<vmem>>
    %dma_wait3A_1335 = tpu.memref_squeeze %dma_wait3A_1334 : memref<1x128xi32, #tpu.memory_space<vmem>> -> memref<128xi32, #tpu.memory_space<vmem>>
    %dma_wait3A_1336 = arith.constant 0 : i32
    %dma_wait3A_1337 = arith.constant 0 : i32
    %dma_wait3A_1338 = tpu.memref_slice %arg3[%dma_wait3A_1336, %dma_wait3A_1337] : memref<100000x128xf32, #tpu.memory_space<hbm>> -> memref<100000x128xf32, #tpu.memory_space<hbm>>
    tpu.wait_indirect_dma semaphore(%arg8 : memref<!tpu.dma_semaphore, #tpu.memory_space<semaphore_mem>>) src(%dma_wait3A_1338 : memref<100000x128xf32, #tpu.memory_space<hbm>>) dst(%dma_wait3A_1332 : memref<128x128xf32, #tpu.memory_space<vmem>>)
    %dma_wait3A_1339 = arith.constant 3 : i32
    %dma_wait3A_1340 = arith.constant 0 : i32
    %dma_wait3A_1341 = arith.constant 0 : i32
    %dma_wait3A_1342 = tpu.memref_slice %arg6[%dma_wait3A_1340, %dma_wait3A_1341] : memref<512x128xf32, #tpu.memory_space<vmem>> -> memref<128x128xf32, #tpu.memory_space<vmem>>
    %dma_wait3A_1343 = arith.constant 0 : i32
    %dma_wait3A_1344 = tpu.memref_slice %arg5[%dma_wait3A_1339, %dma_wait3A_1343] : memref<32x512xi32, #tpu.memory_space<vmem>> -> memref<1x128xi32, #tpu.memory_space<vmem>>
    %dma_wait3A_1345 = tpu.memref_squeeze %dma_wait3A_1344 : memref<1x128xi32, #tpu.memory_space<vmem>> -> memref<128xi32, #tpu.memory_space<vmem>>
    %dma_wait3A_1346 = arith.constant 0 : i32
    %dma_wait3A_1347 = arith.constant 0 : i32
    %dma_wait3A_1348 = tpu.memref_slice %arg3[%dma_wait3A_1346, %dma_wait3A_1347] : memref<100000x128xf32, #tpu.memory_space<hbm>> -> memref<100000x128xf32, #tpu.memory_space<hbm>>
    tpu.wait_indirect_dma semaphore(%arg8 : memref<!tpu.dma_semaphore, #tpu.memory_space<semaphore_mem>>) src(%dma_wait3A_1348 : memref<100000x128xf32, #tpu.memory_space<hbm>>) dst(%dma_wait3A_1342 : memref<128x128xf32, #tpu.memory_space<vmem>>)
    %dma_wait3A_1349 = arith.constant 4 : i32
    %dma_wait3A_1350 = arith.constant 0 : i32
    %dma_wait3A_1351 = arith.constant 0 : i32
    %dma_wait3A_1352 = tpu.memref_slice %arg6[%dma_wait3A_1350, %dma_wait3A_1351] : memref<512x128xf32, #tpu.memory_space<vmem>> -> memref<128x128xf32, #tpu.memory_space<vmem>>
    %dma_wait3A_1353 = arith.constant 0 : i32
    %dma_wait3A_1354 = tpu.memref_slice %arg5[%dma_wait3A_1349, %dma_wait3A_1353] : memref<32x512xi32, #tpu.memory_space<vmem>> -> memref<1x128xi32, #tpu.memory_space<vmem>>
    %dma_wait3A_1355 = tpu.memref_squeeze %dma_wait3A_1354 : memref<1x128xi32, #tpu.memory_space<vmem>> -> memref<128xi32, #tpu.memory_space<vmem>>
    %dma_wait3A_1356 = arith.constant 0 : i32
    %dma_wait3A_1357 = arith.constant 0 : i32
    %dma_wait3A_1358 = tpu.memref_slice %arg3[%dma_wait3A_1356, %dma_wait3A_1357] : memref<100000x128xf32, #tpu.memory_space<hbm>> -> memref<100000x128xf32, #tpu.memory_space<hbm>>
    tpu.wait_indirect_dma semaphore(%arg8 : memref<!tpu.dma_semaphore, #tpu.memory_space<semaphore_mem>>) src(%dma_wait3A_1358 : memref<100000x128xf32, #tpu.memory_space<hbm>>) dst(%dma_wait3A_1352 : memref<128x128xf32, #tpu.memory_space<vmem>>)
    %dma_wait3A_1359 = arith.constant 5 : i32
    %dma_wait3A_1360 = arith.constant 0 : i32
    %dma_wait3A_1361 = arith.constant 0 : i32
    %dma_wait3A_1362 = tpu.memref_slice %arg6[%dma_wait3A_1360, %dma_wait3A_1361] : memref<512x128xf32, #tpu.memory_space<vmem>> -> memref<128x128xf32, #tpu.memory_space<vmem>>
    %dma_wait3A_1363 = arith.constant 0 : i32
    %dma_wait3A_1364 = tpu.memref_slice %arg5[%dma_wait3A_1359, %dma_wait3A_1363] : memref<32x512xi32, #tpu.memory_space<vmem>> -> memref<1x128xi32, #tpu.memory_space<vmem>>
    %dma_wait3A_1365 = tpu.memref_squeeze %dma_wait3A_1364 : memref<1x128xi32, #tpu.memory_space<vmem>> -> memref<128xi32, #tpu.memory_space<vmem>>
    %dma_wait3A_1366 = arith.constant 0 : i32
    %dma_wait3A_1367 = arith.constant 0 : i32
    %dma_wait3A_1368 = tpu.memref_slice %arg3[%dma_wait3A_1366, %dma_wait3A_1367] : memref<100000x128xf32, #tpu.memory_space<hbm>> -> memref<100000x128xf32, #tpu.memory_space<hbm>>
    tpu.wait_indirect_dma semaphore(%arg8 : memref<!tpu.dma_semaphore, #tpu.memory_space<semaphore_mem>>) src(%dma_wait3A_1368 : memref<100000x128xf32, #tpu.memory_space<hbm>>) dst(%dma_wait3A_1362 : memref<128x128xf32, #tpu.memory_space<vmem>>)
    %dma_wait3A_1369 = arith.constant 6 : i32
    %dma_wait3A_1370 = arith.constant 0 : i32
    %dma_wait3A_1371 = arith.constant 0 : i32
    %dma_wait3A_1372 = tpu.memref_slice %arg6[%dma_wait3A_1370, %dma_wait3A_1371] : memref<512x128xf32, #tpu.memory_space<vmem>> -> memref<128x128xf32, #tpu.memory_space<vmem>>
    %dma_wait3A_1373 = arith.constant 0 : i32
    %dma_wait3A_1374 = tpu.memref_slice %arg5[%dma_wait3A_1369, %dma_wait3A_1373] : memref<32x512xi32, #tpu.memory_space<vmem>> -> memref<1x128xi32, #tpu.memory_space<vmem>>
    %dma_wait3A_1375 = tpu.memref_squeeze %dma_wait3A_1374 : memref<1x128xi32, #tpu.memory_space<vmem>> -> memref<128xi32, #tpu.memory_space<vmem>>
    %dma_wait3A_1376 = arith.constant 0 : i32
    %dma_wait3A_1377 = arith.constant 0 : i32
    %dma_wait3A_1378 = tpu.memref_slice %arg3[%dma_wait3A_1376, %dma_wait3A_1377] : memref<100000x128xf32, #tpu.memory_space<hbm>> -> memref<100000x128xf32, #tpu.memory_space<hbm>>
    tpu.wait_indirect_dma semaphore(%arg8 : memref<!tpu.dma_semaphore, #tpu.memory_space<semaphore_mem>>) src(%dma_wait3A_1378 : memref<100000x128xf32, #tpu.memory_space<hbm>>) dst(%dma_wait3A_1372 : memref<128x128xf32, #tpu.memory_space<vmem>>)
    %dma_wait3A_1379 = arith.constant 7 : i32
    %dma_wait3A_1380 = arith.constant 0 : i32
    %dma_wait3A_1381 = arith.constant 0 : i32
    %dma_wait3A_1382 = tpu.memref_slice %arg6[%dma_wait3A_1380, %dma_wait3A_1381] : memref<512x128xf32, #tpu.memory_space<vmem>> -> memref<128x128xf32, #tpu.memory_space<vmem>>
    %dma_wait3A_1383 = arith.constant 0 : i32
    %dma_wait3A_1384 = tpu.memref_slice %arg5[%dma_wait3A_1379, %dma_wait3A_1383] : memref<32x512xi32, #tpu.memory_space<vmem>> -> memref<1x128xi32, #tpu.memory_space<vmem>>
    %dma_wait3A_1385 = tpu.memref_squeeze %dma_wait3A_1384 : memref<1x128xi32, #tpu.memory_space<vmem>> -> memref<128xi32, #tpu.memory_space<vmem>>
    %dma_wait3A_1386 = arith.constant 0 : i32
    %dma_wait3A_1387 = arith.constant 0 : i32
    %dma_wait3A_1388 = tpu.memref_slice %arg3[%dma_wait3A_1386, %dma_wait3A_1387] : memref<100000x128xf32, #tpu.memory_space<hbm>> -> memref<100000x128xf32, #tpu.memory_space<hbm>>
    tpu.wait_indirect_dma semaphore(%arg8 : memref<!tpu.dma_semaphore, #tpu.memory_space<semaphore_mem>>) src(%dma_wait3A_1388 : memref<100000x128xf32, #tpu.memory_space<hbm>>) dst(%dma_wait3A_1382 : memref<128x128xf32, #tpu.memory_space<vmem>>)
    %dma_wait3A_1389 = arith.constant 8 : i32
    %dma_wait3A_1390 = arith.constant 0 : i32
    %dma_wait3A_1391 = arith.constant 0 : i32
    %dma_wait3A_1392 = tpu.memref_slice %arg6[%dma_wait3A_1390, %dma_wait3A_1391] : memref<512x128xf32, #tpu.memory_space<vmem>> -> memref<128x128xf32, #tpu.memory_space<vmem>>
    %dma_wait3A_1393 = arith.constant 0 : i32
    %dma_wait3A_1394 = tpu.memref_slice %arg5[%dma_wait3A_1389, %dma_wait3A_1393] : memref<32x512xi32, #tpu.memory_space<vmem>> -> memref<1x128xi32, #tpu.memory_space<vmem>>
    %dma_wait3A_1395 = tpu.memref_squeeze %dma_wait3A_1394 : memref<1x128xi32, #tpu.memory_space<vmem>> -> memref<128xi32, #tpu.memory_space<vmem>>
    %dma_wait3A_1396 = arith.constant 0 : i32
    %dma_wait3A_1397 = arith.constant 0 : i32
    %dma_wait3A_1398 = tpu.memref_slice %arg3[%dma_wait3A_1396, %dma_wait3A_1397] : memref<100000x128xf32, #tpu.memory_space<hbm>> -> memref<100000x128xf32, #tpu.memory_space<hbm>>
    tpu.wait_indirect_dma semaphore(%arg8 : memref<!tpu.dma_semaphore, #tpu.memory_space<semaphore_mem>>) src(%dma_wait3A_1398 : memref<100000x128xf32, #tpu.memory_space<hbm>>) dst(%dma_wait3A_1392 : memref<128x128xf32, #tpu.memory_space<vmem>>)
    %dma_wait3A_1399 = arith.constant 9 : i32
    %dma_wait3A_1400 = arith.constant 0 : i32
    %dma_wait3A_1401 = arith.constant 0 : i32
    %dma_wait3A_1402 = tpu.memref_slice %arg6[%dma_wait3A_1400, %dma_wait3A_1401] : memref<512x128xf32, #tpu.memory_space<vmem>> -> memref<128x128xf32, #tpu.memory_space<vmem>>
    %dma_wait3A_1403 = arith.constant 0 : i32
    %dma_wait3A_1404 = tpu.memref_slice %arg5[%dma_wait3A_1399, %dma_wait3A_1403] : memref<32x512xi32, #tpu.memory_space<vmem>> -> memref<1x128xi32, #tpu.memory_space<vmem>>
    %dma_wait3A_1405 = tpu.memref_squeeze %dma_wait3A_1404 : memref<1x128xi32, #tpu.memory_space<vmem>> -> memref<128xi32, #tpu.memory_space<vmem>>
    %dma_wait3A_1406 = arith.constant 0 : i32
    %dma_wait3A_1407 = arith.constant 0 : i32
    %dma_wait3A_1408 = tpu.memref_slice %arg3[%dma_wait3A_1406, %dma_wait3A_1407] : memref<100000x128xf32, #tpu.memory_space<hbm>> -> memref<100000x128xf32, #tpu.memory_space<hbm>>
    tpu.wait_indirect_dma semaphore(%arg8 : memref<!tpu.dma_semaphore, #tpu.memory_space<semaphore_mem>>) src(%dma_wait3A_1408 : memref<100000x128xf32, #tpu.memory_space<hbm>>) dst(%dma_wait3A_1402 : memref<128x128xf32, #tpu.memory_space<vmem>>)
    %dma_wait3A_1409 = arith.constant 10 : i32
    %dma_wait3A_1410 = arith.constant 0 : i32
    %dma_wait3A_1411 = arith.constant 0 : i32
    %dma_wait3A_1412 = tpu.memref_slice %arg6[%dma_wait3A_1410, %dma_wait3A_1411] : memref<512x128xf32, #tpu.memory_space<vmem>> -> memref<128x128xf32, #tpu.memory_space<vmem>>
    %dma_wait3A_1413 = arith.constant 0 : i32
    %dma_wait3A_1414 = tpu.memref_slice %arg5[%dma_wait3A_1409, %dma_wait3A_1413] : memref<32x512xi32, #tpu.memory_space<vmem>> -> memref<1x128xi32, #tpu.memory_space<vmem>>
    %dma_wait3A_1415 = tpu.memref_squeeze %dma_wait3A_1414 : memref<1x128xi32, #tpu.memory_space<vmem>> -> memref<128xi32, #tpu.memory_space<vmem>>
    %dma_wait3A_1416 = arith.constant 0 : i32
    %dma_wait3A_1417 = arith.constant 0 : i32
    %dma_wait3A_1418 = tpu.memref_slice %arg3[%dma_wait3A_1416, %dma_wait3A_1417] : memref<100000x128xf32, #tpu.memory_space<hbm>> -> memref<100000x128xf32, #tpu.memory_space<hbm>>
    tpu.wait_indirect_dma semaphore(%arg8 : memref<!tpu.dma_semaphore, #tpu.memory_space<semaphore_mem>>) src(%dma_wait3A_1418 : memref<100000x128xf32, #tpu.memory_space<hbm>>) dst(%dma_wait3A_1412 : memref<128x128xf32, #tpu.memory_space<vmem>>)
    %dma_wait3A_1419 = arith.constant 11 : i32
    %dma_wait3A_1420 = arith.constant 0 : i32
    %dma_wait3A_1421 = arith.constant 0 : i32
    %dma_wait3A_1422 = tpu.memref_slice %arg6[%dma_wait3A_1420, %dma_wait3A_1421] : memref<512x128xf32, #tpu.memory_space<vmem>> -> memref<128x128xf32, #tpu.memory_space<vmem>>
    %dma_wait3A_1423 = arith.constant 0 : i32
    %dma_wait3A_1424 = tpu.memref_slice %arg5[%dma_wait3A_1419, %dma_wait3A_1423] : memref<32x512xi32, #tpu.memory_space<vmem>> -> memref<1x128xi32, #tpu.memory_space<vmem>>
    %dma_wait3A_1425 = tpu.memref_squeeze %dma_wait3A_1424 : memref<1x128xi32, #tpu.memory_space<vmem>> -> memref<128xi32, #tpu.memory_space<vmem>>
    %dma_wait3A_1426 = arith.constant 0 : i32
    %dma_wait3A_1427 = arith.constant 0 : i32
    %dma_wait3A_1428 = tpu.memref_slice %arg3[%dma_wait3A_1426, %dma_wait3A_1427] : memref<100000x128xf32, #tpu.memory_space<hbm>> -> memref<100000x128xf32, #tpu.memory_space<hbm>>
    tpu.wait_indirect_dma semaphore(%arg8 : memref<!tpu.dma_semaphore, #tpu.memory_space<semaphore_mem>>) src(%dma_wait3A_1428 : memref<100000x128xf32, #tpu.memory_space<hbm>>) dst(%dma_wait3A_1422 : memref<128x128xf32, #tpu.memory_space<vmem>>)
    %dma_wait3A_1429 = arith.constant 12 : i32
    %dma_wait3A_1430 = arith.constant 0 : i32
    %dma_wait3A_1431 = arith.constant 0 : i32
    %dma_wait3A_1432 = tpu.memref_slice %arg6[%dma_wait3A_1430, %dma_wait3A_1431] : memref<512x128xf32, #tpu.memory_space<vmem>> -> memref<128x128xf32, #tpu.memory_space<vmem>>
    %dma_wait3A_1433 = arith.constant 0 : i32
    %dma_wait3A_1434 = tpu.memref_slice %arg5[%dma_wait3A_1429, %dma_wait3A_1433] : memref<32x512xi32, #tpu.memory_space<vmem>> -> memref<1x128xi32, #tpu.memory_space<vmem>>
    %dma_wait3A_1435 = tpu.memref_squeeze %dma_wait3A_1434 : memref<1x128xi32, #tpu.memory_space<vmem>> -> memref<128xi32, #tpu.memory_space<vmem>>
    %dma_wait3A_1436 = arith.constant 0 : i32
    %dma_wait3A_1437 = arith.constant 0 : i32
    %dma_wait3A_1438 = tpu.memref_slice %arg3[%dma_wait3A_1436, %dma_wait3A_1437] : memref<100000x128xf32, #tpu.memory_space<hbm>> -> memref<100000x128xf32, #tpu.memory_space<hbm>>
    tpu.wait_indirect_dma semaphore(%arg8 : memref<!tpu.dma_semaphore, #tpu.memory_space<semaphore_mem>>) src(%dma_wait3A_1438 : memref<100000x128xf32, #tpu.memory_space<hbm>>) dst(%dma_wait3A_1432 : memref<128x128xf32, #tpu.memory_space<vmem>>)
    %dma_wait3A_1439 = arith.constant 13 : i32
    %dma_wait3A_1440 = arith.constant 0 : i32
    %dma_wait3A_1441 = arith.constant 0 : i32
    %dma_wait3A_1442 = tpu.memref_slice %arg6[%dma_wait3A_1440, %dma_wait3A_1441] : memref<512x128xf32, #tpu.memory_space<vmem>> -> memref<128x128xf32, #tpu.memory_space<vmem>>
    %dma_wait3A_1443 = arith.constant 0 : i32
    %dma_wait3A_1444 = tpu.memref_slice %arg5[%dma_wait3A_1439, %dma_wait3A_1443] : memref<32x512xi32, #tpu.memory_space<vmem>> -> memref<1x128xi32, #tpu.memory_space<vmem>>
    %dma_wait3A_1445 = tpu.memref_squeeze %dma_wait3A_1444 : memref<1x128xi32, #tpu.memory_space<vmem>> -> memref<128xi32, #tpu.memory_space<vmem>>
    %dma_wait3A_1446 = arith.constant 0 : i32
    %dma_wait3A_1447 = arith.constant 0 : i32
    %dma_wait3A_1448 = tpu.memref_slice %arg3[%dma_wait3A_1446, %dma_wait3A_1447] : memref<100000x128xf32, #tpu.memory_space<hbm>> -> memref<100000x128xf32, #tpu.memory_space<hbm>>
    tpu.wait_indirect_dma semaphore(%arg8 : memref<!tpu.dma_semaphore, #tpu.memory_space<semaphore_mem>>) src(%dma_wait3A_1448 : memref<100000x128xf32, #tpu.memory_space<hbm>>) dst(%dma_wait3A_1442 : memref<128x128xf32, #tpu.memory_space<vmem>>)
    %dma_wait3A_1449 = arith.constant 14 : i32
    %dma_wait3A_1450 = arith.constant 0 : i32
    %dma_wait3A_1451 = arith.constant 0 : i32
    %dma_wait3A_1452 = tpu.memref_slice %arg6[%dma_wait3A_1450, %dma_wait3A_1451] : memref<512x128xf32, #tpu.memory_space<vmem>> -> memref<128x128xf32, #tpu.memory_space<vmem>>
    %dma_wait3A_1453 = arith.constant 0 : i32
    %dma_wait3A_1454 = tpu.memref_slice %arg5[%dma_wait3A_1449, %dma_wait3A_1453] : memref<32x512xi32, #tpu.memory_space<vmem>> -> memref<1x128xi32, #tpu.memory_space<vmem>>
    %dma_wait3A_1455 = tpu.memref_squeeze %dma_wait3A_1454 : memref<1x128xi32, #tpu.memory_space<vmem>> -> memref<128xi32, #tpu.memory_space<vmem>>
    %dma_wait3A_1456 = arith.constant 0 : i32
    %dma_wait3A_1457 = arith.constant 0 : i32
    %dma_wait3A_1458 = tpu.memref_slice %arg3[%dma_wait3A_1456, %dma_wait3A_1457] : memref<100000x128xf32, #tpu.memory_space<hbm>> -> memref<100000x128xf32, #tpu.memory_space<hbm>>
    tpu.wait_indirect_dma semaphore(%arg8 : memref<!tpu.dma_semaphore, #tpu.memory_space<semaphore_mem>>) src(%dma_wait3A_1458 : memref<100000x128xf32, #tpu.memory_space<hbm>>) dst(%dma_wait3A_1452 : memref<128x128xf32, #tpu.memory_space<vmem>>)
    %dma_wait3A_1459 = arith.constant 15 : i32
    %dma_wait3A_1460 = arith.constant 0 : i32
    %dma_wait3A_1461 = arith.constant 0 : i32
    %dma_wait3A_1462 = tpu.memref_slice %arg6[%dma_wait3A_1460, %dma_wait3A_1461] : memref<512x128xf32, #tpu.memory_space<vmem>> -> memref<128x128xf32, #tpu.memory_space<vmem>>
    %dma_wait3A_1463 = arith.constant 0 : i32
    %dma_wait3A_1464 = tpu.memref_slice %arg5[%dma_wait3A_1459, %dma_wait3A_1463] : memref<32x512xi32, #tpu.memory_space<vmem>> -> memref<1x128xi32, #tpu.memory_space<vmem>>
    %dma_wait3A_1465 = tpu.memref_squeeze %dma_wait3A_1464 : memref<1x128xi32, #tpu.memory_space<vmem>> -> memref<128xi32, #tpu.memory_space<vmem>>
    %dma_wait3A_1466 = arith.constant 0 : i32
    %dma_wait3A_1467 = arith.constant 0 : i32
    %dma_wait3A_1468 = tpu.memref_slice %arg3[%dma_wait3A_1466, %dma_wait3A_1467] : memref<100000x128xf32, #tpu.memory_space<hbm>> -> memref<100000x128xf32, #tpu.memory_space<hbm>>
    tpu.wait_indirect_dma semaphore(%arg8 : memref<!tpu.dma_semaphore, #tpu.memory_space<semaphore_mem>>) src(%dma_wait3A_1468 : memref<100000x128xf32, #tpu.memory_space<hbm>>) dst(%dma_wait3A_1462 : memref<128x128xf32, #tpu.memory_space<vmem>>)
    %dma_wait3A_1469 = arith.constant 16 : i32
    %dma_wait3A_1470 = arith.constant 0 : i32
    %dma_wait3A_1471 = arith.constant 0 : i32
    %dma_wait3A_1472 = tpu.memref_slice %arg6[%dma_wait3A_1470, %dma_wait3A_1471] : memref<512x128xf32, #tpu.memory_space<vmem>> -> memref<128x128xf32, #tpu.memory_space<vmem>>
    %dma_wait3A_1473 = arith.constant 0 : i32
    %dma_wait3A_1474 = tpu.memref_slice %arg5[%dma_wait3A_1469, %dma_wait3A_1473] : memref<32x512xi32, #tpu.memory_space<vmem>> -> memref<1x128xi32, #tpu.memory_space<vmem>>
    %dma_wait3A_1475 = tpu.memref_squeeze %dma_wait3A_1474 : memref<1x128xi32, #tpu.memory_space<vmem>> -> memref<128xi32, #tpu.memory_space<vmem>>
    %dma_wait3A_1476 = arith.constant 0 : i32
    %dma_wait3A_1477 = arith.constant 0 : i32
    %dma_wait3A_1478 = tpu.memref_slice %arg3[%dma_wait3A_1476, %dma_wait3A_1477] : memref<100000x128xf32, #tpu.memory_space<hbm>> -> memref<100000x128xf32, #tpu.memory_space<hbm>>
    tpu.wait_indirect_dma semaphore(%arg8 : memref<!tpu.dma_semaphore, #tpu.memory_space<semaphore_mem>>) src(%dma_wait3A_1478 : memref<100000x128xf32, #tpu.memory_space<hbm>>) dst(%dma_wait3A_1472 : memref<128x128xf32, #tpu.memory_space<vmem>>)
    %dma_wait3A_1479 = arith.constant 17 : i32
    %dma_wait3A_1480 = arith.constant 0 : i32
    %dma_wait3A_1481 = arith.constant 0 : i32
    %dma_wait3A_1482 = tpu.memref_slice %arg6[%dma_wait3A_1480, %dma_wait3A_1481] : memref<512x128xf32, #tpu.memory_space<vmem>> -> memref<128x128xf32, #tpu.memory_space<vmem>>
    %dma_wait3A_1483 = arith.constant 0 : i32
    %dma_wait3A_1484 = tpu.memref_slice %arg5[%dma_wait3A_1479, %dma_wait3A_1483] : memref<32x512xi32, #tpu.memory_space<vmem>> -> memref<1x128xi32, #tpu.memory_space<vmem>>
    %dma_wait3A_1485 = tpu.memref_squeeze %dma_wait3A_1484 : memref<1x128xi32, #tpu.memory_space<vmem>> -> memref<128xi32, #tpu.memory_space<vmem>>
    %dma_wait3A_1486 = arith.constant 0 : i32
    %dma_wait3A_1487 = arith.constant 0 : i32
    %dma_wait3A_1488 = tpu.memref_slice %arg3[%dma_wait3A_1486, %dma_wait3A_1487] : memref<100000x128xf32, #tpu.memory_space<hbm>> -> memref<100000x128xf32, #tpu.memory_space<hbm>>
    tpu.wait_indirect_dma semaphore(%arg8 : memref<!tpu.dma_semaphore, #tpu.memory_space<semaphore_mem>>) src(%dma_wait3A_1488 : memref<100000x128xf32, #tpu.memory_space<hbm>>) dst(%dma_wait3A_1482 : memref<128x128xf32, #tpu.memory_space<vmem>>)
    %dma_wait3A_1489 = arith.constant 18 : i32
    %dma_wait3A_1490 = arith.constant 0 : i32
    %dma_wait3A_1491 = arith.constant 0 : i32
    %dma_wait3A_1492 = tpu.memref_slice %arg6[%dma_wait3A_1490, %dma_wait3A_1491] : memref<512x128xf32, #tpu.memory_space<vmem>> -> memref<128x128xf32, #tpu.memory_space<vmem>>
    %dma_wait3A_1493 = arith.constant 0 : i32
    %dma_wait3A_1494 = tpu.memref_slice %arg5[%dma_wait3A_1489, %dma_wait3A_1493] : memref<32x512xi32, #tpu.memory_space<vmem>> -> memref<1x128xi32, #tpu.memory_space<vmem>>
    %dma_wait3A_1495 = tpu.memref_squeeze %dma_wait3A_1494 : memref<1x128xi32, #tpu.memory_space<vmem>> -> memref<128xi32, #tpu.memory_space<vmem>>
    %dma_wait3A_1496 = arith.constant 0 : i32
    %dma_wait3A_1497 = arith.constant 0 : i32
    %dma_wait3A_1498 = tpu.memref_slice %arg3[%dma_wait3A_1496, %dma_wait3A_1497] : memref<100000x128xf32, #tpu.memory_space<hbm>> -> memref<100000x128xf32, #tpu.memory_space<hbm>>
    tpu.wait_indirect_dma semaphore(%arg8 : memref<!tpu.dma_semaphore, #tpu.memory_space<semaphore_mem>>) src(%dma_wait3A_1498 : memref<100000x128xf32, #tpu.memory_space<hbm>>) dst(%dma_wait3A_1492 : memref<128x128xf32, #tpu.memory_space<vmem>>)
    %dma_wait3A_1499 = arith.constant 19 : i32
    %dma_wait3A_1500 = arith.constant 0 : i32
    %dma_wait3A_1501 = arith.constant 0 : i32
    %dma_wait3A_1502 = tpu.memref_slice %arg6[%dma_wait3A_1500, %dma_wait3A_1501] : memref<512x128xf32, #tpu.memory_space<vmem>> -> memref<128x128xf32, #tpu.memory_space<vmem>>
    %dma_wait3A_1503 = arith.constant 0 : i32
    %dma_wait3A_1504 = tpu.memref_slice %arg5[%dma_wait3A_1499, %dma_wait3A_1503] : memref<32x512xi32, #tpu.memory_space<vmem>> -> memref<1x128xi32, #tpu.memory_space<vmem>>
    %dma_wait3A_1505 = tpu.memref_squeeze %dma_wait3A_1504 : memref<1x128xi32, #tpu.memory_space<vmem>> -> memref<128xi32, #tpu.memory_space<vmem>>
    %dma_wait3A_1506 = arith.constant 0 : i32
    %dma_wait3A_1507 = arith.constant 0 : i32
    %dma_wait3A_1508 = tpu.memref_slice %arg3[%dma_wait3A_1506, %dma_wait3A_1507] : memref<100000x128xf32, #tpu.memory_space<hbm>> -> memref<100000x128xf32, #tpu.memory_space<hbm>>
    tpu.wait_indirect_dma semaphore(%arg8 : memref<!tpu.dma_semaphore, #tpu.memory_space<semaphore_mem>>) src(%dma_wait3A_1508 : memref<100000x128xf32, #tpu.memory_space<hbm>>) dst(%dma_wait3A_1502 : memref<128x128xf32, #tpu.memory_space<vmem>>)
    %dma_wait3A_1509 = arith.constant 20 : i32
    %dma_wait3A_1510 = arith.constant 0 : i32
    %dma_wait3A_1511 = arith.constant 0 : i32
    %dma_wait3A_1512 = tpu.memref_slice %arg6[%dma_wait3A_1510, %dma_wait3A_1511] : memref<512x128xf32, #tpu.memory_space<vmem>> -> memref<128x128xf32, #tpu.memory_space<vmem>>
    %dma_wait3A_1513 = arith.constant 0 : i32
    %dma_wait3A_1514 = tpu.memref_slice %arg5[%dma_wait3A_1509, %dma_wait3A_1513] : memref<32x512xi32, #tpu.memory_space<vmem>> -> memref<1x128xi32, #tpu.memory_space<vmem>>
    %dma_wait3A_1515 = tpu.memref_squeeze %dma_wait3A_1514 : memref<1x128xi32, #tpu.memory_space<vmem>> -> memref<128xi32, #tpu.memory_space<vmem>>
    %dma_wait3A_1516 = arith.constant 0 : i32
    %dma_wait3A_1517 = arith.constant 0 : i32
    %dma_wait3A_1518 = tpu.memref_slice %arg3[%dma_wait3A_1516, %dma_wait3A_1517] : memref<100000x128xf32, #tpu.memory_space<hbm>> -> memref<100000x128xf32, #tpu.memory_space<hbm>>
    tpu.wait_indirect_dma semaphore(%arg8 : memref<!tpu.dma_semaphore, #tpu.memory_space<semaphore_mem>>) src(%dma_wait3A_1518 : memref<100000x128xf32, #tpu.memory_space<hbm>>) dst(%dma_wait3A_1512 : memref<128x128xf32, #tpu.memory_space<vmem>>)
    %dma_wait3A_1519 = arith.constant 21 : i32
    %dma_wait3A_1520 = arith.constant 0 : i32
    %dma_wait3A_1521 = arith.constant 0 : i32
    %dma_wait3A_1522 = tpu.memref_slice %arg6[%dma_wait3A_1520, %dma_wait3A_1521] : memref<512x128xf32, #tpu.memory_space<vmem>> -> memref<128x128xf32, #tpu.memory_space<vmem>>
    %dma_wait3A_1523 = arith.constant 0 : i32
    %dma_wait3A_1524 = tpu.memref_slice %arg5[%dma_wait3A_1519, %dma_wait3A_1523] : memref<32x512xi32, #tpu.memory_space<vmem>> -> memref<1x128xi32, #tpu.memory_space<vmem>>
    %dma_wait3A_1525 = tpu.memref_squeeze %dma_wait3A_1524 : memref<1x128xi32, #tpu.memory_space<vmem>> -> memref<128xi32, #tpu.memory_space<vmem>>
    %dma_wait3A_1526 = arith.constant 0 : i32
    %dma_wait3A_1527 = arith.constant 0 : i32
    %dma_wait3A_1528 = tpu.memref_slice %arg3[%dma_wait3A_1526, %dma_wait3A_1527] : memref<100000x128xf32, #tpu.memory_space<hbm>> -> memref<100000x128xf32, #tpu.memory_space<hbm>>
    tpu.wait_indirect_dma semaphore(%arg8 : memref<!tpu.dma_semaphore, #tpu.memory_space<semaphore_mem>>) src(%dma_wait3A_1528 : memref<100000x128xf32, #tpu.memory_space<hbm>>) dst(%dma_wait3A_1522 : memref<128x128xf32, #tpu.memory_space<vmem>>)
    %dma_wait3A_1529 = arith.constant 22 : i32
    %dma_wait3A_1530 = arith.constant 0 : i32
    %dma_wait3A_1531 = arith.constant 0 : i32
    %dma_wait3A_1532 = tpu.memref_slice %arg6[%dma_wait3A_1530, %dma_wait3A_1531] : memref<512x128xf32, #tpu.memory_space<vmem>> -> memref<128x128xf32, #tpu.memory_space<vmem>>
    %dma_wait3A_1533 = arith.constant 0 : i32
    %dma_wait3A_1534 = tpu.memref_slice %arg5[%dma_wait3A_1529, %dma_wait3A_1533] : memref<32x512xi32, #tpu.memory_space<vmem>> -> memref<1x128xi32, #tpu.memory_space<vmem>>
    %dma_wait3A_1535 = tpu.memref_squeeze %dma_wait3A_1534 : memref<1x128xi32, #tpu.memory_space<vmem>> -> memref<128xi32, #tpu.memory_space<vmem>>
    %dma_wait3A_1536 = arith.constant 0 : i32
    %dma_wait3A_1537 = arith.constant 0 : i32
    %dma_wait3A_1538 = tpu.memref_slice %arg3[%dma_wait3A_1536, %dma_wait3A_1537] : memref<100000x128xf32, #tpu.memory_space<hbm>> -> memref<100000x128xf32, #tpu.memory_space<hbm>>
    tpu.wait_indirect_dma semaphore(%arg8 : memref<!tpu.dma_semaphore, #tpu.memory_space<semaphore_mem>>) src(%dma_wait3A_1538 : memref<100000x128xf32, #tpu.memory_space<hbm>>) dst(%dma_wait3A_1532 : memref<128x128xf32, #tpu.memory_space<vmem>>)
    %dma_wait3A_1539 = arith.constant 23 : i32
    %dma_wait3A_1540 = arith.constant 0 : i32
    %dma_wait3A_1541 = arith.constant 0 : i32
    %dma_wait3A_1542 = tpu.memref_slice %arg6[%dma_wait3A_1540, %dma_wait3A_1541] : memref<512x128xf32, #tpu.memory_space<vmem>> -> memref<128x128xf32, #tpu.memory_space<vmem>>
    %dma_wait3A_1543 = arith.constant 0 : i32
    %dma_wait3A_1544 = tpu.memref_slice %arg5[%dma_wait3A_1539, %dma_wait3A_1543] : memref<32x512xi32, #tpu.memory_space<vmem>> -> memref<1x128xi32, #tpu.memory_space<vmem>>
    %dma_wait3A_1545 = tpu.memref_squeeze %dma_wait3A_1544 : memref<1x128xi32, #tpu.memory_space<vmem>> -> memref<128xi32, #tpu.memory_space<vmem>>
    %dma_wait3A_1546 = arith.constant 0 : i32
    %dma_wait3A_1547 = arith.constant 0 : i32
    %dma_wait3A_1548 = tpu.memref_slice %arg3[%dma_wait3A_1546, %dma_wait3A_1547] : memref<100000x128xf32, #tpu.memory_space<hbm>> -> memref<100000x128xf32, #tpu.memory_space<hbm>>
    tpu.wait_indirect_dma semaphore(%arg8 : memref<!tpu.dma_semaphore, #tpu.memory_space<semaphore_mem>>) src(%dma_wait3A_1548 : memref<100000x128xf32, #tpu.memory_space<hbm>>) dst(%dma_wait3A_1542 : memref<128x128xf32, #tpu.memory_space<vmem>>)
    %dma_wait3A_1549 = arith.constant 24 : i32
    %dma_wait3A_1550 = arith.constant 0 : i32
    %dma_wait3A_1551 = arith.constant 0 : i32
    %dma_wait3A_1552 = tpu.memref_slice %arg6[%dma_wait3A_1550, %dma_wait3A_1551] : memref<512x128xf32, #tpu.memory_space<vmem>> -> memref<128x128xf32, #tpu.memory_space<vmem>>
    %dma_wait3A_1553 = arith.constant 0 : i32
    %dma_wait3A_1554 = tpu.memref_slice %arg5[%dma_wait3A_1549, %dma_wait3A_1553] : memref<32x512xi32, #tpu.memory_space<vmem>> -> memref<1x128xi32, #tpu.memory_space<vmem>>
    %dma_wait3A_1555 = tpu.memref_squeeze %dma_wait3A_1554 : memref<1x128xi32, #tpu.memory_space<vmem>> -> memref<128xi32, #tpu.memory_space<vmem>>
    %dma_wait3A_1556 = arith.constant 0 : i32
    %dma_wait3A_1557 = arith.constant 0 : i32
    %dma_wait3A_1558 = tpu.memref_slice %arg3[%dma_wait3A_1556, %dma_wait3A_1557] : memref<100000x128xf32, #tpu.memory_space<hbm>> -> memref<100000x128xf32, #tpu.memory_space<hbm>>
    tpu.wait_indirect_dma semaphore(%arg8 : memref<!tpu.dma_semaphore, #tpu.memory_space<semaphore_mem>>) src(%dma_wait3A_1558 : memref<100000x128xf32, #tpu.memory_space<hbm>>) dst(%dma_wait3A_1552 : memref<128x128xf32, #tpu.memory_space<vmem>>)
    %dma_wait3A_1559 = arith.constant 25 : i32
    %dma_wait3A_1560 = arith.constant 0 : i32
    %dma_wait3A_1561 = arith.constant 0 : i32
    %dma_wait3A_1562 = tpu.memref_slice %arg6[%dma_wait3A_1560, %dma_wait3A_1561] : memref<512x128xf32, #tpu.memory_space<vmem>> -> memref<128x128xf32, #tpu.memory_space<vmem>>
    %dma_wait3A_1563 = arith.constant 0 : i32
    %dma_wait3A_1564 = tpu.memref_slice %arg5[%dma_wait3A_1559, %dma_wait3A_1563] : memref<32x512xi32, #tpu.memory_space<vmem>> -> memref<1x128xi32, #tpu.memory_space<vmem>>
    %dma_wait3A_1565 = tpu.memref_squeeze %dma_wait3A_1564 : memref<1x128xi32, #tpu.memory_space<vmem>> -> memref<128xi32, #tpu.memory_space<vmem>>
    %dma_wait3A_1566 = arith.constant 0 : i32
    %dma_wait3A_1567 = arith.constant 0 : i32
    %dma_wait3A_1568 = tpu.memref_slice %arg3[%dma_wait3A_1566, %dma_wait3A_1567] : memref<100000x128xf32, #tpu.memory_space<hbm>> -> memref<100000x128xf32, #tpu.memory_space<hbm>>
    tpu.wait_indirect_dma semaphore(%arg8 : memref<!tpu.dma_semaphore, #tpu.memory_space<semaphore_mem>>) src(%dma_wait3A_1568 : memref<100000x128xf32, #tpu.memory_space<hbm>>) dst(%dma_wait3A_1562 : memref<128x128xf32, #tpu.memory_space<vmem>>)
    %dma_wait3A_1569 = arith.constant 26 : i32
    %dma_wait3A_1570 = arith.constant 0 : i32
    %dma_wait3A_1571 = arith.constant 0 : i32
    %dma_wait3A_1572 = tpu.memref_slice %arg6[%dma_wait3A_1570, %dma_wait3A_1571] : memref<512x128xf32, #tpu.memory_space<vmem>> -> memref<128x128xf32, #tpu.memory_space<vmem>>
    %dma_wait3A_1573 = arith.constant 0 : i32
    %dma_wait3A_1574 = tpu.memref_slice %arg5[%dma_wait3A_1569, %dma_wait3A_1573] : memref<32x512xi32, #tpu.memory_space<vmem>> -> memref<1x128xi32, #tpu.memory_space<vmem>>
    %dma_wait3A_1575 = tpu.memref_squeeze %dma_wait3A_1574 : memref<1x128xi32, #tpu.memory_space<vmem>> -> memref<128xi32, #tpu.memory_space<vmem>>
    %dma_wait3A_1576 = arith.constant 0 : i32
    %dma_wait3A_1577 = arith.constant 0 : i32
    %dma_wait3A_1578 = tpu.memref_slice %arg3[%dma_wait3A_1576, %dma_wait3A_1577] : memref<100000x128xf32, #tpu.memory_space<hbm>> -> memref<100000x128xf32, #tpu.memory_space<hbm>>
    tpu.wait_indirect_dma semaphore(%arg8 : memref<!tpu.dma_semaphore, #tpu.memory_space<semaphore_mem>>) src(%dma_wait3A_1578 : memref<100000x128xf32, #tpu.memory_space<hbm>>) dst(%dma_wait3A_1572 : memref<128x128xf32, #tpu.memory_space<vmem>>)
    %dma_wait3A_1579 = arith.constant 27 : i32
    %dma_wait3A_1580 = arith.constant 0 : i32
    %dma_wait3A_1581 = arith.constant 0 : i32
    %dma_wait3A_1582 = tpu.memref_slice %arg6[%dma_wait3A_1580, %dma_wait3A_1581] : memref<512x128xf32, #tpu.memory_space<vmem>> -> memref<128x128xf32, #tpu.memory_space<vmem>>
    %dma_wait3A_1583 = arith.constant 0 : i32
    %dma_wait3A_1584 = tpu.memref_slice %arg5[%dma_wait3A_1579, %dma_wait3A_1583] : memref<32x512xi32, #tpu.memory_space<vmem>> -> memref<1x128xi32, #tpu.memory_space<vmem>>
    %dma_wait3A_1585 = tpu.memref_squeeze %dma_wait3A_1584 : memref<1x128xi32, #tpu.memory_space<vmem>> -> memref<128xi32, #tpu.memory_space<vmem>>
    %dma_wait3A_1586 = arith.constant 0 : i32
    %dma_wait3A_1587 = arith.constant 0 : i32
    %dma_wait3A_1588 = tpu.memref_slice %arg3[%dma_wait3A_1586, %dma_wait3A_1587] : memref<100000x128xf32, #tpu.memory_space<hbm>> -> memref<100000x128xf32, #tpu.memory_space<hbm>>
    tpu.wait_indirect_dma semaphore(%arg8 : memref<!tpu.dma_semaphore, #tpu.memory_space<semaphore_mem>>) src(%dma_wait3A_1588 : memref<100000x128xf32, #tpu.memory_space<hbm>>) dst(%dma_wait3A_1582 : memref<128x128xf32, #tpu.memory_space<vmem>>)
    %dma_wait3A_1589 = arith.constant 28 : i32
    %dma_wait3A_1590 = arith.constant 0 : i32
    %dma_wait3A_1591 = arith.constant 0 : i32
    %dma_wait3A_1592 = tpu.memref_slice %arg6[%dma_wait3A_1590, %dma_wait3A_1591] : memref<512x128xf32, #tpu.memory_space<vmem>> -> memref<128x128xf32, #tpu.memory_space<vmem>>
    %dma_wait3A_1593 = arith.constant 0 : i32
    %dma_wait3A_1594 = tpu.memref_slice %arg5[%dma_wait3A_1589, %dma_wait3A_1593] : memref<32x512xi32, #tpu.memory_space<vmem>> -> memref<1x128xi32, #tpu.memory_space<vmem>>
    %dma_wait3A_1595 = tpu.memref_squeeze %dma_wait3A_1594 : memref<1x128xi32, #tpu.memory_space<vmem>> -> memref<128xi32, #tpu.memory_space<vmem>>
    %dma_wait3A_1596 = arith.constant 0 : i32
    %dma_wait3A_1597 = arith.constant 0 : i32
    %dma_wait3A_1598 = tpu.memref_slice %arg3[%dma_wait3A_1596, %dma_wait3A_1597] : memref<100000x128xf32, #tpu.memory_space<hbm>> -> memref<100000x128xf32, #tpu.memory_space<hbm>>
    tpu.wait_indirect_dma semaphore(%arg8 : memref<!tpu.dma_semaphore, #tpu.memory_space<semaphore_mem>>) src(%dma_wait3A_1598 : memref<100000x128xf32, #tpu.memory_space<hbm>>) dst(%dma_wait3A_1592 : memref<128x128xf32, #tpu.memory_space<vmem>>)
    %dma_wait3A_1599 = arith.constant 29 : i32
    %dma_wait3A_1600 = arith.constant 0 : i32
    %dma_wait3A_1601 = arith.constant 0 : i32
    %dma_wait3A_1602 = tpu.memref_slice %arg6[%dma_wait3A_1600, %dma_wait3A_1601] : memref<512x128xf32, #tpu.memory_space<vmem>> -> memref<128x128xf32, #tpu.memory_space<vmem>>
    %dma_wait3A_1603 = arith.constant 0 : i32
    %dma_wait3A_1604 = tpu.memref_slice %arg5[%dma_wait3A_1599, %dma_wait3A_1603] : memref<32x512xi32, #tpu.memory_space<vmem>> -> memref<1x128xi32, #tpu.memory_space<vmem>>
    %dma_wait3A_1605 = tpu.memref_squeeze %dma_wait3A_1604 : memref<1x128xi32, #tpu.memory_space<vmem>> -> memref<128xi32, #tpu.memory_space<vmem>>
    %dma_wait3A_1606 = arith.constant 0 : i32
    %dma_wait3A_1607 = arith.constant 0 : i32
    %dma_wait3A_1608 = tpu.memref_slice %arg3[%dma_wait3A_1606, %dma_wait3A_1607] : memref<100000x128xf32, #tpu.memory_space<hbm>> -> memref<100000x128xf32, #tpu.memory_space<hbm>>
    tpu.wait_indirect_dma semaphore(%arg8 : memref<!tpu.dma_semaphore, #tpu.memory_space<semaphore_mem>>) src(%dma_wait3A_1608 : memref<100000x128xf32, #tpu.memory_space<hbm>>) dst(%dma_wait3A_1602 : memref<128x128xf32, #tpu.memory_space<vmem>>)
    %dma_wait3A_1609 = arith.constant 30 : i32
    %dma_wait3A_1610 = arith.constant 0 : i32
    %dma_wait3A_1611 = arith.constant 0 : i32
    %dma_wait3A_1612 = tpu.memref_slice %arg6[%dma_wait3A_1610, %dma_wait3A_1611] : memref<512x128xf32, #tpu.memory_space<vmem>> -> memref<128x128xf32, #tpu.memory_space<vmem>>
    %dma_wait3A_1613 = arith.constant 0 : i32
    %dma_wait3A_1614 = tpu.memref_slice %arg5[%dma_wait3A_1609, %dma_wait3A_1613] : memref<32x512xi32, #tpu.memory_space<vmem>> -> memref<1x128xi32, #tpu.memory_space<vmem>>
    %dma_wait3A_1615 = tpu.memref_squeeze %dma_wait3A_1614 : memref<1x128xi32, #tpu.memory_space<vmem>> -> memref<128xi32, #tpu.memory_space<vmem>>
    %dma_wait3A_1616 = arith.constant 0 : i32
    %dma_wait3A_1617 = arith.constant 0 : i32
    %dma_wait3A_1618 = tpu.memref_slice %arg3[%dma_wait3A_1616, %dma_wait3A_1617] : memref<100000x128xf32, #tpu.memory_space<hbm>> -> memref<100000x128xf32, #tpu.memory_space<hbm>>
    tpu.wait_indirect_dma semaphore(%arg8 : memref<!tpu.dma_semaphore, #tpu.memory_space<semaphore_mem>>) src(%dma_wait3A_1618 : memref<100000x128xf32, #tpu.memory_space<hbm>>) dst(%dma_wait3A_1612 : memref<128x128xf32, #tpu.memory_space<vmem>>)
    %dma_wait3A_1619 = arith.constant 31 : i32
    %dma_wait3A_1620 = arith.constant 0 : i32
    %dma_wait3A_1621 = arith.constant 0 : i32
    %dma_wait3A_1622 = tpu.memref_slice %arg6[%dma_wait3A_1620, %dma_wait3A_1621] : memref<512x128xf32, #tpu.memory_space<vmem>> -> memref<128x128xf32, #tpu.memory_space<vmem>>
    %dma_wait3A_1623 = arith.constant 0 : i32
    %dma_wait3A_1624 = tpu.memref_slice %arg5[%dma_wait3A_1619, %dma_wait3A_1623] : memref<32x512xi32, #tpu.memory_space<vmem>> -> memref<1x128xi32, #tpu.memory_space<vmem>>
    %dma_wait3A_1625 = tpu.memref_squeeze %dma_wait3A_1624 : memref<1x128xi32, #tpu.memory_space<vmem>> -> memref<128xi32, #tpu.memory_space<vmem>>
    %dma_wait3A_1626 = arith.constant 0 : i32
    %dma_wait3A_1627 = arith.constant 0 : i32
    %dma_wait3A_1628 = tpu.memref_slice %arg3[%dma_wait3A_1626, %dma_wait3A_1627] : memref<100000x128xf32, #tpu.memory_space<hbm>> -> memref<100000x128xf32, #tpu.memory_space<hbm>>
    tpu.wait_indirect_dma semaphore(%arg8 : memref<!tpu.dma_semaphore, #tpu.memory_space<semaphore_mem>>) src(%dma_wait3A_1628 : memref<100000x128xf32, #tpu.memory_space<hbm>>) dst(%dma_wait3A_1622 : memref<128x128xf32, #tpu.memory_space<vmem>>)
    %dma_wait3A_1629 = arith.constant 1 : i32
    %dma_wait3A_1630 = arith.constant 128 : i32
    %dma_wait3A_1631 = arith.constant 0 : i32
    %dma_wait3A_1632 = tpu.memref_slice %arg6[%dma_wait3A_1630, %dma_wait3A_1631] : memref<512x128xf32, #tpu.memory_space<vmem>> -> memref<128x128xf32, #tpu.memory_space<vmem>>
    %dma_wait3A_1633 = arith.constant 128 : i32
    %dma_wait3A_1634 = tpu.memref_slice %arg5[%dma_wait3A_1629, %dma_wait3A_1633] : memref<32x512xi32, #tpu.memory_space<vmem>> -> memref<1x128xi32, #tpu.memory_space<vmem>>
    %dma_wait3A_1635 = tpu.memref_squeeze %dma_wait3A_1634 : memref<1x128xi32, #tpu.memory_space<vmem>> -> memref<128xi32, #tpu.memory_space<vmem>>
    %dma_wait3A_1636 = arith.constant 0 : i32
    %dma_wait3A_1637 = arith.constant 0 : i32
    %dma_wait3A_1638 = tpu.memref_slice %arg3[%dma_wait3A_1636, %dma_wait3A_1637] : memref<100000x128xf32, #tpu.memory_space<hbm>> -> memref<100000x128xf32, #tpu.memory_space<hbm>>
    tpu.wait_indirect_dma semaphore(%arg8 : memref<!tpu.dma_semaphore, #tpu.memory_space<semaphore_mem>>) src(%dma_wait3A_1638 : memref<100000x128xf32, #tpu.memory_space<hbm>>) dst(%dma_wait3A_1632 : memref<128x128xf32, #tpu.memory_space<vmem>>)
    %dma_wait3A_1639 = arith.constant 2 : i32
    %dma_wait3A_1640 = arith.constant 128 : i32
    %dma_wait3A_1641 = arith.constant 0 : i32
    %dma_wait3A_1642 = tpu.memref_slice %arg6[%dma_wait3A_1640, %dma_wait3A_1641] : memref<512x128xf32, #tpu.memory_space<vmem>> -> memref<128x128xf32, #tpu.memory_space<vmem>>
    %dma_wait3A_1643 = arith.constant 128 : i32
    %dma_wait3A_1644 = tpu.memref_slice %arg5[%dma_wait3A_1639, %dma_wait3A_1643] : memref<32x512xi32, #tpu.memory_space<vmem>> -> memref<1x128xi32, #tpu.memory_space<vmem>>
    %dma_wait3A_1645 = tpu.memref_squeeze %dma_wait3A_1644 : memref<1x128xi32, #tpu.memory_space<vmem>> -> memref<128xi32, #tpu.memory_space<vmem>>
    %dma_wait3A_1646 = arith.constant 0 : i32
    %dma_wait3A_1647 = arith.constant 0 : i32
    %dma_wait3A_1648 = tpu.memref_slice %arg3[%dma_wait3A_1646, %dma_wait3A_1647] : memref<100000x128xf32, #tpu.memory_space<hbm>> -> memref<100000x128xf32, #tpu.memory_space<hbm>>
    tpu.wait_indirect_dma semaphore(%arg8 : memref<!tpu.dma_semaphore, #tpu.memory_space<semaphore_mem>>) src(%dma_wait3A_1648 : memref<100000x128xf32, #tpu.memory_space<hbm>>) dst(%dma_wait3A_1642 : memref<128x128xf32, #tpu.memory_space<vmem>>)
    %dma_wait3A_1649 = arith.constant 3 : i32
    %dma_wait3A_1650 = arith.constant 128 : i32
    %dma_wait3A_1651 = arith.constant 0 : i32
    %dma_wait3A_1652 = tpu.memref_slice %arg6[%dma_wait3A_1650, %dma_wait3A_1651] : memref<512x128xf32, #tpu.memory_space<vmem>> -> memref<128x128xf32, #tpu.memory_space<vmem>>
    %dma_wait3A_1653 = arith.constant 128 : i32
    %dma_wait3A_1654 = tpu.memref_slice %arg5[%dma_wait3A_1649, %dma_wait3A_1653] : memref<32x512xi32, #tpu.memory_space<vmem>> -> memref<1x128xi32, #tpu.memory_space<vmem>>
    %dma_wait3A_1655 = tpu.memref_squeeze %dma_wait3A_1654 : memref<1x128xi32, #tpu.memory_space<vmem>> -> memref<128xi32, #tpu.memory_space<vmem>>
    %dma_wait3A_1656 = arith.constant 0 : i32
    %dma_wait3A_1657 = arith.constant 0 : i32
    %dma_wait3A_1658 = tpu.memref_slice %arg3[%dma_wait3A_1656, %dma_wait3A_1657] : memref<100000x128xf32, #tpu.memory_space<hbm>> -> memref<100000x128xf32, #tpu.memory_space<hbm>>
    tpu.wait_indirect_dma semaphore(%arg8 : memref<!tpu.dma_semaphore, #tpu.memory_space<semaphore_mem>>) src(%dma_wait3A_1658 : memref<100000x128xf32, #tpu.memory_space<hbm>>) dst(%dma_wait3A_1652 : memref<128x128xf32, #tpu.memory_space<vmem>>)
    %dma_wait3A_1659 = arith.constant 4 : i32
    %dma_wait3A_1660 = arith.constant 128 : i32
    %dma_wait3A_1661 = arith.constant 0 : i32
    %dma_wait3A_1662 = tpu.memref_slice %arg6[%dma_wait3A_1660, %dma_wait3A_1661] : memref<512x128xf32, #tpu.memory_space<vmem>> -> memref<128x128xf32, #tpu.memory_space<vmem>>
    %dma_wait3A_1663 = arith.constant 128 : i32
    %dma_wait3A_1664 = tpu.memref_slice %arg5[%dma_wait3A_1659, %dma_wait3A_1663] : memref<32x512xi32, #tpu.memory_space<vmem>> -> memref<1x128xi32, #tpu.memory_space<vmem>>
    %dma_wait3A_1665 = tpu.memref_squeeze %dma_wait3A_1664 : memref<1x128xi32, #tpu.memory_space<vmem>> -> memref<128xi32, #tpu.memory_space<vmem>>
    %dma_wait3A_1666 = arith.constant 0 : i32
    %dma_wait3A_1667 = arith.constant 0 : i32
    %dma_wait3A_1668 = tpu.memref_slice %arg3[%dma_wait3A_1666, %dma_wait3A_1667] : memref<100000x128xf32, #tpu.memory_space<hbm>> -> memref<100000x128xf32, #tpu.memory_space<hbm>>
    tpu.wait_indirect_dma semaphore(%arg8 : memref<!tpu.dma_semaphore, #tpu.memory_space<semaphore_mem>>) src(%dma_wait3A_1668 : memref<100000x128xf32, #tpu.memory_space<hbm>>) dst(%dma_wait3A_1662 : memref<128x128xf32, #tpu.memory_space<vmem>>)
    %dma_wait3A_1669 = arith.constant 5 : i32
    %dma_wait3A_1670 = arith.constant 128 : i32
    %dma_wait3A_1671 = arith.constant 0 : i32
    %dma_wait3A_1672 = tpu.memref_slice %arg6[%dma_wait3A_1670, %dma_wait3A_1671] : memref<512x128xf32, #tpu.memory_space<vmem>> -> memref<128x128xf32, #tpu.memory_space<vmem>>
    %dma_wait3A_1673 = arith.constant 128 : i32
    %dma_wait3A_1674 = tpu.memref_slice %arg5[%dma_wait3A_1669, %dma_wait3A_1673] : memref<32x512xi32, #tpu.memory_space<vmem>> -> memref<1x128xi32, #tpu.memory_space<vmem>>
    %dma_wait3A_1675 = tpu.memref_squeeze %dma_wait3A_1674 : memref<1x128xi32, #tpu.memory_space<vmem>> -> memref<128xi32, #tpu.memory_space<vmem>>
    %dma_wait3A_1676 = arith.constant 0 : i32
    %dma_wait3A_1677 = arith.constant 0 : i32
    %dma_wait3A_1678 = tpu.memref_slice %arg3[%dma_wait3A_1676, %dma_wait3A_1677] : memref<100000x128xf32, #tpu.memory_space<hbm>> -> memref<100000x128xf32, #tpu.memory_space<hbm>>
    tpu.wait_indirect_dma semaphore(%arg8 : memref<!tpu.dma_semaphore, #tpu.memory_space<semaphore_mem>>) src(%dma_wait3A_1678 : memref<100000x128xf32, #tpu.memory_space<hbm>>) dst(%dma_wait3A_1672 : memref<128x128xf32, #tpu.memory_space<vmem>>)
    %dma_wait3A_1679 = arith.constant 6 : i32
    %dma_wait3A_1680 = arith.constant 128 : i32
    %dma_wait3A_1681 = arith.constant 0 : i32
    %dma_wait3A_1682 = tpu.memref_slice %arg6[%dma_wait3A_1680, %dma_wait3A_1681] : memref<512x128xf32, #tpu.memory_space<vmem>> -> memref<128x128xf32, #tpu.memory_space<vmem>>
    %dma_wait3A_1683 = arith.constant 128 : i32
    %dma_wait3A_1684 = tpu.memref_slice %arg5[%dma_wait3A_1679, %dma_wait3A_1683] : memref<32x512xi32, #tpu.memory_space<vmem>> -> memref<1x128xi32, #tpu.memory_space<vmem>>
    %dma_wait3A_1685 = tpu.memref_squeeze %dma_wait3A_1684 : memref<1x128xi32, #tpu.memory_space<vmem>> -> memref<128xi32, #tpu.memory_space<vmem>>
    %dma_wait3A_1686 = arith.constant 0 : i32
    %dma_wait3A_1687 = arith.constant 0 : i32
    %dma_wait3A_1688 = tpu.memref_slice %arg3[%dma_wait3A_1686, %dma_wait3A_1687] : memref<100000x128xf32, #tpu.memory_space<hbm>> -> memref<100000x128xf32, #tpu.memory_space<hbm>>
    tpu.wait_indirect_dma semaphore(%arg8 : memref<!tpu.dma_semaphore, #tpu.memory_space<semaphore_mem>>) src(%dma_wait3A_1688 : memref<100000x128xf32, #tpu.memory_space<hbm>>) dst(%dma_wait3A_1682 : memref<128x128xf32, #tpu.memory_space<vmem>>)
    %dma_wait3A_1689 = arith.constant 7 : i32
    %dma_wait3A_1690 = arith.constant 128 : i32
    %dma_wait3A_1691 = arith.constant 0 : i32
    %dma_wait3A_1692 = tpu.memref_slice %arg6[%dma_wait3A_1690, %dma_wait3A_1691] : memref<512x128xf32, #tpu.memory_space<vmem>> -> memref<128x128xf32, #tpu.memory_space<vmem>>
    %dma_wait3A_1693 = arith.constant 128 : i32
    %dma_wait3A_1694 = tpu.memref_slice %arg5[%dma_wait3A_1689, %dma_wait3A_1693] : memref<32x512xi32, #tpu.memory_space<vmem>> -> memref<1x128xi32, #tpu.memory_space<vmem>>
    %dma_wait3A_1695 = tpu.memref_squeeze %dma_wait3A_1694 : memref<1x128xi32, #tpu.memory_space<vmem>> -> memref<128xi32, #tpu.memory_space<vmem>>
    %dma_wait3A_1696 = arith.constant 0 : i32
    %dma_wait3A_1697 = arith.constant 0 : i32
    %dma_wait3A_1698 = tpu.memref_slice %arg3[%dma_wait3A_1696, %dma_wait3A_1697] : memref<100000x128xf32, #tpu.memory_space<hbm>> -> memref<100000x128xf32, #tpu.memory_space<hbm>>
    tpu.wait_indirect_dma semaphore(%arg8 : memref<!tpu.dma_semaphore, #tpu.memory_space<semaphore_mem>>) src(%dma_wait3A_1698 : memref<100000x128xf32, #tpu.memory_space<hbm>>) dst(%dma_wait3A_1692 : memref<128x128xf32, #tpu.memory_space<vmem>>)
    %dma_wait3A_1699 = arith.constant 8 : i32
    %dma_wait3A_1700 = arith.constant 128 : i32
    %dma_wait3A_1701 = arith.constant 0 : i32
    %dma_wait3A_1702 = tpu.memref_slice %arg6[%dma_wait3A_1700, %dma_wait3A_1701] : memref<512x128xf32, #tpu.memory_space<vmem>> -> memref<128x128xf32, #tpu.memory_space<vmem>>
    %dma_wait3A_1703 = arith.constant 128 : i32
    %dma_wait3A_1704 = tpu.memref_slice %arg5[%dma_wait3A_1699, %dma_wait3A_1703] : memref<32x512xi32, #tpu.memory_space<vmem>> -> memref<1x128xi32, #tpu.memory_space<vmem>>
    %dma_wait3A_1705 = tpu.memref_squeeze %dma_wait3A_1704 : memref<1x128xi32, #tpu.memory_space<vmem>> -> memref<128xi32, #tpu.memory_space<vmem>>
    %dma_wait3A_1706 = arith.constant 0 : i32
    %dma_wait3A_1707 = arith.constant 0 : i32
    %dma_wait3A_1708 = tpu.memref_slice %arg3[%dma_wait3A_1706, %dma_wait3A_1707] : memref<100000x128xf32, #tpu.memory_space<hbm>> -> memref<100000x128xf32, #tpu.memory_space<hbm>>
    tpu.wait_indirect_dma semaphore(%arg8 : memref<!tpu.dma_semaphore, #tpu.memory_space<semaphore_mem>>) src(%dma_wait3A_1708 : memref<100000x128xf32, #tpu.memory_space<hbm>>) dst(%dma_wait3A_1702 : memref<128x128xf32, #tpu.memory_space<vmem>>)
    %dma_wait3A_1709 = arith.constant 9 : i32
    %dma_wait3A_1710 = arith.constant 128 : i32
    %dma_wait3A_1711 = arith.constant 0 : i32
    %dma_wait3A_1712 = tpu.memref_slice %arg6[%dma_wait3A_1710, %dma_wait3A_1711] : memref<512x128xf32, #tpu.memory_space<vmem>> -> memref<128x128xf32, #tpu.memory_space<vmem>>
    %dma_wait3A_1713 = arith.constant 128 : i32
    %dma_wait3A_1714 = tpu.memref_slice %arg5[%dma_wait3A_1709, %dma_wait3A_1713] : memref<32x512xi32, #tpu.memory_space<vmem>> -> memref<1x128xi32, #tpu.memory_space<vmem>>
    %dma_wait3A_1715 = tpu.memref_squeeze %dma_wait3A_1714 : memref<1x128xi32, #tpu.memory_space<vmem>> -> memref<128xi32, #tpu.memory_space<vmem>>
    %dma_wait3A_1716 = arith.constant 0 : i32
    %dma_wait3A_1717 = arith.constant 0 : i32
    %dma_wait3A_1718 = tpu.memref_slice %arg3[%dma_wait3A_1716, %dma_wait3A_1717] : memref<100000x128xf32, #tpu.memory_space<hbm>> -> memref<100000x128xf32, #tpu.memory_space<hbm>>
    tpu.wait_indirect_dma semaphore(%arg8 : memref<!tpu.dma_semaphore, #tpu.memory_space<semaphore_mem>>) src(%dma_wait3A_1718 : memref<100000x128xf32, #tpu.memory_space<hbm>>) dst(%dma_wait3A_1712 : memref<128x128xf32, #tpu.memory_space<vmem>>)
    %dma_wait3A_1719 = arith.constant 10 : i32
    %dma_wait3A_1720 = arith.constant 128 : i32
    %dma_wait3A_1721 = arith.constant 0 : i32
    %dma_wait3A_1722 = tpu.memref_slice %arg6[%dma_wait3A_1720, %dma_wait3A_1721] : memref<512x128xf32, #tpu.memory_space<vmem>> -> memref<128x128xf32, #tpu.memory_space<vmem>>
    %dma_wait3A_1723 = arith.constant 128 : i32
    %dma_wait3A_1724 = tpu.memref_slice %arg5[%dma_wait3A_1719, %dma_wait3A_1723] : memref<32x512xi32, #tpu.memory_space<vmem>> -> memref<1x128xi32, #tpu.memory_space<vmem>>
    %dma_wait3A_1725 = tpu.memref_squeeze %dma_wait3A_1724 : memref<1x128xi32, #tpu.memory_space<vmem>> -> memref<128xi32, #tpu.memory_space<vmem>>
    %dma_wait3A_1726 = arith.constant 0 : i32
    %dma_wait3A_1727 = arith.constant 0 : i32
    %dma_wait3A_1728 = tpu.memref_slice %arg3[%dma_wait3A_1726, %dma_wait3A_1727] : memref<100000x128xf32, #tpu.memory_space<hbm>> -> memref<100000x128xf32, #tpu.memory_space<hbm>>
    tpu.wait_indirect_dma semaphore(%arg8 : memref<!tpu.dma_semaphore, #tpu.memory_space<semaphore_mem>>) src(%dma_wait3A_1728 : memref<100000x128xf32, #tpu.memory_space<hbm>>) dst(%dma_wait3A_1722 : memref<128x128xf32, #tpu.memory_space<vmem>>)
    %dma_wait3A_1729 = arith.constant 11 : i32
    %dma_wait3A_1730 = arith.constant 128 : i32
    %dma_wait3A_1731 = arith.constant 0 : i32
    %dma_wait3A_1732 = tpu.memref_slice %arg6[%dma_wait3A_1730, %dma_wait3A_1731] : memref<512x128xf32, #tpu.memory_space<vmem>> -> memref<128x128xf32, #tpu.memory_space<vmem>>
    %dma_wait3A_1733 = arith.constant 128 : i32
    %dma_wait3A_1734 = tpu.memref_slice %arg5[%dma_wait3A_1729, %dma_wait3A_1733] : memref<32x512xi32, #tpu.memory_space<vmem>> -> memref<1x128xi32, #tpu.memory_space<vmem>>
    %dma_wait3A_1735 = tpu.memref_squeeze %dma_wait3A_1734 : memref<1x128xi32, #tpu.memory_space<vmem>> -> memref<128xi32, #tpu.memory_space<vmem>>
    %dma_wait3A_1736 = arith.constant 0 : i32
    %dma_wait3A_1737 = arith.constant 0 : i32
    %dma_wait3A_1738 = tpu.memref_slice %arg3[%dma_wait3A_1736, %dma_wait3A_1737] : memref<100000x128xf32, #tpu.memory_space<hbm>> -> memref<100000x128xf32, #tpu.memory_space<hbm>>
    tpu.wait_indirect_dma semaphore(%arg8 : memref<!tpu.dma_semaphore, #tpu.memory_space<semaphore_mem>>) src(%dma_wait3A_1738 : memref<100000x128xf32, #tpu.memory_space<hbm>>) dst(%dma_wait3A_1732 : memref<128x128xf32, #tpu.memory_space<vmem>>)
    %dma_wait3A_1739 = arith.constant 12 : i32
    %dma_wait3A_1740 = arith.constant 128 : i32
    %dma_wait3A_1741 = arith.constant 0 : i32
    %dma_wait3A_1742 = tpu.memref_slice %arg6[%dma_wait3A_1740, %dma_wait3A_1741] : memref<512x128xf32, #tpu.memory_space<vmem>> -> memref<128x128xf32, #tpu.memory_space<vmem>>
    %dma_wait3A_1743 = arith.constant 128 : i32
    %dma_wait3A_1744 = tpu.memref_slice %arg5[%dma_wait3A_1739, %dma_wait3A_1743] : memref<32x512xi32, #tpu.memory_space<vmem>> -> memref<1x128xi32, #tpu.memory_space<vmem>>
    %dma_wait3A_1745 = tpu.memref_squeeze %dma_wait3A_1744 : memref<1x128xi32, #tpu.memory_space<vmem>> -> memref<128xi32, #tpu.memory_space<vmem>>
    %dma_wait3A_1746 = arith.constant 0 : i32
    %dma_wait3A_1747 = arith.constant 0 : i32
    %dma_wait3A_1748 = tpu.memref_slice %arg3[%dma_wait3A_1746, %dma_wait3A_1747] : memref<100000x128xf32, #tpu.memory_space<hbm>> -> memref<100000x128xf32, #tpu.memory_space<hbm>>
    tpu.wait_indirect_dma semaphore(%arg8 : memref<!tpu.dma_semaphore, #tpu.memory_space<semaphore_mem>>) src(%dma_wait3A_1748 : memref<100000x128xf32, #tpu.memory_space<hbm>>) dst(%dma_wait3A_1742 : memref<128x128xf32, #tpu.memory_space<vmem>>)
    %dma_wait3A_1749 = arith.constant 13 : i32
    %dma_wait3A_1750 = arith.constant 128 : i32
    %dma_wait3A_1751 = arith.constant 0 : i32
    %dma_wait3A_1752 = tpu.memref_slice %arg6[%dma_wait3A_1750, %dma_wait3A_1751] : memref<512x128xf32, #tpu.memory_space<vmem>> -> memref<128x128xf32, #tpu.memory_space<vmem>>
    %dma_wait3A_1753 = arith.constant 128 : i32
    %dma_wait3A_1754 = tpu.memref_slice %arg5[%dma_wait3A_1749, %dma_wait3A_1753] : memref<32x512xi32, #tpu.memory_space<vmem>> -> memref<1x128xi32, #tpu.memory_space<vmem>>
    %dma_wait3A_1755 = tpu.memref_squeeze %dma_wait3A_1754 : memref<1x128xi32, #tpu.memory_space<vmem>> -> memref<128xi32, #tpu.memory_space<vmem>>
    %dma_wait3A_1756 = arith.constant 0 : i32
    %dma_wait3A_1757 = arith.constant 0 : i32
    %dma_wait3A_1758 = tpu.memref_slice %arg3[%dma_wait3A_1756, %dma_wait3A_1757] : memref<100000x128xf32, #tpu.memory_space<hbm>> -> memref<100000x128xf32, #tpu.memory_space<hbm>>
    tpu.wait_indirect_dma semaphore(%arg8 : memref<!tpu.dma_semaphore, #tpu.memory_space<semaphore_mem>>) src(%dma_wait3A_1758 : memref<100000x128xf32, #tpu.memory_space<hbm>>) dst(%dma_wait3A_1752 : memref<128x128xf32, #tpu.memory_space<vmem>>)
    %dma_wait3A_1759 = arith.constant 14 : i32
    %dma_wait3A_1760 = arith.constant 128 : i32
    %dma_wait3A_1761 = arith.constant 0 : i32
    %dma_wait3A_1762 = tpu.memref_slice %arg6[%dma_wait3A_1760, %dma_wait3A_1761] : memref<512x128xf32, #tpu.memory_space<vmem>> -> memref<128x128xf32, #tpu.memory_space<vmem>>
    %dma_wait3A_1763 = arith.constant 128 : i32
    %dma_wait3A_1764 = tpu.memref_slice %arg5[%dma_wait3A_1759, %dma_wait3A_1763] : memref<32x512xi32, #tpu.memory_space<vmem>> -> memref<1x128xi32, #tpu.memory_space<vmem>>
    %dma_wait3A_1765 = tpu.memref_squeeze %dma_wait3A_1764 : memref<1x128xi32, #tpu.memory_space<vmem>> -> memref<128xi32, #tpu.memory_space<vmem>>
    %dma_wait3A_1766 = arith.constant 0 : i32
    %dma_wait3A_1767 = arith.constant 0 : i32
    %dma_wait3A_1768 = tpu.memref_slice %arg3[%dma_wait3A_1766, %dma_wait3A_1767] : memref<100000x128xf32, #tpu.memory_space<hbm>> -> memref<100000x128xf32, #tpu.memory_space<hbm>>
    tpu.wait_indirect_dma semaphore(%arg8 : memref<!tpu.dma_semaphore, #tpu.memory_space<semaphore_mem>>) src(%dma_wait3A_1768 : memref<100000x128xf32, #tpu.memory_space<hbm>>) dst(%dma_wait3A_1762 : memref<128x128xf32, #tpu.memory_space<vmem>>)
    %dma_wait3A_1769 = arith.constant 15 : i32
    %dma_wait3A_1770 = arith.constant 128 : i32
    %dma_wait3A_1771 = arith.constant 0 : i32
    %dma_wait3A_1772 = tpu.memref_slice %arg6[%dma_wait3A_1770, %dma_wait3A_1771] : memref<512x128xf32, #tpu.memory_space<vmem>> -> memref<128x128xf32, #tpu.memory_space<vmem>>
    %dma_wait3A_1773 = arith.constant 128 : i32
    %dma_wait3A_1774 = tpu.memref_slice %arg5[%dma_wait3A_1769, %dma_wait3A_1773] : memref<32x512xi32, #tpu.memory_space<vmem>> -> memref<1x128xi32, #tpu.memory_space<vmem>>
    %dma_wait3A_1775 = tpu.memref_squeeze %dma_wait3A_1774 : memref<1x128xi32, #tpu.memory_space<vmem>> -> memref<128xi32, #tpu.memory_space<vmem>>
    %dma_wait3A_1776 = arith.constant 0 : i32
    %dma_wait3A_1777 = arith.constant 0 : i32
    %dma_wait3A_1778 = tpu.memref_slice %arg3[%dma_wait3A_1776, %dma_wait3A_1777] : memref<100000x128xf32, #tpu.memory_space<hbm>> -> memref<100000x128xf32, #tpu.memory_space<hbm>>
    tpu.wait_indirect_dma semaphore(%arg8 : memref<!tpu.dma_semaphore, #tpu.memory_space<semaphore_mem>>) src(%dma_wait3A_1778 : memref<100000x128xf32, #tpu.memory_space<hbm>>) dst(%dma_wait3A_1772 : memref<128x128xf32, #tpu.memory_space<vmem>>)
    %dma_wait3A_1779 = arith.constant 16 : i32
    %dma_wait3A_1780 = arith.constant 128 : i32
    %dma_wait3A_1781 = arith.constant 0 : i32
    %dma_wait3A_1782 = tpu.memref_slice %arg6[%dma_wait3A_1780, %dma_wait3A_1781] : memref<512x128xf32, #tpu.memory_space<vmem>> -> memref<128x128xf32, #tpu.memory_space<vmem>>
    %dma_wait3A_1783 = arith.constant 128 : i32
    %dma_wait3A_1784 = tpu.memref_slice %arg5[%dma_wait3A_1779, %dma_wait3A_1783] : memref<32x512xi32, #tpu.memory_space<vmem>> -> memref<1x128xi32, #tpu.memory_space<vmem>>
    %dma_wait3A_1785 = tpu.memref_squeeze %dma_wait3A_1784 : memref<1x128xi32, #tpu.memory_space<vmem>> -> memref<128xi32, #tpu.memory_space<vmem>>
    %dma_wait3A_1786 = arith.constant 0 : i32
    %dma_wait3A_1787 = arith.constant 0 : i32
    %dma_wait3A_1788 = tpu.memref_slice %arg3[%dma_wait3A_1786, %dma_wait3A_1787] : memref<100000x128xf32, #tpu.memory_space<hbm>> -> memref<100000x128xf32, #tpu.memory_space<hbm>>
    tpu.wait_indirect_dma semaphore(%arg8 : memref<!tpu.dma_semaphore, #tpu.memory_space<semaphore_mem>>) src(%dma_wait3A_1788 : memref<100000x128xf32, #tpu.memory_space<hbm>>) dst(%dma_wait3A_1782 : memref<128x128xf32, #tpu.memory_space<vmem>>)
    %dma_wait3A_1789 = arith.constant 17 : i32
    %dma_wait3A_1790 = arith.constant 128 : i32
    %dma_wait3A_1791 = arith.constant 0 : i32
    %dma_wait3A_1792 = tpu.memref_slice %arg6[%dma_wait3A_1790, %dma_wait3A_1791] : memref<512x128xf32, #tpu.memory_space<vmem>> -> memref<128x128xf32, #tpu.memory_space<vmem>>
    %dma_wait3A_1793 = arith.constant 128 : i32
    %dma_wait3A_1794 = tpu.memref_slice %arg5[%dma_wait3A_1789, %dma_wait3A_1793] : memref<32x512xi32, #tpu.memory_space<vmem>> -> memref<1x128xi32, #tpu.memory_space<vmem>>
    %dma_wait3A_1795 = tpu.memref_squeeze %dma_wait3A_1794 : memref<1x128xi32, #tpu.memory_space<vmem>> -> memref<128xi32, #tpu.memory_space<vmem>>
    %dma_wait3A_1796 = arith.constant 0 : i32
    %dma_wait3A_1797 = arith.constant 0 : i32
    %dma_wait3A_1798 = tpu.memref_slice %arg3[%dma_wait3A_1796, %dma_wait3A_1797] : memref<100000x128xf32, #tpu.memory_space<hbm>> -> memref<100000x128xf32, #tpu.memory_space<hbm>>
    tpu.wait_indirect_dma semaphore(%arg8 : memref<!tpu.dma_semaphore, #tpu.memory_space<semaphore_mem>>) src(%dma_wait3A_1798 : memref<100000x128xf32, #tpu.memory_space<hbm>>) dst(%dma_wait3A_1792 : memref<128x128xf32, #tpu.memory_space<vmem>>)
    %dma_wait3A_1799 = arith.constant 18 : i32
    %dma_wait3A_1800 = arith.constant 128 : i32
    %dma_wait3A_1801 = arith.constant 0 : i32
    %dma_wait3A_1802 = tpu.memref_slice %arg6[%dma_wait3A_1800, %dma_wait3A_1801] : memref<512x128xf32, #tpu.memory_space<vmem>> -> memref<128x128xf32, #tpu.memory_space<vmem>>
    %dma_wait3A_1803 = arith.constant 128 : i32
    %dma_wait3A_1804 = tpu.memref_slice %arg5[%dma_wait3A_1799, %dma_wait3A_1803] : memref<32x512xi32, #tpu.memory_space<vmem>> -> memref<1x128xi32, #tpu.memory_space<vmem>>
    %dma_wait3A_1805 = tpu.memref_squeeze %dma_wait3A_1804 : memref<1x128xi32, #tpu.memory_space<vmem>> -> memref<128xi32, #tpu.memory_space<vmem>>
    %dma_wait3A_1806 = arith.constant 0 : i32
    %dma_wait3A_1807 = arith.constant 0 : i32
    %dma_wait3A_1808 = tpu.memref_slice %arg3[%dma_wait3A_1806, %dma_wait3A_1807] : memref<100000x128xf32, #tpu.memory_space<hbm>> -> memref<100000x128xf32, #tpu.memory_space<hbm>>
    tpu.wait_indirect_dma semaphore(%arg8 : memref<!tpu.dma_semaphore, #tpu.memory_space<semaphore_mem>>) src(%dma_wait3A_1808 : memref<100000x128xf32, #tpu.memory_space<hbm>>) dst(%dma_wait3A_1802 : memref<128x128xf32, #tpu.memory_space<vmem>>)
    %dma_wait3A_1809 = arith.constant 19 : i32
    %dma_wait3A_1810 = arith.constant 128 : i32
    %dma_wait3A_1811 = arith.constant 0 : i32
    %dma_wait3A_1812 = tpu.memref_slice %arg6[%dma_wait3A_1810, %dma_wait3A_1811] : memref<512x128xf32, #tpu.memory_space<vmem>> -> memref<128x128xf32, #tpu.memory_space<vmem>>
    %dma_wait3A_1813 = arith.constant 128 : i32
    %dma_wait3A_1814 = tpu.memref_slice %arg5[%dma_wait3A_1809, %dma_wait3A_1813] : memref<32x512xi32, #tpu.memory_space<vmem>> -> memref<1x128xi32, #tpu.memory_space<vmem>>
    %dma_wait3A_1815 = tpu.memref_squeeze %dma_wait3A_1814 : memref<1x128xi32, #tpu.memory_space<vmem>> -> memref<128xi32, #tpu.memory_space<vmem>>
    %dma_wait3A_1816 = arith.constant 0 : i32
    %dma_wait3A_1817 = arith.constant 0 : i32
    %dma_wait3A_1818 = tpu.memref_slice %arg3[%dma_wait3A_1816, %dma_wait3A_1817] : memref<100000x128xf32, #tpu.memory_space<hbm>> -> memref<100000x128xf32, #tpu.memory_space<hbm>>
    tpu.wait_indirect_dma semaphore(%arg8 : memref<!tpu.dma_semaphore, #tpu.memory_space<semaphore_mem>>) src(%dma_wait3A_1818 : memref<100000x128xf32, #tpu.memory_space<hbm>>) dst(%dma_wait3A_1812 : memref<128x128xf32, #tpu.memory_space<vmem>>)
    %dma_wait3A_1819 = arith.constant 20 : i32
    %dma_wait3A_1820 = arith.constant 128 : i32
    %dma_wait3A_1821 = arith.constant 0 : i32
    %dma_wait3A_1822 = tpu.memref_slice %arg6[%dma_wait3A_1820, %dma_wait3A_1821] : memref<512x128xf32, #tpu.memory_space<vmem>> -> memref<128x128xf32, #tpu.memory_space<vmem>>
    %dma_wait3A_1823 = arith.constant 128 : i32
    %dma_wait3A_1824 = tpu.memref_slice %arg5[%dma_wait3A_1819, %dma_wait3A_1823] : memref<32x512xi32, #tpu.memory_space<vmem>> -> memref<1x128xi32, #tpu.memory_space<vmem>>
    %dma_wait3A_1825 = tpu.memref_squeeze %dma_wait3A_1824 : memref<1x128xi32, #tpu.memory_space<vmem>> -> memref<128xi32, #tpu.memory_space<vmem>>
    %dma_wait3A_1826 = arith.constant 0 : i32
    %dma_wait3A_1827 = arith.constant 0 : i32
    %dma_wait3A_1828 = tpu.memref_slice %arg3[%dma_wait3A_1826, %dma_wait3A_1827] : memref<100000x128xf32, #tpu.memory_space<hbm>> -> memref<100000x128xf32, #tpu.memory_space<hbm>>
    tpu.wait_indirect_dma semaphore(%arg8 : memref<!tpu.dma_semaphore, #tpu.memory_space<semaphore_mem>>) src(%dma_wait3A_1828 : memref<100000x128xf32, #tpu.memory_space<hbm>>) dst(%dma_wait3A_1822 : memref<128x128xf32, #tpu.memory_space<vmem>>)
    %dma_wait3A_1829 = arith.constant 21 : i32
    %dma_wait3A_1830 = arith.constant 128 : i32
    %dma_wait3A_1831 = arith.constant 0 : i32
    %dma_wait3A_1832 = tpu.memref_slice %arg6[%dma_wait3A_1830, %dma_wait3A_1831] : memref<512x128xf32, #tpu.memory_space<vmem>> -> memref<128x128xf32, #tpu.memory_space<vmem>>
    %dma_wait3A_1833 = arith.constant 128 : i32
    %dma_wait3A_1834 = tpu.memref_slice %arg5[%dma_wait3A_1829, %dma_wait3A_1833] : memref<32x512xi32, #tpu.memory_space<vmem>> -> memref<1x128xi32, #tpu.memory_space<vmem>>
    %dma_wait3A_1835 = tpu.memref_squeeze %dma_wait3A_1834 : memref<1x128xi32, #tpu.memory_space<vmem>> -> memref<128xi32, #tpu.memory_space<vmem>>
    %dma_wait3A_1836 = arith.constant 0 : i32
    %dma_wait3A_1837 = arith.constant 0 : i32
    %dma_wait3A_1838 = tpu.memref_slice %arg3[%dma_wait3A_1836, %dma_wait3A_1837] : memref<100000x128xf32, #tpu.memory_space<hbm>> -> memref<100000x128xf32, #tpu.memory_space<hbm>>
    tpu.wait_indirect_dma semaphore(%arg8 : memref<!tpu.dma_semaphore, #tpu.memory_space<semaphore_mem>>) src(%dma_wait3A_1838 : memref<100000x128xf32, #tpu.memory_space<hbm>>) dst(%dma_wait3A_1832 : memref<128x128xf32, #tpu.memory_space<vmem>>)
    %dma_wait3A_1839 = arith.constant 22 : i32
    %dma_wait3A_1840 = arith.constant 128 : i32
    %dma_wait3A_1841 = arith.constant 0 : i32
    %dma_wait3A_1842 = tpu.memref_slice %arg6[%dma_wait3A_1840, %dma_wait3A_1841] : memref<512x128xf32, #tpu.memory_space<vmem>> -> memref<128x128xf32, #tpu.memory_space<vmem>>
    %dma_wait3A_1843 = arith.constant 128 : i32
    %dma_wait3A_1844 = tpu.memref_slice %arg5[%dma_wait3A_1839, %dma_wait3A_1843] : memref<32x512xi32, #tpu.memory_space<vmem>> -> memref<1x128xi32, #tpu.memory_space<vmem>>
    %dma_wait3A_1845 = tpu.memref_squeeze %dma_wait3A_1844 : memref<1x128xi32, #tpu.memory_space<vmem>> -> memref<128xi32, #tpu.memory_space<vmem>>
    %dma_wait3A_1846 = arith.constant 0 : i32
    %dma_wait3A_1847 = arith.constant 0 : i32
    %dma_wait3A_1848 = tpu.memref_slice %arg3[%dma_wait3A_1846, %dma_wait3A_1847] : memref<100000x128xf32, #tpu.memory_space<hbm>> -> memref<100000x128xf32, #tpu.memory_space<hbm>>
    tpu.wait_indirect_dma semaphore(%arg8 : memref<!tpu.dma_semaphore, #tpu.memory_space<semaphore_mem>>) src(%dma_wait3A_1848 : memref<100000x128xf32, #tpu.memory_space<hbm>>) dst(%dma_wait3A_1842 : memref<128x128xf32, #tpu.memory_space<vmem>>)
    %dma_wait3A_1849 = arith.constant 23 : i32
    %dma_wait3A_1850 = arith.constant 128 : i32
    %dma_wait3A_1851 = arith.constant 0 : i32
    %dma_wait3A_1852 = tpu.memref_slice %arg6[%dma_wait3A_1850, %dma_wait3A_1851] : memref<512x128xf32, #tpu.memory_space<vmem>> -> memref<128x128xf32, #tpu.memory_space<vmem>>
    %dma_wait3A_1853 = arith.constant 128 : i32
    %dma_wait3A_1854 = tpu.memref_slice %arg5[%dma_wait3A_1849, %dma_wait3A_1853] : memref<32x512xi32, #tpu.memory_space<vmem>> -> memref<1x128xi32, #tpu.memory_space<vmem>>
    %dma_wait3A_1855 = tpu.memref_squeeze %dma_wait3A_1854 : memref<1x128xi32, #tpu.memory_space<vmem>> -> memref<128xi32, #tpu.memory_space<vmem>>
    %dma_wait3A_1856 = arith.constant 0 : i32
    %dma_wait3A_1857 = arith.constant 0 : i32
    %dma_wait3A_1858 = tpu.memref_slice %arg3[%dma_wait3A_1856, %dma_wait3A_1857] : memref<100000x128xf32, #tpu.memory_space<hbm>> -> memref<100000x128xf32, #tpu.memory_space<hbm>>
    tpu.wait_indirect_dma semaphore(%arg8 : memref<!tpu.dma_semaphore, #tpu.memory_space<semaphore_mem>>) src(%dma_wait3A_1858 : memref<100000x128xf32, #tpu.memory_space<hbm>>) dst(%dma_wait3A_1852 : memref<128x128xf32, #tpu.memory_space<vmem>>)
    %dma_wait3A_1859 = arith.constant 24 : i32
    %dma_wait3A_1860 = arith.constant 128 : i32
    %dma_wait3A_1861 = arith.constant 0 : i32
    %dma_wait3A_1862 = tpu.memref_slice %arg6[%dma_wait3A_1860, %dma_wait3A_1861] : memref<512x128xf32, #tpu.memory_space<vmem>> -> memref<128x128xf32, #tpu.memory_space<vmem>>
    %dma_wait3A_1863 = arith.constant 128 : i32
    %dma_wait3A_1864 = tpu.memref_slice %arg5[%dma_wait3A_1859, %dma_wait3A_1863] : memref<32x512xi32, #tpu.memory_space<vmem>> -> memref<1x128xi32, #tpu.memory_space<vmem>>
    %dma_wait3A_1865 = tpu.memref_squeeze %dma_wait3A_1864 : memref<1x128xi32, #tpu.memory_space<vmem>> -> memref<128xi32, #tpu.memory_space<vmem>>
    %dma_wait3A_1866 = arith.constant 0 : i32
    %dma_wait3A_1867 = arith.constant 0 : i32
    %dma_wait3A_1868 = tpu.memref_slice %arg3[%dma_wait3A_1866, %dma_wait3A_1867] : memref<100000x128xf32, #tpu.memory_space<hbm>> -> memref<100000x128xf32, #tpu.memory_space<hbm>>
    tpu.wait_indirect_dma semaphore(%arg8 : memref<!tpu.dma_semaphore, #tpu.memory_space<semaphore_mem>>) src(%dma_wait3A_1868 : memref<100000x128xf32, #tpu.memory_space<hbm>>) dst(%dma_wait3A_1862 : memref<128x128xf32, #tpu.memory_space<vmem>>)
    %dma_wait3A_1869 = arith.constant 25 : i32
    %dma_wait3A_1870 = arith.constant 128 : i32
    %dma_wait3A_1871 = arith.constant 0 : i32
    %dma_wait3A_1872 = tpu.memref_slice %arg6[%dma_wait3A_1870, %dma_wait3A_1871] : memref<512x128xf32, #tpu.memory_space<vmem>> -> memref<128x128xf32, #tpu.memory_space<vmem>>
    %dma_wait3A_1873 = arith.constant 128 : i32
    %dma_wait3A_1874 = tpu.memref_slice %arg5[%dma_wait3A_1869, %dma_wait3A_1873] : memref<32x512xi32, #tpu.memory_space<vmem>> -> memref<1x128xi32, #tpu.memory_space<vmem>>
    %dma_wait3A_1875 = tpu.memref_squeeze %dma_wait3A_1874 : memref<1x128xi32, #tpu.memory_space<vmem>> -> memref<128xi32, #tpu.memory_space<vmem>>
    %dma_wait3A_1876 = arith.constant 0 : i32
    %dma_wait3A_1877 = arith.constant 0 : i32
    %dma_wait3A_1878 = tpu.memref_slice %arg3[%dma_wait3A_1876, %dma_wait3A_1877] : memref<100000x128xf32, #tpu.memory_space<hbm>> -> memref<100000x128xf32, #tpu.memory_space<hbm>>
    tpu.wait_indirect_dma semaphore(%arg8 : memref<!tpu.dma_semaphore, #tpu.memory_space<semaphore_mem>>) src(%dma_wait3A_1878 : memref<100000x128xf32, #tpu.memory_space<hbm>>) dst(%dma_wait3A_1872 : memref<128x128xf32, #tpu.memory_space<vmem>>)
    %dma_wait3A_1879 = arith.constant 26 : i32
    %dma_wait3A_1880 = arith.constant 128 : i32
    %dma_wait3A_1881 = arith.constant 0 : i32
    %dma_wait3A_1882 = tpu.memref_slice %arg6[%dma_wait3A_1880, %dma_wait3A_1881] : memref<512x128xf32, #tpu.memory_space<vmem>> -> memref<128x128xf32, #tpu.memory_space<vmem>>
    %dma_wait3A_1883 = arith.constant 128 : i32
    %dma_wait3A_1884 = tpu.memref_slice %arg5[%dma_wait3A_1879, %dma_wait3A_1883] : memref<32x512xi32, #tpu.memory_space<vmem>> -> memref<1x128xi32, #tpu.memory_space<vmem>>
    %dma_wait3A_1885 = tpu.memref_squeeze %dma_wait3A_1884 : memref<1x128xi32, #tpu.memory_space<vmem>> -> memref<128xi32, #tpu.memory_space<vmem>>
    %dma_wait3A_1886 = arith.constant 0 : i32
    %dma_wait3A_1887 = arith.constant 0 : i32
    %dma_wait3A_1888 = tpu.memref_slice %arg3[%dma_wait3A_1886, %dma_wait3A_1887] : memref<100000x128xf32, #tpu.memory_space<hbm>> -> memref<100000x128xf32, #tpu.memory_space<hbm>>
    tpu.wait_indirect_dma semaphore(%arg8 : memref<!tpu.dma_semaphore, #tpu.memory_space<semaphore_mem>>) src(%dma_wait3A_1888 : memref<100000x128xf32, #tpu.memory_space<hbm>>) dst(%dma_wait3A_1882 : memref<128x128xf32, #tpu.memory_space<vmem>>)
    %dma_wait3A_1889 = arith.constant 27 : i32
    %dma_wait3A_1890 = arith.constant 128 : i32
    %dma_wait3A_1891 = arith.constant 0 : i32
    %dma_wait3A_1892 = tpu.memref_slice %arg6[%dma_wait3A_1890, %dma_wait3A_1891] : memref<512x128xf32, #tpu.memory_space<vmem>> -> memref<128x128xf32, #tpu.memory_space<vmem>>
    %dma_wait3A_1893 = arith.constant 128 : i32
    %dma_wait3A_1894 = tpu.memref_slice %arg5[%dma_wait3A_1889, %dma_wait3A_1893] : memref<32x512xi32, #tpu.memory_space<vmem>> -> memref<1x128xi32, #tpu.memory_space<vmem>>
    %dma_wait3A_1895 = tpu.memref_squeeze %dma_wait3A_1894 : memref<1x128xi32, #tpu.memory_space<vmem>> -> memref<128xi32, #tpu.memory_space<vmem>>
    %dma_wait3A_1896 = arith.constant 0 : i32
    %dma_wait3A_1897 = arith.constant 0 : i32
    %dma_wait3A_1898 = tpu.memref_slice %arg3[%dma_wait3A_1896, %dma_wait3A_1897] : memref<100000x128xf32, #tpu.memory_space<hbm>> -> memref<100000x128xf32, #tpu.memory_space<hbm>>
    tpu.wait_indirect_dma semaphore(%arg8 : memref<!tpu.dma_semaphore, #tpu.memory_space<semaphore_mem>>) src(%dma_wait3A_1898 : memref<100000x128xf32, #tpu.memory_space<hbm>>) dst(%dma_wait3A_1892 : memref<128x128xf32, #tpu.memory_space<vmem>>)
    %dma_wait3A_1899 = arith.constant 28 : i32
    %dma_wait3A_1900 = arith.constant 128 : i32
    %dma_wait3A_1901 = arith.constant 0 : i32
    %dma_wait3A_1902 = tpu.memref_slice %arg6[%dma_wait3A_1900, %dma_wait3A_1901] : memref<512x128xf32, #tpu.memory_space<vmem>> -> memref<128x128xf32, #tpu.memory_space<vmem>>
    %dma_wait3A_1903 = arith.constant 128 : i32
    %dma_wait3A_1904 = tpu.memref_slice %arg5[%dma_wait3A_1899, %dma_wait3A_1903] : memref<32x512xi32, #tpu.memory_space<vmem>> -> memref<1x128xi32, #tpu.memory_space<vmem>>
    %dma_wait3A_1905 = tpu.memref_squeeze %dma_wait3A_1904 : memref<1x128xi32, #tpu.memory_space<vmem>> -> memref<128xi32, #tpu.memory_space<vmem>>
    %dma_wait3A_1906 = arith.constant 0 : i32
    %dma_wait3A_1907 = arith.constant 0 : i32
    %dma_wait3A_1908 = tpu.memref_slice %arg3[%dma_wait3A_1906, %dma_wait3A_1907] : memref<100000x128xf32, #tpu.memory_space<hbm>> -> memref<100000x128xf32, #tpu.memory_space<hbm>>
    tpu.wait_indirect_dma semaphore(%arg8 : memref<!tpu.dma_semaphore, #tpu.memory_space<semaphore_mem>>) src(%dma_wait3A_1908 : memref<100000x128xf32, #tpu.memory_space<hbm>>) dst(%dma_wait3A_1902 : memref<128x128xf32, #tpu.memory_space<vmem>>)
    %dma_wait3A_1909 = arith.constant 29 : i32
    %dma_wait3A_1910 = arith.constant 128 : i32
    %dma_wait3A_1911 = arith.constant 0 : i32
    %dma_wait3A_1912 = tpu.memref_slice %arg6[%dma_wait3A_1910, %dma_wait3A_1911] : memref<512x128xf32, #tpu.memory_space<vmem>> -> memref<128x128xf32, #tpu.memory_space<vmem>>
    %dma_wait3A_1913 = arith.constant 128 : i32
    %dma_wait3A_1914 = tpu.memref_slice %arg5[%dma_wait3A_1909, %dma_wait3A_1913] : memref<32x512xi32, #tpu.memory_space<vmem>> -> memref<1x128xi32, #tpu.memory_space<vmem>>
    %dma_wait3A_1915 = tpu.memref_squeeze %dma_wait3A_1914 : memref<1x128xi32, #tpu.memory_space<vmem>> -> memref<128xi32, #tpu.memory_space<vmem>>
    %dma_wait3A_1916 = arith.constant 0 : i32
    %dma_wait3A_1917 = arith.constant 0 : i32
    %dma_wait3A_1918 = tpu.memref_slice %arg3[%dma_wait3A_1916, %dma_wait3A_1917] : memref<100000x128xf32, #tpu.memory_space<hbm>> -> memref<100000x128xf32, #tpu.memory_space<hbm>>
    tpu.wait_indirect_dma semaphore(%arg8 : memref<!tpu.dma_semaphore, #tpu.memory_space<semaphore_mem>>) src(%dma_wait3A_1918 : memref<100000x128xf32, #tpu.memory_space<hbm>>) dst(%dma_wait3A_1912 : memref<128x128xf32, #tpu.memory_space<vmem>>)
    %dma_wait3A_1919 = arith.constant 30 : i32
    %dma_wait3A_1920 = arith.constant 128 : i32
    %dma_wait3A_1921 = arith.constant 0 : i32
    %dma_wait3A_1922 = tpu.memref_slice %arg6[%dma_wait3A_1920, %dma_wait3A_1921] : memref<512x128xf32, #tpu.memory_space<vmem>> -> memref<128x128xf32, #tpu.memory_space<vmem>>
    %dma_wait3A_1923 = arith.constant 128 : i32
    %dma_wait3A_1924 = tpu.memref_slice %arg5[%dma_wait3A_1919, %dma_wait3A_1923] : memref<32x512xi32, #tpu.memory_space<vmem>> -> memref<1x128xi32, #tpu.memory_space<vmem>>
    %dma_wait3A_1925 = tpu.memref_squeeze %dma_wait3A_1924 : memref<1x128xi32, #tpu.memory_space<vmem>> -> memref<128xi32, #tpu.memory_space<vmem>>
    %dma_wait3A_1926 = arith.constant 0 : i32
    %dma_wait3A_1927 = arith.constant 0 : i32
    %dma_wait3A_1928 = tpu.memref_slice %arg3[%dma_wait3A_1926, %dma_wait3A_1927] : memref<100000x128xf32, #tpu.memory_space<hbm>> -> memref<100000x128xf32, #tpu.memory_space<hbm>>
    tpu.wait_indirect_dma semaphore(%arg8 : memref<!tpu.dma_semaphore, #tpu.memory_space<semaphore_mem>>) src(%dma_wait3A_1928 : memref<100000x128xf32, #tpu.memory_space<hbm>>) dst(%dma_wait3A_1922 : memref<128x128xf32, #tpu.memory_space<vmem>>)
    %dma_wait3A_1929 = arith.constant 31 : i32
    %dma_wait3A_1930 = arith.constant 128 : i32
    %dma_wait3A_1931 = arith.constant 0 : i32
    %dma_wait3A_1932 = tpu.memref_slice %arg6[%dma_wait3A_1930, %dma_wait3A_1931] : memref<512x128xf32, #tpu.memory_space<vmem>> -> memref<128x128xf32, #tpu.memory_space<vmem>>
    %dma_wait3A_1933 = arith.constant 128 : i32
    %dma_wait3A_1934 = tpu.memref_slice %arg5[%dma_wait3A_1929, %dma_wait3A_1933] : memref<32x512xi32, #tpu.memory_space<vmem>> -> memref<1x128xi32, #tpu.memory_space<vmem>>
    %dma_wait3A_1935 = tpu.memref_squeeze %dma_wait3A_1934 : memref<1x128xi32, #tpu.memory_space<vmem>> -> memref<128xi32, #tpu.memory_space<vmem>>
    %dma_wait3A_1936 = arith.constant 0 : i32
    %dma_wait3A_1937 = arith.constant 0 : i32
    %dma_wait3A_1938 = tpu.memref_slice %arg3[%dma_wait3A_1936, %dma_wait3A_1937] : memref<100000x128xf32, #tpu.memory_space<hbm>> -> memref<100000x128xf32, #tpu.memory_space<hbm>>
    tpu.wait_indirect_dma semaphore(%arg8 : memref<!tpu.dma_semaphore, #tpu.memory_space<semaphore_mem>>) src(%dma_wait3A_1938 : memref<100000x128xf32, #tpu.memory_space<hbm>>) dst(%dma_wait3A_1932 : memref<128x128xf32, #tpu.memory_space<vmem>>)
    %dma_wait3A_1939 = arith.constant 1 : i32
    %dma_wait3A_1940 = arith.constant 256 : i32
    %dma_wait3A_1941 = arith.constant 0 : i32
    %dma_wait3A_1942 = tpu.memref_slice %arg6[%dma_wait3A_1940, %dma_wait3A_1941] : memref<512x128xf32, #tpu.memory_space<vmem>> -> memref<128x128xf32, #tpu.memory_space<vmem>>
    %dma_wait3A_1943 = arith.constant 256 : i32
    %dma_wait3A_1944 = tpu.memref_slice %arg5[%dma_wait3A_1939, %dma_wait3A_1943] : memref<32x512xi32, #tpu.memory_space<vmem>> -> memref<1x128xi32, #tpu.memory_space<vmem>>
    %dma_wait3A_1945 = tpu.memref_squeeze %dma_wait3A_1944 : memref<1x128xi32, #tpu.memory_space<vmem>> -> memref<128xi32, #tpu.memory_space<vmem>>
    %dma_wait3A_1946 = arith.constant 0 : i32
    %dma_wait3A_1947 = arith.constant 0 : i32
    %dma_wait3A_1948 = tpu.memref_slice %arg3[%dma_wait3A_1946, %dma_wait3A_1947] : memref<100000x128xf32, #tpu.memory_space<hbm>> -> memref<100000x128xf32, #tpu.memory_space<hbm>>
    tpu.wait_indirect_dma semaphore(%arg8 : memref<!tpu.dma_semaphore, #tpu.memory_space<semaphore_mem>>) src(%dma_wait3A_1948 : memref<100000x128xf32, #tpu.memory_space<hbm>>) dst(%dma_wait3A_1942 : memref<128x128xf32, #tpu.memory_space<vmem>>)
    %dma_wait3A_1949 = arith.constant 2 : i32
    %dma_wait3A_1950 = arith.constant 256 : i32
    %dma_wait3A_1951 = arith.constant 0 : i32
    %dma_wait3A_1952 = tpu.memref_slice %arg6[%dma_wait3A_1950, %dma_wait3A_1951] : memref<512x128xf32, #tpu.memory_space<vmem>> -> memref<128x128xf32, #tpu.memory_space<vmem>>
    %dma_wait3A_1953 = arith.constant 256 : i32
    %dma_wait3A_1954 = tpu.memref_slice %arg5[%dma_wait3A_1949, %dma_wait3A_1953] : memref<32x512xi32, #tpu.memory_space<vmem>> -> memref<1x128xi32, #tpu.memory_space<vmem>>
    %dma_wait3A_1955 = tpu.memref_squeeze %dma_wait3A_1954 : memref<1x128xi32, #tpu.memory_space<vmem>> -> memref<128xi32, #tpu.memory_space<vmem>>
    %dma_wait3A_1956 = arith.constant 0 : i32
    %dma_wait3A_1957 = arith.constant 0 : i32
    %dma_wait3A_1958 = tpu.memref_slice %arg3[%dma_wait3A_1956, %dma_wait3A_1957] : memref<100000x128xf32, #tpu.memory_space<hbm>> -> memref<100000x128xf32, #tpu.memory_space<hbm>>
    tpu.wait_indirect_dma semaphore(%arg8 : memref<!tpu.dma_semaphore, #tpu.memory_space<semaphore_mem>>) src(%dma_wait3A_1958 : memref<100000x128xf32, #tpu.memory_space<hbm>>) dst(%dma_wait3A_1952 : memref<128x128xf32, #tpu.memory_space<vmem>>)
    %dma_wait3A_1959 = arith.constant 3 : i32
    %dma_wait3A_1960 = arith.constant 256 : i32
    %dma_wait3A_1961 = arith.constant 0 : i32
    %dma_wait3A_1962 = tpu.memref_slice %arg6[%dma_wait3A_1960, %dma_wait3A_1961] : memref<512x128xf32, #tpu.memory_space<vmem>> -> memref<128x128xf32, #tpu.memory_space<vmem>>
    %dma_wait3A_1963 = arith.constant 256 : i32
    %dma_wait3A_1964 = tpu.memref_slice %arg5[%dma_wait3A_1959, %dma_wait3A_1963] : memref<32x512xi32, #tpu.memory_space<vmem>> -> memref<1x128xi32, #tpu.memory_space<vmem>>
    %dma_wait3A_1965 = tpu.memref_squeeze %dma_wait3A_1964 : memref<1x128xi32, #tpu.memory_space<vmem>> -> memref<128xi32, #tpu.memory_space<vmem>>
    %dma_wait3A_1966 = arith.constant 0 : i32
    %dma_wait3A_1967 = arith.constant 0 : i32
    %dma_wait3A_1968 = tpu.memref_slice %arg3[%dma_wait3A_1966, %dma_wait3A_1967] : memref<100000x128xf32, #tpu.memory_space<hbm>> -> memref<100000x128xf32, #tpu.memory_space<hbm>>
    tpu.wait_indirect_dma semaphore(%arg8 : memref<!tpu.dma_semaphore, #tpu.memory_space<semaphore_mem>>) src(%dma_wait3A_1968 : memref<100000x128xf32, #tpu.memory_space<hbm>>) dst(%dma_wait3A_1962 : memref<128x128xf32, #tpu.memory_space<vmem>>)
    %dma_wait3A_1969 = arith.constant 4 : i32
    %dma_wait3A_1970 = arith.constant 256 : i32
    %dma_wait3A_1971 = arith.constant 0 : i32
    %dma_wait3A_1972 = tpu.memref_slice %arg6[%dma_wait3A_1970, %dma_wait3A_1971] : memref<512x128xf32, #tpu.memory_space<vmem>> -> memref<128x128xf32, #tpu.memory_space<vmem>>
    %dma_wait3A_1973 = arith.constant 256 : i32
    %dma_wait3A_1974 = tpu.memref_slice %arg5[%dma_wait3A_1969, %dma_wait3A_1973] : memref<32x512xi32, #tpu.memory_space<vmem>> -> memref<1x128xi32, #tpu.memory_space<vmem>>
    %dma_wait3A_1975 = tpu.memref_squeeze %dma_wait3A_1974 : memref<1x128xi32, #tpu.memory_space<vmem>> -> memref<128xi32, #tpu.memory_space<vmem>>
    %dma_wait3A_1976 = arith.constant 0 : i32
    %dma_wait3A_1977 = arith.constant 0 : i32
    %dma_wait3A_1978 = tpu.memref_slice %arg3[%dma_wait3A_1976, %dma_wait3A_1977] : memref<100000x128xf32, #tpu.memory_space<hbm>> -> memref<100000x128xf32, #tpu.memory_space<hbm>>
    tpu.wait_indirect_dma semaphore(%arg8 : memref<!tpu.dma_semaphore, #tpu.memory_space<semaphore_mem>>) src(%dma_wait3A_1978 : memref<100000x128xf32, #tpu.memory_space<hbm>>) dst(%dma_wait3A_1972 : memref<128x128xf32, #tpu.memory_space<vmem>>)
    %dma_wait3A_1979 = arith.constant 5 : i32
    %dma_wait3A_1980 = arith.constant 256 : i32
    %dma_wait3A_1981 = arith.constant 0 : i32
    %dma_wait3A_1982 = tpu.memref_slice %arg6[%dma_wait3A_1980, %dma_wait3A_1981] : memref<512x128xf32, #tpu.memory_space<vmem>> -> memref<128x128xf32, #tpu.memory_space<vmem>>
    %dma_wait3A_1983 = arith.constant 256 : i32
    %dma_wait3A_1984 = tpu.memref_slice %arg5[%dma_wait3A_1979, %dma_wait3A_1983] : memref<32x512xi32, #tpu.memory_space<vmem>> -> memref<1x128xi32, #tpu.memory_space<vmem>>
    %dma_wait3A_1985 = tpu.memref_squeeze %dma_wait3A_1984 : memref<1x128xi32, #tpu.memory_space<vmem>> -> memref<128xi32, #tpu.memory_space<vmem>>
    %dma_wait3A_1986 = arith.constant 0 : i32
    %dma_wait3A_1987 = arith.constant 0 : i32
    %dma_wait3A_1988 = tpu.memref_slice %arg3[%dma_wait3A_1986, %dma_wait3A_1987] : memref<100000x128xf32, #tpu.memory_space<hbm>> -> memref<100000x128xf32, #tpu.memory_space<hbm>>
    tpu.wait_indirect_dma semaphore(%arg8 : memref<!tpu.dma_semaphore, #tpu.memory_space<semaphore_mem>>) src(%dma_wait3A_1988 : memref<100000x128xf32, #tpu.memory_space<hbm>>) dst(%dma_wait3A_1982 : memref<128x128xf32, #tpu.memory_space<vmem>>)
    %dma_wait3A_1989 = arith.constant 6 : i32
    %dma_wait3A_1990 = arith.constant 256 : i32
    %dma_wait3A_1991 = arith.constant 0 : i32
    %dma_wait3A_1992 = tpu.memref_slice %arg6[%dma_wait3A_1990, %dma_wait3A_1991] : memref<512x128xf32, #tpu.memory_space<vmem>> -> memref<128x128xf32, #tpu.memory_space<vmem>>
    %dma_wait3A_1993 = arith.constant 256 : i32
    %dma_wait3A_1994 = tpu.memref_slice %arg5[%dma_wait3A_1989, %dma_wait3A_1993] : memref<32x512xi32, #tpu.memory_space<vmem>> -> memref<1x128xi32, #tpu.memory_space<vmem>>
    %dma_wait3A_1995 = tpu.memref_squeeze %dma_wait3A_1994 : memref<1x128xi32, #tpu.memory_space<vmem>> -> memref<128xi32, #tpu.memory_space<vmem>>
    %dma_wait3A_1996 = arith.constant 0 : i32
    %dma_wait3A_1997 = arith.constant 0 : i32
    %dma_wait3A_1998 = tpu.memref_slice %arg3[%dma_wait3A_1996, %dma_wait3A_1997] : memref<100000x128xf32, #tpu.memory_space<hbm>> -> memref<100000x128xf32, #tpu.memory_space<hbm>>
    tpu.wait_indirect_dma semaphore(%arg8 : memref<!tpu.dma_semaphore, #tpu.memory_space<semaphore_mem>>) src(%dma_wait3A_1998 : memref<100000x128xf32, #tpu.memory_space<hbm>>) dst(%dma_wait3A_1992 : memref<128x128xf32, #tpu.memory_space<vmem>>)
    %dma_wait3A_1999 = arith.constant 7 : i32
    %dma_wait3A_2000 = arith.constant 256 : i32
    %dma_wait3A_2001 = arith.constant 0 : i32
    %dma_wait3A_2002 = tpu.memref_slice %arg6[%dma_wait3A_2000, %dma_wait3A_2001] : memref<512x128xf32, #tpu.memory_space<vmem>> -> memref<128x128xf32, #tpu.memory_space<vmem>>
    %dma_wait3A_2003 = arith.constant 256 : i32
    %dma_wait3A_2004 = tpu.memref_slice %arg5[%dma_wait3A_1999, %dma_wait3A_2003] : memref<32x512xi32, #tpu.memory_space<vmem>> -> memref<1x128xi32, #tpu.memory_space<vmem>>
    %dma_wait3A_2005 = tpu.memref_squeeze %dma_wait3A_2004 : memref<1x128xi32, #tpu.memory_space<vmem>> -> memref<128xi32, #tpu.memory_space<vmem>>
    %dma_wait3A_2006 = arith.constant 0 : i32
    %dma_wait3A_2007 = arith.constant 0 : i32
    %dma_wait3A_2008 = tpu.memref_slice %arg3[%dma_wait3A_2006, %dma_wait3A_2007] : memref<100000x128xf32, #tpu.memory_space<hbm>> -> memref<100000x128xf32, #tpu.memory_space<hbm>>
    tpu.wait_indirect_dma semaphore(%arg8 : memref<!tpu.dma_semaphore, #tpu.memory_space<semaphore_mem>>) src(%dma_wait3A_2008 : memref<100000x128xf32, #tpu.memory_space<hbm>>) dst(%dma_wait3A_2002 : memref<128x128xf32, #tpu.memory_space<vmem>>)
    %dma_wait3A_2009 = arith.constant 8 : i32
    %dma_wait3A_2010 = arith.constant 256 : i32
    %dma_wait3A_2011 = arith.constant 0 : i32
    %dma_wait3A_2012 = tpu.memref_slice %arg6[%dma_wait3A_2010, %dma_wait3A_2011] : memref<512x128xf32, #tpu.memory_space<vmem>> -> memref<128x128xf32, #tpu.memory_space<vmem>>
    %dma_wait3A_2013 = arith.constant 256 : i32
    %dma_wait3A_2014 = tpu.memref_slice %arg5[%dma_wait3A_2009, %dma_wait3A_2013] : memref<32x512xi32, #tpu.memory_space<vmem>> -> memref<1x128xi32, #tpu.memory_space<vmem>>
    %dma_wait3A_2015 = tpu.memref_squeeze %dma_wait3A_2014 : memref<1x128xi32, #tpu.memory_space<vmem>> -> memref<128xi32, #tpu.memory_space<vmem>>
    %dma_wait3A_2016 = arith.constant 0 : i32
    %dma_wait3A_2017 = arith.constant 0 : i32
    %dma_wait3A_2018 = tpu.memref_slice %arg3[%dma_wait3A_2016, %dma_wait3A_2017] : memref<100000x128xf32, #tpu.memory_space<hbm>> -> memref<100000x128xf32, #tpu.memory_space<hbm>>
    tpu.wait_indirect_dma semaphore(%arg8 : memref<!tpu.dma_semaphore, #tpu.memory_space<semaphore_mem>>) src(%dma_wait3A_2018 : memref<100000x128xf32, #tpu.memory_space<hbm>>) dst(%dma_wait3A_2012 : memref<128x128xf32, #tpu.memory_space<vmem>>)
    %dma_wait3A_2019 = arith.constant 9 : i32
    %dma_wait3A_2020 = arith.constant 256 : i32
    %dma_wait3A_2021 = arith.constant 0 : i32
    %dma_wait3A_2022 = tpu.memref_slice %arg6[%dma_wait3A_2020, %dma_wait3A_2021] : memref<512x128xf32, #tpu.memory_space<vmem>> -> memref<128x128xf32, #tpu.memory_space<vmem>>
    %dma_wait3A_2023 = arith.constant 256 : i32
    %dma_wait3A_2024 = tpu.memref_slice %arg5[%dma_wait3A_2019, %dma_wait3A_2023] : memref<32x512xi32, #tpu.memory_space<vmem>> -> memref<1x128xi32, #tpu.memory_space<vmem>>
    %dma_wait3A_2025 = tpu.memref_squeeze %dma_wait3A_2024 : memref<1x128xi32, #tpu.memory_space<vmem>> -> memref<128xi32, #tpu.memory_space<vmem>>
    %dma_wait3A_2026 = arith.constant 0 : i32
    %dma_wait3A_2027 = arith.constant 0 : i32
    %dma_wait3A_2028 = tpu.memref_slice %arg3[%dma_wait3A_2026, %dma_wait3A_2027] : memref<100000x128xf32, #tpu.memory_space<hbm>> -> memref<100000x128xf32, #tpu.memory_space<hbm>>
    tpu.wait_indirect_dma semaphore(%arg8 : memref<!tpu.dma_semaphore, #tpu.memory_space<semaphore_mem>>) src(%dma_wait3A_2028 : memref<100000x128xf32, #tpu.memory_space<hbm>>) dst(%dma_wait3A_2022 : memref<128x128xf32, #tpu.memory_space<vmem>>)
    %dma_wait3A_2029 = arith.constant 10 : i32
    %dma_wait3A_2030 = arith.constant 256 : i32
    %dma_wait3A_2031 = arith.constant 0 : i32
    %dma_wait3A_2032 = tpu.memref_slice %arg6[%dma_wait3A_2030, %dma_wait3A_2031] : memref<512x128xf32, #tpu.memory_space<vmem>> -> memref<128x128xf32, #tpu.memory_space<vmem>>
    %dma_wait3A_2033 = arith.constant 256 : i32
    %dma_wait3A_2034 = tpu.memref_slice %arg5[%dma_wait3A_2029, %dma_wait3A_2033] : memref<32x512xi32, #tpu.memory_space<vmem>> -> memref<1x128xi32, #tpu.memory_space<vmem>>
    %dma_wait3A_2035 = tpu.memref_squeeze %dma_wait3A_2034 : memref<1x128xi32, #tpu.memory_space<vmem>> -> memref<128xi32, #tpu.memory_space<vmem>>
    %dma_wait3A_2036 = arith.constant 0 : i32
    %dma_wait3A_2037 = arith.constant 0 : i32
    %dma_wait3A_2038 = tpu.memref_slice %arg3[%dma_wait3A_2036, %dma_wait3A_2037] : memref<100000x128xf32, #tpu.memory_space<hbm>> -> memref<100000x128xf32, #tpu.memory_space<hbm>>
    tpu.wait_indirect_dma semaphore(%arg8 : memref<!tpu.dma_semaphore, #tpu.memory_space<semaphore_mem>>) src(%dma_wait3A_2038 : memref<100000x128xf32, #tpu.memory_space<hbm>>) dst(%dma_wait3A_2032 : memref<128x128xf32, #tpu.memory_space<vmem>>)
    %dma_wait3A_2039 = arith.constant 11 : i32
    %dma_wait3A_2040 = arith.constant 256 : i32
    %dma_wait3A_2041 = arith.constant 0 : i32
    %dma_wait3A_2042 = tpu.memref_slice %arg6[%dma_wait3A_2040, %dma_wait3A_2041] : memref<512x128xf32, #tpu.memory_space<vmem>> -> memref<128x128xf32, #tpu.memory_space<vmem>>
    %dma_wait3A_2043 = arith.constant 256 : i32
    %dma_wait3A_2044 = tpu.memref_slice %arg5[%dma_wait3A_2039, %dma_wait3A_2043] : memref<32x512xi32, #tpu.memory_space<vmem>> -> memref<1x128xi32, #tpu.memory_space<vmem>>
    %dma_wait3A_2045 = tpu.memref_squeeze %dma_wait3A_2044 : memref<1x128xi32, #tpu.memory_space<vmem>> -> memref<128xi32, #tpu.memory_space<vmem>>
    %dma_wait3A_2046 = arith.constant 0 : i32
    %dma_wait3A_2047 = arith.constant 0 : i32
    %dma_wait3A_2048 = tpu.memref_slice %arg3[%dma_wait3A_2046, %dma_wait3A_2047] : memref<100000x128xf32, #tpu.memory_space<hbm>> -> memref<100000x128xf32, #tpu.memory_space<hbm>>
    tpu.wait_indirect_dma semaphore(%arg8 : memref<!tpu.dma_semaphore, #tpu.memory_space<semaphore_mem>>) src(%dma_wait3A_2048 : memref<100000x128xf32, #tpu.memory_space<hbm>>) dst(%dma_wait3A_2042 : memref<128x128xf32, #tpu.memory_space<vmem>>)
    %dma_wait3A_2049 = arith.constant 12 : i32
    %dma_wait3A_2050 = arith.constant 256 : i32
    %dma_wait3A_2051 = arith.constant 0 : i32
    %dma_wait3A_2052 = tpu.memref_slice %arg6[%dma_wait3A_2050, %dma_wait3A_2051] : memref<512x128xf32, #tpu.memory_space<vmem>> -> memref<128x128xf32, #tpu.memory_space<vmem>>
    %dma_wait3A_2053 = arith.constant 256 : i32
    %dma_wait3A_2054 = tpu.memref_slice %arg5[%dma_wait3A_2049, %dma_wait3A_2053] : memref<32x512xi32, #tpu.memory_space<vmem>> -> memref<1x128xi32, #tpu.memory_space<vmem>>
    %dma_wait3A_2055 = tpu.memref_squeeze %dma_wait3A_2054 : memref<1x128xi32, #tpu.memory_space<vmem>> -> memref<128xi32, #tpu.memory_space<vmem>>
    %dma_wait3A_2056 = arith.constant 0 : i32
    %dma_wait3A_2057 = arith.constant 0 : i32
    %dma_wait3A_2058 = tpu.memref_slice %arg3[%dma_wait3A_2056, %dma_wait3A_2057] : memref<100000x128xf32, #tpu.memory_space<hbm>> -> memref<100000x128xf32, #tpu.memory_space<hbm>>
    tpu.wait_indirect_dma semaphore(%arg8 : memref<!tpu.dma_semaphore, #tpu.memory_space<semaphore_mem>>) src(%dma_wait3A_2058 : memref<100000x128xf32, #tpu.memory_space<hbm>>) dst(%dma_wait3A_2052 : memref<128x128xf32, #tpu.memory_space<vmem>>)
    %dma_wait3A_2059 = arith.constant 13 : i32
    %dma_wait3A_2060 = arith.constant 256 : i32
    %dma_wait3A_2061 = arith.constant 0 : i32
    %dma_wait3A_2062 = tpu.memref_slice %arg6[%dma_wait3A_2060, %dma_wait3A_2061] : memref<512x128xf32, #tpu.memory_space<vmem>> -> memref<128x128xf32, #tpu.memory_space<vmem>>
    %dma_wait3A_2063 = arith.constant 256 : i32
    %dma_wait3A_2064 = tpu.memref_slice %arg5[%dma_wait3A_2059, %dma_wait3A_2063] : memref<32x512xi32, #tpu.memory_space<vmem>> -> memref<1x128xi32, #tpu.memory_space<vmem>>
    %dma_wait3A_2065 = tpu.memref_squeeze %dma_wait3A_2064 : memref<1x128xi32, #tpu.memory_space<vmem>> -> memref<128xi32, #tpu.memory_space<vmem>>
    %dma_wait3A_2066 = arith.constant 0 : i32
    %dma_wait3A_2067 = arith.constant 0 : i32
    %dma_wait3A_2068 = tpu.memref_slice %arg3[%dma_wait3A_2066, %dma_wait3A_2067] : memref<100000x128xf32, #tpu.memory_space<hbm>> -> memref<100000x128xf32, #tpu.memory_space<hbm>>
    tpu.wait_indirect_dma semaphore(%arg8 : memref<!tpu.dma_semaphore, #tpu.memory_space<semaphore_mem>>) src(%dma_wait3A_2068 : memref<100000x128xf32, #tpu.memory_space<hbm>>) dst(%dma_wait3A_2062 : memref<128x128xf32, #tpu.memory_space<vmem>>)
    %dma_wait3A_2069 = arith.constant 14 : i32
    %dma_wait3A_2070 = arith.constant 256 : i32
    %dma_wait3A_2071 = arith.constant 0 : i32
    %dma_wait3A_2072 = tpu.memref_slice %arg6[%dma_wait3A_2070, %dma_wait3A_2071] : memref<512x128xf32, #tpu.memory_space<vmem>> -> memref<128x128xf32, #tpu.memory_space<vmem>>
    %dma_wait3A_2073 = arith.constant 256 : i32
    %dma_wait3A_2074 = tpu.memref_slice %arg5[%dma_wait3A_2069, %dma_wait3A_2073] : memref<32x512xi32, #tpu.memory_space<vmem>> -> memref<1x128xi32, #tpu.memory_space<vmem>>
    %dma_wait3A_2075 = tpu.memref_squeeze %dma_wait3A_2074 : memref<1x128xi32, #tpu.memory_space<vmem>> -> memref<128xi32, #tpu.memory_space<vmem>>
    %dma_wait3A_2076 = arith.constant 0 : i32
    %dma_wait3A_2077 = arith.constant 0 : i32
    %dma_wait3A_2078 = tpu.memref_slice %arg3[%dma_wait3A_2076, %dma_wait3A_2077] : memref<100000x128xf32, #tpu.memory_space<hbm>> -> memref<100000x128xf32, #tpu.memory_space<hbm>>
    tpu.wait_indirect_dma semaphore(%arg8 : memref<!tpu.dma_semaphore, #tpu.memory_space<semaphore_mem>>) src(%dma_wait3A_2078 : memref<100000x128xf32, #tpu.memory_space<hbm>>) dst(%dma_wait3A_2072 : memref<128x128xf32, #tpu.memory_space<vmem>>)
    %dma_wait3A_2079 = arith.constant 15 : i32
    %dma_wait3A_2080 = arith.constant 256 : i32
    %dma_wait3A_2081 = arith.constant 0 : i32
    %dma_wait3A_2082 = tpu.memref_slice %arg6[%dma_wait3A_2080, %dma_wait3A_2081] : memref<512x128xf32, #tpu.memory_space<vmem>> -> memref<128x128xf32, #tpu.memory_space<vmem>>
    %dma_wait3A_2083 = arith.constant 256 : i32
    %dma_wait3A_2084 = tpu.memref_slice %arg5[%dma_wait3A_2079, %dma_wait3A_2083] : memref<32x512xi32, #tpu.memory_space<vmem>> -> memref<1x128xi32, #tpu.memory_space<vmem>>
    %dma_wait3A_2085 = tpu.memref_squeeze %dma_wait3A_2084 : memref<1x128xi32, #tpu.memory_space<vmem>> -> memref<128xi32, #tpu.memory_space<vmem>>
    %dma_wait3A_2086 = arith.constant 0 : i32
    %dma_wait3A_2087 = arith.constant 0 : i32
    %dma_wait3A_2088 = tpu.memref_slice %arg3[%dma_wait3A_2086, %dma_wait3A_2087] : memref<100000x128xf32, #tpu.memory_space<hbm>> -> memref<100000x128xf32, #tpu.memory_space<hbm>>
    tpu.wait_indirect_dma semaphore(%arg8 : memref<!tpu.dma_semaphore, #tpu.memory_space<semaphore_mem>>) src(%dma_wait3A_2088 : memref<100000x128xf32, #tpu.memory_space<hbm>>) dst(%dma_wait3A_2082 : memref<128x128xf32, #tpu.memory_space<vmem>>)
    %dma_wait3A_2089 = arith.constant 16 : i32
    %dma_wait3A_2090 = arith.constant 256 : i32
    %dma_wait3A_2091 = arith.constant 0 : i32
    %dma_wait3A_2092 = tpu.memref_slice %arg6[%dma_wait3A_2090, %dma_wait3A_2091] : memref<512x128xf32, #tpu.memory_space<vmem>> -> memref<128x128xf32, #tpu.memory_space<vmem>>
    %dma_wait3A_2093 = arith.constant 256 : i32
    %dma_wait3A_2094 = tpu.memref_slice %arg5[%dma_wait3A_2089, %dma_wait3A_2093] : memref<32x512xi32, #tpu.memory_space<vmem>> -> memref<1x128xi32, #tpu.memory_space<vmem>>
    %dma_wait3A_2095 = tpu.memref_squeeze %dma_wait3A_2094 : memref<1x128xi32, #tpu.memory_space<vmem>> -> memref<128xi32, #tpu.memory_space<vmem>>
    %dma_wait3A_2096 = arith.constant 0 : i32
    %dma_wait3A_2097 = arith.constant 0 : i32
    %dma_wait3A_2098 = tpu.memref_slice %arg3[%dma_wait3A_2096, %dma_wait3A_2097] : memref<100000x128xf32, #tpu.memory_space<hbm>> -> memref<100000x128xf32, #tpu.memory_space<hbm>>
    tpu.wait_indirect_dma semaphore(%arg8 : memref<!tpu.dma_semaphore, #tpu.memory_space<semaphore_mem>>) src(%dma_wait3A_2098 : memref<100000x128xf32, #tpu.memory_space<hbm>>) dst(%dma_wait3A_2092 : memref<128x128xf32, #tpu.memory_space<vmem>>)
    %dma_wait3A_2099 = arith.constant 17 : i32
    %dma_wait3A_2100 = arith.constant 256 : i32
    %dma_wait3A_2101 = arith.constant 0 : i32
    %dma_wait3A_2102 = tpu.memref_slice %arg6[%dma_wait3A_2100, %dma_wait3A_2101] : memref<512x128xf32, #tpu.memory_space<vmem>> -> memref<128x128xf32, #tpu.memory_space<vmem>>
    %dma_wait3A_2103 = arith.constant 256 : i32
    %dma_wait3A_2104 = tpu.memref_slice %arg5[%dma_wait3A_2099, %dma_wait3A_2103] : memref<32x512xi32, #tpu.memory_space<vmem>> -> memref<1x128xi32, #tpu.memory_space<vmem>>
    %dma_wait3A_2105 = tpu.memref_squeeze %dma_wait3A_2104 : memref<1x128xi32, #tpu.memory_space<vmem>> -> memref<128xi32, #tpu.memory_space<vmem>>
    %dma_wait3A_2106 = arith.constant 0 : i32
    %dma_wait3A_2107 = arith.constant 0 : i32
    %dma_wait3A_2108 = tpu.memref_slice %arg3[%dma_wait3A_2106, %dma_wait3A_2107] : memref<100000x128xf32, #tpu.memory_space<hbm>> -> memref<100000x128xf32, #tpu.memory_space<hbm>>
    tpu.wait_indirect_dma semaphore(%arg8 : memref<!tpu.dma_semaphore, #tpu.memory_space<semaphore_mem>>) src(%dma_wait3A_2108 : memref<100000x128xf32, #tpu.memory_space<hbm>>) dst(%dma_wait3A_2102 : memref<128x128xf32, #tpu.memory_space<vmem>>)
    %dma_wait3A_2109 = arith.constant 18 : i32
    %dma_wait3A_2110 = arith.constant 256 : i32
    %dma_wait3A_2111 = arith.constant 0 : i32
    %dma_wait3A_2112 = tpu.memref_slice %arg6[%dma_wait3A_2110, %dma_wait3A_2111] : memref<512x128xf32, #tpu.memory_space<vmem>> -> memref<128x128xf32, #tpu.memory_space<vmem>>
    %dma_wait3A_2113 = arith.constant 256 : i32
    %dma_wait3A_2114 = tpu.memref_slice %arg5[%dma_wait3A_2109, %dma_wait3A_2113] : memref<32x512xi32, #tpu.memory_space<vmem>> -> memref<1x128xi32, #tpu.memory_space<vmem>>
    %dma_wait3A_2115 = tpu.memref_squeeze %dma_wait3A_2114 : memref<1x128xi32, #tpu.memory_space<vmem>> -> memref<128xi32, #tpu.memory_space<vmem>>
    %dma_wait3A_2116 = arith.constant 0 : i32
    %dma_wait3A_2117 = arith.constant 0 : i32
    %dma_wait3A_2118 = tpu.memref_slice %arg3[%dma_wait3A_2116, %dma_wait3A_2117] : memref<100000x128xf32, #tpu.memory_space<hbm>> -> memref<100000x128xf32, #tpu.memory_space<hbm>>
    tpu.wait_indirect_dma semaphore(%arg8 : memref<!tpu.dma_semaphore, #tpu.memory_space<semaphore_mem>>) src(%dma_wait3A_2118 : memref<100000x128xf32, #tpu.memory_space<hbm>>) dst(%dma_wait3A_2112 : memref<128x128xf32, #tpu.memory_space<vmem>>)
    %dma_wait3A_2119 = arith.constant 19 : i32
    %dma_wait3A_2120 = arith.constant 256 : i32
    %dma_wait3A_2121 = arith.constant 0 : i32
    %dma_wait3A_2122 = tpu.memref_slice %arg6[%dma_wait3A_2120, %dma_wait3A_2121] : memref<512x128xf32, #tpu.memory_space<vmem>> -> memref<128x128xf32, #tpu.memory_space<vmem>>
    %dma_wait3A_2123 = arith.constant 256 : i32
    %dma_wait3A_2124 = tpu.memref_slice %arg5[%dma_wait3A_2119, %dma_wait3A_2123] : memref<32x512xi32, #tpu.memory_space<vmem>> -> memref<1x128xi32, #tpu.memory_space<vmem>>
    %dma_wait3A_2125 = tpu.memref_squeeze %dma_wait3A_2124 : memref<1x128xi32, #tpu.memory_space<vmem>> -> memref<128xi32, #tpu.memory_space<vmem>>
    %dma_wait3A_2126 = arith.constant 0 : i32
    %dma_wait3A_2127 = arith.constant 0 : i32
    %dma_wait3A_2128 = tpu.memref_slice %arg3[%dma_wait3A_2126, %dma_wait3A_2127] : memref<100000x128xf32, #tpu.memory_space<hbm>> -> memref<100000x128xf32, #tpu.memory_space<hbm>>
    tpu.wait_indirect_dma semaphore(%arg8 : memref<!tpu.dma_semaphore, #tpu.memory_space<semaphore_mem>>) src(%dma_wait3A_2128 : memref<100000x128xf32, #tpu.memory_space<hbm>>) dst(%dma_wait3A_2122 : memref<128x128xf32, #tpu.memory_space<vmem>>)
    %dma_wait3A_2129 = arith.constant 20 : i32
    %dma_wait3A_2130 = arith.constant 256 : i32
    %dma_wait3A_2131 = arith.constant 0 : i32
    %dma_wait3A_2132 = tpu.memref_slice %arg6[%dma_wait3A_2130, %dma_wait3A_2131] : memref<512x128xf32, #tpu.memory_space<vmem>> -> memref<128x128xf32, #tpu.memory_space<vmem>>
    %dma_wait3A_2133 = arith.constant 256 : i32
    %dma_wait3A_2134 = tpu.memref_slice %arg5[%dma_wait3A_2129, %dma_wait3A_2133] : memref<32x512xi32, #tpu.memory_space<vmem>> -> memref<1x128xi32, #tpu.memory_space<vmem>>
    %dma_wait3A_2135 = tpu.memref_squeeze %dma_wait3A_2134 : memref<1x128xi32, #tpu.memory_space<vmem>> -> memref<128xi32, #tpu.memory_space<vmem>>
    %dma_wait3A_2136 = arith.constant 0 : i32
    %dma_wait3A_2137 = arith.constant 0 : i32
    %dma_wait3A_2138 = tpu.memref_slice %arg3[%dma_wait3A_2136, %dma_wait3A_2137] : memref<100000x128xf32, #tpu.memory_space<hbm>> -> memref<100000x128xf32, #tpu.memory_space<hbm>>
    tpu.wait_indirect_dma semaphore(%arg8 : memref<!tpu.dma_semaphore, #tpu.memory_space<semaphore_mem>>) src(%dma_wait3A_2138 : memref<100000x128xf32, #tpu.memory_space<hbm>>) dst(%dma_wait3A_2132 : memref<128x128xf32, #tpu.memory_space<vmem>>)
    %dma_wait3A_2139 = arith.constant 21 : i32
    %dma_wait3A_2140 = arith.constant 256 : i32
    %dma_wait3A_2141 = arith.constant 0 : i32
    %dma_wait3A_2142 = tpu.memref_slice %arg6[%dma_wait3A_2140, %dma_wait3A_2141] : memref<512x128xf32, #tpu.memory_space<vmem>> -> memref<128x128xf32, #tpu.memory_space<vmem>>
    %dma_wait3A_2143 = arith.constant 256 : i32
    %dma_wait3A_2144 = tpu.memref_slice %arg5[%dma_wait3A_2139, %dma_wait3A_2143] : memref<32x512xi32, #tpu.memory_space<vmem>> -> memref<1x128xi32, #tpu.memory_space<vmem>>
    %dma_wait3A_2145 = tpu.memref_squeeze %dma_wait3A_2144 : memref<1x128xi32, #tpu.memory_space<vmem>> -> memref<128xi32, #tpu.memory_space<vmem>>
    %dma_wait3A_2146 = arith.constant 0 : i32
    %dma_wait3A_2147 = arith.constant 0 : i32
    %dma_wait3A_2148 = tpu.memref_slice %arg3[%dma_wait3A_2146, %dma_wait3A_2147] : memref<100000x128xf32, #tpu.memory_space<hbm>> -> memref<100000x128xf32, #tpu.memory_space<hbm>>
    tpu.wait_indirect_dma semaphore(%arg8 : memref<!tpu.dma_semaphore, #tpu.memory_space<semaphore_mem>>) src(%dma_wait3A_2148 : memref<100000x128xf32, #tpu.memory_space<hbm>>) dst(%dma_wait3A_2142 : memref<128x128xf32, #tpu.memory_space<vmem>>)
    %dma_wait3A_2149 = arith.constant 22 : i32
    %dma_wait3A_2150 = arith.constant 256 : i32
    %dma_wait3A_2151 = arith.constant 0 : i32
    %dma_wait3A_2152 = tpu.memref_slice %arg6[%dma_wait3A_2150, %dma_wait3A_2151] : memref<512x128xf32, #tpu.memory_space<vmem>> -> memref<128x128xf32, #tpu.memory_space<vmem>>
    %dma_wait3A_2153 = arith.constant 256 : i32
    %dma_wait3A_2154 = tpu.memref_slice %arg5[%dma_wait3A_2149, %dma_wait3A_2153] : memref<32x512xi32, #tpu.memory_space<vmem>> -> memref<1x128xi32, #tpu.memory_space<vmem>>
    %dma_wait3A_2155 = tpu.memref_squeeze %dma_wait3A_2154 : memref<1x128xi32, #tpu.memory_space<vmem>> -> memref<128xi32, #tpu.memory_space<vmem>>
    %dma_wait3A_2156 = arith.constant 0 : i32
    %dma_wait3A_2157 = arith.constant 0 : i32
    %dma_wait3A_2158 = tpu.memref_slice %arg3[%dma_wait3A_2156, %dma_wait3A_2157] : memref<100000x128xf32, #tpu.memory_space<hbm>> -> memref<100000x128xf32, #tpu.memory_space<hbm>>
    tpu.wait_indirect_dma semaphore(%arg8 : memref<!tpu.dma_semaphore, #tpu.memory_space<semaphore_mem>>) src(%dma_wait3A_2158 : memref<100000x128xf32, #tpu.memory_space<hbm>>) dst(%dma_wait3A_2152 : memref<128x128xf32, #tpu.memory_space<vmem>>)
    %dma_wait3A_2159 = arith.constant 23 : i32
    %dma_wait3A_2160 = arith.constant 256 : i32
    %dma_wait3A_2161 = arith.constant 0 : i32
    %dma_wait3A_2162 = tpu.memref_slice %arg6[%dma_wait3A_2160, %dma_wait3A_2161] : memref<512x128xf32, #tpu.memory_space<vmem>> -> memref<128x128xf32, #tpu.memory_space<vmem>>
    %dma_wait3A_2163 = arith.constant 256 : i32
    %dma_wait3A_2164 = tpu.memref_slice %arg5[%dma_wait3A_2159, %dma_wait3A_2163] : memref<32x512xi32, #tpu.memory_space<vmem>> -> memref<1x128xi32, #tpu.memory_space<vmem>>
    %dma_wait3A_2165 = tpu.memref_squeeze %dma_wait3A_2164 : memref<1x128xi32, #tpu.memory_space<vmem>> -> memref<128xi32, #tpu.memory_space<vmem>>
    %dma_wait3A_2166 = arith.constant 0 : i32
    %dma_wait3A_2167 = arith.constant 0 : i32
    %dma_wait3A_2168 = tpu.memref_slice %arg3[%dma_wait3A_2166, %dma_wait3A_2167] : memref<100000x128xf32, #tpu.memory_space<hbm>> -> memref<100000x128xf32, #tpu.memory_space<hbm>>
    tpu.wait_indirect_dma semaphore(%arg8 : memref<!tpu.dma_semaphore, #tpu.memory_space<semaphore_mem>>) src(%dma_wait3A_2168 : memref<100000x128xf32, #tpu.memory_space<hbm>>) dst(%dma_wait3A_2162 : memref<128x128xf32, #tpu.memory_space<vmem>>)
    %dma_wait3A_2169 = arith.constant 24 : i32
    %dma_wait3A_2170 = arith.constant 256 : i32
    %dma_wait3A_2171 = arith.constant 0 : i32
    %dma_wait3A_2172 = tpu.memref_slice %arg6[%dma_wait3A_2170, %dma_wait3A_2171] : memref<512x128xf32, #tpu.memory_space<vmem>> -> memref<128x128xf32, #tpu.memory_space<vmem>>
    %dma_wait3A_2173 = arith.constant 256 : i32
    %dma_wait3A_2174 = tpu.memref_slice %arg5[%dma_wait3A_2169, %dma_wait3A_2173] : memref<32x512xi32, #tpu.memory_space<vmem>> -> memref<1x128xi32, #tpu.memory_space<vmem>>
    %dma_wait3A_2175 = tpu.memref_squeeze %dma_wait3A_2174 : memref<1x128xi32, #tpu.memory_space<vmem>> -> memref<128xi32, #tpu.memory_space<vmem>>
    %dma_wait3A_2176 = arith.constant 0 : i32
    %dma_wait3A_2177 = arith.constant 0 : i32
    %dma_wait3A_2178 = tpu.memref_slice %arg3[%dma_wait3A_2176, %dma_wait3A_2177] : memref<100000x128xf32, #tpu.memory_space<hbm>> -> memref<100000x128xf32, #tpu.memory_space<hbm>>
    tpu.wait_indirect_dma semaphore(%arg8 : memref<!tpu.dma_semaphore, #tpu.memory_space<semaphore_mem>>) src(%dma_wait3A_2178 : memref<100000x128xf32, #tpu.memory_space<hbm>>) dst(%dma_wait3A_2172 : memref<128x128xf32, #tpu.memory_space<vmem>>)
    %dma_wait3A_2179 = arith.constant 25 : i32
    %dma_wait3A_2180 = arith.constant 256 : i32
    %dma_wait3A_2181 = arith.constant 0 : i32
    %dma_wait3A_2182 = tpu.memref_slice %arg6[%dma_wait3A_2180, %dma_wait3A_2181] : memref<512x128xf32, #tpu.memory_space<vmem>> -> memref<128x128xf32, #tpu.memory_space<vmem>>
    %dma_wait3A_2183 = arith.constant 256 : i32
    %dma_wait3A_2184 = tpu.memref_slice %arg5[%dma_wait3A_2179, %dma_wait3A_2183] : memref<32x512xi32, #tpu.memory_space<vmem>> -> memref<1x128xi32, #tpu.memory_space<vmem>>
    %dma_wait3A_2185 = tpu.memref_squeeze %dma_wait3A_2184 : memref<1x128xi32, #tpu.memory_space<vmem>> -> memref<128xi32, #tpu.memory_space<vmem>>
    %dma_wait3A_2186 = arith.constant 0 : i32
    %dma_wait3A_2187 = arith.constant 0 : i32
    %dma_wait3A_2188 = tpu.memref_slice %arg3[%dma_wait3A_2186, %dma_wait3A_2187] : memref<100000x128xf32, #tpu.memory_space<hbm>> -> memref<100000x128xf32, #tpu.memory_space<hbm>>
    tpu.wait_indirect_dma semaphore(%arg8 : memref<!tpu.dma_semaphore, #tpu.memory_space<semaphore_mem>>) src(%dma_wait3A_2188 : memref<100000x128xf32, #tpu.memory_space<hbm>>) dst(%dma_wait3A_2182 : memref<128x128xf32, #tpu.memory_space<vmem>>)
    %dma_wait3A_2189 = arith.constant 26 : i32
    %dma_wait3A_2190 = arith.constant 256 : i32
    %dma_wait3A_2191 = arith.constant 0 : i32
    %dma_wait3A_2192 = tpu.memref_slice %arg6[%dma_wait3A_2190, %dma_wait3A_2191] : memref<512x128xf32, #tpu.memory_space<vmem>> -> memref<128x128xf32, #tpu.memory_space<vmem>>
    %dma_wait3A_2193 = arith.constant 256 : i32
    %dma_wait3A_2194 = tpu.memref_slice %arg5[%dma_wait3A_2189, %dma_wait3A_2193] : memref<32x512xi32, #tpu.memory_space<vmem>> -> memref<1x128xi32, #tpu.memory_space<vmem>>
    %dma_wait3A_2195 = tpu.memref_squeeze %dma_wait3A_2194 : memref<1x128xi32, #tpu.memory_space<vmem>> -> memref<128xi32, #tpu.memory_space<vmem>>
    %dma_wait3A_2196 = arith.constant 0 : i32
    %dma_wait3A_2197 = arith.constant 0 : i32
    %dma_wait3A_2198 = tpu.memref_slice %arg3[%dma_wait3A_2196, %dma_wait3A_2197] : memref<100000x128xf32, #tpu.memory_space<hbm>> -> memref<100000x128xf32, #tpu.memory_space<hbm>>
    tpu.wait_indirect_dma semaphore(%arg8 : memref<!tpu.dma_semaphore, #tpu.memory_space<semaphore_mem>>) src(%dma_wait3A_2198 : memref<100000x128xf32, #tpu.memory_space<hbm>>) dst(%dma_wait3A_2192 : memref<128x128xf32, #tpu.memory_space<vmem>>)
    %dma_wait3A_2199 = arith.constant 27 : i32
    %dma_wait3A_2200 = arith.constant 256 : i32
    %dma_wait3A_2201 = arith.constant 0 : i32
    %dma_wait3A_2202 = tpu.memref_slice %arg6[%dma_wait3A_2200, %dma_wait3A_2201] : memref<512x128xf32, #tpu.memory_space<vmem>> -> memref<128x128xf32, #tpu.memory_space<vmem>>
    %dma_wait3A_2203 = arith.constant 256 : i32
    %dma_wait3A_2204 = tpu.memref_slice %arg5[%dma_wait3A_2199, %dma_wait3A_2203] : memref<32x512xi32, #tpu.memory_space<vmem>> -> memref<1x128xi32, #tpu.memory_space<vmem>>
    %dma_wait3A_2205 = tpu.memref_squeeze %dma_wait3A_2204 : memref<1x128xi32, #tpu.memory_space<vmem>> -> memref<128xi32, #tpu.memory_space<vmem>>
    %dma_wait3A_2206 = arith.constant 0 : i32
    %dma_wait3A_2207 = arith.constant 0 : i32
    %dma_wait3A_2208 = tpu.memref_slice %arg3[%dma_wait3A_2206, %dma_wait3A_2207] : memref<100000x128xf32, #tpu.memory_space<hbm>> -> memref<100000x128xf32, #tpu.memory_space<hbm>>
    tpu.wait_indirect_dma semaphore(%arg8 : memref<!tpu.dma_semaphore, #tpu.memory_space<semaphore_mem>>) src(%dma_wait3A_2208 : memref<100000x128xf32, #tpu.memory_space<hbm>>) dst(%dma_wait3A_2202 : memref<128x128xf32, #tpu.memory_space<vmem>>)
    %dma_wait3A_2209 = arith.constant 28 : i32
    %dma_wait3A_2210 = arith.constant 256 : i32
    %dma_wait3A_2211 = arith.constant 0 : i32
    %dma_wait3A_2212 = tpu.memref_slice %arg6[%dma_wait3A_2210, %dma_wait3A_2211] : memref<512x128xf32, #tpu.memory_space<vmem>> -> memref<128x128xf32, #tpu.memory_space<vmem>>
    %dma_wait3A_2213 = arith.constant 256 : i32
    %dma_wait3A_2214 = tpu.memref_slice %arg5[%dma_wait3A_2209, %dma_wait3A_2213] : memref<32x512xi32, #tpu.memory_space<vmem>> -> memref<1x128xi32, #tpu.memory_space<vmem>>
    %dma_wait3A_2215 = tpu.memref_squeeze %dma_wait3A_2214 : memref<1x128xi32, #tpu.memory_space<vmem>> -> memref<128xi32, #tpu.memory_space<vmem>>
    %dma_wait3A_2216 = arith.constant 0 : i32
    %dma_wait3A_2217 = arith.constant 0 : i32
    %dma_wait3A_2218 = tpu.memref_slice %arg3[%dma_wait3A_2216, %dma_wait3A_2217] : memref<100000x128xf32, #tpu.memory_space<hbm>> -> memref<100000x128xf32, #tpu.memory_space<hbm>>
    tpu.wait_indirect_dma semaphore(%arg8 : memref<!tpu.dma_semaphore, #tpu.memory_space<semaphore_mem>>) src(%dma_wait3A_2218 : memref<100000x128xf32, #tpu.memory_space<hbm>>) dst(%dma_wait3A_2212 : memref<128x128xf32, #tpu.memory_space<vmem>>)
    %dma_wait3A_2219 = arith.constant 29 : i32
    %dma_wait3A_2220 = arith.constant 256 : i32
    %dma_wait3A_2221 = arith.constant 0 : i32
    %dma_wait3A_2222 = tpu.memref_slice %arg6[%dma_wait3A_2220, %dma_wait3A_2221] : memref<512x128xf32, #tpu.memory_space<vmem>> -> memref<128x128xf32, #tpu.memory_space<vmem>>
    %dma_wait3A_2223 = arith.constant 256 : i32
    %dma_wait3A_2224 = tpu.memref_slice %arg5[%dma_wait3A_2219, %dma_wait3A_2223] : memref<32x512xi32, #tpu.memory_space<vmem>> -> memref<1x128xi32, #tpu.memory_space<vmem>>
    %dma_wait3A_2225 = tpu.memref_squeeze %dma_wait3A_2224 : memref<1x128xi32, #tpu.memory_space<vmem>> -> memref<128xi32, #tpu.memory_space<vmem>>
    %dma_wait3A_2226 = arith.constant 0 : i32
    %dma_wait3A_2227 = arith.constant 0 : i32
    %dma_wait3A_2228 = tpu.memref_slice %arg3[%dma_wait3A_2226, %dma_wait3A_2227] : memref<100000x128xf32, #tpu.memory_space<hbm>> -> memref<100000x128xf32, #tpu.memory_space<hbm>>
    tpu.wait_indirect_dma semaphore(%arg8 : memref<!tpu.dma_semaphore, #tpu.memory_space<semaphore_mem>>) src(%dma_wait3A_2228 : memref<100000x128xf32, #tpu.memory_space<hbm>>) dst(%dma_wait3A_2222 : memref<128x128xf32, #tpu.memory_space<vmem>>)
    %dma_wait3A_2229 = arith.constant 30 : i32
    %dma_wait3A_2230 = arith.constant 256 : i32
    %dma_wait3A_2231 = arith.constant 0 : i32
    %dma_wait3A_2232 = tpu.memref_slice %arg6[%dma_wait3A_2230, %dma_wait3A_2231] : memref<512x128xf32, #tpu.memory_space<vmem>> -> memref<128x128xf32, #tpu.memory_space<vmem>>
    %dma_wait3A_2233 = arith.constant 256 : i32
    %dma_wait3A_2234 = tpu.memref_slice %arg5[%dma_wait3A_2229, %dma_wait3A_2233] : memref<32x512xi32, #tpu.memory_space<vmem>> -> memref<1x128xi32, #tpu.memory_space<vmem>>
    %dma_wait3A_2235 = tpu.memref_squeeze %dma_wait3A_2234 : memref<1x128xi32, #tpu.memory_space<vmem>> -> memref<128xi32, #tpu.memory_space<vmem>>
    %dma_wait3A_2236 = arith.constant 0 : i32
    %dma_wait3A_2237 = arith.constant 0 : i32
    %dma_wait3A_2238 = tpu.memref_slice %arg3[%dma_wait3A_2236, %dma_wait3A_2237] : memref<100000x128xf32, #tpu.memory_space<hbm>> -> memref<100000x128xf32, #tpu.memory_space<hbm>>
    tpu.wait_indirect_dma semaphore(%arg8 : memref<!tpu.dma_semaphore, #tpu.memory_space<semaphore_mem>>) src(%dma_wait3A_2238 : memref<100000x128xf32, #tpu.memory_space<hbm>>) dst(%dma_wait3A_2232 : memref<128x128xf32, #tpu.memory_space<vmem>>)
    %dma_wait3A_2239 = arith.constant 31 : i32
    %dma_wait3A_2240 = arith.constant 256 : i32
    %dma_wait3A_2241 = arith.constant 0 : i32
    %dma_wait3A_2242 = tpu.memref_slice %arg6[%dma_wait3A_2240, %dma_wait3A_2241] : memref<512x128xf32, #tpu.memory_space<vmem>> -> memref<128x128xf32, #tpu.memory_space<vmem>>
    %dma_wait3A_2243 = arith.constant 256 : i32
    %dma_wait3A_2244 = tpu.memref_slice %arg5[%dma_wait3A_2239, %dma_wait3A_2243] : memref<32x512xi32, #tpu.memory_space<vmem>> -> memref<1x128xi32, #tpu.memory_space<vmem>>
    %dma_wait3A_2245 = tpu.memref_squeeze %dma_wait3A_2244 : memref<1x128xi32, #tpu.memory_space<vmem>> -> memref<128xi32, #tpu.memory_space<vmem>>
    %dma_wait3A_2246 = arith.constant 0 : i32
    %dma_wait3A_2247 = arith.constant 0 : i32
    %dma_wait3A_2248 = tpu.memref_slice %arg3[%dma_wait3A_2246, %dma_wait3A_2247] : memref<100000x128xf32, #tpu.memory_space<hbm>> -> memref<100000x128xf32, #tpu.memory_space<hbm>>
    tpu.wait_indirect_dma semaphore(%arg8 : memref<!tpu.dma_semaphore, #tpu.memory_space<semaphore_mem>>) src(%dma_wait3A_2248 : memref<100000x128xf32, #tpu.memory_space<hbm>>) dst(%dma_wait3A_2242 : memref<128x128xf32, #tpu.memory_space<vmem>>)
    %dma_wait3A_2249 = arith.constant 1 : i32
    %dma_wait3A_2250 = arith.constant 384 : i32
    %dma_wait3A_2251 = arith.constant 0 : i32
    %dma_wait3A_2252 = tpu.memref_slice %arg6[%dma_wait3A_2250, %dma_wait3A_2251] : memref<512x128xf32, #tpu.memory_space<vmem>> -> memref<128x128xf32, #tpu.memory_space<vmem>>
    %dma_wait3A_2253 = arith.constant 384 : i32
    %dma_wait3A_2254 = tpu.memref_slice %arg5[%dma_wait3A_2249, %dma_wait3A_2253] : memref<32x512xi32, #tpu.memory_space<vmem>> -> memref<1x128xi32, #tpu.memory_space<vmem>>
    %dma_wait3A_2255 = tpu.memref_squeeze %dma_wait3A_2254 : memref<1x128xi32, #tpu.memory_space<vmem>> -> memref<128xi32, #tpu.memory_space<vmem>>
    %dma_wait3A_2256 = arith.constant 0 : i32
    %dma_wait3A_2257 = arith.constant 0 : i32
    %dma_wait3A_2258 = tpu.memref_slice %arg3[%dma_wait3A_2256, %dma_wait3A_2257] : memref<100000x128xf32, #tpu.memory_space<hbm>> -> memref<100000x128xf32, #tpu.memory_space<hbm>>
    tpu.wait_indirect_dma semaphore(%arg8 : memref<!tpu.dma_semaphore, #tpu.memory_space<semaphore_mem>>) src(%dma_wait3A_2258 : memref<100000x128xf32, #tpu.memory_space<hbm>>) dst(%dma_wait3A_2252 : memref<128x128xf32, #tpu.memory_space<vmem>>)
    %dma_wait3A_2259 = arith.constant 2 : i32
    %dma_wait3A_2260 = arith.constant 384 : i32
    %dma_wait3A_2261 = arith.constant 0 : i32
    %dma_wait3A_2262 = tpu.memref_slice %arg6[%dma_wait3A_2260, %dma_wait3A_2261] : memref<512x128xf32, #tpu.memory_space<vmem>> -> memref<128x128xf32, #tpu.memory_space<vmem>>
    %dma_wait3A_2263 = arith.constant 384 : i32
    %dma_wait3A_2264 = tpu.memref_slice %arg5[%dma_wait3A_2259, %dma_wait3A_2263] : memref<32x512xi32, #tpu.memory_space<vmem>> -> memref<1x128xi32, #tpu.memory_space<vmem>>
    %dma_wait3A_2265 = tpu.memref_squeeze %dma_wait3A_2264 : memref<1x128xi32, #tpu.memory_space<vmem>> -> memref<128xi32, #tpu.memory_space<vmem>>
    %dma_wait3A_2266 = arith.constant 0 : i32
    %dma_wait3A_2267 = arith.constant 0 : i32
    %dma_wait3A_2268 = tpu.memref_slice %arg3[%dma_wait3A_2266, %dma_wait3A_2267] : memref<100000x128xf32, #tpu.memory_space<hbm>> -> memref<100000x128xf32, #tpu.memory_space<hbm>>
    tpu.wait_indirect_dma semaphore(%arg8 : memref<!tpu.dma_semaphore, #tpu.memory_space<semaphore_mem>>) src(%dma_wait3A_2268 : memref<100000x128xf32, #tpu.memory_space<hbm>>) dst(%dma_wait3A_2262 : memref<128x128xf32, #tpu.memory_space<vmem>>)
    %dma_wait3A_2269 = arith.constant 3 : i32
    %dma_wait3A_2270 = arith.constant 384 : i32
    %dma_wait3A_2271 = arith.constant 0 : i32
    %dma_wait3A_2272 = tpu.memref_slice %arg6[%dma_wait3A_2270, %dma_wait3A_2271] : memref<512x128xf32, #tpu.memory_space<vmem>> -> memref<128x128xf32, #tpu.memory_space<vmem>>
    %dma_wait3A_2273 = arith.constant 384 : i32
    %dma_wait3A_2274 = tpu.memref_slice %arg5[%dma_wait3A_2269, %dma_wait3A_2273] : memref<32x512xi32, #tpu.memory_space<vmem>> -> memref<1x128xi32, #tpu.memory_space<vmem>>
    %dma_wait3A_2275 = tpu.memref_squeeze %dma_wait3A_2274 : memref<1x128xi32, #tpu.memory_space<vmem>> -> memref<128xi32, #tpu.memory_space<vmem>>
    %dma_wait3A_2276 = arith.constant 0 : i32
    %dma_wait3A_2277 = arith.constant 0 : i32
    %dma_wait3A_2278 = tpu.memref_slice %arg3[%dma_wait3A_2276, %dma_wait3A_2277] : memref<100000x128xf32, #tpu.memory_space<hbm>> -> memref<100000x128xf32, #tpu.memory_space<hbm>>
    tpu.wait_indirect_dma semaphore(%arg8 : memref<!tpu.dma_semaphore, #tpu.memory_space<semaphore_mem>>) src(%dma_wait3A_2278 : memref<100000x128xf32, #tpu.memory_space<hbm>>) dst(%dma_wait3A_2272 : memref<128x128xf32, #tpu.memory_space<vmem>>)
    %dma_wait3A_2279 = arith.constant 4 : i32
    %dma_wait3A_2280 = arith.constant 384 : i32
    %dma_wait3A_2281 = arith.constant 0 : i32
    %dma_wait3A_2282 = tpu.memref_slice %arg6[%dma_wait3A_2280, %dma_wait3A_2281] : memref<512x128xf32, #tpu.memory_space<vmem>> -> memref<128x128xf32, #tpu.memory_space<vmem>>
    %dma_wait3A_2283 = arith.constant 384 : i32
    %dma_wait3A_2284 = tpu.memref_slice %arg5[%dma_wait3A_2279, %dma_wait3A_2283] : memref<32x512xi32, #tpu.memory_space<vmem>> -> memref<1x128xi32, #tpu.memory_space<vmem>>
    %dma_wait3A_2285 = tpu.memref_squeeze %dma_wait3A_2284 : memref<1x128xi32, #tpu.memory_space<vmem>> -> memref<128xi32, #tpu.memory_space<vmem>>
    %dma_wait3A_2286 = arith.constant 0 : i32
    %dma_wait3A_2287 = arith.constant 0 : i32
    %dma_wait3A_2288 = tpu.memref_slice %arg3[%dma_wait3A_2286, %dma_wait3A_2287] : memref<100000x128xf32, #tpu.memory_space<hbm>> -> memref<100000x128xf32, #tpu.memory_space<hbm>>
    tpu.wait_indirect_dma semaphore(%arg8 : memref<!tpu.dma_semaphore, #tpu.memory_space<semaphore_mem>>) src(%dma_wait3A_2288 : memref<100000x128xf32, #tpu.memory_space<hbm>>) dst(%dma_wait3A_2282 : memref<128x128xf32, #tpu.memory_space<vmem>>)
    %dma_wait3A_2289 = arith.constant 5 : i32
    %dma_wait3A_2290 = arith.constant 384 : i32
    %dma_wait3A_2291 = arith.constant 0 : i32
    %dma_wait3A_2292 = tpu.memref_slice %arg6[%dma_wait3A_2290, %dma_wait3A_2291] : memref<512x128xf32, #tpu.memory_space<vmem>> -> memref<128x128xf32, #tpu.memory_space<vmem>>
    %dma_wait3A_2293 = arith.constant 384 : i32
    %dma_wait3A_2294 = tpu.memref_slice %arg5[%dma_wait3A_2289, %dma_wait3A_2293] : memref<32x512xi32, #tpu.memory_space<vmem>> -> memref<1x128xi32, #tpu.memory_space<vmem>>
    %dma_wait3A_2295 = tpu.memref_squeeze %dma_wait3A_2294 : memref<1x128xi32, #tpu.memory_space<vmem>> -> memref<128xi32, #tpu.memory_space<vmem>>
    %dma_wait3A_2296 = arith.constant 0 : i32
    %dma_wait3A_2297 = arith.constant 0 : i32
    %dma_wait3A_2298 = tpu.memref_slice %arg3[%dma_wait3A_2296, %dma_wait3A_2297] : memref<100000x128xf32, #tpu.memory_space<hbm>> -> memref<100000x128xf32, #tpu.memory_space<hbm>>
    tpu.wait_indirect_dma semaphore(%arg8 : memref<!tpu.dma_semaphore, #tpu.memory_space<semaphore_mem>>) src(%dma_wait3A_2298 : memref<100000x128xf32, #tpu.memory_space<hbm>>) dst(%dma_wait3A_2292 : memref<128x128xf32, #tpu.memory_space<vmem>>)
    %dma_wait3A_2299 = arith.constant 6 : i32
    %dma_wait3A_2300 = arith.constant 384 : i32
    %dma_wait3A_2301 = arith.constant 0 : i32
    %dma_wait3A_2302 = tpu.memref_slice %arg6[%dma_wait3A_2300, %dma_wait3A_2301] : memref<512x128xf32, #tpu.memory_space<vmem>> -> memref<128x128xf32, #tpu.memory_space<vmem>>
    %dma_wait3A_2303 = arith.constant 384 : i32
    %dma_wait3A_2304 = tpu.memref_slice %arg5[%dma_wait3A_2299, %dma_wait3A_2303] : memref<32x512xi32, #tpu.memory_space<vmem>> -> memref<1x128xi32, #tpu.memory_space<vmem>>
    %dma_wait3A_2305 = tpu.memref_squeeze %dma_wait3A_2304 : memref<1x128xi32, #tpu.memory_space<vmem>> -> memref<128xi32, #tpu.memory_space<vmem>>
    %dma_wait3A_2306 = arith.constant 0 : i32
    %dma_wait3A_2307 = arith.constant 0 : i32
    %dma_wait3A_2308 = tpu.memref_slice %arg3[%dma_wait3A_2306, %dma_wait3A_2307] : memref<100000x128xf32, #tpu.memory_space<hbm>> -> memref<100000x128xf32, #tpu.memory_space<hbm>>
    tpu.wait_indirect_dma semaphore(%arg8 : memref<!tpu.dma_semaphore, #tpu.memory_space<semaphore_mem>>) src(%dma_wait3A_2308 : memref<100000x128xf32, #tpu.memory_space<hbm>>) dst(%dma_wait3A_2302 : memref<128x128xf32, #tpu.memory_space<vmem>>)
    %dma_wait3A_2309 = arith.constant 7 : i32
    %dma_wait3A_2310 = arith.constant 384 : i32
    %dma_wait3A_2311 = arith.constant 0 : i32
    %dma_wait3A_2312 = tpu.memref_slice %arg6[%dma_wait3A_2310, %dma_wait3A_2311] : memref<512x128xf32, #tpu.memory_space<vmem>> -> memref<128x128xf32, #tpu.memory_space<vmem>>
    %dma_wait3A_2313 = arith.constant 384 : i32
    %dma_wait3A_2314 = tpu.memref_slice %arg5[%dma_wait3A_2309, %dma_wait3A_2313] : memref<32x512xi32, #tpu.memory_space<vmem>> -> memref<1x128xi32, #tpu.memory_space<vmem>>
    %dma_wait3A_2315 = tpu.memref_squeeze %dma_wait3A_2314 : memref<1x128xi32, #tpu.memory_space<vmem>> -> memref<128xi32, #tpu.memory_space<vmem>>
    %dma_wait3A_2316 = arith.constant 0 : i32
    %dma_wait3A_2317 = arith.constant 0 : i32
    %dma_wait3A_2318 = tpu.memref_slice %arg3[%dma_wait3A_2316, %dma_wait3A_2317] : memref<100000x128xf32, #tpu.memory_space<hbm>> -> memref<100000x128xf32, #tpu.memory_space<hbm>>
    tpu.wait_indirect_dma semaphore(%arg8 : memref<!tpu.dma_semaphore, #tpu.memory_space<semaphore_mem>>) src(%dma_wait3A_2318 : memref<100000x128xf32, #tpu.memory_space<hbm>>) dst(%dma_wait3A_2312 : memref<128x128xf32, #tpu.memory_space<vmem>>)
    %dma_wait3A_2319 = arith.constant 8 : i32
    %dma_wait3A_2320 = arith.constant 384 : i32
    %dma_wait3A_2321 = arith.constant 0 : i32
    %dma_wait3A_2322 = tpu.memref_slice %arg6[%dma_wait3A_2320, %dma_wait3A_2321] : memref<512x128xf32, #tpu.memory_space<vmem>> -> memref<128x128xf32, #tpu.memory_space<vmem>>
    %dma_wait3A_2323 = arith.constant 384 : i32
    %dma_wait3A_2324 = tpu.memref_slice %arg5[%dma_wait3A_2319, %dma_wait3A_2323] : memref<32x512xi32, #tpu.memory_space<vmem>> -> memref<1x128xi32, #tpu.memory_space<vmem>>
    %dma_wait3A_2325 = tpu.memref_squeeze %dma_wait3A_2324 : memref<1x128xi32, #tpu.memory_space<vmem>> -> memref<128xi32, #tpu.memory_space<vmem>>
    %dma_wait3A_2326 = arith.constant 0 : i32
    %dma_wait3A_2327 = arith.constant 0 : i32
    %dma_wait3A_2328 = tpu.memref_slice %arg3[%dma_wait3A_2326, %dma_wait3A_2327] : memref<100000x128xf32, #tpu.memory_space<hbm>> -> memref<100000x128xf32, #tpu.memory_space<hbm>>
    tpu.wait_indirect_dma semaphore(%arg8 : memref<!tpu.dma_semaphore, #tpu.memory_space<semaphore_mem>>) src(%dma_wait3A_2328 : memref<100000x128xf32, #tpu.memory_space<hbm>>) dst(%dma_wait3A_2322 : memref<128x128xf32, #tpu.memory_space<vmem>>)
    %dma_wait3A_2329 = arith.constant 9 : i32
    %dma_wait3A_2330 = arith.constant 384 : i32
    %dma_wait3A_2331 = arith.constant 0 : i32
    %dma_wait3A_2332 = tpu.memref_slice %arg6[%dma_wait3A_2330, %dma_wait3A_2331] : memref<512x128xf32, #tpu.memory_space<vmem>> -> memref<128x128xf32, #tpu.memory_space<vmem>>
    %dma_wait3A_2333 = arith.constant 384 : i32
    %dma_wait3A_2334 = tpu.memref_slice %arg5[%dma_wait3A_2329, %dma_wait3A_2333] : memref<32x512xi32, #tpu.memory_space<vmem>> -> memref<1x128xi32, #tpu.memory_space<vmem>>
    %dma_wait3A_2335 = tpu.memref_squeeze %dma_wait3A_2334 : memref<1x128xi32, #tpu.memory_space<vmem>> -> memref<128xi32, #tpu.memory_space<vmem>>
    %dma_wait3A_2336 = arith.constant 0 : i32
    %dma_wait3A_2337 = arith.constant 0 : i32
    %dma_wait3A_2338 = tpu.memref_slice %arg3[%dma_wait3A_2336, %dma_wait3A_2337] : memref<100000x128xf32, #tpu.memory_space<hbm>> -> memref<100000x128xf32, #tpu.memory_space<hbm>>
    tpu.wait_indirect_dma semaphore(%arg8 : memref<!tpu.dma_semaphore, #tpu.memory_space<semaphore_mem>>) src(%dma_wait3A_2338 : memref<100000x128xf32, #tpu.memory_space<hbm>>) dst(%dma_wait3A_2332 : memref<128x128xf32, #tpu.memory_space<vmem>>)
    %dma_wait3A_2339 = arith.constant 10 : i32
    %dma_wait3A_2340 = arith.constant 384 : i32
    %dma_wait3A_2341 = arith.constant 0 : i32
    %dma_wait3A_2342 = tpu.memref_slice %arg6[%dma_wait3A_2340, %dma_wait3A_2341] : memref<512x128xf32, #tpu.memory_space<vmem>> -> memref<128x128xf32, #tpu.memory_space<vmem>>
    %dma_wait3A_2343 = arith.constant 384 : i32
    %dma_wait3A_2344 = tpu.memref_slice %arg5[%dma_wait3A_2339, %dma_wait3A_2343] : memref<32x512xi32, #tpu.memory_space<vmem>> -> memref<1x128xi32, #tpu.memory_space<vmem>>
    %dma_wait3A_2345 = tpu.memref_squeeze %dma_wait3A_2344 : memref<1x128xi32, #tpu.memory_space<vmem>> -> memref<128xi32, #tpu.memory_space<vmem>>
    %dma_wait3A_2346 = arith.constant 0 : i32
    %dma_wait3A_2347 = arith.constant 0 : i32
    %dma_wait3A_2348 = tpu.memref_slice %arg3[%dma_wait3A_2346, %dma_wait3A_2347] : memref<100000x128xf32, #tpu.memory_space<hbm>> -> memref<100000x128xf32, #tpu.memory_space<hbm>>
    tpu.wait_indirect_dma semaphore(%arg8 : memref<!tpu.dma_semaphore, #tpu.memory_space<semaphore_mem>>) src(%dma_wait3A_2348 : memref<100000x128xf32, #tpu.memory_space<hbm>>) dst(%dma_wait3A_2342 : memref<128x128xf32, #tpu.memory_space<vmem>>)
    %dma_wait3A_2349 = arith.constant 11 : i32
    %dma_wait3A_2350 = arith.constant 384 : i32
    %dma_wait3A_2351 = arith.constant 0 : i32
    %dma_wait3A_2352 = tpu.memref_slice %arg6[%dma_wait3A_2350, %dma_wait3A_2351] : memref<512x128xf32, #tpu.memory_space<vmem>> -> memref<128x128xf32, #tpu.memory_space<vmem>>
    %dma_wait3A_2353 = arith.constant 384 : i32
    %dma_wait3A_2354 = tpu.memref_slice %arg5[%dma_wait3A_2349, %dma_wait3A_2353] : memref<32x512xi32, #tpu.memory_space<vmem>> -> memref<1x128xi32, #tpu.memory_space<vmem>>
    %dma_wait3A_2355 = tpu.memref_squeeze %dma_wait3A_2354 : memref<1x128xi32, #tpu.memory_space<vmem>> -> memref<128xi32, #tpu.memory_space<vmem>>
    %dma_wait3A_2356 = arith.constant 0 : i32
    %dma_wait3A_2357 = arith.constant 0 : i32
    %dma_wait3A_2358 = tpu.memref_slice %arg3[%dma_wait3A_2356, %dma_wait3A_2357] : memref<100000x128xf32, #tpu.memory_space<hbm>> -> memref<100000x128xf32, #tpu.memory_space<hbm>>
    tpu.wait_indirect_dma semaphore(%arg8 : memref<!tpu.dma_semaphore, #tpu.memory_space<semaphore_mem>>) src(%dma_wait3A_2358 : memref<100000x128xf32, #tpu.memory_space<hbm>>) dst(%dma_wait3A_2352 : memref<128x128xf32, #tpu.memory_space<vmem>>)
    %dma_wait3A_2359 = arith.constant 12 : i32
    %dma_wait3A_2360 = arith.constant 384 : i32
    %dma_wait3A_2361 = arith.constant 0 : i32
    %dma_wait3A_2362 = tpu.memref_slice %arg6[%dma_wait3A_2360, %dma_wait3A_2361] : memref<512x128xf32, #tpu.memory_space<vmem>> -> memref<128x128xf32, #tpu.memory_space<vmem>>
    %dma_wait3A_2363 = arith.constant 384 : i32
    %dma_wait3A_2364 = tpu.memref_slice %arg5[%dma_wait3A_2359, %dma_wait3A_2363] : memref<32x512xi32, #tpu.memory_space<vmem>> -> memref<1x128xi32, #tpu.memory_space<vmem>>
    %dma_wait3A_2365 = tpu.memref_squeeze %dma_wait3A_2364 : memref<1x128xi32, #tpu.memory_space<vmem>> -> memref<128xi32, #tpu.memory_space<vmem>>
    %dma_wait3A_2366 = arith.constant 0 : i32
    %dma_wait3A_2367 = arith.constant 0 : i32
    %dma_wait3A_2368 = tpu.memref_slice %arg3[%dma_wait3A_2366, %dma_wait3A_2367] : memref<100000x128xf32, #tpu.memory_space<hbm>> -> memref<100000x128xf32, #tpu.memory_space<hbm>>
    tpu.wait_indirect_dma semaphore(%arg8 : memref<!tpu.dma_semaphore, #tpu.memory_space<semaphore_mem>>) src(%dma_wait3A_2368 : memref<100000x128xf32, #tpu.memory_space<hbm>>) dst(%dma_wait3A_2362 : memref<128x128xf32, #tpu.memory_space<vmem>>)
    %dma_wait3A_2369 = arith.constant 13 : i32
    %dma_wait3A_2370 = arith.constant 384 : i32
    %dma_wait3A_2371 = arith.constant 0 : i32
    %dma_wait3A_2372 = tpu.memref_slice %arg6[%dma_wait3A_2370, %dma_wait3A_2371] : memref<512x128xf32, #tpu.memory_space<vmem>> -> memref<128x128xf32, #tpu.memory_space<vmem>>
    %dma_wait3A_2373 = arith.constant 384 : i32
    %dma_wait3A_2374 = tpu.memref_slice %arg5[%dma_wait3A_2369, %dma_wait3A_2373] : memref<32x512xi32, #tpu.memory_space<vmem>> -> memref<1x128xi32, #tpu.memory_space<vmem>>
    %dma_wait3A_2375 = tpu.memref_squeeze %dma_wait3A_2374 : memref<1x128xi32, #tpu.memory_space<vmem>> -> memref<128xi32, #tpu.memory_space<vmem>>
    %dma_wait3A_2376 = arith.constant 0 : i32
    %dma_wait3A_2377 = arith.constant 0 : i32
    %dma_wait3A_2378 = tpu.memref_slice %arg3[%dma_wait3A_2376, %dma_wait3A_2377] : memref<100000x128xf32, #tpu.memory_space<hbm>> -> memref<100000x128xf32, #tpu.memory_space<hbm>>
    tpu.wait_indirect_dma semaphore(%arg8 : memref<!tpu.dma_semaphore, #tpu.memory_space<semaphore_mem>>) src(%dma_wait3A_2378 : memref<100000x128xf32, #tpu.memory_space<hbm>>) dst(%dma_wait3A_2372 : memref<128x128xf32, #tpu.memory_space<vmem>>)
    %dma_wait3A_2379 = arith.constant 14 : i32
    %dma_wait3A_2380 = arith.constant 384 : i32
    %dma_wait3A_2381 = arith.constant 0 : i32
    %dma_wait3A_2382 = tpu.memref_slice %arg6[%dma_wait3A_2380, %dma_wait3A_2381] : memref<512x128xf32, #tpu.memory_space<vmem>> -> memref<128x128xf32, #tpu.memory_space<vmem>>
    %dma_wait3A_2383 = arith.constant 384 : i32
    %dma_wait3A_2384 = tpu.memref_slice %arg5[%dma_wait3A_2379, %dma_wait3A_2383] : memref<32x512xi32, #tpu.memory_space<vmem>> -> memref<1x128xi32, #tpu.memory_space<vmem>>
    %dma_wait3A_2385 = tpu.memref_squeeze %dma_wait3A_2384 : memref<1x128xi32, #tpu.memory_space<vmem>> -> memref<128xi32, #tpu.memory_space<vmem>>
    %dma_wait3A_2386 = arith.constant 0 : i32
    %dma_wait3A_2387 = arith.constant 0 : i32
    %dma_wait3A_2388 = tpu.memref_slice %arg3[%dma_wait3A_2386, %dma_wait3A_2387] : memref<100000x128xf32, #tpu.memory_space<hbm>> -> memref<100000x128xf32, #tpu.memory_space<hbm>>
    tpu.wait_indirect_dma semaphore(%arg8 : memref<!tpu.dma_semaphore, #tpu.memory_space<semaphore_mem>>) src(%dma_wait3A_2388 : memref<100000x128xf32, #tpu.memory_space<hbm>>) dst(%dma_wait3A_2382 : memref<128x128xf32, #tpu.memory_space<vmem>>)
    %dma_wait3A_2389 = arith.constant 15 : i32
    %dma_wait3A_2390 = arith.constant 384 : i32
    %dma_wait3A_2391 = arith.constant 0 : i32
    %dma_wait3A_2392 = tpu.memref_slice %arg6[%dma_wait3A_2390, %dma_wait3A_2391] : memref<512x128xf32, #tpu.memory_space<vmem>> -> memref<128x128xf32, #tpu.memory_space<vmem>>
    %dma_wait3A_2393 = arith.constant 384 : i32
    %dma_wait3A_2394 = tpu.memref_slice %arg5[%dma_wait3A_2389, %dma_wait3A_2393] : memref<32x512xi32, #tpu.memory_space<vmem>> -> memref<1x128xi32, #tpu.memory_space<vmem>>
    %dma_wait3A_2395 = tpu.memref_squeeze %dma_wait3A_2394 : memref<1x128xi32, #tpu.memory_space<vmem>> -> memref<128xi32, #tpu.memory_space<vmem>>
    %dma_wait3A_2396 = arith.constant 0 : i32
    %dma_wait3A_2397 = arith.constant 0 : i32
    %dma_wait3A_2398 = tpu.memref_slice %arg3[%dma_wait3A_2396, %dma_wait3A_2397] : memref<100000x128xf32, #tpu.memory_space<hbm>> -> memref<100000x128xf32, #tpu.memory_space<hbm>>
    tpu.wait_indirect_dma semaphore(%arg8 : memref<!tpu.dma_semaphore, #tpu.memory_space<semaphore_mem>>) src(%dma_wait3A_2398 : memref<100000x128xf32, #tpu.memory_space<hbm>>) dst(%dma_wait3A_2392 : memref<128x128xf32, #tpu.memory_space<vmem>>)
    %dma_wait3A_2399 = arith.constant 16 : i32
    %dma_wait3A_2400 = arith.constant 384 : i32
    %dma_wait3A_2401 = arith.constant 0 : i32
    %dma_wait3A_2402 = tpu.memref_slice %arg6[%dma_wait3A_2400, %dma_wait3A_2401] : memref<512x128xf32, #tpu.memory_space<vmem>> -> memref<128x128xf32, #tpu.memory_space<vmem>>
    %dma_wait3A_2403 = arith.constant 384 : i32
    %dma_wait3A_2404 = tpu.memref_slice %arg5[%dma_wait3A_2399, %dma_wait3A_2403] : memref<32x512xi32, #tpu.memory_space<vmem>> -> memref<1x128xi32, #tpu.memory_space<vmem>>
    %dma_wait3A_2405 = tpu.memref_squeeze %dma_wait3A_2404 : memref<1x128xi32, #tpu.memory_space<vmem>> -> memref<128xi32, #tpu.memory_space<vmem>>
    %dma_wait3A_2406 = arith.constant 0 : i32
    %dma_wait3A_2407 = arith.constant 0 : i32
    %dma_wait3A_2408 = tpu.memref_slice %arg3[%dma_wait3A_2406, %dma_wait3A_2407] : memref<100000x128xf32, #tpu.memory_space<hbm>> -> memref<100000x128xf32, #tpu.memory_space<hbm>>
    tpu.wait_indirect_dma semaphore(%arg8 : memref<!tpu.dma_semaphore, #tpu.memory_space<semaphore_mem>>) src(%dma_wait3A_2408 : memref<100000x128xf32, #tpu.memory_space<hbm>>) dst(%dma_wait3A_2402 : memref<128x128xf32, #tpu.memory_space<vmem>>)
    %dma_wait3A_2409 = arith.constant 17 : i32
    %dma_wait3A_2410 = arith.constant 384 : i32
    %dma_wait3A_2411 = arith.constant 0 : i32
    %dma_wait3A_2412 = tpu.memref_slice %arg6[%dma_wait3A_2410, %dma_wait3A_2411] : memref<512x128xf32, #tpu.memory_space<vmem>> -> memref<128x128xf32, #tpu.memory_space<vmem>>
    %dma_wait3A_2413 = arith.constant 384 : i32
    %dma_wait3A_2414 = tpu.memref_slice %arg5[%dma_wait3A_2409, %dma_wait3A_2413] : memref<32x512xi32, #tpu.memory_space<vmem>> -> memref<1x128xi32, #tpu.memory_space<vmem>>
    %dma_wait3A_2415 = tpu.memref_squeeze %dma_wait3A_2414 : memref<1x128xi32, #tpu.memory_space<vmem>> -> memref<128xi32, #tpu.memory_space<vmem>>
    %dma_wait3A_2416 = arith.constant 0 : i32
    %dma_wait3A_2417 = arith.constant 0 : i32
    %dma_wait3A_2418 = tpu.memref_slice %arg3[%dma_wait3A_2416, %dma_wait3A_2417] : memref<100000x128xf32, #tpu.memory_space<hbm>> -> memref<100000x128xf32, #tpu.memory_space<hbm>>
    tpu.wait_indirect_dma semaphore(%arg8 : memref<!tpu.dma_semaphore, #tpu.memory_space<semaphore_mem>>) src(%dma_wait3A_2418 : memref<100000x128xf32, #tpu.memory_space<hbm>>) dst(%dma_wait3A_2412 : memref<128x128xf32, #tpu.memory_space<vmem>>)
    %dma_wait3A_2419 = arith.constant 18 : i32
    %dma_wait3A_2420 = arith.constant 384 : i32
    %dma_wait3A_2421 = arith.constant 0 : i32
    %dma_wait3A_2422 = tpu.memref_slice %arg6[%dma_wait3A_2420, %dma_wait3A_2421] : memref<512x128xf32, #tpu.memory_space<vmem>> -> memref<128x128xf32, #tpu.memory_space<vmem>>
    %dma_wait3A_2423 = arith.constant 384 : i32
    %dma_wait3A_2424 = tpu.memref_slice %arg5[%dma_wait3A_2419, %dma_wait3A_2423] : memref<32x512xi32, #tpu.memory_space<vmem>> -> memref<1x128xi32, #tpu.memory_space<vmem>>
    %dma_wait3A_2425 = tpu.memref_squeeze %dma_wait3A_2424 : memref<1x128xi32, #tpu.memory_space<vmem>> -> memref<128xi32, #tpu.memory_space<vmem>>
    %dma_wait3A_2426 = arith.constant 0 : i32
    %dma_wait3A_2427 = arith.constant 0 : i32
    %dma_wait3A_2428 = tpu.memref_slice %arg3[%dma_wait3A_2426, %dma_wait3A_2427] : memref<100000x128xf32, #tpu.memory_space<hbm>> -> memref<100000x128xf32, #tpu.memory_space<hbm>>
    tpu.wait_indirect_dma semaphore(%arg8 : memref<!tpu.dma_semaphore, #tpu.memory_space<semaphore_mem>>) src(%dma_wait3A_2428 : memref<100000x128xf32, #tpu.memory_space<hbm>>) dst(%dma_wait3A_2422 : memref<128x128xf32, #tpu.memory_space<vmem>>)
    %dma_wait3A_2429 = arith.constant 19 : i32
    %dma_wait3A_2430 = arith.constant 384 : i32
    %dma_wait3A_2431 = arith.constant 0 : i32
    %dma_wait3A_2432 = tpu.memref_slice %arg6[%dma_wait3A_2430, %dma_wait3A_2431] : memref<512x128xf32, #tpu.memory_space<vmem>> -> memref<128x128xf32, #tpu.memory_space<vmem>>
    %dma_wait3A_2433 = arith.constant 384 : i32
    %dma_wait3A_2434 = tpu.memref_slice %arg5[%dma_wait3A_2429, %dma_wait3A_2433] : memref<32x512xi32, #tpu.memory_space<vmem>> -> memref<1x128xi32, #tpu.memory_space<vmem>>
    %dma_wait3A_2435 = tpu.memref_squeeze %dma_wait3A_2434 : memref<1x128xi32, #tpu.memory_space<vmem>> -> memref<128xi32, #tpu.memory_space<vmem>>
    %dma_wait3A_2436 = arith.constant 0 : i32
    %dma_wait3A_2437 = arith.constant 0 : i32
    %dma_wait3A_2438 = tpu.memref_slice %arg3[%dma_wait3A_2436, %dma_wait3A_2437] : memref<100000x128xf32, #tpu.memory_space<hbm>> -> memref<100000x128xf32, #tpu.memory_space<hbm>>
    tpu.wait_indirect_dma semaphore(%arg8 : memref<!tpu.dma_semaphore, #tpu.memory_space<semaphore_mem>>) src(%dma_wait3A_2438 : memref<100000x128xf32, #tpu.memory_space<hbm>>) dst(%dma_wait3A_2432 : memref<128x128xf32, #tpu.memory_space<vmem>>)
    %dma_wait3A_2439 = arith.constant 20 : i32
    %dma_wait3A_2440 = arith.constant 384 : i32
    %dma_wait3A_2441 = arith.constant 0 : i32
    %dma_wait3A_2442 = tpu.memref_slice %arg6[%dma_wait3A_2440, %dma_wait3A_2441] : memref<512x128xf32, #tpu.memory_space<vmem>> -> memref<128x128xf32, #tpu.memory_space<vmem>>
    %dma_wait3A_2443 = arith.constant 384 : i32
    %dma_wait3A_2444 = tpu.memref_slice %arg5[%dma_wait3A_2439, %dma_wait3A_2443] : memref<32x512xi32, #tpu.memory_space<vmem>> -> memref<1x128xi32, #tpu.memory_space<vmem>>
    %dma_wait3A_2445 = tpu.memref_squeeze %dma_wait3A_2444 : memref<1x128xi32, #tpu.memory_space<vmem>> -> memref<128xi32, #tpu.memory_space<vmem>>
    %dma_wait3A_2446 = arith.constant 0 : i32
    %dma_wait3A_2447 = arith.constant 0 : i32
    %dma_wait3A_2448 = tpu.memref_slice %arg3[%dma_wait3A_2446, %dma_wait3A_2447] : memref<100000x128xf32, #tpu.memory_space<hbm>> -> memref<100000x128xf32, #tpu.memory_space<hbm>>
    tpu.wait_indirect_dma semaphore(%arg8 : memref<!tpu.dma_semaphore, #tpu.memory_space<semaphore_mem>>) src(%dma_wait3A_2448 : memref<100000x128xf32, #tpu.memory_space<hbm>>) dst(%dma_wait3A_2442 : memref<128x128xf32, #tpu.memory_space<vmem>>)
    %dma_wait3A_2449 = arith.constant 21 : i32
    %dma_wait3A_2450 = arith.constant 384 : i32
    %dma_wait3A_2451 = arith.constant 0 : i32
    %dma_wait3A_2452 = tpu.memref_slice %arg6[%dma_wait3A_2450, %dma_wait3A_2451] : memref<512x128xf32, #tpu.memory_space<vmem>> -> memref<128x128xf32, #tpu.memory_space<vmem>>
    %dma_wait3A_2453 = arith.constant 384 : i32
    %dma_wait3A_2454 = tpu.memref_slice %arg5[%dma_wait3A_2449, %dma_wait3A_2453] : memref<32x512xi32, #tpu.memory_space<vmem>> -> memref<1x128xi32, #tpu.memory_space<vmem>>
    %dma_wait3A_2455 = tpu.memref_squeeze %dma_wait3A_2454 : memref<1x128xi32, #tpu.memory_space<vmem>> -> memref<128xi32, #tpu.memory_space<vmem>>
    %dma_wait3A_2456 = arith.constant 0 : i32
    %dma_wait3A_2457 = arith.constant 0 : i32
    %dma_wait3A_2458 = tpu.memref_slice %arg3[%dma_wait3A_2456, %dma_wait3A_2457] : memref<100000x128xf32, #tpu.memory_space<hbm>> -> memref<100000x128xf32, #tpu.memory_space<hbm>>
    tpu.wait_indirect_dma semaphore(%arg8 : memref<!tpu.dma_semaphore, #tpu.memory_space<semaphore_mem>>) src(%dma_wait3A_2458 : memref<100000x128xf32, #tpu.memory_space<hbm>>) dst(%dma_wait3A_2452 : memref<128x128xf32, #tpu.memory_space<vmem>>)
    %dma_wait3A_2459 = arith.constant 22 : i32
    %dma_wait3A_2460 = arith.constant 384 : i32
    %dma_wait3A_2461 = arith.constant 0 : i32
    %dma_wait3A_2462 = tpu.memref_slice %arg6[%dma_wait3A_2460, %dma_wait3A_2461] : memref<512x128xf32, #tpu.memory_space<vmem>> -> memref<128x128xf32, #tpu.memory_space<vmem>>
    %dma_wait3A_2463 = arith.constant 384 : i32
    %dma_wait3A_2464 = tpu.memref_slice %arg5[%dma_wait3A_2459, %dma_wait3A_2463] : memref<32x512xi32, #tpu.memory_space<vmem>> -> memref<1x128xi32, #tpu.memory_space<vmem>>
    %dma_wait3A_2465 = tpu.memref_squeeze %dma_wait3A_2464 : memref<1x128xi32, #tpu.memory_space<vmem>> -> memref<128xi32, #tpu.memory_space<vmem>>
    %dma_wait3A_2466 = arith.constant 0 : i32
    %dma_wait3A_2467 = arith.constant 0 : i32
    %dma_wait3A_2468 = tpu.memref_slice %arg3[%dma_wait3A_2466, %dma_wait3A_2467] : memref<100000x128xf32, #tpu.memory_space<hbm>> -> memref<100000x128xf32, #tpu.memory_space<hbm>>
    tpu.wait_indirect_dma semaphore(%arg8 : memref<!tpu.dma_semaphore, #tpu.memory_space<semaphore_mem>>) src(%dma_wait3A_2468 : memref<100000x128xf32, #tpu.memory_space<hbm>>) dst(%dma_wait3A_2462 : memref<128x128xf32, #tpu.memory_space<vmem>>)
    %dma_wait3A_2469 = arith.constant 23 : i32
    %dma_wait3A_2470 = arith.constant 384 : i32
    %dma_wait3A_2471 = arith.constant 0 : i32
    %dma_wait3A_2472 = tpu.memref_slice %arg6[%dma_wait3A_2470, %dma_wait3A_2471] : memref<512x128xf32, #tpu.memory_space<vmem>> -> memref<128x128xf32, #tpu.memory_space<vmem>>
    %dma_wait3A_2473 = arith.constant 384 : i32
    %dma_wait3A_2474 = tpu.memref_slice %arg5[%dma_wait3A_2469, %dma_wait3A_2473] : memref<32x512xi32, #tpu.memory_space<vmem>> -> memref<1x128xi32, #tpu.memory_space<vmem>>
    %dma_wait3A_2475 = tpu.memref_squeeze %dma_wait3A_2474 : memref<1x128xi32, #tpu.memory_space<vmem>> -> memref<128xi32, #tpu.memory_space<vmem>>
    %dma_wait3A_2476 = arith.constant 0 : i32
    %dma_wait3A_2477 = arith.constant 0 : i32
    %dma_wait3A_2478 = tpu.memref_slice %arg3[%dma_wait3A_2476, %dma_wait3A_2477] : memref<100000x128xf32, #tpu.memory_space<hbm>> -> memref<100000x128xf32, #tpu.memory_space<hbm>>
    tpu.wait_indirect_dma semaphore(%arg8 : memref<!tpu.dma_semaphore, #tpu.memory_space<semaphore_mem>>) src(%dma_wait3A_2478 : memref<100000x128xf32, #tpu.memory_space<hbm>>) dst(%dma_wait3A_2472 : memref<128x128xf32, #tpu.memory_space<vmem>>)
    %dma_wait3A_2479 = arith.constant 24 : i32
    %dma_wait3A_2480 = arith.constant 384 : i32
    %dma_wait3A_2481 = arith.constant 0 : i32
    %dma_wait3A_2482 = tpu.memref_slice %arg6[%dma_wait3A_2480, %dma_wait3A_2481] : memref<512x128xf32, #tpu.memory_space<vmem>> -> memref<128x128xf32, #tpu.memory_space<vmem>>
    %dma_wait3A_2483 = arith.constant 384 : i32
    %dma_wait3A_2484 = tpu.memref_slice %arg5[%dma_wait3A_2479, %dma_wait3A_2483] : memref<32x512xi32, #tpu.memory_space<vmem>> -> memref<1x128xi32, #tpu.memory_space<vmem>>
    %dma_wait3A_2485 = tpu.memref_squeeze %dma_wait3A_2484 : memref<1x128xi32, #tpu.memory_space<vmem>> -> memref<128xi32, #tpu.memory_space<vmem>>
    %dma_wait3A_2486 = arith.constant 0 : i32
    %dma_wait3A_2487 = arith.constant 0 : i32
    %dma_wait3A_2488 = tpu.memref_slice %arg3[%dma_wait3A_2486, %dma_wait3A_2487] : memref<100000x128xf32, #tpu.memory_space<hbm>> -> memref<100000x128xf32, #tpu.memory_space<hbm>>
    tpu.wait_indirect_dma semaphore(%arg8 : memref<!tpu.dma_semaphore, #tpu.memory_space<semaphore_mem>>) src(%dma_wait3A_2488 : memref<100000x128xf32, #tpu.memory_space<hbm>>) dst(%dma_wait3A_2482 : memref<128x128xf32, #tpu.memory_space<vmem>>)
    %dma_wait3A_2489 = arith.constant 25 : i32
    %dma_wait3A_2490 = arith.constant 384 : i32
    %dma_wait3A_2491 = arith.constant 0 : i32
    %dma_wait3A_2492 = tpu.memref_slice %arg6[%dma_wait3A_2490, %dma_wait3A_2491] : memref<512x128xf32, #tpu.memory_space<vmem>> -> memref<128x128xf32, #tpu.memory_space<vmem>>
    %dma_wait3A_2493 = arith.constant 384 : i32
    %dma_wait3A_2494 = tpu.memref_slice %arg5[%dma_wait3A_2489, %dma_wait3A_2493] : memref<32x512xi32, #tpu.memory_space<vmem>> -> memref<1x128xi32, #tpu.memory_space<vmem>>
    %dma_wait3A_2495 = tpu.memref_squeeze %dma_wait3A_2494 : memref<1x128xi32, #tpu.memory_space<vmem>> -> memref<128xi32, #tpu.memory_space<vmem>>
    %dma_wait3A_2496 = arith.constant 0 : i32
    %dma_wait3A_2497 = arith.constant 0 : i32
    %dma_wait3A_2498 = tpu.memref_slice %arg3[%dma_wait3A_2496, %dma_wait3A_2497] : memref<100000x128xf32, #tpu.memory_space<hbm>> -> memref<100000x128xf32, #tpu.memory_space<hbm>>
    tpu.wait_indirect_dma semaphore(%arg8 : memref<!tpu.dma_semaphore, #tpu.memory_space<semaphore_mem>>) src(%dma_wait3A_2498 : memref<100000x128xf32, #tpu.memory_space<hbm>>) dst(%dma_wait3A_2492 : memref<128x128xf32, #tpu.memory_space<vmem>>)
    %dma_wait3A_2499 = arith.constant 26 : i32
    %dma_wait3A_2500 = arith.constant 384 : i32
    %dma_wait3A_2501 = arith.constant 0 : i32
    %dma_wait3A_2502 = tpu.memref_slice %arg6[%dma_wait3A_2500, %dma_wait3A_2501] : memref<512x128xf32, #tpu.memory_space<vmem>> -> memref<128x128xf32, #tpu.memory_space<vmem>>
    %dma_wait3A_2503 = arith.constant 384 : i32
    %dma_wait3A_2504 = tpu.memref_slice %arg5[%dma_wait3A_2499, %dma_wait3A_2503] : memref<32x512xi32, #tpu.memory_space<vmem>> -> memref<1x128xi32, #tpu.memory_space<vmem>>
    %dma_wait3A_2505 = tpu.memref_squeeze %dma_wait3A_2504 : memref<1x128xi32, #tpu.memory_space<vmem>> -> memref<128xi32, #tpu.memory_space<vmem>>
    %dma_wait3A_2506 = arith.constant 0 : i32
    %dma_wait3A_2507 = arith.constant 0 : i32
    %dma_wait3A_2508 = tpu.memref_slice %arg3[%dma_wait3A_2506, %dma_wait3A_2507] : memref<100000x128xf32, #tpu.memory_space<hbm>> -> memref<100000x128xf32, #tpu.memory_space<hbm>>
    tpu.wait_indirect_dma semaphore(%arg8 : memref<!tpu.dma_semaphore, #tpu.memory_space<semaphore_mem>>) src(%dma_wait3A_2508 : memref<100000x128xf32, #tpu.memory_space<hbm>>) dst(%dma_wait3A_2502 : memref<128x128xf32, #tpu.memory_space<vmem>>)
    %dma_wait3A_2509 = arith.constant 27 : i32
    %dma_wait3A_2510 = arith.constant 384 : i32
    %dma_wait3A_2511 = arith.constant 0 : i32
    %dma_wait3A_2512 = tpu.memref_slice %arg6[%dma_wait3A_2510, %dma_wait3A_2511] : memref<512x128xf32, #tpu.memory_space<vmem>> -> memref<128x128xf32, #tpu.memory_space<vmem>>
    %dma_wait3A_2513 = arith.constant 384 : i32
    %dma_wait3A_2514 = tpu.memref_slice %arg5[%dma_wait3A_2509, %dma_wait3A_2513] : memref<32x512xi32, #tpu.memory_space<vmem>> -> memref<1x128xi32, #tpu.memory_space<vmem>>
    %dma_wait3A_2515 = tpu.memref_squeeze %dma_wait3A_2514 : memref<1x128xi32, #tpu.memory_space<vmem>> -> memref<128xi32, #tpu.memory_space<vmem>>
    %dma_wait3A_2516 = arith.constant 0 : i32
    %dma_wait3A_2517 = arith.constant 0 : i32
    %dma_wait3A_2518 = tpu.memref_slice %arg3[%dma_wait3A_2516, %dma_wait3A_2517] : memref<100000x128xf32, #tpu.memory_space<hbm>> -> memref<100000x128xf32, #tpu.memory_space<hbm>>
    tpu.wait_indirect_dma semaphore(%arg8 : memref<!tpu.dma_semaphore, #tpu.memory_space<semaphore_mem>>) src(%dma_wait3A_2518 : memref<100000x128xf32, #tpu.memory_space<hbm>>) dst(%dma_wait3A_2512 : memref<128x128xf32, #tpu.memory_space<vmem>>)
    %dma_wait3A_2519 = arith.constant 28 : i32
    %dma_wait3A_2520 = arith.constant 384 : i32
    %dma_wait3A_2521 = arith.constant 0 : i32
    %dma_wait3A_2522 = tpu.memref_slice %arg6[%dma_wait3A_2520, %dma_wait3A_2521] : memref<512x128xf32, #tpu.memory_space<vmem>> -> memref<128x128xf32, #tpu.memory_space<vmem>>
    %dma_wait3A_2523 = arith.constant 384 : i32
    %dma_wait3A_2524 = tpu.memref_slice %arg5[%dma_wait3A_2519, %dma_wait3A_2523] : memref<32x512xi32, #tpu.memory_space<vmem>> -> memref<1x128xi32, #tpu.memory_space<vmem>>
    %dma_wait3A_2525 = tpu.memref_squeeze %dma_wait3A_2524 : memref<1x128xi32, #tpu.memory_space<vmem>> -> memref<128xi32, #tpu.memory_space<vmem>>
    %dma_wait3A_2526 = arith.constant 0 : i32
    %dma_wait3A_2527 = arith.constant 0 : i32
    %dma_wait3A_2528 = tpu.memref_slice %arg3[%dma_wait3A_2526, %dma_wait3A_2527] : memref<100000x128xf32, #tpu.memory_space<hbm>> -> memref<100000x128xf32, #tpu.memory_space<hbm>>
    tpu.wait_indirect_dma semaphore(%arg8 : memref<!tpu.dma_semaphore, #tpu.memory_space<semaphore_mem>>) src(%dma_wait3A_2528 : memref<100000x128xf32, #tpu.memory_space<hbm>>) dst(%dma_wait3A_2522 : memref<128x128xf32, #tpu.memory_space<vmem>>)
    %dma_wait3A_2529 = arith.constant 29 : i32
    %dma_wait3A_2530 = arith.constant 384 : i32
    %dma_wait3A_2531 = arith.constant 0 : i32
    %dma_wait3A_2532 = tpu.memref_slice %arg6[%dma_wait3A_2530, %dma_wait3A_2531] : memref<512x128xf32, #tpu.memory_space<vmem>> -> memref<128x128xf32, #tpu.memory_space<vmem>>
    %dma_wait3A_2533 = arith.constant 384 : i32
    %dma_wait3A_2534 = tpu.memref_slice %arg5[%dma_wait3A_2529, %dma_wait3A_2533] : memref<32x512xi32, #tpu.memory_space<vmem>> -> memref<1x128xi32, #tpu.memory_space<vmem>>
    %dma_wait3A_2535 = tpu.memref_squeeze %dma_wait3A_2534 : memref<1x128xi32, #tpu.memory_space<vmem>> -> memref<128xi32, #tpu.memory_space<vmem>>
    %dma_wait3A_2536 = arith.constant 0 : i32
    %dma_wait3A_2537 = arith.constant 0 : i32
    %dma_wait3A_2538 = tpu.memref_slice %arg3[%dma_wait3A_2536, %dma_wait3A_2537] : memref<100000x128xf32, #tpu.memory_space<hbm>> -> memref<100000x128xf32, #tpu.memory_space<hbm>>
    tpu.wait_indirect_dma semaphore(%arg8 : memref<!tpu.dma_semaphore, #tpu.memory_space<semaphore_mem>>) src(%dma_wait3A_2538 : memref<100000x128xf32, #tpu.memory_space<hbm>>) dst(%dma_wait3A_2532 : memref<128x128xf32, #tpu.memory_space<vmem>>)
    %dma_wait3A_2539 = arith.constant 30 : i32
    %dma_wait3A_2540 = arith.constant 384 : i32
    %dma_wait3A_2541 = arith.constant 0 : i32
    %dma_wait3A_2542 = tpu.memref_slice %arg6[%dma_wait3A_2540, %dma_wait3A_2541] : memref<512x128xf32, #tpu.memory_space<vmem>> -> memref<128x128xf32, #tpu.memory_space<vmem>>
    %dma_wait3A_2543 = arith.constant 384 : i32
    %dma_wait3A_2544 = tpu.memref_slice %arg5[%dma_wait3A_2539, %dma_wait3A_2543] : memref<32x512xi32, #tpu.memory_space<vmem>> -> memref<1x128xi32, #tpu.memory_space<vmem>>
    %dma_wait3A_2545 = tpu.memref_squeeze %dma_wait3A_2544 : memref<1x128xi32, #tpu.memory_space<vmem>> -> memref<128xi32, #tpu.memory_space<vmem>>
    %dma_wait3A_2546 = arith.constant 0 : i32
    %dma_wait3A_2547 = arith.constant 0 : i32
    %dma_wait3A_2548 = tpu.memref_slice %arg3[%dma_wait3A_2546, %dma_wait3A_2547] : memref<100000x128xf32, #tpu.memory_space<hbm>> -> memref<100000x128xf32, #tpu.memory_space<hbm>>
    tpu.wait_indirect_dma semaphore(%arg8 : memref<!tpu.dma_semaphore, #tpu.memory_space<semaphore_mem>>) src(%dma_wait3A_2548 : memref<100000x128xf32, #tpu.memory_space<hbm>>) dst(%dma_wait3A_2542 : memref<128x128xf32, #tpu.memory_space<vmem>>)
    %dma_wait3A_2549 = arith.constant 31 : i32
    %dma_wait3A_2550 = arith.constant 384 : i32
    %dma_wait3A_2551 = arith.constant 0 : i32
    %dma_wait3A_2552 = tpu.memref_slice %arg6[%dma_wait3A_2550, %dma_wait3A_2551] : memref<512x128xf32, #tpu.memory_space<vmem>> -> memref<128x128xf32, #tpu.memory_space<vmem>>
    %dma_wait3A_2553 = arith.constant 384 : i32
    %dma_wait3A_2554 = tpu.memref_slice %arg5[%dma_wait3A_2549, %dma_wait3A_2553] : memref<32x512xi32, #tpu.memory_space<vmem>> -> memref<1x128xi32, #tpu.memory_space<vmem>>
    %dma_wait3A_2555 = tpu.memref_squeeze %dma_wait3A_2554 : memref<1x128xi32, #tpu.memory_space<vmem>> -> memref<128xi32, #tpu.memory_space<vmem>>
    %dma_wait3A_2556 = arith.constant 0 : i32
    %dma_wait3A_2557 = arith.constant 0 : i32
    %dma_wait3A_2558 = tpu.memref_slice %arg3[%dma_wait3A_2556, %dma_wait3A_2557] : memref<100000x128xf32, #tpu.memory_space<hbm>> -> memref<100000x128xf32, #tpu.memory_space<hbm>>
    tpu.wait_indirect_dma semaphore(%arg8 : memref<!tpu.dma_semaphore, #tpu.memory_space<semaphore_mem>>) src(%dma_wait3A_2558 : memref<100000x128xf32, #tpu.memory_space<hbm>>) dst(%dma_wait3A_2552 : memref<128x128xf32, #tpu.memory_space<vmem>>)
    %mul3A_2559 = arith.constant 512 : i32
    %mul3A_2560 = arith.muli %add3A, %mul3A_2559 : i32
    "tpu.region"() ({
      %run_scoped3A = tpu.sem_alloc : memref<!tpu.dma_semaphore, #tpu.memory_space<semaphore_mem>>
      %dma_start3A_2561 = arith.constant 0 : i32
      %dma_start3A_2562 = tpu.memref_slice %arg4[%mul3A_2560, %dma_start3A_2561] : memref<16384x128xf32, #tpu.memory_space<hbm>> -> memref<512x128xf32, #tpu.memory_space<hbm>>
      %dma_start3A_2563 = arith.constant 0 : i32
      %dma_start3A_2564 = tpu.memref_slice %arg4[%mul3A_2560, %dma_start3A_2563] : memref<16384x128xf32, #tpu.memory_space<hbm>> -> memref<512x128xf32, #tpu.memory_space<hbm>>
      tpu.enqueue_dma source(%arg6 : memref<512x128xf32, #tpu.memory_space<vmem>>) target(%dma_start3A_2564 : memref<512x128xf32, #tpu.memory_space<hbm>>) target_semaphore(%run_scoped3A : memref<!tpu.dma_semaphore, #tpu.memory_space<semaphore_mem>>)
      %dma_wait3A_2565 = arith.constant 0 : i32
      %dma_wait3A_2566 = tpu.memref_slice %arg4[%mul3A_2560, %dma_wait3A_2565] : memref<16384x128xf32, #tpu.memory_space<hbm>> -> memref<512x128xf32, #tpu.memory_space<hbm>>
      %dma_wait3A_2567 = arith.constant 0 : i32
      %dma_wait3A_2568 = tpu.memref_slice %arg4[%mul3A_2560, %dma_wait3A_2567] : memref<16384x128xf32, #tpu.memory_space<hbm>> -> memref<512x128xf32, #tpu.memory_space<hbm>>
      tpu.wait_dma2 semaphore(%run_scoped3A : memref<!tpu.dma_semaphore, #tpu.memory_space<semaphore_mem>>) src(%arg6 : memref<512x128xf32, #tpu.memory_space<vmem>>) dst(%dma_wait3A_2568 : memref<512x128xf32, #tpu.memory_space<hbm>>)
      tpu.yield
    }) : () -> ()
    return
  }
}

module attributes {stable_mosaic.version = 14 : i64} {
  func.func @mm(%arg0: i32, %arg1: memref<8192x128xf32, #tpu.memory_space<vmem>>, %arg2: memref<128x128xf32, #tpu.memory_space<vmem>>, %arg3: memref<8192x128xf32, #tpu.memory_space<vmem>>) attributes {dimension_semantics = [#tpu.dimension_semantics<arbitrary>], iteration_bounds = array<i64: 2>, scalar_prefetch = 0 : i64, scratch_operands = 0 : i64, tpu.core_type = #tpu.core_type<tc>, window_params = [{transform_indices = @transform_0, window_bounds = array<i64: 8192, 128>}, {pipeline_mode = #tpu.pipeline_mode<synchronous>, transform_indices = @transform_1, window_bounds = array<i64: 128, 128>}, {transform_indices = @transform_2, window_bounds = array<i64: 8192, 128>}]} {
    %get3A = arith.constant 0 : index
    %get3A_0 = arith.constant 0 : index
    %get3A_1 = vector.load %arg1[%get3A, %get3A_0] : memref<8192x128xf32, #tpu.memory_space<vmem>>, vector<8192x128xf32>
    %get3A_2 = arith.constant 0 : index
    %get3A_3 = arith.constant 0 : index
    %get3A_4 = vector.load %arg2[%get3A_2, %get3A_3] : memref<128x128xf32, #tpu.memory_space<vmem>>, vector<128x128xf32>
    %dot_general3A = arith.constant dense<0.000000e+00> : vector<8192x128xf32>
    %dot_general3A_5 = tpu.matmul %get3A_1, %get3A_4, %dot_general3A {dimension_numbers = #tpu.dot_dimension_numbers<[1], [1], [0], [0], [0, 0, 1, 0], [], []>, transpose_lhs_hint = false} : vector<8192x128xf32>, vector<128x128xf32>, vector<8192x128xf32> -> vector<8192x128xf32>
    %mul3A = arith.constant 3.125000e-02 : f32
    %mul3A_6 = vector.broadcast %mul3A : f32 to vector<8192x128xf32>
    %mul3A_7 = arith.mulf %dot_general3A_5, %mul3A_6 : vector<8192x128xf32>
    %swap3A = arith.constant 0 : index
    %swap3A_8 = arith.constant 0 : index
    %swap3A_9 = vector.load %arg3[%swap3A, %swap3A_8] : memref<8192x128xf32, #tpu.memory_space<vmem>>, vector<8192x128xf32>
    tpu.vector_store %arg3[%swap3A, %swap3A_8], %mul3A_7 {strides = array<i32>} : memref<8192x128xf32, #tpu.memory_space<vmem>>, vector<8192x128xf32>,
    return
  }
  func.func @transform_0(%arg0: i32) -> (i32, i32) {
    %c0_i32 = arith.constant 0 : i32
    %c0_i32_0 = arith.constant 0 : i32
    return %arg0, %c0_i32 : i32, i32
  }
  func.func @transform_1(%arg0: i32) -> (i32, i32) {
    %c0_i32 = arith.constant 0 : i32
    %c0_i32_0 = arith.constant 0 : i32
    %c0_i32_1 = arith.constant 0 : i32
    return %c0_i32, %c0_i32_0 : i32, i32
  }
  func.func @transform_2(%arg0: i32) -> (i32, i32) {
    %c0_i32 = arith.constant 0 : i32
    %c0_i32_0 = arith.constant 0 : i32
    return %arg0, %c0_i32 : i32, i32
  }
}

</mosaic_0001>

<sc_bundles>
// kernel: kernel.4.cloned.1.call-start
scs
__scs_entry_jumppad:
0x0: {  	(pc) =	sbr.rel $0x88, $3  }
0x1: {  	(tag) =	ssettag $0x0;
	lr =	simm.s32 $0x1  }
0x2: {  	[smem:$0x3F9E] =	sst lr;
	_ =	strace $0xD0000000  }
0x3: {  	_ = 	snop  }
0x4: {  	_ = 	snop  }
0x5: {  	_ = 	snop  }
0x6: {  	_ = 	snop  }
0x7: {  	_ = 	snop  }
__scs_overlays_trampoline_lowered:
0x8: {  	[smem:$0x3FAD] =	sst s0  }
0x9: {  	[smem:$0x3FAE] =	sst s1  }
0xa: {  	[smem:$0x3FAF] =	sst s2  }
0xb: {  	[smem:$0x3FB0] =	sst s3  }
0xc: {  	[smem:$0x3FB1] =	sst s4  }
0xd: {  	[smem:$0x3FB2] =	sst s5  }
0xe: {  	[smem:$0x3FB3] =	sst s6  }
0xf: {  	[smem:$0x3FB4] =	sst s7  }
0x10: {  	[smem:$0x3FB5] =	sst s8  }
0x11: {  	[smem:$0x3FB6] =	sst s9;
	s0 =	simm.s32 @!p0 $0x0  }
0x12: {  	s1 =	sld [smem:$0x3F9C];
	s0 =	simm.s32 @p0 $0x1  }
0x13: {  	[smem:$0x3FB7] =	sst s0;
	s0 =	simm.s32 @!p1 $0x0  }
0x14: {  	s2 =	sld [smem:$0x3F9B];
	s0 =	simm.s32 @p1 $0x1  }
0x15: {  	[smem:$0x3FB8] =	sst s0;
	s0 =	simm.s32 @!p2 $0x0  }
0x16: {  	s3 =	sld [smem:$0x3FDB];
	s0 =	simm.s32 @p2 $0x1  }
0x17: {  	s4 =	simm.s32 $0x1BF5;
	[smem:$0x3FBA] =	sst s0  }
0x18: {  	s0 =	sld [smem:$0x3F9D];
	_ =	swait.ge [sflag:s4], $0x0  }
0x19: {  	s7 =	sld [smem:$0x3F9E]  }
0x1a: {  	s8 =	sadd.s32 $0xFFFFE003, lr  }
0x1b: {  	s9 =	sadd.s32 $0xFFFFFEF7, lr;
	s5 =	simm.s32 $0xFFFFFFFF;
	p2 =	slt.u32 s8, $0xFFFFF086  }
0x1c: {  	p1 =	slt.u32 s9, $0xF7A;
	s5 =	simm.s32 @!p2 $0x0  }
0x1d: {  	s5 =	simm.s32 @p1 $0x1;
	p0 =	seq.s32 s7, s2  }
0x1e: {  	s7 =	smul.u32 @!p0 $0xF7A, s2;
	p2 =	seq.s32 @!p0 s5, $0x0  }
0x1f: {  	s9 =	smul.u32 $0xF7A, s1;
	s8 =	simm.s32 @!p0 $0x1BF5;
	p2 =	por !p2, p0  }
0x20: {  	[sflag:s8] =	ssyncset.s32 @!p0 $0xFFFFF086;
	s6 =	sadd.s32 @!p0 s3, s7;
	s7 =	simm.s32 @!p0 $0x108  }
0x21: {  	s3 =	sadd.s32 s3, s9;
	s6 =	sadd.s32 @!p0 $0x88, s6;
	s7 =	simm.s32 @p2 $0x1082  }
0x22: {  	[simem:s7], [sflag:s8] =	dma.local @!p0 [hbm:s6], $0xF7A  }
0x23: {  	s9 =	sor.u32 $0xD0000000, s2;
	s6 =	simm.s32 $0x108;
	_ =	swait.ge @!p0 [sflag:s8], $0x0  }
0x24: {  	s3 =	sadd.s32 $0x88, s3;
	s6 =	simm.s32 @!p1 $0x1082;
	[sflag:s4] =	ssyncset.s32 $0xFFFFF086  }
0x25: {  	[simem:s6], [sflag:s4] =	dma.local [hbm:s3], $0xF7A  }
0x26: {  	[smem:$0x3F9E] =	sst s1;
	(tag) =	ssettag s2;
	_ =	strace s9  }
0x27: {  	s1 =	sld [smem:$0x3FAE]  }
0x28: {  	s2 =	sld [smem:$0x3FAF]  }
0x29: {  	s4 =	sld [smem:$0x3FB1]  }
0x2a: {  	p0 =	seq.s32 s5, $0x0;
	s5 =	sld [smem:$0x3FB2]  }
0x2b: {  	s6 =	sld [smem:$0x3FB3]  }
0x2c: {  	s7 =	sld [smem:$0x3FB4]  }
0x2d: {  	s3 =	simm.s32 $0x108;
	s8 =	sld [smem:$0x3FB5]  }
0x2e: {  	s3 =	simm.s32 @!p0 $0x1082;
	s9 =	sld [smem:$0x3FB6]  }
0x2f: {  	lr =	sadd.s32 s0, s3;
	s0 =	sld [smem:$0x3FAD]  }
0x30: {  	s3 =	sld [smem:$0x3FB0]  }
0x31: {  	[smem:$0x3FB9] =	sst s10  }
0x32: {  	s10 =	sld [smem:$0x3FB7];
	_ =	sdelay $0x3  }
0x33: {  	p0 =	seq.s32 s10, $0x1;
	s10 =	sld [smem:$0x3FB9];
	_ =	sdelay $0x3  }
0x34: {  	[smem:$0x3FB9] =	sst s10  }
0x35: {  	s10 =	sld [smem:$0x3FB8];
	_ =	sdelay $0x3  }
0x36: {  	p1 =	seq.s32 s10, $0x1;
	s10 =	sld [smem:$0x3FB9];
	_ =	sdelay $0x3  }
0x37: {  	[smem:$0x3FB9] =	sst s10  }
0x38: {  	s10 =	sld [smem:$0x3FBA]  }
0x39: {  	_ = 	snop;
	(pc) =	sbr.ind lr, $3  }
0x3a: {  	_ = 	snop  }
0x3b: {  	_ = 	snop  }
0x3c: {  	p2 =	seq.s32 s10, $0x1;
	s10 =	sld [smem:$0x3FB9]  }
0x3d: {  	_ =	shalt  }
0x3e: {  	_ =	shalt  }
0x3f: {  	_ =	shalt  }
0x40: {  	_ =	shalt  }
0x41: {  	_ =	shalt  }
0x42: {  	_ =	shalt  }
0x43: {  	_ =	shalt  }
0x44: {  	_ =	shalt  }
0x45: {  	_ =	shalt  }
0x46: {  	_ =	shalt  }
0x47: {  	_ =	shalt  }
0x48: {  	_ =	shalt  }
0x49: {  	_ =	shalt  }
0x4a: {  	_ =	shalt  }
0x4b: {  	_ =	shalt  }
0x4c: {  	_ =	shalt  }
0x4d: {  	_ =	shalt  }
0x4e: {  	_ =	shalt  }
0x4f: {  	_ =	shalt  }
0x50: {  	_ =	shalt  }
0x51: {  	_ =	shalt  }
0x52: {  	_ =	shalt  }
0x53: {  	_ =	shalt  }
0x54: {  	_ =	shalt  }
0x55: {  	_ =	shalt  }
0x56: {  	_ =	shalt  }
0x57: {  	_ =	shalt  }
0x58: {  	_ =	shalt  }
0x59: {  	_ =	shalt  }
0x5a: {  	_ =	shalt  }
0x5b: {  	_ =	shalt  }
0x5c: {  	_ =	shalt  }
0x5d: {  	_ =	shalt  }
0x5e: {  	_ =	shalt  }
0x5f: {  	_ =	shalt  }
0x60: {  	_ =	shalt  }
0x61: {  	_ =	shalt  }
0x62: {  	_ =	shalt  }
0x63: {  	_ =	shalt  }
0x64: {  	_ =	shalt  }
0x65: {  	_ =	shalt  }
0x66: {  	_ =	shalt  }
0x67: {  	_ =	shalt  }
0x68: {  	_ =	shalt  }
0x69: {  	_ =	shalt  }
0x6a: {  	_ =	shalt  }
0x6b: {  	_ =	shalt  }
0x6c: {  	_ =	shalt  }
0x6d: {  	_ =	shalt  }
0x6e: {  	_ =	shalt  }
0x6f: {  	_ =	shalt  }
0x70: {  	_ =	shalt  }
0x71: {  	_ =	shalt  }
0x72: {  	_ =	shalt  }
0x73: {  	_ =	shalt  }
0x74: {  	_ =	shalt  }
0x75: {  	_ =	shalt  }
0x76: {  	_ =	shalt  }
0x77: {  	_ =	shalt  }
0x78: {  	_ =	shalt  }
0x79: {  	_ =	shalt  }
0x7a: {  	_ =	shalt  }
0x7b: {  	_ =	shalt  }
0x7c: {  	_ =	shalt  }
0x7d: {  	_ =	shalt  }
0x7e: {  	_ =	shalt  }
0x7f: {  	_ =	shalt  }
0x80: {  	_ =	shalt  }
0x81: {  	_ =	shalt  }
0x82: {  	_ =	shalt  }
0x83: {  	_ =	shalt  }
0x84: {  	_ =	shalt  }
0x85: {  	_ =	shalt  }
0x86: {  	_ =	shalt  }
0x87: {  	_ =	shalt  }
.Lfunc_end0:
.L_simem_size_0:
called_computation_lowered:
.L_overlay_start_0:
0x88: {  	s2 =	sld [smem:$0x3FD9]  }
0x89: {  	s3 =	sld [smem:$0x3FFE];
	_ =	sdelay $0x1  }
0x8a: {  	s1 =	srdreg.scid  }
0x8b: {  	s0 =	sand.u32 $0x1, s1  }
0x8c: {  	s17 =	sshll.u32 s0, $0xA;
	s2 =	sadd.s32 s3, s2  }
0x8d: {  	s2 =	sadd.s32 s2, s17  }
0x8e: {  	[smem:$0x3FC5] =	sst s2  }
0x8f: {  	_ = 	snop  }
0x90: {  	s2 =	sld [smem:$0x3FC8]  }
0x91: {  	s18 =	sld [smem:$0x3FD0];
	(tm) =	ssettm $0x1  }
0x92: {  	s4 =	sld [smem:$0x3FFB];
	_ =	sdelay $0x3  }
0x93: {  	_ =	strace s4  }
0x94: {  	s4 =	sld [smem:$0x3FFC];
	_ =	sdelay $0x3  }
0x95: {  	_ =	strace s4  }
0x96: {  	s4 =	sld [smem:$0x3FFD];
	_ =	sdelay $0x3  }
0x97: {  	_ =	strace s4  }
0x98: {  	_ =	strace $0x8FFFFFFF  }
0x99: {  	s19 =	sld [smem:$0x3FDB];
	_ =	sdelay $0x1  }
0x9a: {  	s5 =	simm.s32 $_scs_section_size  }
0x9b: {  	s6 =	simm.s32 $_size__tile_overlayer_lowered;
	s7 =	simm.s32 $_tile_overlayer_lowered  }
0x9c: {  	s22 =	simm.s32 $0x1BFF;
	s21 =	sshll.u32 s7, $0x1;
	s4 =	sadd.s32 s5, s19  }
0x9d: {  	s8 =	simm.s32 $0x0;
	s20 =	sshll.u32 s6, $0x1;
	s6 =	sadd.s32 s21, s4  }
0x9e: {  	[timem:s8], [sflag:s22] =	dma.local [hbm:s6], s20  }
0x9f: {  	_ =	swait.ge [sflag:s22], s20  }
0xa0: {  	s5 =	ssub.s32 $0x0, s20;
	[sflag:s22] =	ssyncset.done $0x0  }
0xa1: {  	[sflag:s22] =	ssyncadd.s32 s5;
	_ =	sdelay $0x1  }
0xa2: {  	s23 =	simm.s32 $0x1B8B  }
0xa3: {  	_ =	swait.ge [sflag:s23], $0x1  }
0xa4: {  	[sflag:s23] =	ssyncset.done $0x0  }
0xa5: {  	s25 =	simm.s32 $0x1B8E;
	s24 =	sld [smem:$0x3FFE];
	[sflag:s23] =	ssyncadd.s32 $0xFFFFFFFF  }
0xa6: {  	s26 =	simm.s32 $execute0_lowered;
	[smem:$0x3FD2] =	sst s25  }
0xa7: {  	s6 =	sshll.u32 s26, $0x1;
	_ =	strace $0x80000046;
	[dreg:$0x1] =	wrdreg $0xFFFFFFFF  }
0xa8: {  	s28 =	simm.s32 $_size_execute0_lowered;
	s4 =	sadd.s32 s4, s6;
	[dreg:$0x0] =	wrdreg $0x0  }
0xa9: {  	s6 =	sshll.u32 s28, $0x1;
	[dreg:$0x2] =	wrdreg s4  }
0xaa: {  	[dreg:$0x3] =	wrdreg s6  }
0xab: {  	[dreg:$0x4] =	wrdreg $0xC0  }
0xac: {  	_ =	task [dreg:s8], $0x5FFFF  }
0xad: {  	[dreg:$0x1] =	wrdreg $0xFFFFFFFF  }
0xae: {  	[dreg:$0x0] =	wrdreg $0x60  }
0xaf: {  	[dreg:$0x2] =	wrdreg s24  }
0xb0: {  	[dreg:$0x3] =	wrdreg s2  }
0xb1: {  	[dreg:$0x4] =	wrdreg s18  }
0xb2: {  	[dreg:$0x5] =	wrdreg $0x9  }
0xb3: {  	_ =	task.clear_ibuf [dreg:s8], $0x6FFFF;
	_ =	strace $0x90000046  }
0xb4: {  	s29 =	simm.s32 $0x9;
	_ =	strace $0x80000048  }
0xb5: {  	_ =	swait.ge [sflag:s29], $0x1  }
0xb6: {  	[sflag:s29] =	ssyncadd.s32 $0xFFFFFFFF  }
0xb7: {  	_ =	strace $0x90000048  }
0xb8: {  	_ =	sfence  }
0xb9: {  	s30 =	sld [smem:$0x0];
	_ =	sdelay $0x2  }
0xba: {  	s31 =	sshll.u32 s1, $0xD;
	s1 =	sshrl.u32 s1, $0x2  }
0xbb: {  	s3 =	sand.u32 $0x4000, s31;
	s1 =	sadd.s32 s1, s30  }
0xbc: {  	s0 =	sor.u32 s3, s0;
	s1 =	sshll.u32 s1, $0x11  }
0xbd: {  	s0 =	sor.u32 s1, s0  }
0xbe: {  	s0 =	sadd.s32 $0x8F2B, s0  }
0xbf: {  	[sflag:s0] =	ssyncadd.remote.s32 $0x1  }
0xc0: {  	_ =	sfence.sel $0xFFFF  }
0xc1: {  	[dreg:$0x0] =	wrdreg $0xFFFFFFFF;
	(pc) =	sbr.abs _section_cstart, $3  }
0xc2: {  	[dreg:$0x1] =	wrdreg $0xFFFFFFFF  }
0xc3: {  	_ =	task.clear_ibuf [dreg:s8], $0x2FFFF;
	_ =	strace $0x9FFFFFFF  }
0xc4: {  	(tm) =	ssettm $0x7FFFFFFF  }
0xc5: {  	_ =	shalt  }
tec
execute0_lowered:
.L_overlay_start_1:
0x0: {  	(tag) =	ssettag $0x1  }
0x1: {  	s0 =	rddreg [dreg:$0x0]  }
0x2: {  	s1 =	srdreg.scid;
	s2 =	stileid.u32  }
0x3: {  	s6 =	rddreg [dreg:$0x1];
	s1 =	sand.u32 $0x1, s1;
	s2 =	sshll.u32 s2, $0x1  }
0x4: {  	s3 =	rddreg [dreg:$0x2];
	s4 =	sor.u32 s1, s2;
	s2 =	simm.s32 $0x0  }
0x5: {  	s11 =	simm.s32 $0x400;
	[smem:$0x7FF] =	sst s2  }
0x6: {  	s12 =	simm.s32 $0x800;
	_ =	strace $0x80000047;
	[dreg:$0x6] =	wrdreg s11  }
0x7: {  	s13 =	simm.s32 $0xC00;
	[dreg:$0x7] =	wrdreg s12  }
0x8: {  	s14 =	simm.s32 $0x100;
	[dreg:$0x8] =	wrdreg s13  }
0x9: {  	s15 =	simm.s32 $0x180;
	[dreg:$0x9] =	wrdreg s14  }
0xa: {  	s16 =	simm.s32 $0x200;
	[dreg:$0xa] =	wrdreg s15  }
0xb: {  	s17 =	simm.s32 $0x280;
	[dreg:$0xb] =	wrdreg s16  }
0xc: {  	s18 =	simm.s32 $0x300;
	[dreg:$0xc] =	wrdreg s17  }
0xd: {  	s19 =	simm.s32 $0x380;
	[dreg:$0xd] =	wrdreg s18  }
0xe: {  	s20 =	simm.s32 $0x1000;
	[dreg:$0xe] =	wrdreg s19  }
0xf: {  	s21 =	simm.s32 $0x1080;
	[dreg:$0xf] =	wrdreg s20  }
0x10: {  	s22 =	simm.s32 $0x1100;
	[dreg:$0x10] =	wrdreg s21  }
0x11: {  	s23 =	simm.s32 $0x1180;
	[dreg:$0x11] =	wrdreg s22  }
0x12: {  	s24 =	simm.s32 $0x1200;
	[dreg:$0x12] =	wrdreg s23  }
0x13: {  	s25 =	simm.s32 $0x1280;
	[dreg:$0x13] =	wrdreg s24  }
0x14: {  	s26 =	simm.s32 $0x1300;
	[dreg:$0x14] =	wrdreg s25  }
0x15: {  	s7 =	simm.s32 $0x2100;
	[dreg:$0x15] =	wrdreg s26  }
0x16: {  	s8 =	simm.s32 $0x2180;
	s9 =	simm.s32 $0x2200;
	[dreg:$0x19] =	wrdreg s7  }
0x17: {  	s5 =	sshll.u32 s4, $0xB;
	s4 =	sshll.u32 s4, $0xD;
	[dreg:$0x1a] =	wrdreg s8  }
0x18: {  	s10 =	sadd.s32 s3, s4;
	[dreg:$0x1b] =	wrdreg s9  }
0x19: {  	s3 =	simm.s32 $0x1380;
	[dreg:$0x5] =	wrdreg s10  }
0x1a: {  	s4 =	simm.s32 $0x2000;
	[dreg:$0x16] =	wrdreg s3  }
0x1b: {  	s0 =	sadd.s32 s5, s0;
	s5 =	simm.s32 $0x2080;
	[dreg:$0x17] =	wrdreg s4  }
0x1c: {  	s11 =	simm.s32 $0x2300;
	[dreg:$0x18] =	wrdreg s5  }
0x1d: {  	s12 =	simm.s32 $0x2380;
	[dreg:$0x1d] =	wrdreg s11  }
0x1e: {  	s13 =	simm.s32 $0x3000;
	[dreg:$0x1e] =	wrdreg s12  }
0x1f: {  	s14 =	simm.s32 $0x3080;
	[dreg:$0x1f] =	wrdreg s13  }
0x20: {  	s15 =	simm.s32 $0x3100;
	[smem:$0x7AD] =	sst s14  }
0x21: {  	s16 =	simm.s32 $0x3180;
	[smem:$0x7AE] =	sst s15  }
0x22: {  	s17 =	simm.s32 $0x3200;
	[smem:$0x7AF] =	sst s16  }
0x23: {  	s18 =	simm.s32 $0x3280;
	[smem:$0x7B0] =	sst s17  }
0x24: {  	s19 =	simm.s32 $0x3300;
	[smem:$0x7B1] =	sst s18  }
0x25: {  	s20 =	simm.s32 $0x3380;
	[smem:$0x7B2] =	sst s19  }
0x26: {  	s21 =	simm.s32 $0x480;
	[smem:$0x7B3] =	sst s20  }
0x27: {  	s22 =	simm.s32 $0x500;
	[smem:$0x7B4] =	sst s21  }
0x28: {  	s23 =	simm.s32 $0x580;
	[smem:$0x7B5] =	sst s22  }
0x29: {  	s24 =	simm.s32 $0x600;
	[smem:$0x7B6] =	sst s23  }
0x2a: {  	s25 =	simm.s32 $0x680;
	[smem:$0x7B7] =	sst s24  }
0x2b: {  	s26 =	simm.s32 $0x700;
	[smem:$0x7B8] =	sst s25  }
0x2c: {  	s7 =	simm.s32 $0x1500;
	[smem:$0x7B9] =	sst s26  }
0x2d: {  	s8 =	simm.s32 $0x1580;
	[smem:$0x7BD] =	sst s7  }
0x2e: {  	s9 =	simm.s32 $0x1600;
	[smem:$0x7BE] =	sst s8  }
0x2f: {  	s0 =	sadd.s32 $0x800, s0;
	[smem:$0x7BF] =	sst s9  }
0x30: {  	s10 =	simm.s32 $0x2280;
	[dreg:$0x4] =	wrdreg s0  }
0x31: {  	s3 =	simm.s32 $0x780;
	[dreg:$0x1c] =	wrdreg s10  }
0x32: {  	s4 =	simm.s32 $0x1400;
	[smem:$0x7BA] =	sst s3  }
0x33: {  	s5 =	simm.s32 $0x1480;
	[smem:$0x7BB] =	sst s4  }
0x34: {  	s11 =	simm.s32 $0x1700;
	[smem:$0x7BC] =	sst s5  }
0x35: {  	s12 =	simm.s32 $0x1780;
	[smem:$0x7C1] =	sst s11  }
0x36: {  	s13 =	simm.s32 $0x2400;
	[smem:$0x7C2] =	sst s12  }
0x37: {  	s14 =	simm.s32 $0x2480;
	[smem:$0x7C3] =	sst s13  }
0x38: {  	s15 =	simm.s32 $0x2500;
	[smem:$0x7C4] =	sst s14  }
0x39: {  	s16 =	simm.s32 $0x2580;
	[smem:$0x7C5] =	sst s15  }
0x3a: {  	s17 =	simm.s32 $0x2600;
	[smem:$0x7C6] =	sst s16  }
0x3b: {  	s18 =	simm.s32 $0x2680;
	[smem:$0x7C7] =	sst s17  }
0x3c: {  	s19 =	simm.s32 $0x2700;
	[smem:$0x7C8] =	sst s18  }
0x3d: {  	s20 =	simm.s32 $0x2780;
	[smem:$0x7C9] =	sst s19  }
0x3e: {  	s21 =	simm.s32 $0x3400;
	[smem:$0x7CA] =	sst s20  }
0x3f: {  	s22 =	simm.s32 $0x3480;
	[smem:$0x7CB] =	sst s21  }
0x40: {  	s23 =	simm.s32 $0x3500;
	[smem:$0x7CC] =	sst s22  }
0x41: {  	s24 =	simm.s32 $0x3580;
	[smem:$0x7CD] =	sst s23  }
0x42: {  	s25 =	simm.s32 $0x3600;
	[smem:$0x7CE] =	sst s24  }
0x43: {  	s26 =	simm.s32 $0x3680;
	[smem:$0x7CF] =	sst s25  }
0x44: {  	s7 =	simm.s32 $0x900;
	[smem:$0x7D0] =	sst s26  }
0x45: {  	s8 =	simm.s32 $0x980;
	[smem:$0x7D4] =	sst s7  }
0x46: {  	s9 =	simm.s32 $0xA00;
	[smem:$0x7D5] =	sst s8  }
0x47: {  	s10 =	simm.s32 $0x1680;
	[smem:$0x7D6] =	sst s9  }
0x48: {  	s3 =	simm.s32 $0x3700;
	[smem:$0x7C0] =	sst s10  }
0x49: {  	s4 =	simm.s32 $0x3780;
	[smem:$0x7D1] =	sst s3  }
0x4a: {  	s5 =	simm.s32 $0x880;
	[smem:$0x7D2] =	sst s4  }
0x4b: {  	s11 =	simm.s32 $0xB00;
	[smem:$0x7D3] =	sst s5  }
0x4c: {  	s12 =	simm.s32 $0xB80;
	[smem:$0x7D8] =	sst s11  }
0x4d: {  	s13 =	simm.s32 $0x1800;
	[smem:$0x7D9] =	sst s12  }
0x4e: {  	s14 =	simm.s32 $0x1880;
	[smem:$0x7DA] =	sst s13  }
0x4f: {  	s15 =	simm.s32 $0x1900;
	[smem:$0x7DB] =	sst s14  }
0x50: {  	s16 =	simm.s32 $0x1980;
	[smem:$0x7DC] =	sst s15  }
0x51: {  	s17 =	simm.s32 $0x1A00;
	[smem:$0x7DD] =	sst s16  }
0x52: {  	s18 =	simm.s32 $0x1A80;
	[smem:$0x7DE] =	sst s17  }
0x53: {  	s19 =	simm.s32 $0x1B00;
	[smem:$0x7DF] =	sst s18  }
0x54: {  	s20 =	simm.s32 $0x1B80;
	[smem:$0x7E0] =	sst s19  }
0x55: {  	s21 =	simm.s32 $0x2800;
	[smem:$0x7E1] =	sst s20  }
0x56: {  	s22 =	simm.s32 $0x2880;
	[smem:$0x7E2] =	sst s21  }
0x57: {  	s23 =	simm.s32 $0x2900;
	[smem:$0x7E3] =	sst s22  }
0x58: {  	s24 =	simm.s32 $0x2980;
	[smem:$0x7E4] =	sst s23  }
0x59: {  	s25 =	simm.s32 $0x2A00;
	[smem:$0x7E5] =	sst s24  }
0x5a: {  	s26 =	simm.s32 $0x2A80;
	[smem:$0x7E6] =	sst s25  }
0x5b: {  	s7 =	simm.s32 $0x3880;
	[smem:$0x7E7] =	sst s26  }
0x5c: {  	s8 =	simm.s32 $0x3900;
	[smem:$0x7EB] =	sst s7  }
0x5d: {  	s9 =	simm.s32 $0x3980;
	[smem:$0x7EC] =	sst s8  }
0x5e: {  	[smem:$0x7ED] =	sst s9  }
0x5f: {  	s10 =	simm.s32 $0xA80;
	s0 =	rddreg [dreg:$0x4]  }
0x60: {  	s3 =	simm.s32 $0x2B00;
	[smem:$0x7D7] =	sst s10  }
0x61: {  	s4 =	simm.s32 $0x2B80;
	[smem:$0x7E8] =	sst s3  }
0x62: {  	s5 =	simm.s32 $0x3800;
	[smem:$0x7E9] =	sst s4  }
0x63: {  	s11 =	simm.s32 $0x3A80;
	[smem:$0x7EA] =	sst s5  }
0x64: {  	s12 =	simm.s32 $0x3B00;
	[smem:$0x7EF] =	sst s11  }
0x65: {  	s30 =	simm.s32 $0x8000;
	s13 =	simm.s32 $0x3B80;
	[smem:$0x7F0] =	sst s12  }
0x66: {  	s29 =	simm.s32 $0xC000;
	s14 =	simm.s32 $0xC80;
	[smem:$0x7F1] =	sst s13  }
0x67: {  	s31 =	simm.s32 $0x1;
	s15 =	simm.s32 $0xD00;
	[smem:$0x7F2] =	sst s14  }
0x68: {  	p0 =	por $0x0, $0x0;
	s16 =	simm.s32 $0xD80;
	[smem:$0x7F3] =	sst s15  }
0x69: {  	s28 =	simm.s32 $0x3F00;
	s17 =	simm.s32 $0xE00;
	[smem:$0x7F4] =	sst s16  }
0x6a: {  	s1 =	ssub.s32 $0x2, s1;
	s19 =	simm.s32 $0xE80;
	[smem:$0x7F5] =	sst s17  }
0x6b: {  	s18 =	sshrl.u32 s1, $0x1;
	s20 =	simm.s32 $0xF00;
	[smem:$0x7F6] =	sst s19  }
0x6c: {  	s21 =	simm.s32 $0xF80;
	s22 =	simm.s32 $0x1C00;
	[smem:$0x7F7] =	sst s20  }
0x6d: {  	s7 =	simm.s32 $0x80;
	s23 =	simm.s32 $0x1C80;
	[smem:$0x7F8] =	sst s21  }
0x6e: {  	s24 =	simm.s32 $0x1D00;
	s25 =	simm.s32 $0x1D80;
	[smem:$0x7F9] =	sst s22  }
0x6f: {  	s26 =	simm.s32 $0x1E00;
	s8 =	simm.s32 $0x10000;
	[smem:$0x7FA] =	sst s23  }
0x70: {  	s10 =	simm.s32 $0x3A00;
	s1 =	ssub.s32 s1, s18;
	[smem:$0x7FB] =	sst s24  }
0x71: {  	s3 =	simm.s32 $0x3;
	s4 =	simm.s32 $0x4000;
	[smem:$0x7FC] =	sst s25  }
0x72: {  	[smem:$0x7FD] =	sst s26;
	s11 =	simm.s32 $0x1F00;
	s12 =	simm.s32 $0x1F80  }
0x73: {  	s13 =	simm.s32 $0x2C00;
	s14 =	simm.s32 $0x2C80;
	s1 =	smax.u32 s1, $0x1  }
0x74: {  	s15 =	simm.s32 $0x2D00;
	s16 =	simm.s32 $0x2D80;
	p1 =	sne.s32 s1, $0x1  }
.Ltmp0:
0x75: {  	s17 =	simm.s32 $0x2E00;
	s18 =	simm.s32 $0x2E80;
	(pc) =	sbr.rel @!p1 .LBB2_1-.Ltmp0, $4  }
0x76: {  	s19 =	simm.s32 $0x2F00;
	s20 =	simm.s32 $0x2F80;
	s21 =	simm.s32 $0x3C00  }
0x77: {  	s22 =	simm.s32 $0x3C80;
	s23 =	simm.s32 $0x3D00;
	s24 =	simm.s32 $0x3D80  }
0x78: {  	s25 =	simm.s32 $0x3E00;
	s26 =	simm.s32 $0x3E80;
	s5 =	simm.s32 $0x2  }
0x79: {  	[smem:$0x7EE] =	sst s10;
	s10 =	simm.s32 $0x3F80;
	s9 =	sadd.s32 $0xFFFFFFFF, s1  }
0x7a: {  	[tilespmem:s2], [sflag:$0x3] =	stream.linear.gather [hbm4b:s0+s2], $0x4000, $0x38;
	[tilespmem:$0x14000] =	vst v63  }
0x7b: {  	_ =	swait.ge [sflag:s3], $0x4000  }
0x7c: {  	[sflag:s3] =	ssyncset.done $0x0  }
0x7d: {  	[sflag:s3] =	ssyncadd.s32 $0xFFFFC000  }
0x7e: {  	[tilespmem:s4], [sflag:$0x1] =	stream.indirect.gather [hbm4b:s6+s7], $0x80, s2, s7, $0xb8;
	[tilespmem:$0x14000] =	vst v63  }
0x7f: {  	s0 =	rddreg [dreg:$0x6]  }
0x80: {  	[tilespmem:s30], [sflag:$0x1] =	stream.indirect.gather [hbm4b:s6+s7], $0x80, s0, s7, $0xb8;
	[tilespmem:$0x14000] =	vst v63  }
0x81: {  	s1 =	rddreg [dreg:$0x7]  }
0x82: {  	[tilespmem:s29], [sflag:$0x1] =	stream.indirect.gather [hbm4b:s6+s7], $0x80, s1, s7, $0xb8;
	[tilespmem:$0x14000] =	vst v63  }
0x83: {  	s0 =	rddreg [dreg:$0x8]  }
0x84: {  	[tilespmem:s8], [sflag:$0x1] =	stream.indirect.gather [hbm4b:s6+s7], $0x80, s0, s7, $0xb8;
	[tilespmem:$0x14000] =	vst v63  }
0x85: {  	_ =	swait.ge [sflag:s31], $0x4000  }
0x86: {  	[sflag:s31] =	ssyncset.done $0x0  }
0x87: {  	[sflag:s31] =	ssyncadd.s32 $0xFFFFC000  }
0x88: {  	_ =	swait.ge [sflag:s31], $0x4000  }
0x89: {  	[sflag:s31] =	ssyncset.done $0x0  }
0x8a: {  	[sflag:s31] =	ssyncadd.s32 $0xFFFFC000  }
0x8b: {  	_ =	swait.ge [sflag:s31], $0x4000  }
0x8c: {  	[sflag:s31] =	ssyncset.done $0x0  }
0x8d: {  	[sflag:s31] =	ssyncadd.s32 $0xFFFFC000  }
0x8e: {  	_ =	swait.ge [sflag:s31], $0x4000  }
0x8f: {  	[sflag:s31] =	ssyncset.done $0x0  }
0x90: {  	s0 =	rddreg [dreg:$0x9];
	[sflag:s31] =	ssyncadd.s32 $0xFFFFC000  }
0x91: {  	[tilespmem:s4], [sflag:$0x2] =	stream.indirect.gather.add.f32 [hbm:s6], $0x80, s7, s7, $0xb8;
	[tilespmem:$0x14000] =	vst v63  }
0x92: {  	s1 =	rddreg [dreg:$0xa]  }
0x93: {  	[tilespmem:s4], [sflag:$0x2] =	stream.indirect.gather.add.f32 [hbm:s6], $0x80, s0, s7, $0xb8;
	[tilespmem:$0x14000] =	vst v63  }
0x94: {  	s0 =	rddreg [dreg:$0xb]  }
0x95: {  	[tilespmem:s4], [sflag:$0x2] =	stream.indirect.gather.add.f32 [hbm:s6], $0x80, s1, s7, $0xb8;
	[tilespmem:$0x14000] =	vst v63  }
0x96: {  	s1 =	rddreg [dreg:$0xc]  }
0x97: {  	[tilespmem:s4], [sflag:$0x2] =	stream.indirect.gather.add.f32 [hbm:s6], $0x80, s0, s7, $0xb8;
	[tilespmem:$0x14000] =	vst v63  }
0x98: {  	s0 =	rddreg [dreg:$0xd]  }
0x99: {  	[tilespmem:s4], [sflag:$0x2] =	stream.indirect.gather.add.f32 [hbm:s6], $0x80, s1, s7, $0xb8;
	[tilespmem:$0x14000] =	vst v63  }
0x9a: {  	s1 =	rddreg [dreg:$0xe]  }
0x9b: {  	[tilespmem:s4], [sflag:$0x2] =	stream.indirect.gather.add.f32 [hbm:s6], $0x80, s0, s7, $0xb8;
	[tilespmem:$0x14000] =	vst v63  }
0x9c: {  	s0 =	rddreg [dreg:$0xf]  }
0x9d: {  	[tilespmem:s4], [sflag:$0x2] =	stream.indirect.gather.add.f32 [hbm:s6], $0x80, s1, s7, $0xb8;
	[tilespmem:$0x14000] =	vst v63  }
0x9e: {  	s1 =	rddreg [dreg:$0x10]  }
0x9f: {  	[tilespmem:s4], [sflag:$0x2] =	stream.indirect.gather.add.f32 [hbm:s6], $0x80, s0, s7, $0xb8;
	[tilespmem:$0x14000] =	vst v63  }
0xa0: {  	s0 =	rddreg [dreg:$0x11]  }
0xa1: {  	[tilespmem:s4], [sflag:$0x2] =	stream.indirect.gather.add.f32 [hbm:s6], $0x80, s1, s7, $0xb8;
	[tilespmem:$0x14000] =	vst v63  }
0xa2: {  	s1 =	rddreg [dreg:$0x12]  }
0xa3: {  	[tilespmem:s4], [sflag:$0x2] =	stream.indirect.gather.add.f32 [hbm:s6], $0x80, s0, s7, $0xb8;
	[tilespmem:$0x14000] =	vst v63  }
0xa4: {  	s0 =	rddreg [dreg:$0x13]  }
0xa5: {  	[tilespmem:s4], [sflag:$0x2] =	stream.indirect.gather.add.f32 [hbm:s6], $0x80, s1, s7, $0xb8;
	[tilespmem:$0x14000] =	vst v63  }
0xa6: {  	s1 =	rddreg [dreg:$0x14]  }
0xa7: {  	[tilespmem:s4], [sflag:$0x2] =	stream.indirect.gather.add.f32 [hbm:s6], $0x80, s0, s7, $0xb8;
	[tilespmem:$0x14000] =	vst v63  }
0xa8: {  	s0 =	rddreg [dreg:$0x15]  }
0xa9: {  	[tilespmem:s4], [sflag:$0x2] =	stream.indirect.gather.add.f32 [hbm:s6], $0x80, s1, s7, $0xb8;
	[tilespmem:$0x14000] =	vst v63  }
0xaa: {  	s1 =	rddreg [dreg:$0x16]  }
0xab: {  	[tilespmem:s4], [sflag:$0x2] =	stream.indirect.gather.add.f32 [hbm:s6], $0x80, s0, s7, $0xb8;
	[tilespmem:$0x14000] =	vst v63  }
0xac: {  	s0 =	rddreg [dreg:$0x17]  }
0xad: {  	[tilespmem:s4], [sflag:$0x2] =	stream.indirect.gather.add.f32 [hbm:s6], $0x80, s1, s7, $0xb8;
	[tilespmem:$0x14000] =	vst v63  }
0xae: {  	s1 =	rddreg [dreg:$0x18]  }
0xaf: {  	[tilespmem:s4], [sflag:$0x2] =	stream.indirect.gather.add.f32 [hbm:s6], $0x80, s0, s7, $0xb8;
	[tilespmem:$0x14000] =	vst v63  }
0xb0: {  	s0 =	rddreg [dreg:$0x19]  }
0xb1: {  	[tilespmem:s4], [sflag:$0x2] =	stream.indirect.gather.add.f32 [hbm:s6], $0x80, s1, s7, $0xb8;
	[tilespmem:$0x14000] =	vst v63  }
0xb2: {  	s1 =	rddreg [dreg:$0x1a]  }
0xb3: {  	[tilespmem:s4], [sflag:$0x2] =	stream.indirect.gather.add.f32 [hbm:s6], $0x80, s0, s7, $0xb8;
	[tilespmem:$0x14000] =	vst v63  }
0xb4: {  	s0 =	rddreg [dreg:$0x1b]  }
0xb5: {  	[tilespmem:s4], [sflag:$0x2] =	stream.indirect.gather.add.f32 [hbm:s6], $0x80, s1, s7, $0xb8;
	[tilespmem:$0x14000] =	vst v63  }
0xb6: {  	s1 =	rddreg [dreg:$0x1c]  }
0xb7: {  	[tilespmem:s4], [sflag:$0x2] =	stream.indirect.gather.add.f32 [hbm:s6], $0x80, s0, s7, $0xb8;
	[tilespmem:$0x14000] =	vst v63  }
0xb8: {  	s0 =	rddreg [dreg:$0x1d]  }
0xb9: {  	[tilespmem:s4], [sflag:$0x2] =	stream.indirect.gather.add.f32 [hbm:s6], $0x80, s1, s7, $0xb8;
	[tilespmem:$0x14000] =	vst v63  }
0xba: {  	s1 =	rddreg [dreg:$0x1e]  }
0xbb: {  	[tilespmem:s4], [sflag:$0x2] =	stream.indirect.gather.add.f32 [hbm:s6], $0x80, s0, s7, $0xb8;
	[tilespmem:$0x14000] =	vst v63  }
0xbc: {  	s0 =	rddreg [dreg:$0x1f]  }
0xbd: {  	[tilespmem:s4], [sflag:$0x2] =	stream.indirect.gather.add.f32 [hbm:s6], $0x80, s1, s7, $0xb8;
	[tilespmem:$0x14000] =	vst v63  }
0xbe: {  	s1 =	sld [smem:$0x7AD]  }
0xbf: {  	[tilespmem:s4], [sflag:$0x2] =	stream.indirect.gather.add.f32 [hbm:s6], $0x80, s0, s7, $0xb8;
	[tilespmem:$0x14000] =	vst v63  }
0xc0: {  	s0 =	sld [smem:$0x7AE]  }
0xc1: {  	[tilespmem:s4], [sflag:$0x2] =	stream.indirect.gather.add.f32 [hbm:s6], $0x80, s1, s7, $0xb8;
	[tilespmem:$0x14000] =	vst v63  }
0xc2: {  	s1 =	sld [smem:$0x7AF]  }
0xc3: {  	[tilespmem:s4], [sflag:$0x2] =	stream.indirect.gather.add.f32 [hbm:s6], $0x80, s0, s7, $0xb8;
	[tilespmem:$0x14000] =	vst v63  }
0xc4: {  	s0 =	sld [smem:$0x7B0]  }
0xc5: {  	[tilespmem:s4], [sflag:$0x2] =	stream.indirect.gather.add.f32 [hbm:s6], $0x80, s1, s7, $0xb8;
	[tilespmem:$0x14000] =	vst v63  }
0xc6: {  	s1 =	sld [smem:$0x7B1]  }
0xc7: {  	[tilespmem:s4], [sflag:$0x2] =	stream.indirect.gather.add.f32 [hbm:s6], $0x80, s0, s7, $0xb8;
	[tilespmem:$0x14000] =	vst v63  }
0xc8: {  	s0 =	sld [smem:$0x7B2]  }
0xc9: {  	[tilespmem:s4], [sflag:$0x2] =	stream.indirect.gather.add.f32 [hbm:s6], $0x80, s1, s7, $0xb8;
	[tilespmem:$0x14000] =	vst v63  }
0xca: {  	s1 =	sld [smem:$0x7B3]  }
0xcb: {  	[tilespmem:s4], [sflag:$0x2] =	stream.indirect.gather.add.f32 [hbm:s6], $0x80, s0, s7, $0xb8;
	[tilespmem:$0x14000] =	vst v63  }
0xcc: {  	s0 =	sld [smem:$0x7B4]  }
0xcd: {  	[tilespmem:s4], [sflag:$0x2] =	stream.indirect.gather.add.f32 [hbm:s6], $0x80, s1, s7, $0xb8;
	[tilespmem:$0x14000] =	vst v63  }
0xce: {  	s1 =	sld [smem:$0x7B5]  }
0xcf: {  	[tilespmem:s30], [sflag:$0x2] =	stream.indirect.gather.add.f32 [hbm:s6], $0x80, s0, s7, $0xb8;
	[tilespmem:$0x14000] =	vst v63  }
0xd0: {  	s0 =	sld [smem:$0x7B6]  }
0xd1: {  	[tilespmem:s30], [sflag:$0x2] =	stream.indirect.gather.add.f32 [hbm:s6], $0x80, s1, s7, $0xb8;
	[tilespmem:$0x14000] =	vst v63  }
0xd2: {  	s1 =	sld [smem:$0x7B7]  }
0xd3: {  	[tilespmem:s30], [sflag:$0x2] =	stream.indirect.gather.add.f32 [hbm:s6], $0x80, s0, s7, $0xb8;
	[tilespmem:$0x14000] =	vst v63  }
0xd4: {  	s0 =	sld [smem:$0x7B8]  }
0xd5: {  	[tilespmem:s30], [sflag:$0x2] =	stream.indirect.gather.add.f32 [hbm:s6], $0x80, s1, s7, $0xb8;
	[tilespmem:$0x14000] =	vst v63  }
0xd6: {  	s1 =	sld [smem:$0x7B9]  }
0xd7: {  	[tilespmem:s30], [sflag:$0x2] =	stream.indirect.gather.add.f32 [hbm:s6], $0x80, s0, s7, $0xb8;
	[tilespmem:$0x14000] =	vst v63  }
0xd8: {  	s0 =	sld [smem:$0x7BA]  }
0xd9: {  	[tilespmem:s30], [sflag:$0x2] =	stream.indirect.gather.add.f32 [hbm:s6], $0x80, s1, s7, $0xb8;
	[tilespmem:$0x14000] =	vst v63  }
0xda: {  	s1 =	sld [smem:$0x7BB]  }
0xdb: {  	[tilespmem:s30], [sflag:$0x2] =	stream.indirect.gather.add.f32 [hbm:s6], $0x80, s0, s7, $0xb8;
	[tilespmem:$0x14000] =	vst v63  }
0xdc: {  	s0 =	sld [smem:$0x7BC]  }
0xdd: {  	[tilespmem:s30], [sflag:$0x2] =	stream.indirect.gather.add.f32 [hbm:s6], $0x80, s1, s7, $0xb8;
	[tilespmem:$0x14000] =	vst v63  }
0xde: {  	s1 =	sld [smem:$0x7BD]  }
0xdf: {  	[tilespmem:s30], [sflag:$0x2] =	stream.indirect.gather.add.f32 [hbm:s6], $0x80, s0, s7, $0xb8;
	[tilespmem:$0x14000] =	vst v63  }
0xe0: {  	s0 =	sld [smem:$0x7BE]  }
0xe1: {  	[tilespmem:s30], [sflag:$0x2] =	stream.indirect.gather.add.f32 [hbm:s6], $0x80, s1, s7, $0xb8;
	[tilespmem:$0x14000] =	vst v63  }
0xe2: {  	s1 =	sld [smem:$0x7BF]  }
0xe3: {  	[tilespmem:s30], [sflag:$0x2] =	stream.indirect.gather.add.f32 [hbm:s6], $0x80, s0, s7, $0xb8;
	[tilespmem:$0x14000] =	vst v63  }
0xe4: {  	s0 =	sld [smem:$0x7C0]  }
0xe5: {  	[tilespmem:s30], [sflag:$0x2] =	stream.indirect.gather.add.f32 [hbm:s6], $0x80, s1, s7, $0xb8;
	[tilespmem:$0x14000] =	vst v63  }
0xe6: {  	s1 =	sld [smem:$0x7C1]  }
0xe7: {  	[tilespmem:s30], [sflag:$0x2] =	stream.indirect.gather.add.f32 [hbm:s6], $0x80, s0, s7, $0xb8;
	[tilespmem:$0x14000] =	vst v63  }
0xe8: {  	s0 =	sld [smem:$0x7C2]  }
0xe9: {  	[tilespmem:s30], [sflag:$0x2] =	stream.indirect.gather.add.f32 [hbm:s6], $0x80, s1, s7, $0xb8;
	[tilespmem:$0x14000] =	vst v63  }
0xea: {  	s1 =	sld [smem:$0x7C3]  }
0xeb: {  	[tilespmem:s30], [sflag:$0x2] =	stream.indirect.gather.add.f32 [hbm:s6], $0x80, s0, s7, $0xb8;
	[tilespmem:$0x14000] =	vst v63  }
0xec: {  	s0 =	sld [smem:$0x7C4]  }
0xed: {  	[tilespmem:s30], [sflag:$0x2] =	stream.indirect.gather.add.f32 [hbm:s6], $0x80, s1, s7, $0xb8;
	[tilespmem:$0x14000] =	vst v63  }
0xee: {  	s1 =	sld [smem:$0x7C5]  }
0xef: {  	[tilespmem:s30], [sflag:$0x2] =	stream.indirect.gather.add.f32 [hbm:s6], $0x80, s0, s7, $0xb8;
	[tilespmem:$0x14000] =	vst v63  }
0xf0: {  	s0 =	sld [smem:$0x7C6]  }
0xf1: {  	[tilespmem:s30], [sflag:$0x2] =	stream.indirect.gather.add.f32 [hbm:s6], $0x80, s1, s7, $0xb8;
	[tilespmem:$0x14000] =	vst v63  }
0xf2: {  	s1 =	sld [smem:$0x7C7]  }
0xf3: {  	[tilespmem:s30], [sflag:$0x2] =	stream.indirect.gather.add.f32 [hbm:s6], $0x80, s0, s7, $0xb8;
	[tilespmem:$0x14000] =	vst v63  }
0xf4: {  	s0 =	sld [smem:$0x7C8]  }
0xf5: {  	[tilespmem:s30], [sflag:$0x2] =	stream.indirect.gather.add.f32 [hbm:s6], $0x80, s1, s7, $0xb8;
	[tilespmem:$0x14000] =	vst v63  }
0xf6: {  	s1 =	sld [smem:$0x7C9]  }
0xf7: {  	[tilespmem:s30], [sflag:$0x2] =	stream.indirect.gather.add.f32 [hbm:s6], $0x80, s0, s7, $0xb8;
	[tilespmem:$0x14000] =	vst v63  }
0xf8: {  	s0 =	sld [smem:$0x7CA]  }
0xf9: {  	[tilespmem:s30], [sflag:$0x2] =	stream.indirect.gather.add.f32 [hbm:s6], $0x80, s1, s7, $0xb8;
	[tilespmem:$0x14000] =	vst v63  }
0xfa: {  	s1 =	sld [smem:$0x7CB]  }
0xfb: {  	[tilespmem:s30], [sflag:$0x2] =	stream.indirect.gather.add.f32 [hbm:s6], $0x80, s0, s7, $0xb8;
	[tilespmem:$0x14000] =	vst v63  }
0xfc: {  	s0 =	sld [smem:$0x7CC]  }
0xfd: {  	[tilespmem:s30], [sflag:$0x2] =	stream.indirect.gather.add.f32 [hbm:s6], $0x80, s1, s7, $0xb8;
	[tilespmem:$0x14000] =	vst v63  }
0xfe: {  	s1 =	sld [smem:$0x7CD]  }
0xff: {  	[tilespmem:s30], [sflag:$0x2] =	stream.indirect.gather.add.f32 [hbm:s6], $0x80, s0, s7, $0xb8;
	[tilespmem:$0x14000] =	vst v63  }
0x100: {  	s0 =	sld [smem:$0x7CE]  }
0x101: {  	[tilespmem:s30], [sflag:$0x2] =	stream.indirect.gather.add.f32 [hbm:s6], $0x80, s1, s7, $0xb8;
	[tilespmem:$0x14000] =	vst v63  }
0x102: {  	s1 =	sld [smem:$0x7CF]  }
0x103: {  	[tilespmem:s30], [sflag:$0x2] =	stream.indirect.gather.add.f32 [hbm:s6], $0x80, s0, s7, $0xb8;
	[tilespmem:$0x14000] =	vst v63  }
0x104: {  	s0 =	sld [smem:$0x7D0]  }
0x105: {  	[tilespmem:s30], [sflag:$0x2] =	stream.indirect.gather.add.f32 [hbm:s6], $0x80, s1, s7, $0xb8;
	[tilespmem:$0x14000] =	vst v63  }
0x106: {  	s1 =	sld [smem:$0x7D1]  }
0x107: {  	[tilespmem:s30], [sflag:$0x2] =	stream.indirect.gather.add.f32 [hbm:s6], $0x80, s0, s7, $0xb8;
	[tilespmem:$0x14000] =	vst v63  }
0x108: {  	s0 =	sld [smem:$0x7D2]  }
0x109: {  	[tilespmem:s30], [sflag:$0x2] =	stream.indirect.gather.add.f32 [hbm:s6], $0x80, s1, s7, $0xb8;
	[tilespmem:$0x14000] =	vst v63  }
0x10a: {  	s1 =	sld [smem:$0x7D3]  }
0x10b: {  	[tilespmem:s30], [sflag:$0x2] =	stream.indirect.gather.add.f32 [hbm:s6], $0x80, s0, s7, $0xb8;
	[tilespmem:$0x14000] =	vst v63  }
0x10c: {  	s0 =	sld [smem:$0x7D4]  }
0x10d: {  	[tilespmem:s29], [sflag:$0x2] =	stream.indirect.gather.add.f32 [hbm:s6], $0x80, s1, s7, $0xb8;
	[tilespmem:$0x14000] =	vst v63  }
0x10e: {  	s1 =	sld [smem:$0x7D5]  }
0x10f: {  	[tilespmem:s29], [sflag:$0x2] =	stream.indirect.gather.add.f32 [hbm:s6], $0x80, s0, s7, $0xb8;
	[tilespmem:$0x14000] =	vst v63  }
0x110: {  	s0 =	sld [smem:$0x7D6]  }
0x111: {  	[tilespmem:s29], [sflag:$0x2] =	stream.indirect.gather.add.f32 [hbm:s6], $0x80, s1, s7, $0xb8;
	[tilespmem:$0x14000] =	vst v63  }
0x112: {  	s1 =	sld [smem:$0x7D7]  }
0x113: {  	[tilespmem:s29], [sflag:$0x2] =	stream.indirect.gather.add.f32 [hbm:s6], $0x80, s0, s7, $0xb8;
	[tilespmem:$0x14000] =	vst v63  }
0x114: {  	s0 =	sld [smem:$0x7D8]  }
0x115: {  	[tilespmem:s29], [sflag:$0x2] =	stream.indirect.gather.add.f32 [hbm:s6], $0x80, s1, s7, $0xb8;
	[tilespmem:$0x14000] =	vst v63  }
0x116: {  	s1 =	sld [smem:$0x7D9]  }
0x117: {  	[tilespmem:s29], [sflag:$0x2] =	stream.indirect.gather.add.f32 [hbm:s6], $0x80, s0, s7, $0xb8;
	[tilespmem:$0x14000] =	vst v63  }
0x118: {  	s0 =	sld [smem:$0x7DA]  }
0x119: {  	[tilespmem:s29], [sflag:$0x2] =	stream.indirect.gather.add.f32 [hbm:s6], $0x80, s1, s7, $0xb8;
	[tilespmem:$0x14000] =	vst v63  }
0x11a: {  	s1 =	sld [smem:$0x7DB]  }
0x11b: {  	[tilespmem:s29], [sflag:$0x2] =	stream.indirect.gather.add.f32 [hbm:s6], $0x80, s0, s7, $0xb8;
	[tilespmem:$0x14000] =	vst v63  }
0x11c: {  	s0 =	sld [smem:$0x7DC]  }
0x11d: {  	[tilespmem:s29], [sflag:$0x2] =	stream.indirect.gather.add.f32 [hbm:s6], $0x80, s1, s7, $0xb8;
	[tilespmem:$0x14000] =	vst v63  }
0x11e: {  	s1 =	sld [smem:$0x7DD]  }
0x11f: {  	[tilespmem:s29], [sflag:$0x2] =	stream.indirect.gather.add.f32 [hbm:s6], $0x80, s0, s7, $0xb8;
	[tilespmem:$0x14000] =	vst v63  }
0x120: {  	s0 =	sld [smem:$0x7DE]  }
0x121: {  	[tilespmem:s29], [sflag:$0x2] =	stream.indirect.gather.add.f32 [hbm:s6], $0x80, s1, s7, $0xb8;
	[tilespmem:$0x14000] =	vst v63  }
0x122: {  	s1 =	sld [smem:$0x7DF]  }
0x123: {  	[tilespmem:s29], [sflag:$0x2] =	stream.indirect.gather.add.f32 [hbm:s6], $0x80, s0, s7, $0xb8;
	[tilespmem:$0x14000] =	vst v63  }
0x124: {  	s0 =	sld [smem:$0x7E0]  }
0x125: {  	[tilespmem:s29], [sflag:$0x2] =	stream.indirect.gather.add.f32 [hbm:s6], $0x80, s1, s7, $0xb8;
	[tilespmem:$0x14000] =	vst v63  }
0x126: {  	s1 =	sld [smem:$0x7E1]  }
0x127: {  	[tilespmem:s29], [sflag:$0x2] =	stream.indirect.gather.add.f32 [hbm:s6], $0x80, s0, s7, $0xb8;
	[tilespmem:$0x14000] =	vst v63  }
0x128: {  	s0 =	sld [smem:$0x7E2]  }
0x129: {  	[tilespmem:s29], [sflag:$0x2] =	stream.indirect.gather.add.f32 [hbm:s6], $0x80, s1, s7, $0xb8;
	[tilespmem:$0x14000] =	vst v63  }
0x12a: {  	s1 =	sld [smem:$0x7E3]  }
0x12b: {  	[tilespmem:s29], [sflag:$0x2] =	stream.indirect.gather.add.f32 [hbm:s6], $0x80, s0, s7, $0xb8;
	[tilespmem:$0x14000] =	vst v63  }
0x12c: {  	s0 =	sld [smem:$0x7E4]  }
0x12d: {  	[tilespmem:s29], [sflag:$0x2] =	stream.indirect.gather.add.f32 [hbm:s6], $0x80, s1, s7, $0xb8;
	[tilespmem:$0x14000] =	vst v63  }
0x12e: {  	s1 =	sld [smem:$0x7E5]  }
0x12f: {  	[tilespmem:s29], [sflag:$0x2] =	stream.indirect.gather.add.f32 [hbm:s6], $0x80, s0, s7, $0xb8;
	[tilespmem:$0x14000] =	vst v63  }
0x130: {  	s0 =	sld [smem:$0x7E6]  }
0x131: {  	[tilespmem:s29], [sflag:$0x2] =	stream.indirect.gather.add.f32 [hbm:s6], $0x80, s1, s7, $0xb8;
	[tilespmem:$0x14000] =	vst v63  }
0x132: {  	s1 =	sld [smem:$0x7E7]  }
0x133: {  	[tilespmem:s29], [sflag:$0x2] =	stream.indirect.gather.add.f32 [hbm:s6], $0x80, s0, s7, $0xb8;
	[tilespmem:$0x14000] =	vst v63  }
0x134: {  	s0 =	sld [smem:$0x7E8]  }
0x135: {  	[tilespmem:s29], [sflag:$0x2] =	stream.indirect.gather.add.f32 [hbm:s6], $0x80, s1, s7, $0xb8;
	[tilespmem:$0x14000] =	vst v63  }
0x136: {  	s1 =	sld [smem:$0x7E9]  }
0x137: {  	[tilespmem:s29], [sflag:$0x2] =	stream.indirect.gather.add.f32 [hbm:s6], $0x80, s0, s7, $0xb8;
	[tilespmem:$0x14000] =	vst v63  }
0x138: {  	s0 =	sld [smem:$0x7EA]  }
0x139: {  	[tilespmem:s29], [sflag:$0x2] =	stream.indirect.gather.add.f32 [hbm:s6], $0x80, s1, s7, $0xb8;
	[tilespmem:$0x14000] =	vst v63  }
0x13a: {  	s1 =	sld [smem:$0x7EB]  }
0x13b: {  	[tilespmem:s29], [sflag:$0x2] =	stream.indirect.gather.add.f32 [hbm:s6], $0x80, s0, s7, $0xb8;
	[tilespmem:$0x14000] =	vst v63  }
0x13c: {  	s0 =	sld [smem:$0x7EC]  }
0x13d: {  	[tilespmem:s29], [sflag:$0x2] =	stream.indirect.gather.add.f32 [hbm:s6], $0x80, s1, s7, $0xb8;
	[tilespmem:$0x14000] =	vst v63  }
0x13e: {  	s1 =	sld [smem:$0x7ED]  }
0x13f: {  	[tilespmem:s29], [sflag:$0x2] =	stream.indirect.gather.add.f32 [hbm:s6], $0x80, s0, s7, $0xb8;
	[tilespmem:$0x14000] =	vst v63  }
0x140: {  	s0 =	sld [smem:$0x7EE]  }
0x141: {  	[tilespmem:s29], [sflag:$0x2] =	stream.indirect.gather.add.f32 [hbm:s6], $0x80, s1, s7, $0xb8;
	[tilespmem:$0x14000] =	vst v63  }
0x142: {  	s1 =	sld [smem:$0x7EF]  }
0x143: {  	[tilespmem:s29], [sflag:$0x2] =	stream.indirect.gather.add.f32 [hbm:s6], $0x80, s0, s7, $0xb8;
	[tilespmem:$0x14000] =	vst v63  }
0x144: {  	s0 =	sld [smem:$0x7F0]  }
0x145: {  	[tilespmem:s29], [sflag:$0x2] =	stream.indirect.gather.add.f32 [hbm:s6], $0x80, s1, s7, $0xb8;
	[tilespmem:$0x14000] =	vst v63  }
0x146: {  	s1 =	sld [smem:$0x7F1]  }
0x147: {  	[tilespmem:s29], [sflag:$0x2] =	stream.indirect.gather.add.f32 [hbm:s6], $0x80, s0, s7, $0xb8;
	[tilespmem:$0x14000] =	vst v63  }
0x148: {  	s0 =	sld [smem:$0x7F2]  }
0x149: {  	[tilespmem:s29], [sflag:$0x2] =	stream.indirect.gather.add.f32 [hbm:s6], $0x80, s1, s7, $0xb8;
	[tilespmem:$0x14000] =	vst v63  }
0x14a: {  	s1 =	sld [smem:$0x7F3]  }
0x14b: {  	[tilespmem:s8], [sflag:$0x2] =	stream.indirect.gather.add.f32 [hbm:s6], $0x80, s0, s7, $0xb8;
	[tilespmem:$0x14000] =	vst v63  }
0x14c: {  	s0 =	sld [smem:$0x7F4]  }
0x14d: {  	[tilespmem:s8], [sflag:$0x2] =	stream.indirect.gather.add.f32 [hbm:s6], $0x80, s1, s7, $0xb8;
	[tilespmem:$0x14000] =	vst v63  }
0x14e: {  	s1 =	sld [smem:$0x7F5]  }
0x14f: {  	[tilespmem:s8], [sflag:$0x2] =	stream.indirect.gather.add.f32 [hbm:s6], $0x80, s0, s7, $0xb8;
	[tilespmem:$0x14000] =	vst v63  }
0x150: {  	s0 =	sld [smem:$0x7F6]  }
0x151: {  	[tilespmem:s8], [sflag:$0x2] =	stream.indirect.gather.add.f32 [hbm:s6], $0x80, s1, s7, $0xb8;
	[tilespmem:$0x14000] =	vst v63  }
0x152: {  	s1 =	sld [smem:$0x7F7]  }
0x153: {  	[tilespmem:s8], [sflag:$0x2] =	stream.indirect.gather.add.f32 [hbm:s6], $0x80, s0, s7, $0xb8;
	[tilespmem:$0x14000] =	vst v63  }
0x154: {  	s0 =	sld [smem:$0x7F8]  }
0x155: {  	[tilespmem:s8], [sflag:$0x2] =	stream.indirect.gather.add.f32 [hbm:s6], $0x80, s1, s7, $0xb8;
	[tilespmem:$0x14000] =	vst v63  }
0x156: {  	s1 =	sld [smem:$0x7F9]  }
0x157: {  	[tilespmem:s8], [sflag:$0x2] =	stream.indirect.gather.add.f32 [hbm:s6], $0x80, s0, s7, $0xb8;
	[tilespmem:$0x14000] =	vst v63  }
0x158: {  	s0 =	sld [smem:$0x7FA]  }
0x159: {  	[tilespmem:s8], [sflag:$0x2] =	stream.indirect.gather.add.f32 [hbm:s6], $0x80, s1, s7, $0xb8;
	[tilespmem:$0x14000] =	vst v63  }
0x15a: {  	s1 =	sld [smem:$0x7FB]  }
0x15b: {  	[tilespmem:s8], [sflag:$0x2] =	stream.indirect.gather.add.f32 [hbm:s6], $0x80, s0, s7, $0xb8;
	[tilespmem:$0x14000] =	vst v63  }
0x15c: {  	s0 =	sld [smem:$0x7FC]  }
0x15d: {  	[tilespmem:s8], [sflag:$0x2] =	stream.indirect.gather.add.f32 [hbm:s6], $0x80, s1, s7, $0xb8;
	[tilespmem:$0x14000] =	vst v63  }
0x15e: {  	s1 =	sld [smem:$0x7FD]  }
0x15f: {  	[tilespmem:s8], [sflag:$0x2] =	stream.indirect.gather.add.f32 [hbm:s6], $0x80, s0, s7, $0xb8;
	[tilespmem:$0x14000] =	vst v63  }
0x160: {  	_ = 	snop  }
0x161: {  	[tilespmem:s8], [sflag:$0x2] =	stream.indirect.gather.add.f32 [hbm:s6], $0x80, s1, s7, $0xb8;
	[tilespmem:$0x14000] =	vst v63  }
0x162: {  	s1 =	simm.s32 $0x1E80  }
0x163: {  	[tilespmem:s8], [sflag:$0x2] =	stream.indirect.gather.add.f32 [hbm:s6], $0x80, s1, s7, $0xb8;
	[tilespmem:$0x14000] =	vst v63  }
0x164: {  	_ = 	snop  }
0x165: {  	[tilespmem:s8], [sflag:$0x2] =	stream.indirect.gather.add.f32 [hbm:s6], $0x80, s11, s7, $0xb8;
	[tilespmem:$0x14000] =	vst v63  }
0x166: {  	_ = 	snop  }
0x167: {  	[tilespmem:s8], [sflag:$0x2] =	stream.indirect.gather.add.f32 [hbm:s6], $0x80, s12, s7, $0xb8;
	[tilespmem:$0x14000] =	vst v63  }
0x168: {  	_ = 	snop  }
0x169: {  	[tilespmem:s8], [sflag:$0x2] =	stream.indirect.gather.add.f32 [hbm:s6], $0x80, s13, s7, $0xb8;
	[tilespmem:$0x14000] =	vst v63  }
0x16a: {  	_ = 	snop  }
0x16b: {  	[tilespmem:s8], [sflag:$0x2] =	stream.indirect.gather.add.f32 [hbm:s6], $0x80, s14, s7, $0xb8;
	[tilespmem:$0x14000] =	vst v63  }
0x16c: {  	_ = 	snop  }
0x16d: {  	[tilespmem:s8], [sflag:$0x2] =	stream.indirect.gather.add.f32 [hbm:s6], $0x80, s15, s7, $0xb8;
	[tilespmem:$0x14000] =	vst v63  }
0x16e: {  	_ = 	snop  }
0x16f: {  	[tilespmem:s8], [sflag:$0x2] =	stream.indirect.gather.add.f32 [hbm:s6], $0x80, s16, s7, $0xb8;
	[tilespmem:$0x14000] =	vst v63  }
0x170: {  	_ = 	snop  }
0x171: {  	[tilespmem:s8], [sflag:$0x2] =	stream.indirect.gather.add.f32 [hbm:s6], $0x80, s17, s7, $0xb8;
	[tilespmem:$0x14000] =	vst v63  }
0x172: {  	_ = 	snop  }
0x173: {  	[tilespmem:s8], [sflag:$0x2] =	stream.indirect.gather.add.f32 [hbm:s6], $0x80, s18, s7, $0xb8;
	[tilespmem:$0x14000] =	vst v63  }
0x174: {  	_ = 	snop  }
0x175: {  	[tilespmem:s8], [sflag:$0x2] =	stream.indirect.gather.add.f32 [hbm:s6], $0x80, s19, s7, $0xb8;
	[tilespmem:$0x14000] =	vst v63  }
0x176: {  	_ = 	snop  }
0x177: {  	[tilespmem:s8], [sflag:$0x2] =	stream.indirect.gather.add.f32 [hbm:s6], $0x80, s20, s7, $0xb8;
	[tilespmem:$0x14000] =	vst v63  }
0x178: {  	_ = 	snop  }
0x179: {  	[tilespmem:s8], [sflag:$0x2] =	stream.indirect.gather.add.f32 [hbm:s6], $0x80, s21, s7, $0xb8;
	[tilespmem:$0x14000] =	vst v63  }
0x17a: {  	_ = 	snop  }
0x17b: {  	[tilespmem:s8], [sflag:$0x2] =	stream.indirect.gather.add.f32 [hbm:s6], $0x80, s22, s7, $0xb8;
	[tilespmem:$0x14000] =	vst v63  }
0x17c: {  	_ = 	snop  }
0x17d: {  	[tilespmem:s8], [sflag:$0x2] =	stream.indirect.gather.add.f32 [hbm:s6], $0x80, s23, s7, $0xb8;
	[tilespmem:$0x14000] =	vst v63  }
0x17e: {  	_ = 	snop  }
0x17f: {  	[tilespmem:s8], [sflag:$0x2] =	stream.indirect.gather.add.f32 [hbm:s6], $0x80, s24, s7, $0xb8;
	[tilespmem:$0x14000] =	vst v63  }
0x180: {  	_ = 	snop  }
0x181: {  	[tilespmem:s8], [sflag:$0x2] =	stream.indirect.gather.add.f32 [hbm:s6], $0x80, s25, s7, $0xb8;
	[tilespmem:$0x14000] =	vst v63  }
0x182: {  	_ = 	snop  }
0x183: {  	[tilespmem:s8], [sflag:$0x2] =	stream.indirect.gather.add.f32 [hbm:s6], $0x80, s26, s7, $0xb8;
	[tilespmem:$0x14000] =	vst v63  }
0x184: {  	_ = 	snop  }
0x185: {  	[tilespmem:s8], [sflag:$0x2] =	stream.indirect.gather.add.f32 [hbm:s6], $0x80, s28, s7, $0xb8;
	[tilespmem:$0x14000] =	vst v63  }
0x186: {  	_ = 	snop  }
0x187: {  	[tilespmem:s8], [sflag:$0x2] =	stream.indirect.gather.add.f32 [hbm:s6], $0x80, s10, s7, $0xb8;
	[tilespmem:$0x14000] =	vst v63  }
0x188: {  	_ =	swait.ge [sflag:s5], $0x4000  }
0x189: {  	[sflag:s5] =	ssyncset.done $0x0  }
0x18a: {  	[sflag:s5] =	ssyncadd.s32 $0xFFFFC000  }
0x18b: {  	_ =	swait.ge [sflag:s5], $0x4000  }
0x18c: {  	[sflag:s5] =	ssyncset.done $0x0  }
0x18d: {  	[sflag:s5] =	ssyncadd.s32 $0xFFFFC000  }
0x18e: {  	_ =	swait.ge [sflag:s5], $0x4000  }
0x18f: {  	[sflag:s5] =	ssyncset.done $0x0  }
0x190: {  	[sflag:s5] =	ssyncadd.s32 $0xFFFFC000  }
0x191: {  	_ =	swait.ge [sflag:s5], $0x4000  }
0x192: {  	[sflag:s5] =	ssyncset.done $0x0  }
0x193: {  	[sflag:s5] =	ssyncadd.s32 $0xFFFFC000  }
0x194: {  	_ =	swait.ge [sflag:s5], $0x4000  }
0x195: {  	[sflag:s5] =	ssyncset.done $0x0  }
0x196: {  	[sflag:s5] =	ssyncadd.s32 $0xFFFFC000  }
0x197: {  	_ =	swait.ge [sflag:s5], $0x4000  }
0x198: {  	[sflag:s5] =	ssyncset.done $0x0  }
0x199: {  	[sflag:s5] =	ssyncadd.s32 $0xFFFFC000  }
0x19a: {  	_ =	swait.ge [sflag:s5], $0x4000  }
0x19b: {  	[sflag:s5] =	ssyncset.done $0x0  }
0x19c: {  	[sflag:s5] =	ssyncadd.s32 $0xFFFFC000  }
0x19d: {  	_ =	swait.ge [sflag:s5], $0x4000  }
0x19e: {  	[sflag:s5] =	ssyncset.done $0x0  }
0x19f: {  	[sflag:s5] =	ssyncadd.s32 $0xFFFFC000  }
0x1a0: {  	_ =	swait.ge [sflag:s5], $0x4000  }
0x1a1: {  	[sflag:s5] =	ssyncset.done $0x0  }
0x1a2: {  	[sflag:s5] =	ssyncadd.s32 $0xFFFFC000  }
0x1a3: {  	_ =	swait.ge [sflag:s5], $0x4000  }
0x1a4: {  	[sflag:s5] =	ssyncset.done $0x0  }
0x1a5: {  	[sflag:s5] =	ssyncadd.s32 $0xFFFFC000  }
0x1a6: {  	_ =	swait.ge [sflag:s5], $0x4000  }
0x1a7: {  	[sflag:s5] =	ssyncset.done $0x0  }
0x1a8: {  	[sflag:s5] =	ssyncadd.s32 $0xFFFFC000  }
0x1a9: {  	_ =	swait.ge [sflag:s5], $0x4000  }
0x1aa: {  	[sflag:s5] =	ssyncset.done $0x0  }
0x1ab: {  	[sflag:s5] =	ssyncadd.s32 $0xFFFFC000  }
0x1ac: {  	_ =	swait.ge [sflag:s5], $0x4000  }
0x1ad: {  	[sflag:s5] =	ssyncset.done $0x0  }
0x1ae: {  	[sflag:s5] =	ssyncadd.s32 $0xFFFFC000  }
0x1af: {  	_ =	swait.ge [sflag:s5], $0x4000  }
0x1b0: {  	[sflag:s5] =	ssyncset.done $0x0  }
0x1b1: {  	[sflag:s5] =	ssyncadd.s32 $0xFFFFC000  }
0x1b2: {  	_ =	swait.ge [sflag:s5], $0x4000  }
0x1b3: {  	[sflag:s5] =	ssyncset.done $0x0  }
0x1b4: {  	[sflag:s5] =	ssyncadd.s32 $0xFFFFC000  }
0x1b5: {  	_ =	swait.ge [sflag:s5], $0x4000  }
0x1b6: {  	[sflag:s5] =	ssyncset.done $0x0  }
0x1b7: {  	[sflag:s5] =	ssyncadd.s32 $0xFFFFC000  }
0x1b8: {  	_ =	swait.ge [sflag:s5], $0x4000  }
0x1b9: {  	[sflag:s5] =	ssyncset.done $0x0  }
0x1ba: {  	[sflag:s5] =	ssyncadd.s32 $0xFFFFC000  }
0x1bb: {  	_ =	swait.ge [sflag:s5], $0x4000  }
0x1bc: {  	[sflag:s5] =	ssyncset.done $0x0  }
0x1bd: {  	[sflag:s5] =	ssyncadd.s32 $0xFFFFC000  }
0x1be: {  	_ =	swait.ge [sflag:s5], $0x4000  }
0x1bf: {  	[sflag:s5] =	ssyncset.done $0x0  }
0x1c0: {  	[sflag:s5] =	ssyncadd.s32 $0xFFFFC000  }
0x1c1: {  	_ =	swait.ge [sflag:s5], $0x4000  }
0x1c2: {  	[sflag:s5] =	ssyncset.done $0x0  }
0x1c3: {  	[sflag:s5] =	ssyncadd.s32 $0xFFFFC000  }
0x1c4: {  	_ =	swait.ge [sflag:s5], $0x4000  }
0x1c5: {  	[sflag:s5] =	ssyncset.done $0x0  }
0x1c6: {  	[sflag:s5] =	ssyncadd.s32 $0xFFFFC000  }
0x1c7: {  	_ =	swait.ge [sflag:s5], $0x4000  }
0x1c8: {  	[sflag:s5] =	ssyncset.done $0x0  }
0x1c9: {  	[sflag:s5] =	ssyncadd.s32 $0xFFFFC000  }
0x1ca: {  	_ =	swait.ge [sflag:s5], $0x4000  }
0x1cb: {  	[sflag:s5] =	ssyncset.done $0x0  }
0x1cc: {  	[sflag:s5] =	ssyncadd.s32 $0xFFFFC000  }
0x1cd: {  	_ =	swait.ge [sflag:s5], $0x4000  }
0x1ce: {  	[sflag:s5] =	ssyncset.done $0x0  }
0x1cf: {  	[sflag:s5] =	ssyncadd.s32 $0xFFFFC000  }
0x1d0: {  	_ =	swait.ge [sflag:s5], $0x4000  }
0x1d1: {  	[sflag:s5] =	ssyncset.done $0x0  }
0x1d2: {  	[sflag:s5] =	ssyncadd.s32 $0xFFFFC000  }
0x1d3: {  	_ =	swait.ge [sflag:s5], $0x4000  }
0x1d4: {  	[sflag:s5] =	ssyncset.done $0x0  }
0x1d5: {  	[sflag:s5] =	ssyncadd.s32 $0xFFFFC000  }
0x1d6: {  	_ =	swait.ge [sflag:s5], $0x4000  }
0x1d7: {  	[sflag:s5] =	ssyncset.done $0x0  }
0x1d8: {  	[sflag:s5] =	ssyncadd.s32 $0xFFFFC000  }
0x1d9: {  	_ =	swait.ge [sflag:s5], $0x4000  }
0x1da: {  	[sflag:s5] =	ssyncset.done $0x0  }
0x1db: {  	[sflag:s5] =	ssyncadd.s32 $0xFFFFC000  }
0x1dc: {  	_ =	swait.ge [sflag:s5], $0x4000  }
0x1dd: {  	[sflag:s5] =	ssyncset.done $0x0  }
0x1de: {  	[sflag:s5] =	ssyncadd.s32 $0xFFFFC000  }
0x1df: {  	_ =	swait.ge [sflag:s5], $0x4000  }
0x1e0: {  	[sflag:s5] =	ssyncset.done $0x0  }
0x1e1: {  	[sflag:s5] =	ssyncadd.s32 $0xFFFFC000  }
0x1e2: {  	_ =	swait.ge [sflag:s5], $0x4000  }
0x1e3: {  	[sflag:s5] =	ssyncset.done $0x0  }
0x1e4: {  	[sflag:s5] =	ssyncadd.s32 $0xFFFFC000  }
0x1e5: {  	_ =	swait.ge [sflag:s5], $0x4000  }
0x1e6: {  	[sflag:s5] =	ssyncset.done $0x0  }
0x1e7: {  	[sflag:s5] =	ssyncadd.s32 $0xFFFFC000  }
0x1e8: {  	_ =	swait.ge [sflag:s5], $0x4000  }
0x1e9: {  	[sflag:s5] =	ssyncset.done $0x0  }
0x1ea: {  	[sflag:s5] =	ssyncadd.s32 $0xFFFFC000  }
0x1eb: {  	_ =	swait.ge [sflag:s5], $0x4000  }
0x1ec: {  	[sflag:s5] =	ssyncset.done $0x0  }
0x1ed: {  	[sflag:s5] =	ssyncadd.s32 $0xFFFFC000  }
0x1ee: {  	_ =	swait.ge [sflag:s5], $0x4000  }
0x1ef: {  	[sflag:s5] =	ssyncset.done $0x0  }
0x1f0: {  	[sflag:s5] =	ssyncadd.s32 $0xFFFFC000  }
0x1f1: {  	_ =	swait.ge [sflag:s5], $0x4000  }
0x1f2: {  	[sflag:s5] =	ssyncset.done $0x0  }
0x1f3: {  	[sflag:s5] =	ssyncadd.s32 $0xFFFFC000  }
0x1f4: {  	_ =	swait.ge [sflag:s5], $0x4000  }
0x1f5: {  	[sflag:s5] =	ssyncset.done $0x0  }
0x1f6: {  	[sflag:s5] =	ssyncadd.s32 $0xFFFFC000  }
0x1f7: {  	_ =	swait.ge [sflag:s5], $0x4000  }
0x1f8: {  	[sflag:s5] =	ssyncset.done $0x0  }
0x1f9: {  	[sflag:s5] =	ssyncadd.s32 $0xFFFFC000  }
0x1fa: {  	_ =	swait.ge [sflag:s5], $0x4000  }
0x1fb: {  	[sflag:s5] =	ssyncset.done $0x0  }
0x1fc: {  	[sflag:s5] =	ssyncadd.s32 $0xFFFFC000  }
0x1fd: {  	_ =	swait.ge [sflag:s5], $0x4000  }
0x1fe: {  	[sflag:s5] =	ssyncset.done $0x0  }
0x1ff: {  	[sflag:s5] =	ssyncadd.s32 $0xFFFFC000  }
0x200: {  	_ =	swait.ge [sflag:s5], $0x4000  }
0x201: {  	[sflag:s5] =	ssyncset.done $0x0  }
0x202: {  	[sflag:s5] =	ssyncadd.s32 $0xFFFFC000  }
0x203: {  	_ =	swait.ge [sflag:s5], $0x4000  }
0x204: {  	[sflag:s5] =	ssyncset.done $0x0  }
0x205: {  	[sflag:s5] =	ssyncadd.s32 $0xFFFFC000  }
0x206: {  	_ =	swait.ge [sflag:s5], $0x4000  }
0x207: {  	[sflag:s5] =	ssyncset.done $0x0  }
0x208: {  	[sflag:s5] =	ssyncadd.s32 $0xFFFFC000  }
0x209: {  	_ =	swait.ge [sflag:s5], $0x4000  }
0x20a: {  	[sflag:s5] =	ssyncset.done $0x0  }
0x20b: {  	[sflag:s5] =	ssyncadd.s32 $0xFFFFC000  }
0x20c: {  	_ =	swait.ge [sflag:s5], $0x4000  }
0x20d: {  	[sflag:s5] =	ssyncset.done $0x0  }
0x20e: {  	[sflag:s5] =	ssyncadd.s32 $0xFFFFC000  }
0x20f: {  	_ =	swait.ge [sflag:s5], $0x4000  }
0x210: {  	[sflag:s5] =	ssyncset.done $0x0  }
0x211: {  	[sflag:s5] =	ssyncadd.s32 $0xFFFFC000  }
0x212: {  	_ =	swait.ge [sflag:s5], $0x4000  }
0x213: {  	[sflag:s5] =	ssyncset.done $0x0  }
0x214: {  	[sflag:s5] =	ssyncadd.s32 $0xFFFFC000  }
0x215: {  	_ =	swait.ge [sflag:s5], $0x4000  }
0x216: {  	[sflag:s5] =	ssyncset.done $0x0  }
0x217: {  	[sflag:s5] =	ssyncadd.s32 $0xFFFFC000  }
0x218: {  	_ =	swait.ge [sflag:s5], $0x4000  }
0x219: {  	[sflag:s5] =	ssyncset.done $0x0  }
0x21a: {  	[sflag:s5] =	ssyncadd.s32 $0xFFFFC000  }
0x21b: {  	_ =	swait.ge [sflag:s5], $0x4000  }
0x21c: {  	[sflag:s5] =	ssyncset.done $0x0  }
0x21d: {  	[sflag:s5] =	ssyncadd.s32 $0xFFFFC000  }
0x21e: {  	_ =	swait.ge [sflag:s5], $0x4000  }
0x21f: {  	[sflag:s5] =	ssyncset.done $0x0  }
0x220: {  	[sflag:s5] =	ssyncadd.s32 $0xFFFFC000  }
0x221: {  	_ =	swait.ge [sflag:s5], $0x4000  }
0x222: {  	[sflag:s5] =	ssyncset.done $0x0  }
0x223: {  	[sflag:s5] =	ssyncadd.s32 $0xFFFFC000  }
0x224: {  	_ =	swait.ge [sflag:s5], $0x4000  }
0x225: {  	[sflag:s5] =	ssyncset.done $0x0  }
0x226: {  	[sflag:s5] =	ssyncadd.s32 $0xFFFFC000  }
0x227: {  	_ =	swait.ge [sflag:s5], $0x4000  }
0x228: {  	[sflag:s5] =	ssyncset.done $0x0  }
0x229: {  	[sflag:s5] =	ssyncadd.s32 $0xFFFFC000  }
0x22a: {  	_ =	swait.ge [sflag:s5], $0x4000  }
0x22b: {  	[sflag:s5] =	ssyncset.done $0x0  }
0x22c: {  	[sflag:s5] =	ssyncadd.s32 $0xFFFFC000  }
0x22d: {  	_ =	swait.ge [sflag:s5], $0x4000  }
0x22e: {  	[sflag:s5] =	ssyncset.done $0x0  }
0x22f: {  	[sflag:s5] =	ssyncadd.s32 $0xFFFFC000  }
0x230: {  	_ =	swait.ge [sflag:s5], $0x4000  }
0x231: {  	[sflag:s5] =	ssyncset.done $0x0  }
0x232: {  	[sflag:s5] =	ssyncadd.s32 $0xFFFFC000  }
0x233: {  	_ =	swait.ge [sflag:s5], $0x4000  }
0x234: {  	[sflag:s5] =	ssyncset.done $0x0  }
0x235: {  	[sflag:s5] =	ssyncadd.s32 $0xFFFFC000  }
0x236: {  	_ =	swait.ge [sflag:s5], $0x4000  }
0x237: {  	[sflag:s5] =	ssyncset.done $0x0  }
0x238: {  	[sflag:s5] =	ssyncadd.s32 $0xFFFFC000  }
0x239: {  	_ =	swait.ge [sflag:s5], $0x4000  }
0x23a: {  	[sflag:s5] =	ssyncset.done $0x0  }
0x23b: {  	[sflag:s5] =	ssyncadd.s32 $0xFFFFC000  }
0x23c: {  	_ =	swait.ge [sflag:s5], $0x4000  }
0x23d: {  	[sflag:s5] =	ssyncset.done $0x0  }
0x23e: {  	[sflag:s5] =	ssyncadd.s32 $0xFFFFC000  }
0x23f: {  	_ =	swait.ge [sflag:s5], $0x4000  }
0x240: {  	[sflag:s5] =	ssyncset.done $0x0  }
0x241: {  	[sflag:s5] =	ssyncadd.s32 $0xFFFFC000  }
0x242: {  	_ =	swait.ge [sflag:s5], $0x4000  }
0x243: {  	[sflag:s5] =	ssyncset.done $0x0  }
0x244: {  	[sflag:s5] =	ssyncadd.s32 $0xFFFFC000  }
0x245: {  	_ =	swait.ge [sflag:s5], $0x4000  }
0x246: {  	[sflag:s5] =	ssyncset.done $0x0  }
0x247: {  	[sflag:s5] =	ssyncadd.s32 $0xFFFFC000  }
0x248: {  	_ =	swait.ge [sflag:s5], $0x4000  }
0x249: {  	[sflag:s5] =	ssyncset.done $0x0  }
0x24a: {  	[sflag:s5] =	ssyncadd.s32 $0xFFFFC000  }
0x24b: {  	_ =	swait.ge [sflag:s5], $0x4000  }
0x24c: {  	[sflag:s5] =	ssyncset.done $0x0  }
0x24d: {  	[sflag:s5] =	ssyncadd.s32 $0xFFFFC000  }
0x24e: {  	_ =	swait.ge [sflag:s5], $0x4000  }
0x24f: {  	[sflag:s5] =	ssyncset.done $0x0  }
0x250: {  	[sflag:s5] =	ssyncadd.s32 $0xFFFFC000  }
0x251: {  	_ =	swait.ge [sflag:s5], $0x4000  }
0x252: {  	[sflag:s5] =	ssyncset.done $0x0  }
0x253: {  	[sflag:s5] =	ssyncadd.s32 $0xFFFFC000  }
0x254: {  	_ =	swait.ge [sflag:s5], $0x4000  }
0x255: {  	[sflag:s5] =	ssyncset.done $0x0  }
0x256: {  	[sflag:s5] =	ssyncadd.s32 $0xFFFFC000  }
0x257: {  	_ =	swait.ge [sflag:s5], $0x4000  }
0x258: {  	[sflag:s5] =	ssyncset.done $0x0  }
0x259: {  	[sflag:s5] =	ssyncadd.s32 $0xFFFFC000  }
0x25a: {  	_ =	swait.ge [sflag:s5], $0x4000  }
0x25b: {  	[sflag:s5] =	ssyncset.done $0x0  }
0x25c: {  	[sflag:s5] =	ssyncadd.s32 $0xFFFFC000  }
0x25d: {  	_ =	swait.ge [sflag:s5], $0x4000  }
0x25e: {  	[sflag:s5] =	ssyncset.done $0x0  }
0x25f: {  	[sflag:s5] =	ssyncadd.s32 $0xFFFFC000  }
0x260: {  	_ =	swait.ge [sflag:s5], $0x4000  }
0x261: {  	[sflag:s5] =	ssyncset.done $0x0  }
0x262: {  	[sflag:s5] =	ssyncadd.s32 $0xFFFFC000  }
0x263: {  	_ =	swait.ge [sflag:s5], $0x4000  }
0x264: {  	[sflag:s5] =	ssyncset.done $0x0  }
0x265: {  	[sflag:s5] =	ssyncadd.s32 $0xFFFFC000  }
0x266: {  	_ =	swait.ge [sflag:s5], $0x4000  }
0x267: {  	[sflag:s5] =	ssyncset.done $0x0  }
0x268: {  	[sflag:s5] =	ssyncadd.s32 $0xFFFFC000  }
0x269: {  	_ =	swait.ge [sflag:s5], $0x4000  }
0x26a: {  	[sflag:s5] =	ssyncset.done $0x0  }
0x26b: {  	[sflag:s5] =	ssyncadd.s32 $0xFFFFC000  }
0x26c: {  	_ =	swait.ge [sflag:s5], $0x4000  }
0x26d: {  	[sflag:s5] =	ssyncset.done $0x0  }
0x26e: {  	[sflag:s5] =	ssyncadd.s32 $0xFFFFC000  }
0x26f: {  	_ =	swait.ge [sflag:s5], $0x4000  }
0x270: {  	[sflag:s5] =	ssyncset.done $0x0  }
0x271: {  	[sflag:s5] =	ssyncadd.s32 $0xFFFFC000  }
0x272: {  	_ =	swait.ge [sflag:s5], $0x4000  }
0x273: {  	[sflag:s5] =	ssyncset.done $0x0  }
0x274: {  	[sflag:s5] =	ssyncadd.s32 $0xFFFFC000  }
0x275: {  	_ =	swait.ge [sflag:s5], $0x4000  }
0x276: {  	[sflag:s5] =	ssyncset.done $0x0  }
0x277: {  	[sflag:s5] =	ssyncadd.s32 $0xFFFFC000  }
0x278: {  	_ =	swait.ge [sflag:s5], $0x4000  }
0x279: {  	[sflag:s5] =	ssyncset.done $0x0  }
0x27a: {  	[sflag:s5] =	ssyncadd.s32 $0xFFFFC000  }
0x27b: {  	_ =	swait.ge [sflag:s5], $0x4000  }
0x27c: {  	[sflag:s5] =	ssyncset.done $0x0  }
0x27d: {  	[sflag:s5] =	ssyncadd.s32 $0xFFFFC000  }
0x27e: {  	_ =	swait.ge [sflag:s5], $0x4000  }
0x27f: {  	[sflag:s5] =	ssyncset.done $0x0  }
0x280: {  	[sflag:s5] =	ssyncadd.s32 $0xFFFFC000  }
0x281: {  	_ =	swait.ge [sflag:s5], $0x4000  }
0x282: {  	[sflag:s5] =	ssyncset.done $0x0  }
0x283: {  	[sflag:s5] =	ssyncadd.s32 $0xFFFFC000  }
0x284: {  	_ =	swait.ge [sflag:s5], $0x4000  }
0x285: {  	[sflag:s5] =	ssyncset.done $0x0  }
0x286: {  	[sflag:s5] =	ssyncadd.s32 $0xFFFFC000  }
0x287: {  	_ =	swait.ge [sflag:s5], $0x4000  }
0x288: {  	[sflag:s5] =	ssyncset.done $0x0  }
0x289: {  	[sflag:s5] =	ssyncadd.s32 $0xFFFFC000  }
0x28a: {  	_ =	swait.ge [sflag:s5], $0x4000  }
0x28b: {  	[sflag:s5] =	ssyncset.done $0x0  }
0x28c: {  	[sflag:s5] =	ssyncadd.s32 $0xFFFFC000  }
0x28d: {  	_ =	swait.ge [sflag:s5], $0x4000  }
0x28e: {  	[sflag:s5] =	ssyncset.done $0x0  }
0x28f: {  	[sflag:s5] =	ssyncadd.s32 $0xFFFFC000  }
0x290: {  	_ =	swait.ge [sflag:s5], $0x4000  }
0x291: {  	[sflag:s5] =	ssyncset.done $0x0  }
0x292: {  	[sflag:s5] =	ssyncadd.s32 $0xFFFFC000  }
0x293: {  	_ =	swait.ge [sflag:s5], $0x4000  }
0x294: {  	[sflag:s5] =	ssyncset.done $0x0  }
0x295: {  	[sflag:s5] =	ssyncadd.s32 $0xFFFFC000  }
0x296: {  	_ =	swait.ge [sflag:s5], $0x4000  }
0x297: {  	[sflag:s5] =	ssyncset.done $0x0  }
0x298: {  	[sflag:s5] =	ssyncadd.s32 $0xFFFFC000  }
0x299: {  	_ =	swait.ge [sflag:s5], $0x4000  }
0x29a: {  	[sflag:s5] =	ssyncset.done $0x0  }
0x29b: {  	[sflag:s5] =	ssyncadd.s32 $0xFFFFC000  }
0x29c: {  	_ =	swait.ge [sflag:s5], $0x4000  }
0x29d: {  	[sflag:s5] =	ssyncset.done $0x0  }
0x29e: {  	[sflag:s5] =	ssyncadd.s32 $0xFFFFC000  }
0x29f: {  	_ =	swait.ge [sflag:s5], $0x4000  }
0x2a0: {  	[sflag:s5] =	ssyncset.done $0x0  }
0x2a1: {  	[sflag:s5] =	ssyncadd.s32 $0xFFFFC000  }
0x2a2: {  	_ =	swait.ge [sflag:s5], $0x4000  }
0x2a3: {  	[sflag:s5] =	ssyncset.done $0x0  }
0x2a4: {  	[sflag:s5] =	ssyncadd.s32 $0xFFFFC000  }
0x2a5: {  	_ =	swait.ge [sflag:s5], $0x4000  }
0x2a6: {  	[sflag:s5] =	ssyncset.done $0x0  }
0x2a7: {  	[sflag:s5] =	ssyncadd.s32 $0xFFFFC000  }
0x2a8: {  	_ =	swait.ge [sflag:s5], $0x4000  }
0x2a9: {  	[sflag:s5] =	ssyncset.done $0x0  }
0x2aa: {  	[sflag:s5] =	ssyncadd.s32 $0xFFFFC000  }
0x2ab: {  	_ =	swait.ge [sflag:s5], $0x4000  }
0x2ac: {  	[sflag:s5] =	ssyncset.done $0x0  }
0x2ad: {  	[sflag:s5] =	ssyncadd.s32 $0xFFFFC000  }
0x2ae: {  	_ =	swait.ge [sflag:s5], $0x4000  }
0x2af: {  	[sflag:s5] =	ssyncset.done $0x0  }
0x2b0: {  	[sflag:s5] =	ssyncadd.s32 $0xFFFFC000  }
0x2b1: {  	_ =	swait.ge [sflag:s5], $0x4000  }
0x2b2: {  	[sflag:s5] =	ssyncset.done $0x0  }
0x2b3: {  	[sflag:s5] =	ssyncadd.s32 $0xFFFFC000  }
0x2b4: {  	_ =	swait.ge [sflag:s5], $0x4000  }
0x2b5: {  	[sflag:s5] =	ssyncset.done $0x0  }
0x2b6: {  	[sflag:s5] =	ssyncadd.s32 $0xFFFFC000  }
0x2b7: {  	_ =	swait.ge [sflag:s5], $0x4000  }
0x2b8: {  	[sflag:s5] =	ssyncset.done $0x0  }
0x2b9: {  	[sflag:s5] =	ssyncadd.s32 $0xFFFFC000  }
0x2ba: {  	_ =	swait.ge [sflag:s5], $0x4000  }
0x2bb: {  	[sflag:s5] =	ssyncset.done $0x0  }
0x2bc: {  	[sflag:s5] =	ssyncadd.s32 $0xFFFFC000  }
0x2bd: {  	_ =	swait.ge [sflag:s5], $0x4000  }
0x2be: {  	[sflag:s5] =	ssyncset.done $0x0  }
0x2bf: {  	[sflag:s5] =	ssyncadd.s32 $0xFFFFC000  }
0x2c0: {  	_ =	swait.ge [sflag:s5], $0x4000  }
0x2c1: {  	[sflag:s5] =	ssyncset.done $0x0  }
0x2c2: {  	[sflag:s5] =	ssyncadd.s32 $0xFFFFC000  }
0x2c3: {  	_ =	swait.ge [sflag:s5], $0x4000  }
0x2c4: {  	[sflag:s5] =	ssyncset.done $0x0  }
0x2c5: {  	[sflag:s5] =	ssyncadd.s32 $0xFFFFC000  }
0x2c6: {  	_ =	swait.ge [sflag:s5], $0x4000  }
0x2c7: {  	[sflag:s5] =	ssyncset.done $0x0  }
0x2c8: {  	[sflag:s5] =	ssyncadd.s32 $0xFFFFC000  }
0x2c9: {  	_ =	swait.ge [sflag:s5], $0x4000  }
0x2ca: {  	[sflag:s5] =	ssyncset.done $0x0  }
0x2cb: {  	[sflag:s5] =	ssyncadd.s32 $0xFFFFC000  }
0x2cc: {  	_ =	swait.ge [sflag:s5], $0x4000  }
0x2cd: {  	[sflag:s5] =	ssyncset.done $0x0  }
0x2ce: {  	[sflag:s5] =	ssyncadd.s32 $0xFFFFC000  }
0x2cf: {  	_ =	swait.ge [sflag:s5], $0x4000  }
0x2d0: {  	[sflag:s5] =	ssyncset.done $0x0  }
0x2d1: {  	[sflag:s5] =	ssyncadd.s32 $0xFFFFC000  }
0x2d2: {  	_ =	swait.ge [sflag:s5], $0x4000  }
0x2d3: {  	[sflag:s5] =	ssyncset.done $0x0  }
0x2d4: {  	[sflag:s5] =	ssyncadd.s32 $0xFFFFC000  }
0x2d5: {  	_ =	swait.ge [sflag:s5], $0x4000  }
0x2d6: {  	[sflag:s5] =	ssyncset.done $0x0  }
0x2d7: {  	[sflag:s5] =	ssyncadd.s32 $0xFFFFC000  }
0x2d8: {  	_ =	swait.ge [sflag:s5], $0x4000  }
0x2d9: {  	[sflag:s5] =	ssyncset.done $0x0  }
0x2da: {  	[sflag:s5] =	ssyncadd.s32 $0xFFFFC000  }
0x2db: {  	_ =	swait.ge [sflag:s5], $0x4000  }
0x2dc: {  	[sflag:s5] =	ssyncset.done $0x0  }
0x2dd: {  	[sflag:s5] =	ssyncadd.s32 $0xFFFFC000  }
0x2de: {  	_ =	swait.ge [sflag:s5], $0x4000  }
0x2df: {  	[sflag:s5] =	ssyncset.done $0x0  }
0x2e0: {  	[sflag:s5] =	ssyncadd.s32 $0xFFFFC000  }
0x2e1: {  	_ =	swait.ge [sflag:s5], $0x4000  }
0x2e2: {  	[sflag:s5] =	ssyncset.done $0x0  }
0x2e3: {  	[sflag:s5] =	ssyncadd.s32 $0xFFFFC000  }
0x2e4: {  	_ =	swait.ge [sflag:s5], $0x4000  }
0x2e5: {  	[sflag:s5] =	ssyncset.done $0x0  }
0x2e6: {  	[sflag:s5] =	ssyncadd.s32 $0xFFFFC000  }
0x2e7: {  	_ =	swait.ge [sflag:s5], $0x4000  }
0x2e8: {  	[sflag:s5] =	ssyncset.done $0x0  }
0x2e9: {  	[sflag:s5] =	ssyncadd.s32 $0xFFFFC000  }
0x2ea: {  	_ =	swait.ge [sflag:s5], $0x4000  }
0x2eb: {  	[sflag:s5] =	ssyncset.done $0x0  }
0x2ec: {  	[sflag:s5] =	ssyncadd.s32 $0xFFFFC000  }
0x2ed: {  	_ =	swait.ge [sflag:s5], $0x4000  }
0x2ee: {  	[sflag:s5] =	ssyncset.done $0x0  }
0x2ef: {  	[sflag:s5] =	ssyncadd.s32 $0xFFFFC000  }
0x2f0: {  	_ =	swait.ge [sflag:s5], $0x4000  }
0x2f1: {  	[sflag:s5] =	ssyncset.done $0x0  }
0x2f2: {  	[sflag:s5] =	ssyncadd.s32 $0xFFFFC000  }
0x2f3: {  	_ =	swait.ge [sflag:s5], $0x4000  }
0x2f4: {  	[sflag:s5] =	ssyncset.done $0x0  }
0x2f5: {  	[sflag:s5] =	ssyncadd.s32 $0xFFFFC000  }
0x2f6: {  	_ =	swait.ge [sflag:s5], $0x4000  }
0x2f7: {  	[sflag:s5] =	ssyncset.done $0x0  }
0x2f8: {  	[sflag:s5] =	ssyncadd.s32 $0xFFFFC000  }
0x2f9: {  	p1 =	sne.s32 s9, $0x1;
	_ =	swait.ge [sflag:s5], $0x4000  }
.Ltmp1:
0x2fa: {  	[sflag:s5] =	ssyncset.done $0x0;
	(pc) =	sbr.rel @!p1 .LBB2_3-.Ltmp1, $4  }
0x2fb: {  	s1 =	rddreg [dreg:$0x5];
	[sflag:s5] =	ssyncadd.s32 $0xFFFFC000  }
0x2fc: {  	[hbm4b:s1+s2] =	stream.linear.scatter [tilespmem:s4], [sflag:$0x3], $0x10000, $0x38;
	[tilespmem:$0x14000] =	vst v63  }
0x2fd: {  	p0 =	por $0x1, $0x1;
	_ =	swait.ge [sflag:s3], $0x10000  }
0x2fe: {  	s1 =	sadd.s32 $0xFFFFFFFF, s9;
	s0 =	rddreg [dreg:$0x4];
	[sflag:s3] =	ssyncset.done $0x0  }
.LBB2_4:
0x2ff: {  	[sflag:s3] =	ssyncadd.s32 $0xFFFF0000  }
0x300: {  	[tilespmem:s2], [sflag:$0x3] =	stream.linear.gather [hbm4b:s0+s2], $0x4000, $0x38;
	[tilespmem:$0x14000] =	vst v63  }
0x301: {  	_ =	swait.ge [sflag:s3], $0x4000  }
0x302: {  	[sflag:s3] =	ssyncset.done $0x0  }
0x303: {  	[sflag:s3] =	ssyncadd.s32 $0xFFFFC000  }
0x304: {  	[tilespmem:s4], [sflag:$0x1] =	stream.indirect.gather [hbm4b:s6+s7], $0x80, s2, s7, $0xb8;
	[tilespmem:$0x14000] =	vst v63  }
0x305: {  	s0 =	rddreg [dreg:$0x6]  }
0x306: {  	[tilespmem:s30], [sflag:$0x1] =	stream.indirect.gather [hbm4b:s6+s7], $0x80, s0, s7, $0xb8;
	[tilespmem:$0x14000] =	vst v63  }
0x307: {  	s9 =	rddreg [dreg:$0x7]  }
0x308: {  	[tilespmem:s29], [sflag:$0x1] =	stream.indirect.gather [hbm4b:s6+s7], $0x80, s9, s7, $0xb8;
	[tilespmem:$0x14000] =	vst v63  }
0x309: {  	s0 =	rddreg [dreg:$0x8]  }
0x30a: {  	[tilespmem:s8], [sflag:$0x1] =	stream.indirect.gather [hbm4b:s6+s7], $0x80, s0, s7, $0xb8;
	[tilespmem:$0x14000] =	vst v63  }
0x30b: {  	_ =	swait.ge [sflag:s31], $0x4000  }
0x30c: {  	[sflag:s31] =	ssyncset.done $0x0  }
0x30d: {  	[sflag:s31] =	ssyncadd.s32 $0xFFFFC000  }
0x30e: {  	_ =	swait.ge [sflag:s31], $0x4000  }
0x30f: {  	[sflag:s31] =	ssyncset.done $0x0  }
0x310: {  	[sflag:s31] =	ssyncadd.s32 $0xFFFFC000  }
0x311: {  	_ =	swait.ge [sflag:s31], $0x4000  }
0x312: {  	[sflag:s31] =	ssyncset.done $0x0  }
0x313: {  	[sflag:s31] =	ssyncadd.s32 $0xFFFFC000  }
0x314: {  	_ =	swait.ge [sflag:s31], $0x4000  }
0x315: {  	[sflag:s31] =	ssyncset.done $0x0  }
0x316: {  	s0 =	rddreg [dreg:$0x9];
	[sflag:s31] =	ssyncadd.s32 $0xFFFFC000  }
0x317: {  	[tilespmem:s4], [sflag:$0x2] =	stream.indirect.gather.add.f32 [hbm:s6], $0x80, s7, s7, $0xb8;
	[tilespmem:$0x14000] =	vst v63  }
0x318: {  	s9 =	rddreg [dreg:$0xa]  }
0x319: {  	[tilespmem:s4], [sflag:$0x2] =	stream.indirect.gather.add.f32 [hbm:s6], $0x80, s0, s7, $0xb8;
	[tilespmem:$0x14000] =	vst v63  }
0x31a: {  	s0 =	rddreg [dreg:$0xb]  }
0x31b: {  	[tilespmem:s4], [sflag:$0x2] =	stream.indirect.gather.add.f32 [hbm:s6], $0x80, s9, s7, $0xb8;
	[tilespmem:$0x14000] =	vst v63  }
0x31c: {  	s9 =	rddreg [dreg:$0xc]  }
0x31d: {  	[tilespmem:s4], [sflag:$0x2] =	stream.indirect.gather.add.f32 [hbm:s6], $0x80, s0, s7, $0xb8;
	[tilespmem:$0x14000] =	vst v63  }
0x31e: {  	s0 =	rddreg [dreg:$0xd]  }
0x31f: {  	[tilespmem:s4], [sflag:$0x2] =	stream.indirect.gather.add.f32 [hbm:s6], $0x80, s9, s7, $0xb8;
	[tilespmem:$0x14000] =	vst v63  }
0x320: {  	s9 =	rddreg [dreg:$0xe]  }
0x321: {  	[tilespmem:s4], [sflag:$0x2] =	stream.indirect.gather.add.f32 [hbm:s6], $0x80, s0, s7, $0xb8;
	[tilespmem:$0x14000] =	vst v63  }
0x322: {  	s0 =	rddreg [dreg:$0xf]  }
0x323: {  	[tilespmem:s4], [sflag:$0x2] =	stream.indirect.gather.add.f32 [hbm:s6], $0x80, s9, s7, $0xb8;
	[tilespmem:$0x14000] =	vst v63  }
0x324: {  	s9 =	rddreg [dreg:$0x10]  }
0x325: {  	[tilespmem:s4], [sflag:$0x2] =	stream.indirect.gather.add.f32 [hbm:s6], $0x80, s0, s7, $0xb8;
	[tilespmem:$0x14000] =	vst v63  }
0x326: {  	s0 =	rddreg [dreg:$0x11]  }
0x327: {  	[tilespmem:s4], [sflag:$0x2] =	stream.indirect.gather.add.f32 [hbm:s6], $0x80, s9, s7, $0xb8;
	[tilespmem:$0x14000] =	vst v63  }
0x328: {  	s9 =	rddreg [dreg:$0x12]  }
0x329: {  	[tilespmem:s4], [sflag:$0x2] =	stream.indirect.gather.add.f32 [hbm:s6], $0x80, s0, s7, $0xb8;
	[tilespmem:$0x14000] =	vst v63  }
0x32a: {  	s0 =	rddreg [dreg:$0x13]  }
0x32b: {  	[tilespmem:s4], [sflag:$0x2] =	stream.indirect.gather.add.f32 [hbm:s6], $0x80, s9, s7, $0xb8;
	[tilespmem:$0x14000] =	vst v63  }
0x32c: {  	s9 =	rddreg [dreg:$0x14]  }
0x32d: {  	[tilespmem:s4], [sflag:$0x2] =	stream.indirect.gather.add.f32 [hbm:s6], $0x80, s0, s7, $0xb8;
	[tilespmem:$0x14000] =	vst v63  }
0x32e: {  	s0 =	rddreg [dreg:$0x15]  }
0x32f: {  	[tilespmem:s4], [sflag:$0x2] =	stream.indirect.gather.add.f32 [hbm:s6], $0x80, s9, s7, $0xb8;
	[tilespmem:$0x14000] =	vst v63  }
0x330: {  	s9 =	rddreg [dreg:$0x16]  }
0x331: {  	[tilespmem:s4], [sflag:$0x2] =	stream.indirect.gather.add.f32 [hbm:s6], $0x80, s0, s7, $0xb8;
	[tilespmem:$0x14000] =	vst v63  }
0x332: {  	s0 =	rddreg [dreg:$0x17]  }
0x333: {  	[tilespmem:s4], [sflag:$0x2] =	stream.indirect.gather.add.f32 [hbm:s6], $0x80, s9, s7, $0xb8;
	[tilespmem:$0x14000] =	vst v63  }
0x334: {  	s9 =	rddreg [dreg:$0x18]  }
0x335: {  	[tilespmem:s4], [sflag:$0x2] =	stream.indirect.gather.add.f32 [hbm:s6], $0x80, s0, s7, $0xb8;
	[tilespmem:$0x14000] =	vst v63  }
0x336: {  	s0 =	rddreg [dreg:$0x19]  }
0x337: {  	[tilespmem:s4], [sflag:$0x2] =	stream.indirect.gather.add.f32 [hbm:s6], $0x80, s9, s7, $0xb8;
	[tilespmem:$0x14000] =	vst v63  }
0x338: {  	s9 =	rddreg [dreg:$0x1a]  }
0x339: {  	[tilespmem:s4], [sflag:$0x2] =	stream.indirect.gather.add.f32 [hbm:s6], $0x80, s0, s7, $0xb8;
	[tilespmem:$0x14000] =	vst v63  }
0x33a: {  	s0 =	rddreg [dreg:$0x1b]  }
0x33b: {  	[tilespmem:s4], [sflag:$0x2] =	stream.indirect.gather.add.f32 [hbm:s6], $0x80, s9, s7, $0xb8;
	[tilespmem:$0x14000] =	vst v63  }
0x33c: {  	s9 =	rddreg [dreg:$0x1c]  }
0x33d: {  	[tilespmem:s4], [sflag:$0x2] =	stream.indirect.gather.add.f32 [hbm:s6], $0x80, s0, s7, $0xb8;
	[tilespmem:$0x14000] =	vst v63  }
0x33e: {  	s0 =	rddreg [dreg:$0x1d]  }
0x33f: {  	[tilespmem:s4], [sflag:$0x2] =	stream.indirect.gather.add.f32 [hbm:s6], $0x80, s9, s7, $0xb8;
	[tilespmem:$0x14000] =	vst v63  }
0x340: {  	s9 =	rddreg [dreg:$0x1e]  }
0x341: {  	[tilespmem:s4], [sflag:$0x2] =	stream.indirect.gather.add.f32 [hbm:s6], $0x80, s0, s7, $0xb8;
	[tilespmem:$0x14000] =	vst v63  }
0x342: {  	s0 =	rddreg [dreg:$0x1f]  }
0x343: {  	[tilespmem:s4], [sflag:$0x2] =	stream.indirect.gather.add.f32 [hbm:s6], $0x80, s9, s7, $0xb8;
	[tilespmem:$0x14000] =	vst v63  }
0x344: {  	s9 =	sld [smem:$0x7AD]  }
0x345: {  	[tilespmem:s4], [sflag:$0x2] =	stream.indirect.gather.add.f32 [hbm:s6], $0x80, s0, s7, $0xb8;
	[tilespmem:$0x14000] =	vst v63  }
0x346: {  	s0 =	sld [smem:$0x7AE]  }
0x347: {  	[tilespmem:s4], [sflag:$0x2] =	stream.indirect.gather.add.f32 [hbm:s6], $0x80, s9, s7, $0xb8;
	[tilespmem:$0x14000] =	vst v63  }
0x348: {  	s9 =	sld [smem:$0x7AF]  }
0x349: {  	[tilespmem:s4], [sflag:$0x2] =	stream.indirect.gather.add.f32 [hbm:s6], $0x80, s0, s7, $0xb8;
	[tilespmem:$0x14000] =	vst v63  }
0x34a: {  	s0 =	sld [smem:$0x7B0]  }
0x34b: {  	[tilespmem:s4], [sflag:$0x2] =	stream.indirect.gather.add.f32 [hbm:s6], $0x80, s9, s7, $0xb8;
	[tilespmem:$0x14000] =	vst v63  }
0x34c: {  	s9 =	sld [smem:$0x7B1]  }
0x34d: {  	[tilespmem:s4], [sflag:$0x2] =	stream.indirect.gather.add.f32 [hbm:s6], $0x80, s0, s7, $0xb8;
	[tilespmem:$0x14000] =	vst v63  }
0x34e: {  	s0 =	sld [smem:$0x7B2]  }
0x34f: {  	[tilespmem:s4], [sflag:$0x2] =	stream.indirect.gather.add.f32 [hbm:s6], $0x80, s9, s7, $0xb8;
	[tilespmem:$0x14000] =	vst v63  }
0x350: {  	s9 =	sld [smem:$0x7B3]  }
0x351: {  	[tilespmem:s4], [sflag:$0x2] =	stream.indirect.gather.add.f32 [hbm:s6], $0x80, s0, s7, $0xb8;
	[tilespmem:$0x14000] =	vst v63  }
0x352: {  	s0 =	sld [smem:$0x7B4]  }
0x353: {  	[tilespmem:s4], [sflag:$0x2] =	stream.indirect.gather.add.f32 [hbm:s6], $0x80, s9, s7, $0xb8;
	[tilespmem:$0x14000] =	vst v63  }
0x354: {  	s9 =	sld [smem:$0x7B5]  }
0x355: {  	[tilespmem:s30], [sflag:$0x2] =	stream.indirect.gather.add.f32 [hbm:s6], $0x80, s0, s7, $0xb8;
	[tilespmem:$0x14000] =	vst v63  }
0x356: {  	s0 =	sld [smem:$0x7B6]  }
0x357: {  	[tilespmem:s30], [sflag:$0x2] =	stream.indirect.gather.add.f32 [hbm:s6], $0x80, s9, s7, $0xb8;
	[tilespmem:$0x14000] =	vst v63  }
0x358: {  	s9 =	sld [smem:$0x7B7]  }
0x359: {  	[tilespmem:s30], [sflag:$0x2] =	stream.indirect.gather.add.f32 [hbm:s6], $0x80, s0, s7, $0xb8;
	[tilespmem:$0x14000] =	vst v63  }
0x35a: {  	s0 =	sld [smem:$0x7B8]  }
0x35b: {  	[tilespmem:s30], [sflag:$0x2] =	stream.indirect.gather.add.f32 [hbm:s6], $0x80, s9, s7, $0xb8;
	[tilespmem:$0x14000] =	vst v63  }
0x35c: {  	s9 =	sld [smem:$0x7B9]  }
0x35d: {  	[tilespmem:s30], [sflag:$0x2] =	stream.indirect.gather.add.f32 [hbm:s6], $0x80, s0, s7, $0xb8;
	[tilespmem:$0x14000] =	vst v63  }
0x35e: {  	s0 =	sld [smem:$0x7BA]  }
0x35f: {  	[tilespmem:s30], [sflag:$0x2] =	stream.indirect.gather.add.f32 [hbm:s6], $0x80, s9, s7, $0xb8;
	[tilespmem:$0x14000] =	vst v63  }
0x360: {  	s9 =	sld [smem:$0x7BB]  }
0x361: {  	[tilespmem:s30], [sflag:$0x2] =	stream.indirect.gather.add.f32 [hbm:s6], $0x80, s0, s7, $0xb8;
	[tilespmem:$0x14000] =	vst v63  }
0x362: {  	s0 =	sld [smem:$0x7BC]  }
0x363: {  	[tilespmem:s30], [sflag:$0x2] =	stream.indirect.gather.add.f32 [hbm:s6], $0x80, s9, s7, $0xb8;
	[tilespmem:$0x14000] =	vst v63  }
0x364: {  	s9 =	sld [smem:$0x7BD]  }
0x365: {  	[tilespmem:s30], [sflag:$0x2] =	stream.indirect.gather.add.f32 [hbm:s6], $0x80, s0, s7, $0xb8;
	[tilespmem:$0x14000] =	vst v63  }
0x366: {  	s0 =	sld [smem:$0x7BE]  }
0x367: {  	[tilespmem:s30], [sflag:$0x2] =	stream.indirect.gather.add.f32 [hbm:s6], $0x80, s9, s7, $0xb8;
	[tilespmem:$0x14000] =	vst v63  }
0x368: {  	s9 =	sld [smem:$0x7BF]  }
0x369: {  	[tilespmem:s30], [sflag:$0x2] =	stream.indirect.gather.add.f32 [hbm:s6], $0x80, s0, s7, $0xb8;
	[tilespmem:$0x14000] =	vst v63  }
0x36a: {  	s0 =	sld [smem:$0x7C0]  }
0x36b: {  	[tilespmem:s30], [sflag:$0x2] =	stream.indirect.gather.add.f32 [hbm:s6], $0x80, s9, s7, $0xb8;
	[tilespmem:$0x14000] =	vst v63  }
0x36c: {  	s9 =	sld [smem:$0x7C1]  }
0x36d: {  	[tilespmem:s30], [sflag:$0x2] =	stream.indirect.gather.add.f32 [hbm:s6], $0x80, s0, s7, $0xb8;
	[tilespmem:$0x14000] =	vst v63  }
0x36e: {  	s0 =	sld [smem:$0x7C2]  }
0x36f: {  	[tilespmem:s30], [sflag:$0x2] =	stream.indirect.gather.add.f32 [hbm:s6], $0x80, s9, s7, $0xb8;
	[tilespmem:$0x14000] =	vst v63  }
0x370: {  	s9 =	sld [smem:$0x7C3]  }
0x371: {  	[tilespmem:s30], [sflag:$0x2] =	stream.indirect.gather.add.f32 [hbm:s6], $0x80, s0, s7, $0xb8;
	[tilespmem:$0x14000] =	vst v63  }
0x372: {  	s0 =	sld [smem:$0x7C4]  }
0x373: {  	[tilespmem:s30], [sflag:$0x2] =	stream.indirect.gather.add.f32 [hbm:s6], $0x80, s9, s7, $0xb8;
	[tilespmem:$0x14000] =	vst v63  }
0x374: {  	s9 =	sld [smem:$0x7C5]  }
0x375: {  	[tilespmem:s30], [sflag:$0x2] =	stream.indirect.gather.add.f32 [hbm:s6], $0x80, s0, s7, $0xb8;
	[tilespmem:$0x14000] =	vst v63  }
0x376: {  	s0 =	sld [smem:$0x7C6]  }
0x377: {  	[tilespmem:s30], [sflag:$0x2] =	stream.indirect.gather.add.f32 [hbm:s6], $0x80, s9, s7, $0xb8;
	[tilespmem:$0x14000] =	vst v63  }
0x378: {  	s9 =	sld [smem:$0x7C7]  }
0x379: {  	[tilespmem:s30], [sflag:$0x2] =	stream.indirect.gather.add.f32 [hbm:s6], $0x80, s0, s7, $0xb8;
	[tilespmem:$0x14000] =	vst v63  }
0x37a: {  	s0 =	sld [smem:$0x7C8]  }
0x37b: {  	[tilespmem:s30], [sflag:$0x2] =	stream.indirect.gather.add.f32 [hbm:s6], $0x80, s9, s7, $0xb8;
	[tilespmem:$0x14000] =	vst v63  }
0x37c: {  	s9 =	sld [smem:$0x7C9]  }
0x37d: {  	[tilespmem:s30], [sflag:$0x2] =	stream.indirect.gather.add.f32 [hbm:s6], $0x80, s0, s7, $0xb8;
	[tilespmem:$0x14000] =	vst v63  }
0x37e: {  	s0 =	sld [smem:$0x7CA]  }
0x37f: {  	[tilespmem:s30], [sflag:$0x2] =	stream.indirect.gather.add.f32 [hbm:s6], $0x80, s9, s7, $0xb8;
	[tilespmem:$0x14000] =	vst v63  }
0x380: {  	s9 =	sld [smem:$0x7CB]  }
0x381: {  	[tilespmem:s30], [sflag:$0x2] =	stream.indirect.gather.add.f32 [hbm:s6], $0x80, s0, s7, $0xb8;
	[tilespmem:$0x14000] =	vst v63  }
0x382: {  	s0 =	sld [smem:$0x7CC]  }
0x383: {  	[tilespmem:s30], [sflag:$0x2] =	stream.indirect.gather.add.f32 [hbm:s6], $0x80, s9, s7, $0xb8;
	[tilespmem:$0x14000] =	vst v63  }
0x384: {  	s9 =	sld [smem:$0x7CD]  }
0x385: {  	[tilespmem:s30], [sflag:$0x2] =	stream.indirect.gather.add.f32 [hbm:s6], $0x80, s0, s7, $0xb8;
	[tilespmem:$0x14000] =	vst v63  }
0x386: {  	s0 =	sld [smem:$0x7CE]  }
0x387: {  	[tilespmem:s30], [sflag:$0x2] =	stream.indirect.gather.add.f32 [hbm:s6], $0x80, s9, s7, $0xb8;
	[tilespmem:$0x14000] =	vst v63  }
0x388: {  	s9 =	sld [smem:$0x7CF]  }
0x389: {  	[tilespmem:s30], [sflag:$0x2] =	stream.indirect.gather.add.f32 [hbm:s6], $0x80, s0, s7, $0xb8;
	[tilespmem:$0x14000] =	vst v63  }
0x38a: {  	s0 =	sld [smem:$0x7D0]  }
0x38b: {  	[tilespmem:s30], [sflag:$0x2] =	stream.indirect.gather.add.f32 [hbm:s6], $0x80, s9, s7, $0xb8;
	[tilespmem:$0x14000] =	vst v63  }
0x38c: {  	s9 =	sld [smem:$0x7D1]  }
0x38d: {  	[tilespmem:s30], [sflag:$0x2] =	stream.indirect.gather.add.f32 [hbm:s6], $0x80, s0, s7, $0xb8;
	[tilespmem:$0x14000] =	vst v63  }
0x38e: {  	s0 =	sld [smem:$0x7D2]  }
0x38f: {  	[tilespmem:s30], [sflag:$0x2] =	stream.indirect.gather.add.f32 [hbm:s6], $0x80, s9, s7, $0xb8;
	[tilespmem:$0x14000] =	vst v63  }
0x390: {  	s9 =	sld [smem:$0x7D3]  }
0x391: {  	[tilespmem:s30], [sflag:$0x2] =	stream.indirect.gather.add.f32 [hbm:s6], $0x80, s0, s7, $0xb8;
	[tilespmem:$0x14000] =	vst v63  }
0x392: {  	s0 =	sld [smem:$0x7D4]  }
0x393: {  	[tilespmem:s29], [sflag:$0x2] =	stream.indirect.gather.add.f32 [hbm:s6], $0x80, s9, s7, $0xb8;
	[tilespmem:$0x14000] =	vst v63  }
0x394: {  	s9 =	sld [smem:$0x7D5]  }
0x395: {  	[tilespmem:s29], [sflag:$0x2] =	stream.indirect.gather.add.f32 [hbm:s6], $0x80, s0, s7, $0xb8;
	[tilespmem:$0x14000] =	vst v63  }
0x396: {  	s0 =	sld [smem:$0x7D6]  }
0x397: {  	[tilespmem:s29], [sflag:$0x2] =	stream.indirect.gather.add.f32 [hbm:s6], $0x80, s9, s7, $0xb8;
	[tilespmem:$0x14000] =	vst v63  }
0x398: {  	s9 =	sld [smem:$0x7D7]  }
0x399: {  	[tilespmem:s29], [sflag:$0x2] =	stream.indirect.gather.add.f32 [hbm:s6], $0x80, s0, s7, $0xb8;
	[tilespmem:$0x14000] =	vst v63  }
0x39a: {  	s0 =	sld [smem:$0x7D8]  }
0x39b: {  	[tilespmem:s29], [sflag:$0x2] =	stream.indirect.gather.add.f32 [hbm:s6], $0x80, s9, s7, $0xb8;
	[tilespmem:$0x14000] =	vst v63  }
0x39c: {  	s9 =	sld [smem:$0x7D9]  }
0x39d: {  	[tilespmem:s29], [sflag:$0x2] =	stream.indirect.gather.add.f32 [hbm:s6], $0x80, s0, s7, $0xb8;
	[tilespmem:$0x14000] =	vst v63  }
0x39e: {  	s0 =	sld [smem:$0x7DA]  }
0x39f: {  	[tilespmem:s29], [sflag:$0x2] =	stream.indirect.gather.add.f32 [hbm:s6], $0x80, s9, s7, $0xb8;
	[tilespmem:$0x14000] =	vst v63  }
0x3a0: {  	s9 =	sld [smem:$0x7DB]  }
0x3a1: {  	[tilespmem:s29], [sflag:$0x2] =	stream.indirect.gather.add.f32 [hbm:s6], $0x80, s0, s7, $0xb8;
	[tilespmem:$0x14000] =	vst v63  }
0x3a2: {  	s0 =	sld [smem:$0x7DC]  }
0x3a3: {  	[tilespmem:s29], [sflag:$0x2] =	stream.indirect.gather.add.f32 [hbm:s6], $0x80, s9, s7, $0xb8;
	[tilespmem:$0x14000] =	vst v63  }
0x3a4: {  	s9 =	sld [smem:$0x7DD]  }
0x3a5: {  	[tilespmem:s29], [sflag:$0x2] =	stream.indirect.gather.add.f32 [hbm:s6], $0x80, s0, s7, $0xb8;
	[tilespmem:$0x14000] =	vst v63  }
0x3a6: {  	s0 =	sld [smem:$0x7DE]  }
0x3a7: {  	[tilespmem:s29], [sflag:$0x2] =	stream.indirect.gather.add.f32 [hbm:s6], $0x80, s9, s7, $0xb8;
	[tilespmem:$0x14000] =	vst v63  }
0x3a8: {  	s9 =	sld [smem:$0x7DF]  }
0x3a9: {  	[tilespmem:s29], [sflag:$0x2] =	stream.indirect.gather.add.f32 [hbm:s6], $0x80, s0, s7, $0xb8;
	[tilespmem:$0x14000] =	vst v63  }
0x3aa: {  	s0 =	sld [smem:$0x7E0]  }
0x3ab: {  	[tilespmem:s29], [sflag:$0x2] =	stream.indirect.gather.add.f32 [hbm:s6], $0x80, s9, s7, $0xb8;
	[tilespmem:$0x14000] =	vst v63  }
0x3ac: {  	s9 =	sld [smem:$0x7E1]  }
0x3ad: {  	[tilespmem:s29], [sflag:$0x2] =	stream.indirect.gather.add.f32 [hbm:s6], $0x80, s0, s7, $0xb8;
	[tilespmem:$0x14000] =	vst v63  }
0x3ae: {  	s0 =	sld [smem:$0x7E2]  }
0x3af: {  	[tilespmem:s29], [sflag:$0x2] =	stream.indirect.gather.add.f32 [hbm:s6], $0x80, s9, s7, $0xb8;
	[tilespmem:$0x14000] =	vst v63  }
0x3b0: {  	s9 =	sld [smem:$0x7E3]  }
0x3b1: {  	[tilespmem:s29], [sflag:$0x2] =	stream.indirect.gather.add.f32 [hbm:s6], $0x80, s0, s7, $0xb8;
	[tilespmem:$0x14000] =	vst v63  }
0x3b2: {  	s0 =	sld [smem:$0x7E4]  }
0x3b3: {  	[tilespmem:s29], [sflag:$0x2] =	stream.indirect.gather.add.f32 [hbm:s6], $0x80, s9, s7, $0xb8;
	[tilespmem:$0x14000] =	vst v63  }
0x3b4: {  	s9 =	sld [smem:$0x7E5]  }
0x3b5: {  	[tilespmem:s29], [sflag:$0x2] =	stream.indirect.gather.add.f32 [hbm:s6], $0x80, s0, s7, $0xb8;
	[tilespmem:$0x14000] =	vst v63  }
0x3b6: {  	s0 =	sld [smem:$0x7E6]  }
0x3b7: {  	[tilespmem:s29], [sflag:$0x2] =	stream.indirect.gather.add.f32 [hbm:s6], $0x80, s9, s7, $0xb8;
	[tilespmem:$0x14000] =	vst v63  }
0x3b8: {  	s9 =	sld [smem:$0x7E7]  }
0x3b9: {  	[tilespmem:s29], [sflag:$0x2] =	stream.indirect.gather.add.f32 [hbm:s6], $0x80, s0, s7, $0xb8;
	[tilespmem:$0x14000] =	vst v63  }
0x3ba: {  	s0 =	sld [smem:$0x7E8]  }
0x3bb: {  	[tilespmem:s29], [sflag:$0x2] =	stream.indirect.gather.add.f32 [hbm:s6], $0x80, s9, s7, $0xb8;
	[tilespmem:$0x14000] =	vst v63  }
0x3bc: {  	s9 =	sld [smem:$0x7E9]  }
0x3bd: {  	[tilespmem:s29], [sflag:$0x2] =	stream.indirect.gather.add.f32 [hbm:s6], $0x80, s0, s7, $0xb8;
	[tilespmem:$0x14000] =	vst v63  }
0x3be: {  	s0 =	sld [smem:$0x7EA]  }
0x3bf: {  	[tilespmem:s29], [sflag:$0x2] =	stream.indirect.gather.add.f32 [hbm:s6], $0x80, s9, s7, $0xb8;
	[tilespmem:$0x14000] =	vst v63  }
0x3c0: {  	s9 =	sld [smem:$0x7EB]  }
0x3c1: {  	[tilespmem:s29], [sflag:$0x2] =	stream.indirect.gather.add.f32 [hbm:s6], $0x80, s0, s7, $0xb8;
	[tilespmem:$0x14000] =	vst v63  }
0x3c2: {  	s0 =	sld [smem:$0x7EC]  }
0x3c3: {  	[tilespmem:s29], [sflag:$0x2] =	stream.indirect.gather.add.f32 [hbm:s6], $0x80, s9, s7, $0xb8;
	[tilespmem:$0x14000] =	vst v63  }
0x3c4: {  	s9 =	sld [smem:$0x7ED]  }
0x3c5: {  	[tilespmem:s29], [sflag:$0x2] =	stream.indirect.gather.add.f32 [hbm:s6], $0x80, s0, s7, $0xb8;
	[tilespmem:$0x14000] =	vst v63  }
0x3c6: {  	s0 =	sld [smem:$0x7EE]  }
0x3c7: {  	[tilespmem:s29], [sflag:$0x2] =	stream.indirect.gather.add.f32 [hbm:s6], $0x80, s9, s7, $0xb8;
	[tilespmem:$0x14000] =	vst v63  }
0x3c8: {  	s9 =	sld [smem:$0x7EF]  }
0x3c9: {  	[tilespmem:s29], [sflag:$0x2] =	stream.indirect.gather.add.f32 [hbm:s6], $0x80, s0, s7, $0xb8;
	[tilespmem:$0x14000] =	vst v63  }
0x3ca: {  	s0 =	sld [smem:$0x7F0]  }
0x3cb: {  	[tilespmem:s29], [sflag:$0x2] =	stream.indirect.gather.add.f32 [hbm:s6], $0x80, s9, s7, $0xb8;
	[tilespmem:$0x14000] =	vst v63  }
0x3cc: {  	s9 =	sld [smem:$0x7F1]  }
0x3cd: {  	[tilespmem:s29], [sflag:$0x2] =	stream.indirect.gather.add.f32 [hbm:s6], $0x80, s0, s7, $0xb8;
	[tilespmem:$0x14000] =	vst v63  }
0x3ce: {  	s0 =	sld [smem:$0x7F2]  }
0x3cf: {  	[tilespmem:s29], [sflag:$0x2] =	stream.indirect.gather.add.f32 [hbm:s6], $0x80, s9, s7, $0xb8;
	[tilespmem:$0x14000] =	vst v63  }
0x3d0: {  	s9 =	sld [smem:$0x7F3]  }
0x3d1: {  	[tilespmem:s8], [sflag:$0x2] =	stream.indirect.gather.add.f32 [hbm:s6], $0x80, s0, s7, $0xb8;
	[tilespmem:$0x14000] =	vst v63  }
0x3d2: {  	s0 =	sld [smem:$0x7F4]  }
0x3d3: {  	[tilespmem:s8], [sflag:$0x2] =	stream.indirect.gather.add.f32 [hbm:s6], $0x80, s9, s7, $0xb8;
	[tilespmem:$0x14000] =	vst v63  }
0x3d4: {  	s9 =	sld [smem:$0x7F5]  }
0x3d5: {  	[tilespmem:s8], [sflag:$0x2] =	stream.indirect.gather.add.f32 [hbm:s6], $0x80, s0, s7, $0xb8;
	[tilespmem:$0x14000] =	vst v63  }
0x3d6: {  	s0 =	sld [smem:$0x7F6]  }
0x3d7: {  	[tilespmem:s8], [sflag:$0x2] =	stream.indirect.gather.add.f32 [hbm:s6], $0x80, s9, s7, $0xb8;
	[tilespmem:$0x14000] =	vst v63  }
0x3d8: {  	s9 =	sld [smem:$0x7F7]  }
0x3d9: {  	[tilespmem:s8], [sflag:$0x2] =	stream.indirect.gather.add.f32 [hbm:s6], $0x80, s0, s7, $0xb8;
	[tilespmem:$0x14000] =	vst v63  }
0x3da: {  	s0 =	sld [smem:$0x7F8]  }
0x3db: {  	[tilespmem:s8], [sflag:$0x2] =	stream.indirect.gather.add.f32 [hbm:s6], $0x80, s9, s7, $0xb8;
	[tilespmem:$0x14000] =	vst v63  }
0x3dc: {  	s9 =	sld [smem:$0x7F9]  }
0x3dd: {  	[tilespmem:s8], [sflag:$0x2] =	stream.indirect.gather.add.f32 [hbm:s6], $0x80, s0, s7, $0xb8;
	[tilespmem:$0x14000] =	vst v63  }
0x3de: {  	s0 =	sld [smem:$0x7FA]  }
0x3df: {  	[tilespmem:s8], [sflag:$0x2] =	stream.indirect.gather.add.f32 [hbm:s6], $0x80, s9, s7, $0xb8;
	[tilespmem:$0x14000] =	vst v63  }
0x3e0: {  	s9 =	sld [smem:$0x7FB]  }
0x3e1: {  	[tilespmem:s8], [sflag:$0x2] =	stream.indirect.gather.add.f32 [hbm:s6], $0x80, s0, s7, $0xb8;
	[tilespmem:$0x14000] =	vst v63  }
0x3e2: {  	s0 =	sld [smem:$0x7FC]  }
0x3e3: {  	[tilespmem:s8], [sflag:$0x2] =	stream.indirect.gather.add.f32 [hbm:s6], $0x80, s9, s7, $0xb8;
	[tilespmem:$0x14000] =	vst v63  }
0x3e4: {  	s9 =	sld [smem:$0x7FD]  }
0x3e5: {  	[tilespmem:s8], [sflag:$0x2] =	stream.indirect.gather.add.f32 [hbm:s6], $0x80, s0, s7, $0xb8;
	[tilespmem:$0x14000] =	vst v63  }
0x3e6: {  	_ = 	snop  }
0x3e7: {  	[tilespmem:s8], [sflag:$0x2] =	stream.indirect.gather.add.f32 [hbm:s6], $0x80, s9, s7, $0xb8;
	[tilespmem:$0x14000] =	vst v63  }
0x3e8: {  	s9 =	simm.s32 $0x1E80  }
0x3e9: {  	[tilespmem:s8], [sflag:$0x2] =	stream.indirect.gather.add.f32 [hbm:s6], $0x80, s9, s7, $0xb8;
	[tilespmem:$0x14000] =	vst v63  }
0x3ea: {  	_ = 	snop  }
0x3eb: {  	[tilespmem:s8], [sflag:$0x2] =	stream.indirect.gather.add.f32 [hbm:s6], $0x80, s11, s7, $0xb8;
	[tilespmem:$0x14000] =	vst v63  }
0x3ec: {  	_ = 	snop  }
0x3ed: {  	[tilespmem:s8], [sflag:$0x2] =	stream.indirect.gather.add.f32 [hbm:s6], $0x80, s12, s7, $0xb8;
	[tilespmem:$0x14000] =	vst v63  }
0x3ee: {  	_ = 	snop  }
0x3ef: {  	[tilespmem:s8], [sflag:$0x2] =	stream.indirect.gather.add.f32 [hbm:s6], $0x80, s13, s7, $0xb8;
	[tilespmem:$0x14000] =	vst v63  }
0x3f0: {  	_ = 	snop  }
0x3f1: {  	[tilespmem:s8], [sflag:$0x2] =	stream.indirect.gather.add.f32 [hbm:s6], $0x80, s14, s7, $0xb8;
	[tilespmem:$0x14000] =	vst v63  }
0x3f2: {  	_ = 	snop  }
0x3f3: {  	[tilespmem:s8], [sflag:$0x2] =	stream.indirect.gather.add.f32 [hbm:s6], $0x80, s15, s7, $0xb8;
	[tilespmem:$0x14000] =	vst v63  }
0x3f4: {  	_ = 	snop  }
0x3f5: {  	[tilespmem:s8], [sflag:$0x2] =	stream.indirect.gather.add.f32 [hbm:s6], $0x80, s16, s7, $0xb8;
	[tilespmem:$0x14000] =	vst v63  }
0x3f6: {  	_ = 	snop  }
0x3f7: {  	[tilespmem:s8], [sflag:$0x2] =	stream.indirect.gather.add.f32 [hbm:s6], $0x80, s17, s7, $0xb8;
	[tilespmem:$0x14000] =	vst v63  }
0x3f8: {  	_ = 	snop  }
0x3f9: {  	[tilespmem:s8], [sflag:$0x2] =	stream.indirect.gather.add.f32 [hbm:s6], $0x80, s18, s7, $0xb8;
	[tilespmem:$0x14000] =	vst v63  }
0x3fa: {  	_ = 	snop  }
0x3fb: {  	[tilespmem:s8], [sflag:$0x2] =	stream.indirect.gather.add.f32 [hbm:s6], $0x80, s19, s7, $0xb8;
	[tilespmem:$0x14000] =	vst v63  }
0x3fc: {  	_ = 	snop  }
0x3fd: {  	[tilespmem:s8], [sflag:$0x2] =	stream.indirect.gather.add.f32 [hbm:s6], $0x80, s20, s7, $0xb8;
	[tilespmem:$0x14000] =	vst v63  }
0x3fe: {  	_ = 	snop  }
0x3ff: {  	[tilespmem:s8], [sflag:$0x2] =	stream.indirect.gather.add.f32 [hbm:s6], $0x80, s21, s7, $0xb8;
	[tilespmem:$0x14000] =	vst v63  }
0x400: {  	_ = 	snop  }
0x401: {  	[tilespmem:s8], [sflag:$0x2] =	stream.indirect.gather.add.f32 [hbm:s6], $0x80, s22, s7, $0xb8;
	[tilespmem:$0x14000] =	vst v63  }
0x402: {  	_ = 	snop  }
0x403: {  	[tilespmem:s8], [sflag:$0x2] =	stream.indirect.gather.add.f32 [hbm:s6], $0x80, s23, s7, $0xb8;
	[tilespmem:$0x14000] =	vst v63  }
0x404: {  	_ = 	snop  }
0x405: {  	[tilespmem:s8], [sflag:$0x2] =	stream.indirect.gather.add.f32 [hbm:s6], $0x80, s24, s7, $0xb8;
	[tilespmem:$0x14000] =	vst v63  }
0x406: {  	_ = 	snop  }
0x407: {  	[tilespmem:s8], [sflag:$0x2] =	stream.indirect.gather.add.f32 [hbm:s6], $0x80, s25, s7, $0xb8;
	[tilespmem:$0x14000] =	vst v63  }
0x408: {  	_ = 	snop  }
0x409: {  	[tilespmem:s8], [sflag:$0x2] =	stream.indirect.gather.add.f32 [hbm:s6], $0x80, s26, s7, $0xb8;
	[tilespmem:$0x14000] =	vst v63  }
0x40a: {  	_ = 	snop  }
0x40b: {  	[tilespmem:s8], [sflag:$0x2] =	stream.indirect.gather.add.f32 [hbm:s6], $0x80, s28, s7, $0xb8;
	[tilespmem:$0x14000] =	vst v63  }
0x40c: {  	_ = 	snop  }
0x40d: {  	[tilespmem:s8], [sflag:$0x2] =	stream.indirect.gather.add.f32 [hbm:s6], $0x80, s10, s7, $0xb8;
	[tilespmem:$0x14000] =	vst v63  }
0x40e: {  	_ =	swait.ge [sflag:s5], $0x4000  }
0x40f: {  	[sflag:s5] =	ssyncset.done $0x0  }
0x410: {  	[sflag:s5] =	ssyncadd.s32 $0xFFFFC000  }
0x411: {  	_ =	swait.ge [sflag:s5], $0x4000  }
0x412: {  	[sflag:s5] =	ssyncset.done $0x0  }
0x413: {  	[sflag:s5] =	ssyncadd.s32 $0xFFFFC000  }
0x414: {  	_ =	swait.ge [sflag:s5], $0x4000  }
0x415: {  	[sflag:s5] =	ssyncset.done $0x0  }
0x416: {  	[sflag:s5] =	ssyncadd.s32 $0xFFFFC000  }
0x417: {  	_ =	swait.ge [sflag:s5], $0x4000  }
0x418: {  	[sflag:s5] =	ssyncset.done $0x0  }
0x419: {  	[sflag:s5] =	ssyncadd.s32 $0xFFFFC000  }
0x41a: {  	_ =	swait.ge [sflag:s5], $0x4000  }
0x41b: {  	[sflag:s5] =	ssyncset.done $0x0  }
0x41c: {  	[sflag:s5] =	ssyncadd.s32 $0xFFFFC000  }
0x41d: {  	_ =	swait.ge [sflag:s5], $0x4000  }
0x41e: {  	[sflag:s5] =	ssyncset.done $0x0  }
0x41f: {  	[sflag:s5] =	ssyncadd.s32 $0xFFFFC000  }
0x420: {  	_ =	swait.ge [sflag:s5], $0x4000  }
0x421: {  	[sflag:s5] =	ssyncset.done $0x0  }
0x422: {  	[sflag:s5] =	ssyncadd.s32 $0xFFFFC000  }
0x423: {  	_ =	swait.ge [sflag:s5], $0x4000  }
0x424: {  	[sflag:s5] =	ssyncset.done $0x0  }
0x425: {  	[sflag:s5] =	ssyncadd.s32 $0xFFFFC000  }
0x426: {  	_ =	swait.ge [sflag:s5], $0x4000  }
0x427: {  	[sflag:s5] =	ssyncset.done $0x0  }
0x428: {  	[sflag:s5] =	ssyncadd.s32 $0xFFFFC000  }
0x429: {  	_ =	swait.ge [sflag:s5], $0x4000  }
0x42a: {  	[sflag:s5] =	ssyncset.done $0x0  }
0x42b: {  	[sflag:s5] =	ssyncadd.s32 $0xFFFFC000  }
0x42c: {  	_ =	swait.ge [sflag:s5], $0x4000  }
0x42d: {  	[sflag:s5] =	ssyncset.done $0x0  }
0x42e: {  	[sflag:s5] =	ssyncadd.s32 $0xFFFFC000  }
0x42f: {  	_ =	swait.ge [sflag:s5], $0x4000  }
0x430: {  	[sflag:s5] =	ssyncset.done $0x0  }
0x431: {  	[sflag:s5] =	ssyncadd.s32 $0xFFFFC000  }
0x432: {  	_ =	swait.ge [sflag:s5], $0x4000  }
0x433: {  	[sflag:s5] =	ssyncset.done $0x0  }
0x434: {  	[sflag:s5] =	ssyncadd.s32 $0xFFFFC000  }
0x435: {  	_ =	swait.ge [sflag:s5], $0x4000  }
0x436: {  	[sflag:s5] =	ssyncset.done $0x0  }
0x437: {  	[sflag:s5] =	ssyncadd.s32 $0xFFFFC000  }
0x438: {  	_ =	swait.ge [sflag:s5], $0x4000  }
0x439: {  	[sflag:s5] =	ssyncset.done $0x0  }
0x43a: {  	[sflag:s5] =	ssyncadd.s32 $0xFFFFC000  }
0x43b: {  	_ =	swait.ge [sflag:s5], $0x4000  }
0x43c: {  	[sflag:s5] =	ssyncset.done $0x0  }
0x43d: {  	[sflag:s5] =	ssyncadd.s32 $0xFFFFC000  }
0x43e: {  	_ =	swait.ge [sflag:s5], $0x4000  }
0x43f: {  	[sflag:s5] =	ssyncset.done $0x0  }
0x440: {  	[sflag:s5] =	ssyncadd.s32 $0xFFFFC000  }
0x441: {  	_ =	swait.ge [sflag:s5], $0x4000  }
0x442: {  	[sflag:s5] =	ssyncset.done $0x0  }
0x443: {  	[sflag:s5] =	ssyncadd.s32 $0xFFFFC000  }
0x444: {  	_ =	swait.ge [sflag:s5], $0x4000  }
0x445: {  	[sflag:s5] =	ssyncset.done $0x0  }
0x446: {  	[sflag:s5] =	ssyncadd.s32 $0xFFFFC000  }
0x447: {  	_ =	swait.ge [sflag:s5], $0x4000  }
0x448: {  	[sflag:s5] =	ssyncset.done $0x0  }
0x449: {  	[sflag:s5] =	ssyncadd.s32 $0xFFFFC000  }
0x44a: {  	_ =	swait.ge [sflag:s5], $0x4000  }
0x44b: {  	[sflag:s5] =	ssyncset.done $0x0  }
0x44c: {  	[sflag:s5] =	ssyncadd.s32 $0xFFFFC000  }
0x44d: {  	_ =	swait.ge [sflag:s5], $0x4000  }
0x44e: {  	[sflag:s5] =	ssyncset.done $0x0  }
0x44f: {  	[sflag:s5] =	ssyncadd.s32 $0xFFFFC000  }
0x450: {  	_ =	swait.ge [sflag:s5], $0x4000  }
0x451: {  	[sflag:s5] =	ssyncset.done $0x0  }
0x452: {  	[sflag:s5] =	ssyncadd.s32 $0xFFFFC000  }
0x453: {  	_ =	swait.ge [sflag:s5], $0x4000  }
0x454: {  	[sflag:s5] =	ssyncset.done $0x0  }
0x455: {  	[sflag:s5] =	ssyncadd.s32 $0xFFFFC000  }
0x456: {  	_ =	swait.ge [sflag:s5], $0x4000  }
0x457: {  	[sflag:s5] =	ssyncset.done $0x0  }
0x458: {  	[sflag:s5] =	ssyncadd.s32 $0xFFFFC000  }
0x459: {  	_ =	swait.ge [sflag:s5], $0x4000  }
0x45a: {  	[sflag:s5] =	ssyncset.done $0x0  }
0x45b: {  	[sflag:s5] =	ssyncadd.s32 $0xFFFFC000  }
0x45c: {  	_ =	swait.ge [sflag:s5], $0x4000  }
0x45d: {  	[sflag:s5] =	ssyncset.done $0x0  }
0x45e: {  	[sflag:s5] =	ssyncadd.s32 $0xFFFFC000  }
0x45f: {  	_ =	swait.ge [sflag:s5], $0x4000  }
0x460: {  	[sflag:s5] =	ssyncset.done $0x0  }
0x461: {  	[sflag:s5] =	ssyncadd.s32 $0xFFFFC000  }
0x462: {  	_ =	swait.ge [sflag:s5], $0x4000  }
0x463: {  	[sflag:s5] =	ssyncset.done $0x0  }
0x464: {  	[sflag:s5] =	ssyncadd.s32 $0xFFFFC000  }
0x465: {  	_ =	swait.ge [sflag:s5], $0x4000  }
0x466: {  	[sflag:s5] =	ssyncset.done $0x0  }
0x467: {  	[sflag:s5] =	ssyncadd.s32 $0xFFFFC000  }
0x468: {  	_ =	swait.ge [sflag:s5], $0x4000  }
0x469: {  	[sflag:s5] =	ssyncset.done $0x0  }
0x46a: {  	[sflag:s5] =	ssyncadd.s32 $0xFFFFC000  }
0x46b: {  	_ =	swait.ge [sflag:s5], $0x4000  }
0x46c: {  	[sflag:s5] =	ssyncset.done $0x0  }
0x46d: {  	[sflag:s5] =	ssyncadd.s32 $0xFFFFC000  }
0x46e: {  	_ =	swait.ge [sflag:s5], $0x4000  }
0x46f: {  	[sflag:s5] =	ssyncset.done $0x0  }
0x470: {  	[sflag:s5] =	ssyncadd.s32 $0xFFFFC000  }
0x471: {  	_ =	swait.ge [sflag:s5], $0x4000  }
0x472: {  	[sflag:s5] =	ssyncset.done $0x0  }
0x473: {  	[sflag:s5] =	ssyncadd.s32 $0xFFFFC000  }
0x474: {  	_ =	swait.ge [sflag:s5], $0x4000  }
0x475: {  	[sflag:s5] =	ssyncset.done $0x0  }
0x476: {  	[sflag:s5] =	ssyncadd.s32 $0xFFFFC000  }
0x477: {  	_ =	swait.ge [sflag:s5], $0x4000  }
0x478: {  	[sflag:s5] =	ssyncset.done $0x0  }
0x479: {  	[sflag:s5] =	ssyncadd.s32 $0xFFFFC000  }
0x47a: {  	_ =	swait.ge [sflag:s5], $0x4000  }
0x47b: {  	[sflag:s5] =	ssyncset.done $0x0  }
0x47c: {  	[sflag:s5] =	ssyncadd.s32 $0xFFFFC000  }
0x47d: {  	_ =	swait.ge [sflag:s5], $0x4000  }
0x47e: {  	[sflag:s5] =	ssyncset.done $0x0  }
0x47f: {  	[sflag:s5] =	ssyncadd.s32 $0xFFFFC000  }
0x480: {  	_ =	swait.ge [sflag:s5], $0x4000  }
0x481: {  	[sflag:s5] =	ssyncset.done $0x0  }
0x482: {  	[sflag:s5] =	ssyncadd.s32 $0xFFFFC000  }
0x483: {  	_ =	swait.ge [sflag:s5], $0x4000  }
0x484: {  	[sflag:s5] =	ssyncset.done $0x0  }
0x485: {  	[sflag:s5] =	ssyncadd.s32 $0xFFFFC000  }
0x486: {  	_ =	swait.ge [sflag:s5], $0x4000  }
0x487: {  	[sflag:s5] =	ssyncset.done $0x0  }
0x488: {  	[sflag:s5] =	ssyncadd.s32 $0xFFFFC000  }
0x489: {  	_ =	swait.ge [sflag:s5], $0x4000  }
0x48a: {  	[sflag:s5] =	ssyncset.done $0x0  }
0x48b: {  	[sflag:s5] =	ssyncadd.s32 $0xFFFFC000  }
0x48c: {  	_ =	swait.ge [sflag:s5], $0x4000  }
0x48d: {  	[sflag:s5] =	ssyncset.done $0x0  }
0x48e: {  	[sflag:s5] =	ssyncadd.s32 $0xFFFFC000  }
0x48f: {  	_ =	swait.ge [sflag:s5], $0x4000  }
0x490: {  	[sflag:s5] =	ssyncset.done $0x0  }
0x491: {  	[sflag:s5] =	ssyncadd.s32 $0xFFFFC000  }
0x492: {  	_ =	swait.ge [sflag:s5], $0x4000  }
0x493: {  	[sflag:s5] =	ssyncset.done $0x0  }
0x494: {  	[sflag:s5] =	ssyncadd.s32 $0xFFFFC000  }
0x495: {  	_ =	swait.ge [sflag:s5], $0x4000  }
0x496: {  	[sflag:s5] =	ssyncset.done $0x0  }
0x497: {  	[sflag:s5] =	ssyncadd.s32 $0xFFFFC000  }
0x498: {  	_ =	swait.ge [sflag:s5], $0x4000  }
0x499: {  	[sflag:s5] =	ssyncset.done $0x0  }
0x49a: {  	[sflag:s5] =	ssyncadd.s32 $0xFFFFC000  }
0x49b: {  	_ =	swait.ge [sflag:s5], $0x4000  }
0x49c: {  	[sflag:s5] =	ssyncset.done $0x0  }
0x49d: {  	[sflag:s5] =	ssyncadd.s32 $0xFFFFC000  }
0x49e: {  	_ =	swait.ge [sflag:s5], $0x4000  }
0x49f: {  	[sflag:s5] =	ssyncset.done $0x0  }
0x4a0: {  	[sflag:s5] =	ssyncadd.s32 $0xFFFFC000  }
0x4a1: {  	_ =	swait.ge [sflag:s5], $0x4000  }
0x4a2: {  	[sflag:s5] =	ssyncset.done $0x0  }
0x4a3: {  	[sflag:s5] =	ssyncadd.s32 $0xFFFFC000  }
0x4a4: {  	_ =	swait.ge [sflag:s5], $0x4000  }
0x4a5: {  	[sflag:s5] =	ssyncset.done $0x0  }
0x4a6: {  	[sflag:s5] =	ssyncadd.s32 $0xFFFFC000  }
0x4a7: {  	_ =	swait.ge [sflag:s5], $0x4000  }
0x4a8: {  	[sflag:s5] =	ssyncset.done $0x0  }
0x4a9: {  	[sflag:s5] =	ssyncadd.s32 $0xFFFFC000  }
0x4aa: {  	_ =	swait.ge [sflag:s5], $0x4000  }
0x4ab: {  	[sflag:s5] =	ssyncset.done $0x0  }
0x4ac: {  	[sflag:s5] =	ssyncadd.s32 $0xFFFFC000  }
0x4ad: {  	_ =	swait.ge [sflag:s5], $0x4000  }
0x4ae: {  	[sflag:s5] =	ssyncset.done $0x0  }
0x4af: {  	[sflag:s5] =	ssyncadd.s32 $0xFFFFC000  }
0x4b0: {  	_ =	swait.ge [sflag:s5], $0x4000  }
0x4b1: {  	[sflag:s5] =	ssyncset.done $0x0  }
0x4b2: {  	[sflag:s5] =	ssyncadd.s32 $0xFFFFC000  }
0x4b3: {  	_ =	swait.ge [sflag:s5], $0x4000  }
0x4b4: {  	[sflag:s5] =	ssyncset.done $0x0  }
0x4b5: {  	[sflag:s5] =	ssyncadd.s32 $0xFFFFC000  }
0x4b6: {  	_ =	swait.ge [sflag:s5], $0x4000  }
0x4b7: {  	[sflag:s5] =	ssyncset.done $0x0  }
0x4b8: {  	[sflag:s5] =	ssyncadd.s32 $0xFFFFC000  }
0x4b9: {  	_ =	swait.ge [sflag:s5], $0x4000  }
0x4ba: {  	[sflag:s5] =	ssyncset.done $0x0  }
0x4bb: {  	[sflag:s5] =	ssyncadd.s32 $0xFFFFC000  }
0x4bc: {  	_ =	swait.ge [sflag:s5], $0x4000  }
0x4bd: {  	[sflag:s5] =	ssyncset.done $0x0  }
0x4be: {  	[sflag:s5] =	ssyncadd.s32 $0xFFFFC000  }
0x4bf: {  	_ =	swait.ge [sflag:s5], $0x4000  }
0x4c0: {  	[sflag:s5] =	ssyncset.done $0x0  }
0x4c1: {  	[sflag:s5] =	ssyncadd.s32 $0xFFFFC000  }
0x4c2: {  	_ =	swait.ge [sflag:s5], $0x4000  }
0x4c3: {  	[sflag:s5] =	ssyncset.done $0x0  }
0x4c4: {  	[sflag:s5] =	ssyncadd.s32 $0xFFFFC000  }
0x4c5: {  	_ =	swait.ge [sflag:s5], $0x4000  }
0x4c6: {  	[sflag:s5] =	ssyncset.done $0x0  }
0x4c7: {  	[sflag:s5] =	ssyncadd.s32 $0xFFFFC000  }
0x4c8: {  	_ =	swait.ge [sflag:s5], $0x4000  }
0x4c9: {  	[sflag:s5] =	ssyncset.done $0x0  }
0x4ca: {  	[sflag:s5] =	ssyncadd.s32 $0xFFFFC000  }
0x4cb: {  	_ =	swait.ge [sflag:s5], $0x4000  }
0x4cc: {  	[sflag:s5] =	ssyncset.done $0x0  }
0x4cd: {  	[sflag:s5] =	ssyncadd.s32 $0xFFFFC000  }
0x4ce: {  	_ =	swait.ge [sflag:s5], $0x4000  }
0x4cf: {  	[sflag:s5] =	ssyncset.done $0x0  }
0x4d0: {  	[sflag:s5] =	ssyncadd.s32 $0xFFFFC000  }
0x4d1: {  	_ =	swait.ge [sflag:s5], $0x4000  }
0x4d2: {  	[sflag:s5] =	ssyncset.done $0x0  }
0x4d3: {  	[sflag:s5] =	ssyncadd.s32 $0xFFFFC000  }
0x4d4: {  	_ =	swait.ge [sflag:s5], $0x4000  }
0x4d5: {  	[sflag:s5] =	ssyncset.done $0x0  }
0x4d6: {  	[sflag:s5] =	ssyncadd.s32 $0xFFFFC000  }
0x4d7: {  	_ =	swait.ge [sflag:s5], $0x4000  }
0x4d8: {  	[sflag:s5] =	ssyncset.done $0x0  }
0x4d9: {  	[sflag:s5] =	ssyncadd.s32 $0xFFFFC000  }
0x4da: {  	_ =	swait.ge [sflag:s5], $0x4000  }
0x4db: {  	[sflag:s5] =	ssyncset.done $0x0  }
0x4dc: {  	[sflag:s5] =	ssyncadd.s32 $0xFFFFC000  }
0x4dd: {  	_ =	swait.ge [sflag:s5], $0x4000  }
0x4de: {  	[sflag:s5] =	ssyncset.done $0x0  }
0x4df: {  	[sflag:s5] =	ssyncadd.s32 $0xFFFFC000  }
0x4e0: {  	_ =	swait.ge [sflag:s5], $0x4000  }
0x4e1: {  	[sflag:s5] =	ssyncset.done $0x0  }
0x4e2: {  	[sflag:s5] =	ssyncadd.s32 $0xFFFFC000  }
0x4e3: {  	_ =	swait.ge [sflag:s5], $0x4000  }
0x4e4: {  	[sflag:s5] =	ssyncset.done $0x0  }
0x4e5: {  	[sflag:s5] =	ssyncadd.s32 $0xFFFFC000  }
0x4e6: {  	_ =	swait.ge [sflag:s5], $0x4000  }
0x4e7: {  	[sflag:s5] =	ssyncset.done $0x0  }
0x4e8: {  	[sflag:s5] =	ssyncadd.s32 $0xFFFFC000  }
0x4e9: {  	_ =	swait.ge [sflag:s5], $0x4000  }
0x4ea: {  	[sflag:s5] =	ssyncset.done $0x0  }
0x4eb: {  	[sflag:s5] =	ssyncadd.s32 $0xFFFFC000  }
0x4ec: {  	_ =	swait.ge [sflag:s5], $0x4000  }
0x4ed: {  	[sflag:s5] =	ssyncset.done $0x0  }
0x4ee: {  	[sflag:s5] =	ssyncadd.s32 $0xFFFFC000  }
0x4ef: {  	_ =	swait.ge [sflag:s5], $0x4000  }
0x4f0: {  	[sflag:s5] =	ssyncset.done $0x0  }
0x4f1: {  	[sflag:s5] =	ssyncadd.s32 $0xFFFFC000  }
0x4f2: {  	_ =	swait.ge [sflag:s5], $0x4000  }
0x4f3: {  	[sflag:s5] =	ssyncset.done $0x0  }
0x4f4: {  	[sflag:s5] =	ssyncadd.s32 $0xFFFFC000  }
0x4f5: {  	_ =	swait.ge [sflag:s5], $0x4000  }
0x4f6: {  	[sflag:s5] =	ssyncset.done $0x0  }
0x4f7: {  	[sflag:s5] =	ssyncadd.s32 $0xFFFFC000  }
0x4f8: {  	_ =	swait.ge [sflag:s5], $0x4000  }
0x4f9: {  	[sflag:s5] =	ssyncset.done $0x0  }
0x4fa: {  	[sflag:s5] =	ssyncadd.s32 $0xFFFFC000  }
0x4fb: {  	_ =	swait.ge [sflag:s5], $0x4000  }
0x4fc: {  	[sflag:s5] =	ssyncset.done $0x0  }
0x4fd: {  	[sflag:s5] =	ssyncadd.s32 $0xFFFFC000  }
0x4fe: {  	_ =	swait.ge [sflag:s5], $0x4000  }
0x4ff: {  	[sflag:s5] =	ssyncset.done $0x0  }
0x500: {  	[sflag:s5] =	ssyncadd.s32 $0xFFFFC000  }
0x501: {  	_ =	swait.ge [sflag:s5], $0x4000  }
0x502: {  	[sflag:s5] =	ssyncset.done $0x0  }
0x503: {  	[sflag:s5] =	ssyncadd.s32 $0xFFFFC000  }
0x504: {  	_ =	swait.ge [sflag:s5], $0x4000  }
0x505: {  	[sflag:s5] =	ssyncset.done $0x0  }
0x506: {  	[sflag:s5] =	ssyncadd.s32 $0xFFFFC000  }
0x507: {  	_ =	swait.ge [sflag:s5], $0x4000  }
0x508: {  	[sflag:s5] =	ssyncset.done $0x0  }
0x509: {  	[sflag:s5] =	ssyncadd.s32 $0xFFFFC000  }
0x50a: {  	_ =	swait.ge [sflag:s5], $0x4000  }
0x50b: {  	[sflag:s5] =	ssyncset.done $0x0  }
0x50c: {  	[sflag:s5] =	ssyncadd.s32 $0xFFFFC000  }
0x50d: {  	_ =	swait.ge [sflag:s5], $0x4000  }
0x50e: {  	[sflag:s5] =	ssyncset.done $0x0  }
0x50f: {  	[sflag:s5] =	ssyncadd.s32 $0xFFFFC000  }
0x510: {  	_ =	swait.ge [sflag:s5], $0x4000  }
0x511: {  	[sflag:s5] =	ssyncset.done $0x0  }
0x512: {  	[sflag:s5] =	ssyncadd.s32 $0xFFFFC000  }
0x513: {  	_ =	swait.ge [sflag:s5], $0x4000  }
0x514: {  	[sflag:s5] =	ssyncset.done $0x0  }
0x515: {  	[sflag:s5] =	ssyncadd.s32 $0xFFFFC000  }
0x516: {  	_ =	swait.ge [sflag:s5], $0x4000  }
0x517: {  	[sflag:s5] =	ssyncset.done $0x0  }
0x518: {  	[sflag:s5] =	ssyncadd.s32 $0xFFFFC000  }
0x519: {  	_ =	swait.ge [sflag:s5], $0x4000  }
0x51a: {  	[sflag:s5] =	ssyncset.done $0x0  }
0x51b: {  	[sflag:s5] =	ssyncadd.s32 $0xFFFFC000  }
0x51c: {  	_ =	swait.ge [sflag:s5], $0x4000  }
0x51d: {  	[sflag:s5] =	ssyncset.done $0x0  }
0x51e: {  	[sflag:s5] =	ssyncadd.s32 $0xFFFFC000  }
0x51f: {  	_ =	swait.ge [sflag:s5], $0x4000  }
0x520: {  	[sflag:s5] =	ssyncset.done $0x0  }
0x521: {  	[sflag:s5] =	ssyncadd.s32 $0xFFFFC000  }
0x522: {  	_ =	swait.ge [sflag:s5], $0x4000  }
0x523: {  	[sflag:s5] =	ssyncset.done $0x0  }
0x524: {  	[sflag:s5] =	ssyncadd.s32 $0xFFFFC000  }
0x525: {  	_ =	swait.ge [sflag:s5], $0x4000  }
0x526: {  	[sflag:s5] =	ssyncset.done $0x0  }
0x527: {  	[sflag:s5] =	ssyncadd.s32 $0xFFFFC000  }
0x528: {  	_ =	swait.ge [sflag:s5], $0x4000  }
0x529: {  	[sflag:s5] =	ssyncset.done $0x0  }
0x52a: {  	[sflag:s5] =	ssyncadd.s32 $0xFFFFC000  }
0x52b: {  	_ =	swait.ge [sflag:s5], $0x4000  }
0x52c: {  	[sflag:s5] =	ssyncset.done $0x0  }
0x52d: {  	[sflag:s5] =	ssyncadd.s32 $0xFFFFC000  }
0x52e: {  	_ =	swait.ge [sflag:s5], $0x4000  }
0x52f: {  	[sflag:s5] =	ssyncset.done $0x0  }
0x530: {  	[sflag:s5] =	ssyncadd.s32 $0xFFFFC000  }
0x531: {  	_ =	swait.ge [sflag:s5], $0x4000  }
0x532: {  	[sflag:s5] =	ssyncset.done $0x0  }
0x533: {  	[sflag:s5] =	ssyncadd.s32 $0xFFFFC000  }
0x534: {  	_ =	swait.ge [sflag:s5], $0x4000  }
0x535: {  	[sflag:s5] =	ssyncset.done $0x0  }
0x536: {  	[sflag:s5] =	ssyncadd.s32 $0xFFFFC000  }
0x537: {  	_ =	swait.ge [sflag:s5], $0x4000  }
0x538: {  	[sflag:s5] =	ssyncset.done $0x0  }
0x539: {  	[sflag:s5] =	ssyncadd.s32 $0xFFFFC000  }
0x53a: {  	_ =	swait.ge [sflag:s5], $0x4000  }
0x53b: {  	[sflag:s5] =	ssyncset.done $0x0  }
0x53c: {  	[sflag:s5] =	ssyncadd.s32 $0xFFFFC000  }
0x53d: {  	_ =	swait.ge [sflag:s5], $0x4000  }
0x53e: {  	[sflag:s5] =	ssyncset.done $0x0  }
0x53f: {  	[sflag:s5] =	ssyncadd.s32 $0xFFFFC000  }
0x540: {  	_ =	swait.ge [sflag:s5], $0x4000  }
0x541: {  	[sflag:s5] =	ssyncset.done $0x0  }
0x542: {  	[sflag:s5] =	ssyncadd.s32 $0xFFFFC000  }
0x543: {  	_ =	swait.ge [sflag:s5], $0x4000  }
0x544: {  	[sflag:s5] =	ssyncset.done $0x0  }
0x545: {  	[sflag:s5] =	ssyncadd.s32 $0xFFFFC000  }
0x546: {  	_ =	swait.ge [sflag:s5], $0x4000  }
0x547: {  	[sflag:s5] =	ssyncset.done $0x0  }
0x548: {  	[sflag:s5] =	ssyncadd.s32 $0xFFFFC000  }
0x549: {  	_ =	swait.ge [sflag:s5], $0x4000  }
0x54a: {  	[sflag:s5] =	ssyncset.done $0x0  }
0x54b: {  	[sflag:s5] =	ssyncadd.s32 $0xFFFFC000  }
0x54c: {  	_ =	swait.ge [sflag:s5], $0x4000  }
0x54d: {  	[sflag:s5] =	ssyncset.done $0x0  }
0x54e: {  	[sflag:s5] =	ssyncadd.s32 $0xFFFFC000  }
0x54f: {  	_ =	swait.ge [sflag:s5], $0x4000  }
0x550: {  	[sflag:s5] =	ssyncset.done $0x0  }
0x551: {  	[sflag:s5] =	ssyncadd.s32 $0xFFFFC000  }
0x552: {  	_ =	swait.ge [sflag:s5], $0x4000  }
0x553: {  	[sflag:s5] =	ssyncset.done $0x0  }
0x554: {  	[sflag:s5] =	ssyncadd.s32 $0xFFFFC000  }
0x555: {  	_ =	swait.ge [sflag:s5], $0x4000  }
0x556: {  	[sflag:s5] =	ssyncset.done $0x0  }
0x557: {  	[sflag:s5] =	ssyncadd.s32 $0xFFFFC000  }
0x558: {  	_ =	swait.ge [sflag:s5], $0x4000  }
0x559: {  	[sflag:s5] =	ssyncset.done $0x0  }
0x55a: {  	[sflag:s5] =	ssyncadd.s32 $0xFFFFC000  }
0x55b: {  	_ =	swait.ge [sflag:s5], $0x4000  }
0x55c: {  	[sflag:s5] =	ssyncset.done $0x0  }
0x55d: {  	[sflag:s5] =	ssyncadd.s32 $0xFFFFC000  }
0x55e: {  	_ =	swait.ge [sflag:s5], $0x4000  }
0x55f: {  	[sflag:s5] =	ssyncset.done $0x0  }
0x560: {  	[sflag:s5] =	ssyncadd.s32 $0xFFFFC000  }
0x561: {  	_ =	swait.ge [sflag:s5], $0x4000  }
0x562: {  	[sflag:s5] =	ssyncset.done $0x0  }
0x563: {  	[sflag:s5] =	ssyncadd.s32 $0xFFFFC000  }
0x564: {  	_ =	swait.ge [sflag:s5], $0x4000  }
0x565: {  	[sflag:s5] =	ssyncset.done $0x0  }
0x566: {  	[sflag:s5] =	ssyncadd.s32 $0xFFFFC000  }
0x567: {  	_ =	swait.ge [sflag:s5], $0x4000  }
0x568: {  	[sflag:s5] =	ssyncset.done $0x0  }
0x569: {  	[sflag:s5] =	ssyncadd.s32 $0xFFFFC000  }
0x56a: {  	_ =	swait.ge [sflag:s5], $0x4000  }
0x56b: {  	[sflag:s5] =	ssyncset.done $0x0  }
0x56c: {  	[sflag:s5] =	ssyncadd.s32 $0xFFFFC000  }
0x56d: {  	_ =	swait.ge [sflag:s5], $0x4000  }
0x56e: {  	[sflag:s5] =	ssyncset.done $0x0  }
0x56f: {  	[sflag:s5] =	ssyncadd.s32 $0xFFFFC000  }
0x570: {  	_ =	swait.ge [sflag:s5], $0x4000  }
0x571: {  	[sflag:s5] =	ssyncset.done $0x0  }
0x572: {  	[sflag:s5] =	ssyncadd.s32 $0xFFFFC000  }
0x573: {  	_ =	swait.ge [sflag:s5], $0x4000  }
0x574: {  	[sflag:s5] =	ssyncset.done $0x0  }
0x575: {  	[sflag:s5] =	ssyncadd.s32 $0xFFFFC000  }
0x576: {  	_ =	swait.ge [sflag:s5], $0x4000  }
0x577: {  	[sflag:s5] =	ssyncset.done $0x0  }
0x578: {  	[sflag:s5] =	ssyncadd.s32 $0xFFFFC000  }
0x579: {  	_ =	swait.ge [sflag:s5], $0x4000  }
0x57a: {  	[sflag:s5] =	ssyncset.done $0x0  }
0x57b: {  	[sflag:s5] =	ssyncadd.s32 $0xFFFFC000  }
0x57c: {  	_ =	swait.ge [sflag:s5], $0x4000  }
0x57d: {  	[sflag:s5] =	ssyncset.done $0x0  }
0x57e: {  	[sflag:s5] =	ssyncadd.s32 $0xFFFFC000  }
0x57f: {  	p1 =	sne.s32 s1, $0x1;
	_ =	swait.ge [sflag:s5], $0x4000  }
.Ltmp2:
0x580: {  	[sflag:s5] =	ssyncset.done $0x0;
	(pc) =	sbr.rel @p1 .LBB2_4-.Ltmp2, $4  }
0x581: {  	s9 =	rddreg [dreg:$0x5];
	[sflag:s5] =	ssyncadd.s32 $0xFFFFC000  }
0x582: {  	[hbm4b:s9+s2] =	stream.linear.scatter [tilespmem:s4], [sflag:$0x3], $0x10000, $0x38;
	[tilespmem:$0x14000] =	vst v63  }
0x583: {  	_ =	swait.ge [sflag:s3], $0x10000  }
0x584: {  	s1 =	sadd.s32 $0xFFFFFFFF, s1;
	s0 =	rddreg [dreg:$0x4];
	[sflag:s3] =	ssyncset.done $0x0  }
0x585: {  	s9 =	simm.s32 $0x3F80  }
0x586: {  	s28 =	simm.s32 $0x3F00;
	s26 =	simm.s32 $0x3E80;
	s25 =	simm.s32 $0x3E00  }
0x587: {  	s24 =	simm.s32 $0x3D80;
	s23 =	simm.s32 $0x3D00;
	s22 =	simm.s32 $0x3C80  }
0x588: {  	s21 =	simm.s32 $0x3C00;
	s20 =	simm.s32 $0x2F80;
	s19 =	simm.s32 $0x2F00  }
0x589: {  	s18 =	simm.s32 $0x2E80;
	s17 =	simm.s32 $0x2E00;
	s16 =	simm.s32 $0x2D80  }
0x58a: {  	s15 =	simm.s32 $0x2D00;
	s14 =	simm.s32 $0x2C80;
	s13 =	simm.s32 $0x2C00  }
0x58b: {  	s12 =	simm.s32 $0x1F80;
	s11 =	simm.s32 $0x1F00;
	s10 =	simm.s32 $0x1E80  }
.LBB2_6:
0x58c: {  	[sflag:s3] =	ssyncadd.s32 @p0 $0xFFFF0000  }
0x58d: {  	[tilespmem:s2], [sflag:$0x3] =	stream.linear.gather [hbm4b:s0+s2], $0x4000, $0x38;
	[tilespmem:$0x14000] =	vst v63  }
0x58e: {  	_ =	swait.ge [sflag:s3], $0x4000  }
0x58f: {  	[sflag:s3] =	ssyncset.done $0x0  }
0x590: {  	[sflag:s3] =	ssyncadd.s32 $0xFFFFC000  }
0x591: {  	[tilespmem:s4], [sflag:$0x1] =	stream.indirect.gather [hbm4b:s6+s7], $0x80, s2, s7, $0xb8;
	[tilespmem:$0x14000] =	vst v63  }
0x592: {  	s0 =	rddreg [dreg:$0x6]  }
0x593: {  	[tilespmem:s30], [sflag:$0x1] =	stream.indirect.gather [hbm4b:s6+s7], $0x80, s0, s7, $0xb8;
	[tilespmem:$0x14000] =	vst v63  }
0x594: {  	s1 =	rddreg [dreg:$0x7]  }
0x595: {  	[tilespmem:s29], [sflag:$0x1] =	stream.indirect.gather [hbm4b:s6+s7], $0x80, s1, s7, $0xb8;
	[tilespmem:$0x14000] =	vst v63  }
0x596: {  	s0 =	rddreg [dreg:$0x8]  }
0x597: {  	[tilespmem:s8], [sflag:$0x1] =	stream.indirect.gather [hbm4b:s6+s7], $0x80, s0, s7, $0xb8;
	[tilespmem:$0x14000] =	vst v63  }
0x598: {  	_ =	swait.ge [sflag:s31], $0x4000  }
0x599: {  	[sflag:s31] =	ssyncset.done $0x0  }
0x59a: {  	[sflag:s31] =	ssyncadd.s32 $0xFFFFC000  }
0x59b: {  	_ =	swait.ge [sflag:s31], $0x4000  }
0x59c: {  	[sflag:s31] =	ssyncset.done $0x0  }
0x59d: {  	[sflag:s31] =	ssyncadd.s32 $0xFFFFC000  }
0x59e: {  	_ =	swait.ge [sflag:s31], $0x4000  }
0x59f: {  	[sflag:s31] =	ssyncset.done $0x0  }
0x5a0: {  	[sflag:s31] =	ssyncadd.s32 $0xFFFFC000  }
0x5a1: {  	_ =	swait.ge [sflag:s31], $0x4000  }
0x5a2: {  	[sflag:s31] =	ssyncset.done $0x0  }
0x5a3: {  	s1 =	rddreg [dreg:$0x9];
	[sflag:s31] =	ssyncadd.s32 $0xFFFFC000  }
0x5a4: {  	[tilespmem:s4], [sflag:$0x2] =	stream.indirect.gather.add.f32 [hbm:s6], $0x80, s7, s7, $0xb8;
	[tilespmem:$0x14000] =	vst v63  }
0x5a5: {  	s0 =	rddreg [dreg:$0xb]  }
0x5a6: {  	[tilespmem:s4], [sflag:$0x2] =	stream.indirect.gather.add.f32 [hbm:s6], $0x80, s1, s7, $0xb8;
	[tilespmem:$0x14000] =	vst v63  }
0x5a7: {  	s31 =	rddreg [dreg:$0xa]  }
0x5a8: {  	[tilespmem:s4], [sflag:$0x2] =	stream.indirect.gather.add.f32 [hbm:s6], $0x80, s31, s7, $0xb8;
	[tilespmem:$0x14000] =	vst v63  }
0x5a9: {  	s31 =	rddreg [dreg:$0xc]  }
0x5aa: {  	[tilespmem:s4], [sflag:$0x2] =	stream.indirect.gather.add.f32 [hbm:s6], $0x80, s0, s7, $0xb8;
	[tilespmem:$0x14000] =	vst v63  }
0x5ab: {  	s0 =	rddreg [dreg:$0xd]  }
0x5ac: {  	[tilespmem:s4], [sflag:$0x2] =	stream.indirect.gather.add.f32 [hbm:s6], $0x80, s31, s7, $0xb8;
	[tilespmem:$0x14000] =	vst v63  }
0x5ad: {  	s31 =	rddreg [dreg:$0xe]  }
0x5ae: {  	[tilespmem:s4], [sflag:$0x2] =	stream.indirect.gather.add.f32 [hbm:s6], $0x80, s0, s7, $0xb8;
	[tilespmem:$0x14000] =	vst v63  }
0x5af: {  	s0 =	rddreg [dreg:$0xf]  }
0x5b0: {  	[tilespmem:s4], [sflag:$0x2] =	stream.indirect.gather.add.f32 [hbm:s6], $0x80, s31, s7, $0xb8;
	[tilespmem:$0x14000] =	vst v63  }
0x5b1: {  	s31 =	rddreg [dreg:$0x10]  }
0x5b2: {  	[tilespmem:s4], [sflag:$0x2] =	stream.indirect.gather.add.f32 [hbm:s6], $0x80, s0, s7, $0xb8;
	[tilespmem:$0x14000] =	vst v63  }
0x5b3: {  	s0 =	rddreg [dreg:$0x11]  }
0x5b4: {  	[tilespmem:s4], [sflag:$0x2] =	stream.indirect.gather.add.f32 [hbm:s6], $0x80, s31, s7, $0xb8;
	[tilespmem:$0x14000] =	vst v63  }
0x5b5: {  	s31 =	rddreg [dreg:$0x12]  }
0x5b6: {  	[tilespmem:s4], [sflag:$0x2] =	stream.indirect.gather.add.f32 [hbm:s6], $0x80, s0, s7, $0xb8;
	[tilespmem:$0x14000] =	vst v63  }
0x5b7: {  	s0 =	rddreg [dreg:$0x13]  }
0x5b8: {  	[tilespmem:s4], [sflag:$0x2] =	stream.indirect.gather.add.f32 [hbm:s6], $0x80, s31, s7, $0xb8;
	[tilespmem:$0x14000] =	vst v63  }
0x5b9: {  	s31 =	rddreg [dreg:$0x14]  }
0x5ba: {  	[tilespmem:s4], [sflag:$0x2] =	stream.indirect.gather.add.f32 [hbm:s6], $0x80, s0, s7, $0xb8;
	[tilespmem:$0x14000] =	vst v63  }
0x5bb: {  	s0 =	rddreg [dreg:$0x15]  }
0x5bc: {  	[tilespmem:s4], [sflag:$0x2] =	stream.indirect.gather.add.f32 [hbm:s6], $0x80, s31, s7, $0xb8;
	[tilespmem:$0x14000] =	vst v63  }
0x5bd: {  	s31 =	rddreg [dreg:$0x16]  }
0x5be: {  	[tilespmem:s4], [sflag:$0x2] =	stream.indirect.gather.add.f32 [hbm:s6], $0x80, s0, s7, $0xb8;
	[tilespmem:$0x14000] =	vst v63  }
0x5bf: {  	s0 =	rddreg [dreg:$0x17]  }
0x5c0: {  	[tilespmem:s4], [sflag:$0x2] =	stream.indirect.gather.add.f32 [hbm:s6], $0x80, s31, s7, $0xb8;
	[tilespmem:$0x14000] =	vst v63  }
0x5c1: {  	s31 =	rddreg [dreg:$0x18]  }
0x5c2: {  	[tilespmem:s4], [sflag:$0x2] =	stream.indirect.gather.add.f32 [hbm:s6], $0x80, s0, s7, $0xb8;
	[tilespmem:$0x14000] =	vst v63  }
0x5c3: {  	s0 =	rddreg [dreg:$0x19]  }
0x5c4: {  	[tilespmem:s4], [sflag:$0x2] =	stream.indirect.gather.add.f32 [hbm:s6], $0x80, s31, s7, $0xb8;
	[tilespmem:$0x14000] =	vst v63  }
0x5c5: {  	s31 =	rddreg [dreg:$0x1a]  }
0x5c6: {  	[tilespmem:s4], [sflag:$0x2] =	stream.indirect.gather.add.f32 [hbm:s6], $0x80, s0, s7, $0xb8;
	[tilespmem:$0x14000] =	vst v63  }
0x5c7: {  	s0 =	rddreg [dreg:$0x1b]  }
0x5c8: {  	[tilespmem:s4], [sflag:$0x2] =	stream.indirect.gather.add.f32 [hbm:s6], $0x80, s31, s7, $0xb8;
	[tilespmem:$0x14000] =	vst v63  }
0x5c9: {  	s31 =	rddreg [dreg:$0x1c]  }
0x5ca: {  	[tilespmem:s4], [sflag:$0x2] =	stream.indirect.gather.add.f32 [hbm:s6], $0x80, s0, s7, $0xb8;
	[tilespmem:$0x14000] =	vst v63  }
0x5cb: {  	s0 =	rddreg [dreg:$0x1d]  }
0x5cc: {  	[tilespmem:s4], [sflag:$0x2] =	stream.indirect.gather.add.f32 [hbm:s6], $0x80, s31, s7, $0xb8;
	[tilespmem:$0x14000] =	vst v63  }
0x5cd: {  	s31 =	rddreg [dreg:$0x1e]  }
0x5ce: {  	[tilespmem:s4], [sflag:$0x2] =	stream.indirect.gather.add.f32 [hbm:s6], $0x80, s0, s7, $0xb8;
	[tilespmem:$0x14000] =	vst v63  }
0x5cf: {  	s0 =	rddreg [dreg:$0x1f]  }
0x5d0: {  	[tilespmem:s4], [sflag:$0x2] =	stream.indirect.gather.add.f32 [hbm:s6], $0x80, s31, s7, $0xb8;
	[tilespmem:$0x14000] =	vst v63  }
0x5d1: {  	s31 =	sld [smem:$0x7AD]  }
0x5d2: {  	[tilespmem:s4], [sflag:$0x2] =	stream.indirect.gather.add.f32 [hbm:s6], $0x80, s0, s7, $0xb8;
	[tilespmem:$0x14000] =	vst v63  }
0x5d3: {  	s0 =	sld [smem:$0x7AE]  }
0x5d4: {  	[tilespmem:s4], [sflag:$0x2] =	stream.indirect.gather.add.f32 [hbm:s6], $0x80, s31, s7, $0xb8;
	[tilespmem:$0x14000] =	vst v63  }
0x5d5: {  	s31 =	sld [smem:$0x7AF]  }
0x5d6: {  	[tilespmem:s4], [sflag:$0x2] =	stream.indirect.gather.add.f32 [hbm:s6], $0x80, s0, s7, $0xb8;
	[tilespmem:$0x14000] =	vst v63  }
0x5d7: {  	s0 =	sld [smem:$0x7B0]  }
0x5d8: {  	[tilespmem:s4], [sflag:$0x2] =	stream.indirect.gather.add.f32 [hbm:s6], $0x80, s31, s7, $0xb8;
	[tilespmem:$0x14000] =	vst v63  }
0x5d9: {  	s31 =	sld [smem:$0x7B1]  }
0x5da: {  	[tilespmem:s4], [sflag:$0x2] =	stream.indirect.gather.add.f32 [hbm:s6], $0x80, s0, s7, $0xb8;
	[tilespmem:$0x14000] =	vst v63  }
0x5db: {  	s0 =	sld [smem:$0x7B2]  }
0x5dc: {  	[tilespmem:s4], [sflag:$0x2] =	stream.indirect.gather.add.f32 [hbm:s6], $0x80, s31, s7, $0xb8;
	[tilespmem:$0x14000] =	vst v63  }
0x5dd: {  	s31 =	sld [smem:$0x7B3]  }
0x5de: {  	[tilespmem:s4], [sflag:$0x2] =	stream.indirect.gather.add.f32 [hbm:s6], $0x80, s0, s7, $0xb8;
	[tilespmem:$0x14000] =	vst v63  }
0x5df: {  	s0 =	sld [smem:$0x7B4]  }
0x5e0: {  	[tilespmem:s4], [sflag:$0x2] =	stream.indirect.gather.add.f32 [hbm:s6], $0x80, s31, s7, $0xb8;
	[tilespmem:$0x14000] =	vst v63  }
0x5e1: {  	s31 =	sld [smem:$0x7B5]  }
0x5e2: {  	[tilespmem:s30], [sflag:$0x2] =	stream.indirect.gather.add.f32 [hbm:s6], $0x80, s0, s7, $0xb8;
	[tilespmem:$0x14000] =	vst v63  }
0x5e3: {  	s0 =	sld [smem:$0x7B6]  }
0x5e4: {  	[tilespmem:s30], [sflag:$0x2] =	stream.indirect.gather.add.f32 [hbm:s6], $0x80, s31, s7, $0xb8;
	[tilespmem:$0x14000] =	vst v63  }
0x5e5: {  	s31 =	sld [smem:$0x7B7]  }
0x5e6: {  	[tilespmem:s30], [sflag:$0x2] =	stream.indirect.gather.add.f32 [hbm:s6], $0x80, s0, s7, $0xb8;
	[tilespmem:$0x14000] =	vst v63  }
0x5e7: {  	s0 =	sld [smem:$0x7B8]  }
0x5e8: {  	[tilespmem:s30], [sflag:$0x2] =	stream.indirect.gather.add.f32 [hbm:s6], $0x80, s31, s7, $0xb8;
	[tilespmem:$0x14000] =	vst v63  }
0x5e9: {  	s31 =	sld [smem:$0x7B9]  }
0x5ea: {  	[tilespmem:s30], [sflag:$0x2] =	stream.indirect.gather.add.f32 [hbm:s6], $0x80, s0, s7, $0xb8;
	[tilespmem:$0x14000] =	vst v63  }
0x5eb: {  	s0 =	sld [smem:$0x7BA]  }
0x5ec: {  	[tilespmem:s30], [sflag:$0x2] =	stream.indirect.gather.add.f32 [hbm:s6], $0x80, s31, s7, $0xb8;
	[tilespmem:$0x14000] =	vst v63  }
0x5ed: {  	s31 =	sld [smem:$0x7BB]  }
0x5ee: {  	[tilespmem:s30], [sflag:$0x2] =	stream.indirect.gather.add.f32 [hbm:s6], $0x80, s0, s7, $0xb8;
	[tilespmem:$0x14000] =	vst v63  }
0x5ef: {  	s0 =	sld [smem:$0x7BC]  }
0x5f0: {  	[tilespmem:s30], [sflag:$0x2] =	stream.indirect.gather.add.f32 [hbm:s6], $0x80, s31, s7, $0xb8;
	[tilespmem:$0x14000] =	vst v63  }
0x5f1: {  	s31 =	sld [smem:$0x7BD]  }
0x5f2: {  	[tilespmem:s30], [sflag:$0x2] =	stream.indirect.gather.add.f32 [hbm:s6], $0x80, s0, s7, $0xb8;
	[tilespmem:$0x14000] =	vst v63  }
0x5f3: {  	s0 =	sld [smem:$0x7BE]  }
0x5f4: {  	[tilespmem:s30], [sflag:$0x2] =	stream.indirect.gather.add.f32 [hbm:s6], $0x80, s31, s7, $0xb8;
	[tilespmem:$0x14000] =	vst v63  }
0x5f5: {  	s31 =	sld [smem:$0x7BF]  }
0x5f6: {  	[tilespmem:s30], [sflag:$0x2] =	stream.indirect.gather.add.f32 [hbm:s6], $0x80, s0, s7, $0xb8;
	[tilespmem:$0x14000] =	vst v63  }
0x5f7: {  	s0 =	sld [smem:$0x7C0]  }
0x5f8: {  	[tilespmem:s30], [sflag:$0x2] =	stream.indirect.gather.add.f32 [hbm:s6], $0x80, s31, s7, $0xb8;
	[tilespmem:$0x14000] =	vst v63  }
0x5f9: {  	s31 =	sld [smem:$0x7C1]  }
0x5fa: {  	[tilespmem:s30], [sflag:$0x2] =	stream.indirect.gather.add.f32 [hbm:s6], $0x80, s0, s7, $0xb8;
	[tilespmem:$0x14000] =	vst v63  }
0x5fb: {  	s0 =	sld [smem:$0x7C2]  }
0x5fc: {  	[tilespmem:s30], [sflag:$0x2] =	stream.indirect.gather.add.f32 [hbm:s6], $0x80, s31, s7, $0xb8;
	[tilespmem:$0x14000] =	vst v63  }
0x5fd: {  	s31 =	sld [smem:$0x7C3]  }
0x5fe: {  	[tilespmem:s30], [sflag:$0x2] =	stream.indirect.gather.add.f32 [hbm:s6], $0x80, s0, s7, $0xb8;
	[tilespmem:$0x14000] =	vst v63  }
0x5ff: {  	s0 =	sld [smem:$0x7C4]  }
0x600: {  	[tilespmem:s30], [sflag:$0x2] =	stream.indirect.gather.add.f32 [hbm:s6], $0x80, s31, s7, $0xb8;
	[tilespmem:$0x14000] =	vst v63  }
0x601: {  	s31 =	sld [smem:$0x7C5]  }
0x602: {  	[tilespmem:s30], [sflag:$0x2] =	stream.indirect.gather.add.f32 [hbm:s6], $0x80, s0, s7, $0xb8;
	[tilespmem:$0x14000] =	vst v63  }
0x603: {  	s0 =	sld [smem:$0x7C6]  }
0x604: {  	[tilespmem:s30], [sflag:$0x2] =	stream.indirect.gather.add.f32 [hbm:s6], $0x80, s31, s7, $0xb8;
	[tilespmem:$0x14000] =	vst v63  }
0x605: {  	s31 =	sld [smem:$0x7C7]  }
0x606: {  	[tilespmem:s30], [sflag:$0x2] =	stream.indirect.gather.add.f32 [hbm:s6], $0x80, s0, s7, $0xb8;
	[tilespmem:$0x14000] =	vst v63  }
0x607: {  	s0 =	sld [smem:$0x7C8]  }
0x608: {  	[tilespmem:s30], [sflag:$0x2] =	stream.indirect.gather.add.f32 [hbm:s6], $0x80, s31, s7, $0xb8;
	[tilespmem:$0x14000] =	vst v63  }
0x609: {  	s31 =	sld [smem:$0x7C9]  }
0x60a: {  	[tilespmem:s30], [sflag:$0x2] =	stream.indirect.gather.add.f32 [hbm:s6], $0x80, s0, s7, $0xb8;
	[tilespmem:$0x14000] =	vst v63  }
0x60b: {  	s0 =	sld [smem:$0x7CA]  }
0x60c: {  	[tilespmem:s30], [sflag:$0x2] =	stream.indirect.gather.add.f32 [hbm:s6], $0x80, s31, s7, $0xb8;
	[tilespmem:$0x14000] =	vst v63  }
0x60d: {  	s31 =	sld [smem:$0x7CB]  }
0x60e: {  	[tilespmem:s30], [sflag:$0x2] =	stream.indirect.gather.add.f32 [hbm:s6], $0x80, s0, s7, $0xb8;
	[tilespmem:$0x14000] =	vst v63  }
0x60f: {  	s0 =	sld [smem:$0x7CC]  }
0x610: {  	[tilespmem:s30], [sflag:$0x2] =	stream.indirect.gather.add.f32 [hbm:s6], $0x80, s31, s7, $0xb8;
	[tilespmem:$0x14000] =	vst v63  }
0x611: {  	s31 =	sld [smem:$0x7CD]  }
0x612: {  	[tilespmem:s30], [sflag:$0x2] =	stream.indirect.gather.add.f32 [hbm:s6], $0x80, s0, s7, $0xb8;
	[tilespmem:$0x14000] =	vst v63  }
0x613: {  	s0 =	sld [smem:$0x7CE]  }
0x614: {  	[tilespmem:s30], [sflag:$0x2] =	stream.indirect.gather.add.f32 [hbm:s6], $0x80, s31, s7, $0xb8;
	[tilespmem:$0x14000] =	vst v63  }
0x615: {  	s31 =	sld [smem:$0x7CF]  }
0x616: {  	[tilespmem:s30], [sflag:$0x2] =	stream.indirect.gather.add.f32 [hbm:s6], $0x80, s0, s7, $0xb8;
	[tilespmem:$0x14000] =	vst v63  }
0x617: {  	s0 =	sld [smem:$0x7D0]  }
0x618: {  	[tilespmem:s30], [sflag:$0x2] =	stream.indirect.gather.add.f32 [hbm:s6], $0x80, s31, s7, $0xb8;
	[tilespmem:$0x14000] =	vst v63  }
0x619: {  	s31 =	sld [smem:$0x7D1]  }
0x61a: {  	[tilespmem:s30], [sflag:$0x2] =	stream.indirect.gather.add.f32 [hbm:s6], $0x80, s0, s7, $0xb8;
	[tilespmem:$0x14000] =	vst v63  }
0x61b: {  	s0 =	sld [smem:$0x7D2]  }
0x61c: {  	[tilespmem:s30], [sflag:$0x2] =	stream.indirect.gather.add.f32 [hbm:s6], $0x80, s31, s7, $0xb8;
	[tilespmem:$0x14000] =	vst v63  }
0x61d: {  	s31 =	sld [smem:$0x7D3]  }
0x61e: {  	[tilespmem:s30], [sflag:$0x2] =	stream.indirect.gather.add.f32 [hbm:s6], $0x80, s0, s7, $0xb8;
	[tilespmem:$0x14000] =	vst v63  }
0x61f: {  	s30 =	sld [smem:$0x7D4]  }
0x620: {  	[tilespmem:s29], [sflag:$0x2] =	stream.indirect.gather.add.f32 [hbm:s6], $0x80, s31, s7, $0xb8;
	[tilespmem:$0x14000] =	vst v63  }
0x621: {  	s31 =	sld [smem:$0x7D5]  }
0x622: {  	[tilespmem:s29], [sflag:$0x2] =	stream.indirect.gather.add.f32 [hbm:s6], $0x80, s30, s7, $0xb8;
	[tilespmem:$0x14000] =	vst v63  }
0x623: {  	s30 =	sld [smem:$0x7D6]  }
0x624: {  	[tilespmem:s29], [sflag:$0x2] =	stream.indirect.gather.add.f32 [hbm:s6], $0x80, s31, s7, $0xb8;
	[tilespmem:$0x14000] =	vst v63  }
0x625: {  	s31 =	sld [smem:$0x7D7]  }
0x626: {  	[tilespmem:s29], [sflag:$0x2] =	stream.indirect.gather.add.f32 [hbm:s6], $0x80, s30, s7, $0xb8;
	[tilespmem:$0x14000] =	vst v63  }
0x627: {  	s30 =	sld [smem:$0x7D8]  }
0x628: {  	[tilespmem:s29], [sflag:$0x2] =	stream.indirect.gather.add.f32 [hbm:s6], $0x80, s31, s7, $0xb8;
	[tilespmem:$0x14000] =	vst v63  }
0x629: {  	s31 =	sld [smem:$0x7D9]  }
0x62a: {  	[tilespmem:s29], [sflag:$0x2] =	stream.indirect.gather.add.f32 [hbm:s6], $0x80, s30, s7, $0xb8;
	[tilespmem:$0x14000] =	vst v63  }
0x62b: {  	s30 =	sld [smem:$0x7DA]  }
0x62c: {  	[tilespmem:s29], [sflag:$0x2] =	stream.indirect.gather.add.f32 [hbm:s6], $0x80, s31, s7, $0xb8;
	[tilespmem:$0x14000] =	vst v63  }
0x62d: {  	s31 =	sld [smem:$0x7DB]  }
0x62e: {  	[tilespmem:s29], [sflag:$0x2] =	stream.indirect.gather.add.f32 [hbm:s6], $0x80, s30, s7, $0xb8;
	[tilespmem:$0x14000] =	vst v63  }
0x62f: {  	s30 =	sld [smem:$0x7DC]  }
0x630: {  	[tilespmem:s29], [sflag:$0x2] =	stream.indirect.gather.add.f32 [hbm:s6], $0x80, s31, s7, $0xb8;
	[tilespmem:$0x14000] =	vst v63  }
0x631: {  	s31 =	sld [smem:$0x7DD]  }
0x632: {  	[tilespmem:s29], [sflag:$0x2] =	stream.indirect.gather.add.f32 [hbm:s6], $0x80, s30, s7, $0xb8;
	[tilespmem:$0x14000] =	vst v63  }
0x633: {  	s30 =	sld [smem:$0x7DE]  }
0x634: {  	[tilespmem:s29], [sflag:$0x2] =	stream.indirect.gather.add.f32 [hbm:s6], $0x80, s31, s7, $0xb8;
	[tilespmem:$0x14000] =	vst v63  }
0x635: {  	s31 =	sld [smem:$0x7DF]  }
0x636: {  	[tilespmem:s29], [sflag:$0x2] =	stream.indirect.gather.add.f32 [hbm:s6], $0x80, s30, s7, $0xb8;
	[tilespmem:$0x14000] =	vst v63  }
0x637: {  	s30 =	sld [smem:$0x7E0]  }
0x638: {  	[tilespmem:s29], [sflag:$0x2] =	stream.indirect.gather.add.f32 [hbm:s6], $0x80, s31, s7, $0xb8;
	[tilespmem:$0x14000] =	vst v63  }
0x639: {  	s31 =	sld [smem:$0x7E1]  }
0x63a: {  	[tilespmem:s29], [sflag:$0x2] =	stream.indirect.gather.add.f32 [hbm:s6], $0x80, s30, s7, $0xb8;
	[tilespmem:$0x14000] =	vst v63  }
0x63b: {  	s30 =	sld [smem:$0x7E2]  }
0x63c: {  	[tilespmem:s29], [sflag:$0x2] =	stream.indirect.gather.add.f32 [hbm:s6], $0x80, s31, s7, $0xb8;
	[tilespmem:$0x14000] =	vst v63  }
0x63d: {  	s31 =	sld [smem:$0x7E3]  }
0x63e: {  	[tilespmem:s29], [sflag:$0x2] =	stream.indirect.gather.add.f32 [hbm:s6], $0x80, s30, s7, $0xb8;
	[tilespmem:$0x14000] =	vst v63  }
0x63f: {  	s30 =	sld [smem:$0x7E4]  }
0x640: {  	[tilespmem:s29], [sflag:$0x2] =	stream.indirect.gather.add.f32 [hbm:s6], $0x80, s31, s7, $0xb8;
	[tilespmem:$0x14000] =	vst v63  }
0x641: {  	s31 =	sld [smem:$0x7E5]  }
0x642: {  	[tilespmem:s29], [sflag:$0x2] =	stream.indirect.gather.add.f32 [hbm:s6], $0x80, s30, s7, $0xb8;
	[tilespmem:$0x14000] =	vst v63  }
0x643: {  	s30 =	sld [smem:$0x7E6]  }
0x644: {  	[tilespmem:s29], [sflag:$0x2] =	stream.indirect.gather.add.f32 [hbm:s6], $0x80, s31, s7, $0xb8;
	[tilespmem:$0x14000] =	vst v63  }
0x645: {  	s31 =	sld [smem:$0x7E7]  }
0x646: {  	[tilespmem:s29], [sflag:$0x2] =	stream.indirect.gather.add.f32 [hbm:s6], $0x80, s30, s7, $0xb8;
	[tilespmem:$0x14000] =	vst v63  }
0x647: {  	s30 =	sld [smem:$0x7E8]  }
0x648: {  	[tilespmem:s29], [sflag:$0x2] =	stream.indirect.gather.add.f32 [hbm:s6], $0x80, s31, s7, $0xb8;
	[tilespmem:$0x14000] =	vst v63  }
0x649: {  	s31 =	sld [smem:$0x7E9]  }
0x64a: {  	[tilespmem:s29], [sflag:$0x2] =	stream.indirect.gather.add.f32 [hbm:s6], $0x80, s30, s7, $0xb8;
	[tilespmem:$0x14000] =	vst v63  }
0x64b: {  	s30 =	sld [smem:$0x7EA]  }
0x64c: {  	[tilespmem:s29], [sflag:$0x2] =	stream.indirect.gather.add.f32 [hbm:s6], $0x80, s31, s7, $0xb8;
	[tilespmem:$0x14000] =	vst v63  }
0x64d: {  	s31 =	sld [smem:$0x7EB]  }
0x64e: {  	[tilespmem:s29], [sflag:$0x2] =	stream.indirect.gather.add.f32 [hbm:s6], $0x80, s30, s7, $0xb8;
	[tilespmem:$0x14000] =	vst v63  }
0x64f: {  	s30 =	sld [smem:$0x7EC]  }
0x650: {  	[tilespmem:s29], [sflag:$0x2] =	stream.indirect.gather.add.f32 [hbm:s6], $0x80, s31, s7, $0xb8;
	[tilespmem:$0x14000] =	vst v63  }
0x651: {  	s31 =	sld [smem:$0x7ED]  }
0x652: {  	[tilespmem:s29], [sflag:$0x2] =	stream.indirect.gather.add.f32 [hbm:s6], $0x80, s30, s7, $0xb8;
	[tilespmem:$0x14000] =	vst v63  }
0x653: {  	s30 =	sld [smem:$0x7EE]  }
0x654: {  	[tilespmem:s29], [sflag:$0x2] =	stream.indirect.gather.add.f32 [hbm:s6], $0x80, s31, s7, $0xb8;
	[tilespmem:$0x14000] =	vst v63  }
0x655: {  	s31 =	sld [smem:$0x7EF]  }
0x656: {  	[tilespmem:s29], [sflag:$0x2] =	stream.indirect.gather.add.f32 [hbm:s6], $0x80, s30, s7, $0xb8;
	[tilespmem:$0x14000] =	vst v63  }
0x657: {  	s30 =	sld [smem:$0x7F0]  }
0x658: {  	[tilespmem:s29], [sflag:$0x2] =	stream.indirect.gather.add.f32 [hbm:s6], $0x80, s31, s7, $0xb8;
	[tilespmem:$0x14000] =	vst v63  }
0x659: {  	s31 =	sld [smem:$0x7F1]  }
0x65a: {  	[tilespmem:s29], [sflag:$0x2] =	stream.indirect.gather.add.f32 [hbm:s6], $0x80, s30, s7, $0xb8;
	[tilespmem:$0x14000] =	vst v63  }
0x65b: {  	s30 =	sld [smem:$0x7F2]  }
0x65c: {  	[tilespmem:s29], [sflag:$0x2] =	stream.indirect.gather.add.f32 [hbm:s6], $0x80, s31, s7, $0xb8;
	[tilespmem:$0x14000] =	vst v63  }
0x65d: {  	s31 =	sld [smem:$0x7F3]  }
0x65e: {  	[tilespmem:s8], [sflag:$0x2] =	stream.indirect.gather.add.f32 [hbm:s6], $0x80, s30, s7, $0xb8;
	[tilespmem:$0x14000] =	vst v63  }
0x65f: {  	s29 =	sld [smem:$0x7F4]  }
0x660: {  	[tilespmem:s8], [sflag:$0x2] =	stream.indirect.gather.add.f32 [hbm:s6], $0x80, s31, s7, $0xb8;
	[tilespmem:$0x14000] =	vst v63  }
0x661: {  	s30 =	sld [smem:$0x7F5]  }
0x662: {  	[tilespmem:s8], [sflag:$0x2] =	stream.indirect.gather.add.f32 [hbm:s6], $0x80, s29, s7, $0xb8;
	[tilespmem:$0x14000] =	vst v63  }
0x663: {  	s31 =	sld [smem:$0x7F6]  }
0x664: {  	[tilespmem:s8], [sflag:$0x2] =	stream.indirect.gather.add.f32 [hbm:s6], $0x80, s30, s7, $0xb8;
	[tilespmem:$0x14000] =	vst v63  }
0x665: {  	s29 =	sld [smem:$0x7F7]  }
0x666: {  	[tilespmem:s8], [sflag:$0x2] =	stream.indirect.gather.add.f32 [hbm:s6], $0x80, s31, s7, $0xb8;
	[tilespmem:$0x14000] =	vst v63  }
0x667: {  	s30 =	sld [smem:$0x7F8]  }
0x668: {  	[tilespmem:s8], [sflag:$0x2] =	stream.indirect.gather.add.f32 [hbm:s6], $0x80, s29, s7, $0xb8;
	[tilespmem:$0x14000] =	vst v63  }
0x669: {  	s31 =	sld [smem:$0x7F9]  }
0x66a: {  	[tilespmem:s8], [sflag:$0x2] =	stream.indirect.gather.add.f32 [hbm:s6], $0x80, s30, s7, $0xb8;
	[tilespmem:$0x14000] =	vst v63  }
0x66b: {  	s29 =	sld [smem:$0x7FA]  }
0x66c: {  	[tilespmem:s8], [sflag:$0x2] =	stream.indirect.gather.add.f32 [hbm:s6], $0x80, s31, s7, $0xb8;
	[tilespmem:$0x14000] =	vst v63  }
0x66d: {  	s30 =	sld [smem:$0x7FB]  }
0x66e: {  	[tilespmem:s8], [sflag:$0x2] =	stream.indirect.gather.add.f32 [hbm:s6], $0x80, s29, s7, $0xb8;
	[tilespmem:$0x14000] =	vst v63  }
0x66f: {  	s31 =	sld [smem:$0x7FC]  }
0x670: {  	[tilespmem:s8], [sflag:$0x2] =	stream.indirect.gather.add.f32 [hbm:s6], $0x80, s30, s7, $0xb8;
	[tilespmem:$0x14000] =	vst v63  }
0x671: {  	s29 =	sld [smem:$0x7FD]  }
0x672: {  	[tilespmem:s8], [sflag:$0x2] =	stream.indirect.gather.add.f32 [hbm:s6], $0x80, s31, s7, $0xb8;
	[tilespmem:$0x14000] =	vst v63  }
0x673: {  	_ = 	snop  }
0x674: {  	[tilespmem:s8], [sflag:$0x2] =	stream.indirect.gather.add.f32 [hbm:s6], $0x80, s29, s7, $0xb8;
	[tilespmem:$0x14000] =	vst v63  }
0x675: {  	_ = 	snop  }
0x676: {  	[tilespmem:s8], [sflag:$0x2] =	stream.indirect.gather.add.f32 [hbm:s6], $0x80, s10, s7, $0xb8;
	[tilespmem:$0x14000] =	vst v63  }
0x677: {  	_ = 	snop  }
0x678: {  	[tilespmem:s8], [sflag:$0x2] =	stream.indirect.gather.add.f32 [hbm:s6], $0x80, s11, s7, $0xb8;
	[tilespmem:$0x14000] =	vst v63  }
0x679: {  	_ = 	snop  }
0x67a: {  	[tilespmem:s8], [sflag:$0x2] =	stream.indirect.gather.add.f32 [hbm:s6], $0x80, s12, s7, $0xb8;
	[tilespmem:$0x14000] =	vst v63  }
0x67b: {  	_ = 	snop  }
0x67c: {  	[tilespmem:s8], [sflag:$0x2] =	stream.indirect.gather.add.f32 [hbm:s6], $0x80, s13, s7, $0xb8;
	[tilespmem:$0x14000] =	vst v63  }
0x67d: {  	_ = 	snop  }
0x67e: {  	[tilespmem:s8], [sflag:$0x2] =	stream.indirect.gather.add.f32 [hbm:s6], $0x80, s14, s7, $0xb8;
	[tilespmem:$0x14000] =	vst v63  }
0x67f: {  	_ = 	snop  }
0x680: {  	[tilespmem:s8], [sflag:$0x2] =	stream.indirect.gather.add.f32 [hbm:s6], $0x80, s15, s7, $0xb8;
	[tilespmem:$0x14000] =	vst v63  }
0x681: {  	_ = 	snop  }
0x682: {  	[tilespmem:s8], [sflag:$0x2] =	stream.indirect.gather.add.f32 [hbm:s6], $0x80, s16, s7, $0xb8;
	[tilespmem:$0x14000] =	vst v63  }
0x683: {  	_ = 	snop  }
0x684: {  	[tilespmem:s8], [sflag:$0x2] =	stream.indirect.gather.add.f32 [hbm:s6], $0x80, s17, s7, $0xb8;
	[tilespmem:$0x14000] =	vst v63  }
0x685: {  	_ = 	snop  }
0x686: {  	[tilespmem:s8], [sflag:$0x2] =	stream.indirect.gather.add.f32 [hbm:s6], $0x80, s18, s7, $0xb8;
	[tilespmem:$0x14000] =	vst v63  }
0x687: {  	_ = 	snop  }
0x688: {  	[tilespmem:s8], [sflag:$0x2] =	stream.indirect.gather.add.f32 [hbm:s6], $0x80, s19, s7, $0xb8;
	[tilespmem:$0x14000] =	vst v63  }
0x689: {  	_ = 	snop  }
0x68a: {  	[tilespmem:s8], [sflag:$0x2] =	stream.indirect.gather.add.f32 [hbm:s6], $0x80, s20, s7, $0xb8;
	[tilespmem:$0x14000] =	vst v63  }
0x68b: {  	_ = 	snop  }
0x68c: {  	[tilespmem:s8], [sflag:$0x2] =	stream.indirect.gather.add.f32 [hbm:s6], $0x80, s21, s7, $0xb8;
	[tilespmem:$0x14000] =	vst v63  }
0x68d: {  	_ = 	snop  }
0x68e: {  	[tilespmem:s8], [sflag:$0x2] =	stream.indirect.gather.add.f32 [hbm:s6], $0x80, s22, s7, $0xb8;
	[tilespmem:$0x14000] =	vst v63  }
0x68f: {  	_ = 	snop  }
0x690: {  	[tilespmem:s8], [sflag:$0x2] =	stream.indirect.gather.add.f32 [hbm:s6], $0x80, s23, s7, $0xb8;
	[tilespmem:$0x14000] =	vst v63  }
0x691: {  	_ = 	snop  }
0x692: {  	[tilespmem:s8], [sflag:$0x2] =	stream.indirect.gather.add.f32 [hbm:s6], $0x80, s24, s7, $0xb8;
	[tilespmem:$0x14000] =	vst v63  }
0x693: {  	_ = 	snop  }
0x694: {  	[tilespmem:s8], [sflag:$0x2] =	stream.indirect.gather.add.f32 [hbm:s6], $0x80, s25, s7, $0xb8;
	[tilespmem:$0x14000] =	vst v63  }
0x695: {  	_ = 	snop  }
0x696: {  	[tilespmem:s8], [sflag:$0x2] =	stream.indirect.gather.add.f32 [hbm:s6], $0x80, s26, s7, $0xb8;
	[tilespmem:$0x14000] =	vst v63  }
0x697: {  	_ = 	snop  }
0x698: {  	[tilespmem:s8], [sflag:$0x2] =	stream.indirect.gather.add.f32 [hbm:s6], $0x80, s28, s7, $0xb8;
	[tilespmem:$0x14000] =	vst v63  }
0x699: {  	_ = 	snop  }
0x69a: {  	[tilespmem:s8], [sflag:$0x2] =	stream.indirect.gather.add.f32 [hbm:s6], $0x80, s9, s7, $0xb8;
	[tilespmem:$0x14000] =	vst v63  }
0x69b: {  	_ =	swait.ge [sflag:s5], $0x4000  }
0x69c: {  	[sflag:s5] =	ssyncset.done $0x0  }
0x69d: {  	[sflag:s5] =	ssyncadd.s32 $0xFFFFC000  }
0x69e: {  	_ =	swait.ge [sflag:s5], $0x4000  }
0x69f: {  	[sflag:s5] =	ssyncset.done $0x0  }
0x6a0: {  	[sflag:s5] =	ssyncadd.s32 $0xFFFFC000  }
0x6a1: {  	_ =	swait.ge [sflag:s5], $0x4000  }
0x6a2: {  	[sflag:s5] =	ssyncset.done $0x0  }
0x6a3: {  	[sflag:s5] =	ssyncadd.s32 $0xFFFFC000  }
0x6a4: {  	_ =	swait.ge [sflag:s5], $0x4000  }
0x6a5: {  	[sflag:s5] =	ssyncset.done $0x0  }
0x6a6: {  	[sflag:s5] =	ssyncadd.s32 $0xFFFFC000  }
0x6a7: {  	_ =	swait.ge [sflag:s5], $0x4000  }
0x6a8: {  	[sflag:s5] =	ssyncset.done $0x0  }
0x6a9: {  	[sflag:s5] =	ssyncadd.s32 $0xFFFFC000  }
0x6aa: {  	_ =	swait.ge [sflag:s5], $0x4000  }
0x6ab: {  	[sflag:s5] =	ssyncset.done $0x0  }
0x6ac: {  	[sflag:s5] =	ssyncadd.s32 $0xFFFFC000  }
0x6ad: {  	_ =	swait.ge [sflag:s5], $0x4000  }
0x6ae: {  	[sflag:s5] =	ssyncset.done $0x0  }
0x6af: {  	[sflag:s5] =	ssyncadd.s32 $0xFFFFC000  }
0x6b0: {  	_ =	swait.ge [sflag:s5], $0x4000  }
0x6b1: {  	[sflag:s5] =	ssyncset.done $0x0  }
0x6b2: {  	[sflag:s5] =	ssyncadd.s32 $0xFFFFC000  }
0x6b3: {  	_ =	swait.ge [sflag:s5], $0x4000  }
0x6b4: {  	[sflag:s5] =	ssyncset.done $0x0  }
0x6b5: {  	[sflag:s5] =	ssyncadd.s32 $0xFFFFC000  }
0x6b6: {  	_ =	swait.ge [sflag:s5], $0x4000  }
0x6b7: {  	[sflag:s5] =	ssyncset.done $0x0  }
0x6b8: {  	[sflag:s5] =	ssyncadd.s32 $0xFFFFC000  }
0x6b9: {  	_ =	swait.ge [sflag:s5], $0x4000  }
0x6ba: {  	[sflag:s5] =	ssyncset.done $0x0  }
0x6bb: {  	[sflag:s5] =	ssyncadd.s32 $0xFFFFC000  }
0x6bc: {  	_ =	swait.ge [sflag:s5], $0x4000  }
0x6bd: {  	[sflag:s5] =	ssyncset.done $0x0  }
0x6be: {  	[sflag:s5] =	ssyncadd.s32 $0xFFFFC000  }
0x6bf: {  	_ =	swait.ge [sflag:s5], $0x4000  }
0x6c0: {  	[sflag:s5] =	ssyncset.done $0x0  }
0x6c1: {  	[sflag:s5] =	ssyncadd.s32 $0xFFFFC000  }
0x6c2: {  	_ =	swait.ge [sflag:s5], $0x4000  }
0x6c3: {  	[sflag:s5] =	ssyncset.done $0x0  }
0x6c4: {  	[sflag:s5] =	ssyncadd.s32 $0xFFFFC000  }
0x6c5: {  	_ =	swait.ge [sflag:s5], $0x4000  }
0x6c6: {  	[sflag:s5] =	ssyncset.done $0x0  }
0x6c7: {  	[sflag:s5] =	ssyncadd.s32 $0xFFFFC000  }
0x6c8: {  	_ =	swait.ge [sflag:s5], $0x4000  }
0x6c9: {  	[sflag:s5] =	ssyncset.done $0x0  }
0x6ca: {  	[sflag:s5] =	ssyncadd.s32 $0xFFFFC000  }
0x6cb: {  	_ =	swait.ge [sflag:s5], $0x4000  }
0x6cc: {  	[sflag:s5] =	ssyncset.done $0x0  }
0x6cd: {  	[sflag:s5] =	ssyncadd.s32 $0xFFFFC000  }
0x6ce: {  	_ =	swait.ge [sflag:s5], $0x4000  }
0x6cf: {  	[sflag:s5] =	ssyncset.done $0x0  }
0x6d0: {  	[sflag:s5] =	ssyncadd.s32 $0xFFFFC000  }
0x6d1: {  	_ =	swait.ge [sflag:s5], $0x4000  }
0x6d2: {  	[sflag:s5] =	ssyncset.done $0x0  }
0x6d3: {  	[sflag:s5] =	ssyncadd.s32 $0xFFFFC000  }
0x6d4: {  	_ =	swait.ge [sflag:s5], $0x4000  }
0x6d5: {  	[sflag:s5] =	ssyncset.done $0x0  }
0x6d6: {  	[sflag:s5] =	ssyncadd.s32 $0xFFFFC000  }
0x6d7: {  	_ =	swait.ge [sflag:s5], $0x4000  }
0x6d8: {  	[sflag:s5] =	ssyncset.done $0x0  }
0x6d9: {  	[sflag:s5] =	ssyncadd.s32 $0xFFFFC000  }
0x6da: {  	_ =	swait.ge [sflag:s5], $0x4000  }
0x6db: {  	[sflag:s5] =	ssyncset.done $0x0  }
0x6dc: {  	[sflag:s5] =	ssyncadd.s32 $0xFFFFC000  }
0x6dd: {  	_ =	swait.ge [sflag:s5], $0x4000  }
0x6de: {  	[sflag:s5] =	ssyncset.done $0x0  }
0x6df: {  	[sflag:s5] =	ssyncadd.s32 $0xFFFFC000  }
0x6e0: {  	_ =	swait.ge [sflag:s5], $0x4000  }
0x6e1: {  	[sflag:s5] =	ssyncset.done $0x0  }
0x6e2: {  	[sflag:s5] =	ssyncadd.s32 $0xFFFFC000  }
0x6e3: {  	_ =	swait.ge [sflag:s5], $0x4000  }
0x6e4: {  	[sflag:s5] =	ssyncset.done $0x0  }
0x6e5: {  	[sflag:s5] =	ssyncadd.s32 $0xFFFFC000  }
0x6e6: {  	_ =	swait.ge [sflag:s5], $0x4000  }
0x6e7: {  	[sflag:s5] =	ssyncset.done $0x0  }
0x6e8: {  	[sflag:s5] =	ssyncadd.s32 $0xFFFFC000  }
0x6e9: {  	_ =	swait.ge [sflag:s5], $0x4000  }
0x6ea: {  	[sflag:s5] =	ssyncset.done $0x0  }
0x6eb: {  	[sflag:s5] =	ssyncadd.s32 $0xFFFFC000  }
0x6ec: {  	_ =	swait.ge [sflag:s5], $0x4000  }
0x6ed: {  	[sflag:s5] =	ssyncset.done $0x0  }
0x6ee: {  	[sflag:s5] =	ssyncadd.s32 $0xFFFFC000  }
0x6ef: {  	_ =	swait.ge [sflag:s5], $0x4000  }
0x6f0: {  	[sflag:s5] =	ssyncset.done $0x0  }
0x6f1: {  	[sflag:s5] =	ssyncadd.s32 $0xFFFFC000  }
0x6f2: {  	_ =	swait.ge [sflag:s5], $0x4000  }
0x6f3: {  	[sflag:s5] =	ssyncset.done $0x0  }
0x6f4: {  	[sflag:s5] =	ssyncadd.s32 $0xFFFFC000  }
0x6f5: {  	_ =	swait.ge [sflag:s5], $0x4000  }
0x6f6: {  	[sflag:s5] =	ssyncset.done $0x0  }
0x6f7: {  	[sflag:s5] =	ssyncadd.s32 $0xFFFFC000  }
0x6f8: {  	_ =	swait.ge [sflag:s5], $0x4000  }
0x6f9: {  	[sflag:s5] =	ssyncset.done $0x0  }
0x6fa: {  	[sflag:s5] =	ssyncadd.s32 $0xFFFFC000  }
0x6fb: {  	_ =	swait.ge [sflag:s5], $0x4000  }
0x6fc: {  	[sflag:s5] =	ssyncset.done $0x0  }
0x6fd: {  	[sflag:s5] =	ssyncadd.s32 $0xFFFFC000  }
0x6fe: {  	_ =	swait.ge [sflag:s5], $0x4000  }
0x6ff: {  	[sflag:s5] =	ssyncset.done $0x0  }
0x700: {  	[sflag:s5] =	ssyncadd.s32 $0xFFFFC000  }
0x701: {  	_ =	swait.ge [sflag:s5], $0x4000  }
0x702: {  	[sflag:s5] =	ssyncset.done $0x0  }
0x703: {  	[sflag:s5] =	ssyncadd.s32 $0xFFFFC000  }
0x704: {  	_ =	swait.ge [sflag:s5], $0x4000  }
0x705: {  	[sflag:s5] =	ssyncset.done $0x0  }
0x706: {  	[sflag:s5] =	ssyncadd.s32 $0xFFFFC000  }
0x707: {  	_ =	swait.ge [sflag:s5], $0x4000  }
0x708: {  	[sflag:s5] =	ssyncset.done $0x0  }
0x709: {  	[sflag:s5] =	ssyncadd.s32 $0xFFFFC000  }
0x70a: {  	_ =	swait.ge [sflag:s5], $0x4000  }
0x70b: {  	[sflag:s5] =	ssyncset.done $0x0  }
0x70c: {  	[sflag:s5] =	ssyncadd.s32 $0xFFFFC000  }
0x70d: {  	_ =	swait.ge [sflag:s5], $0x4000  }
0x70e: {  	[sflag:s5] =	ssyncset.done $0x0  }
0x70f: {  	[sflag:s5] =	ssyncadd.s32 $0xFFFFC000  }
0x710: {  	_ =	swait.ge [sflag:s5], $0x4000  }
0x711: {  	[sflag:s5] =	ssyncset.done $0x0  }
0x712: {  	[sflag:s5] =	ssyncadd.s32 $0xFFFFC000  }
0x713: {  	_ =	swait.ge [sflag:s5], $0x4000  }
0x714: {  	[sflag:s5] =	ssyncset.done $0x0  }
0x715: {  	[sflag:s5] =	ssyncadd.s32 $0xFFFFC000  }
0x716: {  	_ =	swait.ge [sflag:s5], $0x4000  }
0x717: {  	[sflag:s5] =	ssyncset.done $0x0  }
0x718: {  	[sflag:s5] =	ssyncadd.s32 $0xFFFFC000  }
0x719: {  	_ =	swait.ge [sflag:s5], $0x4000  }
0x71a: {  	[sflag:s5] =	ssyncset.done $0x0  }
0x71b: {  	[sflag:s5] =	ssyncadd.s32 $0xFFFFC000  }
0x71c: {  	_ =	swait.ge [sflag:s5], $0x4000  }
0x71d: {  	[sflag:s5] =	ssyncset.done $0x0  }
0x71e: {  	[sflag:s5] =	ssyncadd.s32 $0xFFFFC000  }
0x71f: {  	_ =	swait.ge [sflag:s5], $0x4000  }
0x720: {  	[sflag:s5] =	ssyncset.done $0x0  }
0x721: {  	[sflag:s5] =	ssyncadd.s32 $0xFFFFC000  }
0x722: {  	_ =	swait.ge [sflag:s5], $0x4000  }
0x723: {  	[sflag:s5] =	ssyncset.done $0x0  }
0x724: {  	[sflag:s5] =	ssyncadd.s32 $0xFFFFC000  }
0x725: {  	_ =	swait.ge [sflag:s5], $0x4000  }
0x726: {  	[sflag:s5] =	ssyncset.done $0x0  }
0x727: {  	[sflag:s5] =	ssyncadd.s32 $0xFFFFC000  }
0x728: {  	_ =	swait.ge [sflag:s5], $0x4000  }
0x729: {  	[sflag:s5] =	ssyncset.done $0x0  }
0x72a: {  	[sflag:s5] =	ssyncadd.s32 $0xFFFFC000  }
0x72b: {  	_ =	swait.ge [sflag:s5], $0x4000  }
0x72c: {  	[sflag:s5] =	ssyncset.done $0x0  }
0x72d: {  	[sflag:s5] =	ssyncadd.s32 $0xFFFFC000  }
0x72e: {  	_ =	swait.ge [sflag:s5], $0x4000  }
0x72f: {  	[sflag:s5] =	ssyncset.done $0x0  }
0x730: {  	[sflag:s5] =	ssyncadd.s32 $0xFFFFC000  }
0x731: {  	_ =	swait.ge [sflag:s5], $0x4000  }
0x732: {  	[sflag:s5] =	ssyncset.done $0x0  }
0x733: {  	[sflag:s5] =	ssyncadd.s32 $0xFFFFC000  }
0x734: {  	_ =	swait.ge [sflag:s5], $0x4000  }
0x735: {  	[sflag:s5] =	ssyncset.done $0x0  }
0x736: {  	[sflag:s5] =	ssyncadd.s32 $0xFFFFC000  }
0x737: {  	_ =	swait.ge [sflag:s5], $0x4000  }
0x738: {  	[sflag:s5] =	ssyncset.done $0x0  }
0x739: {  	[sflag:s5] =	ssyncadd.s32 $0xFFFFC000  }
0x73a: {  	_ =	swait.ge [sflag:s5], $0x4000  }
0x73b: {  	[sflag:s5] =	ssyncset.done $0x0  }
0x73c: {  	[sflag:s5] =	ssyncadd.s32 $0xFFFFC000  }
0x73d: {  	_ =	swait.ge [sflag:s5], $0x4000  }
0x73e: {  	[sflag:s5] =	ssyncset.done $0x0  }
0x73f: {  	[sflag:s5] =	ssyncadd.s32 $0xFFFFC000  }
0x740: {  	_ =	swait.ge [sflag:s5], $0x4000  }
0x741: {  	[sflag:s5] =	ssyncset.done $0x0  }
0x742: {  	[sflag:s5] =	ssyncadd.s32 $0xFFFFC000  }
0x743: {  	_ =	swait.ge [sflag:s5], $0x4000  }
0x744: {  	[sflag:s5] =	ssyncset.done $0x0  }
0x745: {  	[sflag:s5] =	ssyncadd.s32 $0xFFFFC000  }
0x746: {  	_ =	swait.ge [sflag:s5], $0x4000  }
0x747: {  	[sflag:s5] =	ssyncset.done $0x0  }
0x748: {  	[sflag:s5] =	ssyncadd.s32 $0xFFFFC000  }
0x749: {  	_ =	swait.ge [sflag:s5], $0x4000  }
0x74a: {  	[sflag:s5] =	ssyncset.done $0x0  }
0x74b: {  	[sflag:s5] =	ssyncadd.s32 $0xFFFFC000  }
0x74c: {  	_ =	swait.ge [sflag:s5], $0x4000  }
0x74d: {  	[sflag:s5] =	ssyncset.done $0x0  }
0x74e: {  	[sflag:s5] =	ssyncadd.s32 $0xFFFFC000  }
0x74f: {  	_ =	swait.ge [sflag:s5], $0x4000  }
0x750: {  	[sflag:s5] =	ssyncset.done $0x0  }
0x751: {  	[sflag:s5] =	ssyncadd.s32 $0xFFFFC000  }
0x752: {  	_ =	swait.ge [sflag:s5], $0x4000  }
0x753: {  	[sflag:s5] =	ssyncset.done $0x0  }
0x754: {  	[sflag:s5] =	ssyncadd.s32 $0xFFFFC000  }
0x755: {  	_ =	swait.ge [sflag:s5], $0x4000  }
0x756: {  	[sflag:s5] =	ssyncset.done $0x0  }
0x757: {  	[sflag:s5] =	ssyncadd.s32 $0xFFFFC000  }
0x758: {  	_ =	swait.ge [sflag:s5], $0x4000  }
0x759: {  	[sflag:s5] =	ssyncset.done $0x0  }
0x75a: {  	[sflag:s5] =	ssyncadd.s32 $0xFFFFC000  }
0x75b: {  	_ =	swait.ge [sflag:s5], $0x4000  }
0x75c: {  	[sflag:s5] =	ssyncset.done $0x0  }
0x75d: {  	[sflag:s5] =	ssyncadd.s32 $0xFFFFC000  }
0x75e: {  	_ =	swait.ge [sflag:s5], $0x4000  }
0x75f: {  	[sflag:s5] =	ssyncset.done $0x0  }
0x760: {  	[sflag:s5] =	ssyncadd.s32 $0xFFFFC000  }
0x761: {  	_ =	swait.ge [sflag:s5], $0x4000  }
0x762: {  	[sflag:s5] =	ssyncset.done $0x0  }
0x763: {  	[sflag:s5] =	ssyncadd.s32 $0xFFFFC000  }
0x764: {  	_ =	swait.ge [sflag:s5], $0x4000  }
0x765: {  	[sflag:s5] =	ssyncset.done $0x0  }
0x766: {  	[sflag:s5] =	ssyncadd.s32 $0xFFFFC000  }
0x767: {  	_ =	swait.ge [sflag:s5], $0x4000  }
0x768: {  	[sflag:s5] =	ssyncset.done $0x0  }
0x769: {  	[sflag:s5] =	ssyncadd.s32 $0xFFFFC000  }
0x76a: {  	_ =	swait.ge [sflag:s5], $0x4000  }
0x76b: {  	[sflag:s5] =	ssyncset.done $0x0  }
0x76c: {  	[sflag:s5] =	ssyncadd.s32 $0xFFFFC000  }
0x76d: {  	_ =	swait.ge [sflag:s5], $0x4000  }
0x76e: {  	[sflag:s5] =	ssyncset.done $0x0  }
0x76f: {  	[sflag:s5] =	ssyncadd.s32 $0xFFFFC000  }
0x770: {  	_ =	swait.ge [sflag:s5], $0x4000  }
0x771: {  	[sflag:s5] =	ssyncset.done $0x0  }
0x772: {  	[sflag:s5] =	ssyncadd.s32 $0xFFFFC000  }
0x773: {  	_ =	swait.ge [sflag:s5], $0x4000  }
0x774: {  	[sflag:s5] =	ssyncset.done $0x0  }
0x775: {  	[sflag:s5] =	ssyncadd.s32 $0xFFFFC000  }
0x776: {  	_ =	swait.ge [sflag:s5], $0x4000  }
0x777: {  	[sflag:s5] =	ssyncset.done $0x0  }
0x778: {  	[sflag:s5] =	ssyncadd.s32 $0xFFFFC000  }
0x779: {  	_ =	swait.ge [sflag:s5], $0x4000  }
0x77a: {  	[sflag:s5] =	ssyncset.done $0x0  }
0x77b: {  	[sflag:s5] =	ssyncadd.s32 $0xFFFFC000  }
0x77c: {  	_ =	swait.ge [sflag:s5], $0x4000  }
0x77d: {  	[sflag:s5] =	ssyncset.done $0x0  }
0x77e: {  	[sflag:s5] =	ssyncadd.s32 $0xFFFFC000  }
0x77f: {  	_ =	swait.ge [sflag:s5], $0x4000  }
0x780: {  	[sflag:s5] =	ssyncset.done $0x0  }
0x781: {  	[sflag:s5] =	ssyncadd.s32 $0xFFFFC000  }
0x782: {  	_ =	swait.ge [sflag:s5], $0x4000  }
0x783: {  	[sflag:s5] =	ssyncset.done $0x0  }
0x784: {  	[sflag:s5] =	ssyncadd.s32 $0xFFFFC000  }
0x785: {  	_ =	swait.ge [sflag:s5], $0x4000  }
0x786: {  	[sflag:s5] =	ssyncset.done $0x0  }
0x787: {  	[sflag:s5] =	ssyncadd.s32 $0xFFFFC000  }
0x788: {  	_ =	swait.ge [sflag:s5], $0x4000  }
0x789: {  	[sflag:s5] =	ssyncset.done $0x0  }
0x78a: {  	[sflag:s5] =	ssyncadd.s32 $0xFFFFC000  }
0x78b: {  	_ =	swait.ge [sflag:s5], $0x4000  }
0x78c: {  	[sflag:s5] =	ssyncset.done $0x0  }
0x78d: {  	[sflag:s5] =	ssyncadd.s32 $0xFFFFC000  }
0x78e: {  	_ =	swait.ge [sflag:s5], $0x4000  }
0x78f: {  	[sflag:s5] =	ssyncset.done $0x0  }
0x790: {  	[sflag:s5] =	ssyncadd.s32 $0xFFFFC000  }
0x791: {  	_ =	swait.ge [sflag:s5], $0x4000  }
0x792: {  	[sflag:s5] =	ssyncset.done $0x0  }
0x793: {  	[sflag:s5] =	ssyncadd.s32 $0xFFFFC000  }
0x794: {  	_ =	swait.ge [sflag:s5], $0x4000  }
0x795: {  	[sflag:s5] =	ssyncset.done $0x0  }
0x796: {  	[sflag:s5] =	ssyncadd.s32 $0xFFFFC000  }
0x797: {  	_ =	swait.ge [sflag:s5], $0x4000  }
0x798: {  	[sflag:s5] =	ssyncset.done $0x0  }
0x799: {  	[sflag:s5] =	ssyncadd.s32 $0xFFFFC000  }
0x79a: {  	_ =	swait.ge [sflag:s5], $0x4000  }
0x79b: {  	[sflag:s5] =	ssyncset.done $0x0  }
0x79c: {  	[sflag:s5] =	ssyncadd.s32 $0xFFFFC000  }
0x79d: {  	_ =	swait.ge [sflag:s5], $0x4000  }
0x79e: {  	[sflag:s5] =	ssyncset.done $0x0  }
0x79f: {  	[sflag:s5] =	ssyncadd.s32 $0xFFFFC000  }
0x7a0: {  	_ =	swait.ge [sflag:s5], $0x4000  }
0x7a1: {  	[sflag:s5] =	ssyncset.done $0x0  }
0x7a2: {  	[sflag:s5] =	ssyncadd.s32 $0xFFFFC000  }
0x7a3: {  	_ =	swait.ge [sflag:s5], $0x4000  }
0x7a4: {  	[sflag:s5] =	ssyncset.done $0x0  }
0x7a5: {  	[sflag:s5] =	ssyncadd.s32 $0xFFFFC000  }
0x7a6: {  	_ =	swait.ge [sflag:s5], $0x4000  }
0x7a7: {  	[sflag:s5] =	ssyncset.done $0x0  }
0x7a8: {  	[sflag:s5] =	ssyncadd.s32 $0xFFFFC000  }
0x7a9: {  	_ =	swait.ge [sflag:s5], $0x4000  }
0x7aa: {  	[sflag:s5] =	ssyncset.done $0x0  }
0x7ab: {  	[sflag:s5] =	ssyncadd.s32 $0xFFFFC000  }
0x7ac: {  	_ =	swait.ge [sflag:s5], $0x4000  }
0x7ad: {  	[sflag:s5] =	ssyncset.done $0x0  }
0x7ae: {  	[sflag:s5] =	ssyncadd.s32 $0xFFFFC000  }
0x7af: {  	_ =	swait.ge [sflag:s5], $0x4000  }
0x7b0: {  	[sflag:s5] =	ssyncset.done $0x0  }
0x7b1: {  	[sflag:s5] =	ssyncadd.s32 $0xFFFFC000  }
0x7b2: {  	_ =	swait.ge [sflag:s5], $0x4000  }
0x7b3: {  	[sflag:s5] =	ssyncset.done $0x0  }
0x7b4: {  	[sflag:s5] =	ssyncadd.s32 $0xFFFFC000  }
0x7b5: {  	_ =	swait.ge [sflag:s5], $0x4000  }
0x7b6: {  	[sflag:s5] =	ssyncset.done $0x0  }
0x7b7: {  	[sflag:s5] =	ssyncadd.s32 $0xFFFFC000  }
0x7b8: {  	_ =	swait.ge [sflag:s5], $0x4000  }
0x7b9: {  	[sflag:s5] =	ssyncset.done $0x0  }
0x7ba: {  	[sflag:s5] =	ssyncadd.s32 $0xFFFFC000  }
0x7bb: {  	_ =	swait.ge [sflag:s5], $0x4000  }
0x7bc: {  	[sflag:s5] =	ssyncset.done $0x0  }
0x7bd: {  	[sflag:s5] =	ssyncadd.s32 $0xFFFFC000  }
0x7be: {  	_ =	swait.ge [sflag:s5], $0x4000  }
0x7bf: {  	[sflag:s5] =	ssyncset.done $0x0  }
0x7c0: {  	[sflag:s5] =	ssyncadd.s32 $0xFFFFC000  }
0x7c1: {  	_ =	swait.ge [sflag:s5], $0x4000  }
0x7c2: {  	[sflag:s5] =	ssyncset.done $0x0  }
0x7c3: {  	[sflag:s5] =	ssyncadd.s32 $0xFFFFC000  }
0x7c4: {  	_ =	swait.ge [sflag:s5], $0x4000  }
0x7c5: {  	[sflag:s5] =	ssyncset.done $0x0  }
0x7c6: {  	[sflag:s5] =	ssyncadd.s32 $0xFFFFC000  }
0x7c7: {  	_ =	swait.ge [sflag:s5], $0x4000  }
0x7c8: {  	[sflag:s5] =	ssyncset.done $0x0  }
0x7c9: {  	[sflag:s5] =	ssyncadd.s32 $0xFFFFC000  }
0x7ca: {  	_ =	swait.ge [sflag:s5], $0x4000  }
0x7cb: {  	[sflag:s5] =	ssyncset.done $0x0  }
0x7cc: {  	[sflag:s5] =	ssyncadd.s32 $0xFFFFC000  }
0x7cd: {  	_ =	swait.ge [sflag:s5], $0x4000  }
0x7ce: {  	[sflag:s5] =	ssyncset.done $0x0  }
0x7cf: {  	[sflag:s5] =	ssyncadd.s32 $0xFFFFC000  }
0x7d0: {  	_ =	swait.ge [sflag:s5], $0x4000  }
0x7d1: {  	[sflag:s5] =	ssyncset.done $0x0  }
0x7d2: {  	[sflag:s5] =	ssyncadd.s32 $0xFFFFC000  }
0x7d3: {  	_ =	swait.ge [sflag:s5], $0x4000  }
0x7d4: {  	[sflag:s5] =	ssyncset.done $0x0  }
0x7d5: {  	[sflag:s5] =	ssyncadd.s32 $0xFFFFC000  }
0x7d6: {  	_ =	swait.ge [sflag:s5], $0x4000  }
0x7d7: {  	[sflag:s5] =	ssyncset.done $0x0  }
0x7d8: {  	[sflag:s5] =	ssyncadd.s32 $0xFFFFC000  }
0x7d9: {  	_ =	swait.ge [sflag:s5], $0x4000  }
0x7da: {  	[sflag:s5] =	ssyncset.done $0x0  }
0x7db: {  	[sflag:s5] =	ssyncadd.s32 $0xFFFFC000  }
0x7dc: {  	_ =	swait.ge [sflag:s5], $0x4000  }
0x7dd: {  	[sflag:s5] =	ssyncset.done $0x0  }
0x7de: {  	[sflag:s5] =	ssyncadd.s32 $0xFFFFC000  }
0x7df: {  	_ =	swait.ge [sflag:s5], $0x4000  }
0x7e0: {  	[sflag:s5] =	ssyncset.done $0x0  }
0x7e1: {  	[sflag:s5] =	ssyncadd.s32 $0xFFFFC000  }
0x7e2: {  	_ =	swait.ge [sflag:s5], $0x4000  }
0x7e3: {  	[sflag:s5] =	ssyncset.done $0x0  }
0x7e4: {  	[sflag:s5] =	ssyncadd.s32 $0xFFFFC000  }
0x7e5: {  	_ =	swait.ge [sflag:s5], $0x4000  }
0x7e6: {  	[sflag:s5] =	ssyncset.done $0x0  }
0x7e7: {  	[sflag:s5] =	ssyncadd.s32 $0xFFFFC000  }
0x7e8: {  	_ =	swait.ge [sflag:s5], $0x4000  }
0x7e9: {  	[sflag:s5] =	ssyncset.done $0x0  }
0x7ea: {  	[sflag:s5] =	ssyncadd.s32 $0xFFFFC000  }
0x7eb: {  	_ =	swait.ge [sflag:s5], $0x4000  }
0x7ec: {  	[sflag:s5] =	ssyncset.done $0x0  }
0x7ed: {  	[sflag:s5] =	ssyncadd.s32 $0xFFFFC000  }
0x7ee: {  	_ =	swait.ge [sflag:s5], $0x4000  }
0x7ef: {  	[sflag:s5] =	ssyncset.done $0x0  }
0x7f0: {  	[sflag:s5] =	ssyncadd.s32 $0xFFFFC000  }
0x7f1: {  	_ =	swait.ge [sflag:s5], $0x4000  }
0x7f2: {  	[sflag:s5] =	ssyncset.done $0x0  }
0x7f3: {  	[sflag:s5] =	ssyncadd.s32 $0xFFFFC000  }
0x7f4: {  	_ =	swait.ge [sflag:s5], $0x4000  }
0x7f5: {  	[sflag:s5] =	ssyncset.done $0x0  }
0x7f6: {  	[sflag:s5] =	ssyncadd.s32 $0xFFFFC000  }
0x7f7: {  	_ =	swait.ge [sflag:s5], $0x4000  }
0x7f8: {  	[sflag:s5] =	ssyncset.done $0x0  }
0x7f9: {  	[sflag:s5] =	ssyncadd.s32 $0xFFFFC000  }
0x7fa: {  	_ =	swait.ge [sflag:s5], $0x4000  }
0x7fb: {  	[sflag:s5] =	ssyncset.done $0x0  }
0x7fc: {  	[sflag:s5] =	ssyncadd.s32 $0xFFFFC000  }
0x7fd: {  	_ =	swait.ge [sflag:s5], $0x4000  }
0x7fe: {  	[sflag:s5] =	ssyncset.done $0x0  }
0x7ff: {  	[sflag:s5] =	ssyncadd.s32 $0xFFFFC000  }
0x800: {  	_ =	swait.ge [sflag:s5], $0x4000  }
0x801: {  	[sflag:s5] =	ssyncset.done $0x0  }
0x802: {  	[sflag:s5] =	ssyncadd.s32 $0xFFFFC000  }
0x803: {  	_ =	swait.ge [sflag:s5], $0x4000  }
0x804: {  	[sflag:s5] =	ssyncset.done $0x0  }
0x805: {  	[sflag:s5] =	ssyncadd.s32 $0xFFFFC000  }
0x806: {  	_ =	swait.ge [sflag:s5], $0x4000  }
0x807: {  	[sflag:s5] =	ssyncset.done $0x0  }
0x808: {  	[sflag:s5] =	ssyncadd.s32 $0xFFFFC000  }
0x809: {  	_ =	swait.ge [sflag:s5], $0x4000  }
0x80a: {  	[sflag:s5] =	ssyncset.done $0x0  }
0x80b: {  	[sflag:s5] =	ssyncadd.s32 $0xFFFFC000  }
0x80c: {  	_ =	swait.ge [sflag:s5], $0x4000  }
0x80d: {  	[sflag:s5] =	ssyncset.done $0x0  }
0x80e: {  	s30 =	rddreg [dreg:$0x5];
	[sflag:s5] =	ssyncadd.s32 $0xFFFFC000  }
0x80f: {  	[hbm4b:s30+s2] =	stream.linear.scatter [tilespmem:s4], [sflag:$0x3], $0x10000, $0x38;
	[tilespmem:$0x14000] =	vst v63  }
0x810: {  	_ =	swait.ge [sflag:s3], $0x10000  }
0x811: {  	[sflag:s3] =	ssyncset.done $0x0  }
0x812: {  	[sflag:s3] =	ssyncadd.s32 $0xFFFF0000  }
0x813: {  	_ =	sfence.sel $0x180000  }
0x814: {  	[bflag:$0x0] =	sbarrier.arrive $0xFFFF  }
0x815: {  	_ =	strace $0x90000047  }
0x816: {  	s31 =	stileid.u32;
	[bflag:$0x2] =	sbarrier.arrive $0xFFFF  }
0x817: {  	p0 =	sne.s32 s31, $0x0;
	s0 =	rddreg [dreg:$0x3]  }
0x818: {  	s0 =	sadd.s32 @!p0 $0x100000, s0  }
0x819: {  	[sflag:s0] =	ssyncadd.tile.s32 @!p0 $0x1;
	_ =	shalt  }
.LBB2_1:
0x81a: {  	s9 =	simm.s32 $0x3F80;
	s28 =	simm.s32 $0x3F00  }
0x81b: {  	s26 =	simm.s32 $0x3E80;
	s25 =	simm.s32 $0x3E00;
	s24 =	simm.s32 $0x3D80  }
.Ltmp3:
0x81c: {  	s23 =	simm.s32 $0x3D00;
	s22 =	simm.s32 $0x3C80;
	(pc) =	sbr.rel .LBB2_6-.Ltmp3, $4  }
0x81d: {  	s21 =	simm.s32 $0x3C00;
	s20 =	simm.s32 $0x2F80;
	s19 =	simm.s32 $0x2F00  }
0x81e: {  	s18 =	simm.s32 $0x2E80;
	s17 =	simm.s32 $0x2E00;
	s16 =	simm.s32 $0x2D80  }
0x81f: {  	s15 =	simm.s32 $0x2D00;
	s14 =	simm.s32 $0x2C80;
	s13 =	simm.s32 $0x2C00  }
0x820: {  	s12 =	simm.s32 $0x1F80;
	s11 =	simm.s32 $0x1F00;
	s10 =	simm.s32 $0x1E80  }
.LBB2_3:
0x821: {  	s9 =	simm.s32 $0x3F80;
	s28 =	simm.s32 $0x3F00  }
0x822: {  	s26 =	simm.s32 $0x3E80;
	s25 =	simm.s32 $0x3E00;
	s24 =	simm.s32 $0x3D80  }
.Ltmp4:
0x823: {  	s23 =	simm.s32 $0x3D00;
	s22 =	simm.s32 $0x3C80;
	(pc) =	sbr.rel .LBB2_6-.Ltmp4, $4  }
0x824: {  	s21 =	simm.s32 $0x3C00;
	s20 =	simm.s32 $0x2F80;
	s19 =	simm.s32 $0x2F00  }
0x825: {  	s18 =	simm.s32 $0x2E80;
	s17 =	simm.s32 $0x2E00;
	s16 =	simm.s32 $0x2D80  }
0x826: {  	s15 =	simm.s32 $0x2D00;
	s14 =	simm.s32 $0x2C80;
	s13 =	simm.s32 $0x2C00  }
0x827: {  	s12 =	simm.s32 $0x1F80;
	s11 =	simm.s32 $0x1F00;
	s10 =	simm.s32 $0x1E80  }
.Lfunc_end2:
_tile_overlayer_lowered:
.L_overlay_start_2:
0x828: {  	(tag) =	ssettag $0x2  }
0x829: {  	s0 =	rddreg [dreg:$0x0];
	s2 =	stileid.u32  }
0x82a: {  	s1 =	rddreg [dreg:$0x1];
	p0 =	sne.s32 s2, $0x0  }
0x82b: {  	s3 =	rddreg [dreg:$0x2];
	[bflag:$0x3] =	sbarrier.arrive $0xFFFF;
	s2 =	simm.s32 @!p0 $0x1C03  }
0x82c: {  	[timem:s3], [sflag:s2] =	dma.local @!p0 [hbm:s0], s1  }
0x82d: {  	s0 =	simm.s32 @!p0 $0x3  }
0x82e: {  	_ =	swait.ge @!p0 [sflag:s0], s1  }
0x82f: {  	s1 =	ssub.s32 @!p0 $0x0, s1;
	[sflag:s0] =	ssyncset.done @!p0 $0x0  }
0x830: {  	[sflag:s0] =	ssyncadd.s32 @!p0 s1  }
0x831: {  	[bflag:$0x3] =	sbarrier.arrive $0xFFFF  }
0x832: {  	_ =	shalt  }

</sc_bundles>
